<compile_context>
chip_gen: v7x
topology: tpu7x:2x2x1
jax: 0.10.2.dev20260603
libtpu: 0.0.44.dev20260713+nightly
codegen_flags: <defaults>
</compile_context>

<pallas_src>
import functools

import jax
import jax.numpy as jnp
from jax import lax
from jax.experimental import pallas as pl
from jax.experimental.pallas import tpu as pltpu
from jax.experimental.pallas import tpu_sc as plsc

N = 10000
EMB = 128
NBLK = 10
BLK = N // NBLK
NC = 2
NS = 16
CH = 128
PADN = 10240
RPT = PADN // NS
CW = 128


def _lk(v):
    return jnp.maximum(v, 0.01 * v)


def _dot(a, b):
    return jnp.dot(a, b, preferred_element_type=jnp.float32)



def _embed_body(x_ref, wbig, wi, bbig, bi, out_ref):
    h = _lk(_dot(x_ref[...], wbig[...]) + bbig[...])
    out_ref[...] = _lk(_dot(h, wi[...]) + bi[...])


def _combine_body(h_ref, s0_ref, s1_ref, c0_ref, c1_ref,
                  root, w0, w1, b, out_ref):
    m0 = s0_ref[0] / jnp.maximum(c0_ref[0][:, 0:1], 1.0)
    m1 = s1_ref[0] / jnp.maximum(c1_ref[0][:, 0:1], 1.0)
    out_ref[...] = (_dot(h_ref[...], root[...]) + _dot(m0, w0[...])
                    + _dot(m1, w1[...]) + b[...])


def _final_body(h_ref, s0_ref, s1_ref, c0_ref, c1_ref,
                root, w0, w1, b, wo1, bo1, wo2, bo2, out_ref):
    m0 = s0_ref[0] / jnp.maximum(c0_ref[0][:, 0:1], 1.0)
    m1 = s1_ref[0] / jnp.maximum(c1_ref[0][:, 0:1], 1.0)
    h3 = (_dot(h_ref[...], root[...]) + _dot(m0, w0[...])
          + _dot(m1, w1[...]) + b[...])
    g = _lk(_dot(h3, wo1[...]) + bo1[...])
    out_ref[...] = _dot(g, wo2[...]) + bo2[...]


def _full(shape):
    return pl.BlockSpec(shape, lambda i: tuple(0 for _ in shape))


def _rows(width):
    return pl.BlockSpec((BLK, width), lambda i: (i, 0))


def _seg_spec(r, width):
    return pl.BlockSpec((1, BLK, width), lambda i, _r=r: (_r, i, 0))


_embed_call = pl.pallas_call(
    _embed_body,
    grid=(NBLK,),
    in_specs=[
        _rows(1553),
        _full((1553, EMB)), _full((EMB, EMB)),
        _full((1, EMB)), _full((1, EMB)),
    ],
    out_specs=_rows(EMB),
    out_shape=jax.ShapeDtypeStruct((N, EMB), jnp.float32),
)

_combine_call = pl.pallas_call(
    _combine_body,
    grid=(NBLK,),
    in_specs=[
        _rows(EMB), _seg_spec(0, EMB), _seg_spec(1, EMB),
        _seg_spec(0, CW), _seg_spec(1, CW),
        _full((EMB, EMB)), _full((EMB, EMB)), _full((EMB, EMB)),
        _full((1, EMB)),
    ],
    out_specs=_rows(EMB),
    out_shape=jax.ShapeDtypeStruct((N, EMB), jnp.float32),
)

_final_call = pl.pallas_call(
    _final_body,
    grid=(NBLK,),
    in_specs=[
        _rows(EMB), _seg_spec(0, EMB), _seg_spec(1, EMB),
        _seg_spec(0, CW), _seg_spec(1, CW),
        _full((EMB, EMB)), _full((EMB, EMB)), _full((EMB, EMB)),
        _full((1, EMB)),
        _full((EMB, EMB)), _full((1, EMB)), _full((EMB, 2)), _full((1, 2)),
    ],
    out_specs=_rows(2),
    out_shape=jax.ShapeDtypeStruct((N, 2), jnp.float32),
)



def _make_segsum(nchunk):
    assert nchunk % 4 == 0 and nchunk >= 8

    @functools.partial(
        pl.kernel,
        mesh=plsc.VectorSubcoreMesh(core_axis_name="c", subcore_axis_name="s"),
        out_type=jax.ShapeDtypeStruct((NC, PADN, EMB), jnp.float32),
        scratch_types=[
            pltpu.VMEM((nchunk, CH), jnp.int32),
            pltpu.VMEM((2, 2, CH), jnp.int32),
            pltpu.VMEM((2, CH, EMB), jnp.float32),
            pltpu.VMEM_SHARED((PADN, EMB), jnp.float32),
            pltpu.SemaphoreType.DMA,
            pltpu.SemaphoreType.DMA,
        ],
    )
    def segsum(h_hbm, eidx_hbm, out_hbm,
               packed_v, ibuf, rows, acc_sh, sg0, sg1):
        c = lax.axis_index("c")
        s = lax.axis_index("s")
        sem_g = (sg0, sg1)

        def zrow(i, carry):
            for k in range(EMB // 16):
                rows[0, i, pl.ds(k * 16, 16)] = jnp.zeros((16,), jnp.float32)
            return carry
        lax.fori_loop(0, CH, zrow, 0)

        def zcp(t, carry):
            pltpu.sync_copy(rows.at[0],
                            acc_sh.at[pl.ds(s * RPT + t * CH, CH)])
            return carry
        lax.fori_loop(0, RPT // CH, zcp, 0)

        pltpu.sync_copy(eidx_hbm.at[c, s], packed_v)
        plsc.subcore_barrier()

        def unpack(j, p):
            def u(k, carry):
                v = packed_v[j, pl.ds(k * 16, 16)]
                ibuf[p, 0, pl.ds(k * 16, 16)] = lax.shift_right_logical(v, 16)
                ibuf[p, 1, pl.ds(k * 16, 16)] = lax.bitwise_and(v, 0xFFFF)
                return carry
            lax.fori_loop(0, CH // 16, u, 0)

        def gather(p):
            pltpu.async_copy(h_hbm.at[ibuf.at[p, 0]], rows.at[p], sem_g[p])

        def wait_gather(p):
            pltpu.make_async_copy(
                h_hbm.at[ibuf.at[p, 0]], rows.at[p], sem_g[p]).wait()

        def step(j, p, next_gather, unpack2, jnext):
            q = 1 - p
            if next_gather:
                gather(q)
            wait_gather(p)
            pltpu.sync_copy(rows.at[p], acc_sh.at[ibuf.at[p, 1]], add=True)
            if unpack2:
                unpack(jnext, p)

        unpack(0, 0)
        gather(0)
        unpack(1, 1)

        def body(i, carry):
            base = 4 * i
            for u in range(4):
                step(base + u, u % 2, True, True, base + u + 2)
            return carry
        lax.fori_loop(0, (nchunk - 4) // 4, body, 0)

        for j in range(nchunk - 4, nchunk):
            step(j, j % 2, j + 1 < nchunk, j + 2 < nchunk, j + 2)

        plsc.subcore_barrier()
        pltpu.sync_copy(acc_sh.at[pl.ds(s * RPT, RPT)],
                        out_hbm.at[c, pl.ds(s * RPT, RPT)])

    return segsum


def _make_counts(nchunk):
    @functools.partial(
        pl.kernel,
        mesh=plsc.VectorSubcoreMesh(core_axis_name="c", subcore_axis_name="s"),
        out_type=jax.ShapeDtypeStruct((NC, PADN, CW), jnp.float32),
        scratch_types=[
            pltpu.VMEM((nchunk, CH), jnp.int32),
            pltpu.VMEM((CH, CW), jnp.float32),
            pltpu.VMEM_SHARED((PADN, CW), jnp.float32),
        ],
    )
    def counts(dst_hbm, out_hbm, dst_v, ones_v, acc_sh):
        c = lax.axis_index("c")
        s = lax.axis_index("s")

        def fill(val):
            def body(i, carry):
                for k in range(CW // 16):
                    ones_v[i, pl.ds(k * 16, 16)] = jnp.full(
                        (16,), val, jnp.float32)
                return carry
            lax.fori_loop(0, CH, body, 0)

        fill(0.0)

        def zcp(t, carry):
            pltpu.sync_copy(ones_v, acc_sh.at[pl.ds(s * RPT + t * CH, CH)])
            return carry
        lax.fori_loop(0, RPT // CH, zcp, 0)

        fill(1.0)
        pltpu.sync_copy(dst_hbm.at[c, s], dst_v)
        plsc.subcore_barrier()

        def step(j, carry):
            pltpu.sync_copy(ones_v, acc_sh.at[dst_v.at[j]], add=True)
            return carry
        lax.fori_loop(0, nchunk, step, 0)

        plsc.subcore_barrier()
        pltpu.sync_copy(acc_sh.at[pl.ds(s * RPT, RPT)],
                        out_hbm.at[c, pl.ds(s * RPT, RPT)])

    return counts



def kernel(x, edge_index_follow, edge_index_friend,
           W_des, b_des, W_tweet, b_tweet, W_num, b_num, W_cat, b_cat,
           W_in, b_in, rgcn_weight, rgcn_root, rgcn_bias,
           W_out1, b_out1, W_out2, b_out2):
    E = edge_index_follow.shape[1]
    grp = NS * CH * 4
    ept = 4 * CH * ((E + grp - 1) // grp)
    nchunk = ept // CH
    pade = NS * ept

    w_big = jnp.zeros((1553, EMB), jnp.float32)
    w_big = (w_big.at[17:785, 0:32].set(W_des)
             .at[785:1553, 32:64].set(W_tweet)
             .at[0:6, 64:96].set(W_num)
             .at[6:17, 96:128].set(W_cat))
    b_big = jnp.concatenate([b_des, b_tweet, b_num, b_cat]).reshape(1, EMB)

    pad_dst = N + (jnp.arange(pade - E, dtype=jnp.int32) % (PADN - N))
    pad_src = jnp.arange(pade - E, dtype=jnp.int32) % N

    def pad_edges(ei):
        src = jnp.concatenate([ei[0], pad_src])
        dst = jnp.concatenate([ei[1], pad_dst])
        return src, dst

    src_f, dst_f = pad_edges(edge_index_follow)
    src_r, dst_r = pad_edges(edge_index_friend)
    src_all = jnp.stack([src_f, src_r]).reshape(NC, NS, nchunk, CH)
    dst_all = jnp.stack([dst_f, dst_r]).reshape(NC, NS, nchunk, CH)
    eidx_all = (src_all << 16) | dst_all

    segsum = _make_segsum(nchunk)
    cnts = _make_counts(nchunk)(dst_all)

    h1 = _embed_call(x, w_big, W_in, b_big, b_in.reshape(1, EMB))

    seg1 = segsum(h1, eidx_all)
    h2 = _combine_call(h1, seg1, seg1, cnts, cnts,
                       rgcn_root, rgcn_weight[0], rgcn_weight[1],
                       rgcn_bias.reshape(1, EMB))

    seg2 = segsum(h2, eidx_all)
    out = _final_call(h2, seg2, seg2, cnts, cnts,
                      rgcn_root, rgcn_weight[0], rgcn_weight[1],
                      rgcn_bias.reshape(1, EMB),
                      W_out1, b_out1.reshape(1, EMB),
                      W_out2, b_out2.reshape(1, 2))
    return out

# --- scband reference (transcript-rebuilt; emitter-appended) ---
"""Pipeline reference for scband-bot-rgcn-46497315946589 (READ-ONLY COPY).

The authoritative reference and input builder live on the scoring server;
editing this copy changes nothing except your own understanding.
"""

import jax, jax.numpy as jnp
import numpy as np

N = 10000
E = 160000
EMB = 128
Q = EMB // 4


def _leaky(v):
    return jax.nn.leaky_relu(v, negative_slope=0.01)


def setup_inputs(seed: int = 0):
    key = jax.random.key(seed)
    ks = jax.random.split(key, 16)

    def lin(i, fan_in, fan_out):
        W = jax.random.normal(ks[i], (fan_in, fan_out), dtype=jnp.float32) / np.sqrt(fan_in)
        b = jnp.zeros((fan_out,), dtype=jnp.float32)
        return W, b

    inp = {}
    inp['x'] = jax.random.normal(ks[0], (N, 1553), dtype=jnp.float32)
    inp['edge_index_follow'] = jax.random.randint(ks[1], (2, E), 0, N, dtype=jnp.int32)
    inp['edge_index_friend'] = jax.random.randint(ks[2], (2, E), 0, N, dtype=jnp.int32)
    inp['W_des'], inp['b_des'] = lin(3, 768, Q)
    inp['W_tweet'], inp['b_tweet'] = lin(4, 768, Q)
    inp['W_num'], inp['b_num'] = lin(5, 6, Q)
    inp['W_cat'], inp['b_cat'] = lin(6, 11, Q)
    inp['W_in'], inp['b_in'] = lin(7, EMB, EMB)
    inp['rgcn_weight'] = jax.random.normal(ks[8], (2, EMB, EMB), dtype=jnp.float32) / np.sqrt(EMB)
    inp['rgcn_root'] = jax.random.normal(ks[9], (EMB, EMB), dtype=jnp.float32) / np.sqrt(EMB)
    inp['rgcn_bias'] = jnp.zeros((EMB,), dtype=jnp.float32)
    inp['W_out1'], inp['b_out1'] = lin(10, EMB, EMB)
    inp['W_out2'], inp['b_out2'] = lin(11, EMB, 2)
    return inp


def _rgcn_conv(x, ei_list, weight, root, bias):
    # PyG RGCNConv with num_relations=2, default mean aggregation
    out = x @ root + bias
    for r, ei in enumerate(ei_list):
        src = ei[0]
        dst = ei[1]
        msg_sum = jax.ops.segment_sum(x[src], dst, num_segments=N)
        cnt = jax.ops.segment_sum(jnp.ones((ei.shape[1],), jnp.float32), dst, num_segments=N)
        mean = msg_sum / jnp.maximum(cnt, 1.0)[:, None]
        out = out + mean @ weight[r]
    return out


def reference(x, edge_index_follow, edge_index_friend, W_des, b_des, W_tweet, b_tweet, W_num, b_num, W_cat, b_cat, W_in, b_in, rgcn_weight, rgcn_root, rgcn_bias, W_out1, b_out1, W_out2, b_out2):
    num_prop = x[:, :6]
    cat_prop = x[:, 6:17]
    des = x[:, 17:785]
    tweet = x[:, 785:1553]
    d = _leaky(des @ W_des + b_des)
    t = _leaky(tweet @ W_tweet + b_tweet)
    n = _leaky(num_prop @ W_num + b_num)
    c = _leaky(cat_prop @ W_cat + b_cat)
    h = jnp.concatenate((d, t, n, c), axis=1)
    h = _leaky(h @ W_in + b_in)
    ei_list = (edge_index_follow, edge_index_friend)
    h = _rgcn_conv(h, ei_list, rgcn_weight, rgcn_root, rgcn_bias)
    # dropout is identity in eval mode
    h = _rgcn_conv(h, ei_list, rgcn_weight, rgcn_root, rgcn_bias)
    h = _leaky(h @ W_out1 + b_out1)
    out = h @ W_out2 + b_out2
    return out

if __name__ == "__main__":
    import jax
    _d = setup_inputs()
    print(jax.jit(kernel)(*tuple(_d.values())))

</pallas_src>

<mosaic_0001>
#map = affine_map<(d0, d1) -> (0, 0, 0, 0)>
#map1 = affine_map<(d0, d1) -> (0, 0, 0)>
module attributes {stable_mosaic.version = 14 : i64} {
  func.func @counts(%arg0: i32, %arg1: i32, %arg2: memref<2x16x80x128xi32, #tpu.memory_space<hbm>>, %arg3: memref<2x10240x128xf32, #tpu.memory_space<hbm>>, %arg4: memref<80x128xi32, #tpu.memory_space<vmem>>, %arg5: memref<128x128xf32, #tpu.memory_space<vmem>>, %arg6: memref<10240x128xf32, #tpu.memory_space<vmem_shared>>) attributes {dimension_semantics = [#tpu.dimension_semantics<core_parallel>, #tpu.dimension_semantics<subcore_parallel>], iteration_bounds = array<i64: 2, 16>, scalar_prefetch = 0 : i64, scratch_operands = 3 : i64, tpu.core_type = #tpu.core_type<sc_vector_subcore>, window_params = [{transform_indices = #map}, {transform_indices = #map1}]} {
    %scan3A = arith.constant 0 : i32
    %scan3A_0 = arith.constant 0 : i32
    %scan3A_1 = arith.constant 128 : i32
    %scan3A_2 = arith.addi %scan3A_0, %scan3A_1 : i32
    %scan3A_3 = arith.constant 1 : i32
    scf.for %scan3A_27 = %scan3A_0 to %scan3A_2 step %scan3A_3  : i32 {
      %broadcast_in_dim3A = arith.constant 0.000000e+00 : f32
      %broadcast_in_dim3A_28 = vector.broadcast %broadcast_in_dim3A : f32 to vector<16xf32>
      %swap3A = arith.index_cast %scan3A_27 : i32 to index
      %swap3A_29 = arith.constant 0 : index
      %swap3A_30 = tpu.vector_load %arg5[%swap3A, %swap3A_29] {strides = array<i32>} : memref<128x128xf32, #tpu.memory_space<vmem>>, vector<1x16xf32>,
      %swap3A_31 = vector.shape_cast %swap3A_30 : vector<1x16xf32> to vector<16xf32>
      %swap3A_32 = vector.shape_cast %broadcast_in_dim3A_28 : vector<16xf32> to vector<1x16xf32>
      tpu.vector_store %arg5[%swap3A, %swap3A_29], %swap3A_32 {strides = array<i32>} : memref<128x128xf32, #tpu.memory_space<vmem>>, vector<1x16xf32>,
      %broadcast_in_dim3A_33 = arith.constant 0.000000e+00 : f32
      %broadcast_in_dim3A_34 = vector.broadcast %broadcast_in_dim3A_33 : f32 to vector<16xf32>
      %swap3A_35 = arith.index_cast %scan3A_27 : i32 to index
      %swap3A_36 = arith.constant 16 : index
      %swap3A_37 = tpu.vector_load %arg5[%swap3A_35, %swap3A_36] {strides = array<i32>} : memref<128x128xf32, #tpu.memory_space<vmem>>, vector<1x16xf32>,
      %swap3A_38 = vector.shape_cast %swap3A_37 : vector<1x16xf32> to vector<16xf32>
      %swap3A_39 = vector.shape_cast %broadcast_in_dim3A_34 : vector<16xf32> to vector<1x16xf32>
      tpu.vector_store %arg5[%swap3A_35, %swap3A_36], %swap3A_39 {strides = array<i32>} : memref<128x128xf32, #tpu.memory_space<vmem>>, vector<1x16xf32>,
      %broadcast_in_dim3A_40 = arith.constant 0.000000e+00 : f32
      %broadcast_in_dim3A_41 = vector.broadcast %broadcast_in_dim3A_40 : f32 to vector<16xf32>
      %swap3A_42 = arith.index_cast %scan3A_27 : i32 to index
      %swap3A_43 = arith.constant 32 : index
      %swap3A_44 = tpu.vector_load %arg5[%swap3A_42, %swap3A_43] {strides = array<i32>} : memref<128x128xf32, #tpu.memory_space<vmem>>, vector<1x16xf32>,
      %swap3A_45 = vector.shape_cast %swap3A_44 : vector<1x16xf32> to vector<16xf32>
      %swap3A_46 = vector.shape_cast %broadcast_in_dim3A_41 : vector<16xf32> to vector<1x16xf32>
      tpu.vector_store %arg5[%swap3A_42, %swap3A_43], %swap3A_46 {strides = array<i32>} : memref<128x128xf32, #tpu.memory_space<vmem>>, vector<1x16xf32>,
      %broadcast_in_dim3A_47 = arith.constant 0.000000e+00 : f32
      %broadcast_in_dim3A_48 = vector.broadcast %broadcast_in_dim3A_47 : f32 to vector<16xf32>
      %swap3A_49 = arith.index_cast %scan3A_27 : i32 to index
      %swap3A_50 = arith.constant 48 : index
      %swap3A_51 = tpu.vector_load %arg5[%swap3A_49, %swap3A_50] {strides = array<i32>} : memref<128x128xf32, #tpu.memory_space<vmem>>, vector<1x16xf32>,
      %swap3A_52 = vector.shape_cast %swap3A_51 : vector<1x16xf32> to vector<16xf32>
      %swap3A_53 = vector.shape_cast %broadcast_in_dim3A_48 : vector<16xf32> to vector<1x16xf32>
      tpu.vector_store %arg5[%swap3A_49, %swap3A_50], %swap3A_53 {strides = array<i32>} : memref<128x128xf32, #tpu.memory_space<vmem>>, vector<1x16xf32>,
      %broadcast_in_dim3A_54 = arith.constant 0.000000e+00 : f32
      %broadcast_in_dim3A_55 = vector.broadcast %broadcast_in_dim3A_54 : f32 to vector<16xf32>
      %swap3A_56 = arith.index_cast %scan3A_27 : i32 to index
      %swap3A_57 = arith.constant 64 : index
      %swap3A_58 = tpu.vector_load %arg5[%swap3A_56, %swap3A_57] {strides = array<i32>} : memref<128x128xf32, #tpu.memory_space<vmem>>, vector<1x16xf32>,
      %swap3A_59 = vector.shape_cast %swap3A_58 : vector<1x16xf32> to vector<16xf32>
      %swap3A_60 = vector.shape_cast %broadcast_in_dim3A_55 : vector<16xf32> to vector<1x16xf32>
      tpu.vector_store %arg5[%swap3A_56, %swap3A_57], %swap3A_60 {strides = array<i32>} : memref<128x128xf32, #tpu.memory_space<vmem>>, vector<1x16xf32>,
      %broadcast_in_dim3A_61 = arith.constant 0.000000e+00 : f32
      %broadcast_in_dim3A_62 = vector.broadcast %broadcast_in_dim3A_61 : f32 to vector<16xf32>
      %swap3A_63 = arith.index_cast %scan3A_27 : i32 to index
      %swap3A_64 = arith.constant 80 : index
      %swap3A_65 = tpu.vector_load %arg5[%swap3A_63, %swap3A_64] {strides = array<i32>} : memref<128x128xf32, #tpu.memory_space<vmem>>, vector<1x16xf32>,
      %swap3A_66 = vector.shape_cast %swap3A_65 : vector<1x16xf32> to vector<16xf32>
      %swap3A_67 = vector.shape_cast %broadcast_in_dim3A_62 : vector<16xf32> to vector<1x16xf32>
      tpu.vector_store %arg5[%swap3A_63, %swap3A_64], %swap3A_67 {strides = array<i32>} : memref<128x128xf32, #tpu.memory_space<vmem>>, vector<1x16xf32>,
      %broadcast_in_dim3A_68 = arith.constant 0.000000e+00 : f32
      %broadcast_in_dim3A_69 = vector.broadcast %broadcast_in_dim3A_68 : f32 to vector<16xf32>
      %swap3A_70 = arith.index_cast %scan3A_27 : i32 to index
      %swap3A_71 = arith.constant 96 : index
      %swap3A_72 = tpu.vector_load %arg5[%swap3A_70, %swap3A_71] {strides = array<i32>} : memref<128x128xf32, #tpu.memory_space<vmem>>, vector<1x16xf32>,
      %swap3A_73 = vector.shape_cast %swap3A_72 : vector<1x16xf32> to vector<16xf32>
      %swap3A_74 = vector.shape_cast %broadcast_in_dim3A_69 : vector<16xf32> to vector<1x16xf32>
      tpu.vector_store %arg5[%swap3A_70, %swap3A_71], %swap3A_74 {strides = array<i32>} : memref<128x128xf32, #tpu.memory_space<vmem>>, vector<1x16xf32>,
      %broadcast_in_dim3A_75 = arith.constant 0.000000e+00 : f32
      %broadcast_in_dim3A_76 = vector.broadcast %broadcast_in_dim3A_75 : f32 to vector<16xf32>
      %swap3A_77 = arith.index_cast %scan3A_27 : i32 to index
      %swap3A_78 = arith.constant 112 : index
      %swap3A_79 = tpu.vector_load %arg5[%swap3A_77, %swap3A_78] {strides = array<i32>} : memref<128x128xf32, #tpu.memory_space<vmem>>, vector<1x16xf32>,
      %swap3A_80 = vector.shape_cast %swap3A_79 : vector<1x16xf32> to vector<16xf32>
      %swap3A_81 = vector.shape_cast %broadcast_in_dim3A_76 : vector<16xf32> to vector<1x16xf32>
      tpu.vector_store %arg5[%swap3A_77, %swap3A_78], %swap3A_81 {strides = array<i32>} : memref<128x128xf32, #tpu.memory_space<vmem>>, vector<1x16xf32>,
    }
    %scan3A_4 = arith.constant 128 : i32
    %scan3A_5 = arith.constant 0 : i32
    %scan3A_6 = arith.constant 0 : i32
    %scan3A_7 = arith.constant 5 : i32
    %scan3A_8 = arith.addi %scan3A_6, %scan3A_7 : i32
    %scan3A_9 = arith.constant 1 : i32
    scf.for %scan3A_27 = %scan3A_6 to %scan3A_8 step %scan3A_9  : i32 {
      %mul3A_28 = arith.constant 640 : i32
      %mul3A_29 = arith.muli %arg1, %mul3A_28 : i32
      %mul3A_30 = arith.constant 128 : i32
      %mul3A_31 = arith.muli %scan3A_27, %mul3A_30 : i32
      %add3A = arith.addi %mul3A_29, %mul3A_31 : i32
      "tpu.region"() ({
        %run_scoped3A = tpu.sem_alloc : memref<!tpu.dma_semaphore, #tpu.memory_space<semaphore_mem>>
        %dma_start3A = arith.constant 0 : i32
        %dma_start3A_32 = tpu.memref_slice %arg6[%add3A, %dma_start3A] : memref<10240x128xf32, #tpu.memory_space<vmem_shared>> -> memref<128x128xf32, #tpu.memory_space<vmem_shared>>
        %dma_start3A_33 = arith.constant 0 : i32
        %dma_start3A_34 = tpu.memref_slice %arg6[%add3A, %dma_start3A_33] : memref<10240x128xf32, #tpu.memory_space<vmem_shared>> -> memref<128x128xf32, #tpu.memory_space<vmem_shared>>
        tpu.enqueue_dma source(%arg5 : memref<128x128xf32, #tpu.memory_space<vmem>>) target(%dma_start3A_34 : memref<128x128xf32, #tpu.memory_space<vmem_shared>>) target_semaphore(%run_scoped3A : memref<!tpu.dma_semaphore, #tpu.memory_space<semaphore_mem>>)
        %dma_wait3A = arith.constant 0 : i32
        %dma_wait3A_35 = tpu.memref_slice %arg6[%add3A, %dma_wait3A] : memref<10240x128xf32, #tpu.memory_space<vmem_shared>> -> memref<128x128xf32, #tpu.memory_space<vmem_shared>>
        %dma_wait3A_36 = arith.constant 0 : i32
        %dma_wait3A_37 = tpu.memref_slice %arg6[%add3A, %dma_wait3A_36] : memref<10240x128xf32, #tpu.memory_space<vmem_shared>> -> memref<128x128xf32, #tpu.memory_space<vmem_shared>>
        tpu.wait_dma2 semaphore(%run_scoped3A : memref<!tpu.dma_semaphore, #tpu.memory_space<semaphore_mem>>) src(%arg5 : memref<128x128xf32, #tpu.memory_space<vmem>>) dst(%dma_wait3A_37 : memref<128x128xf32, #tpu.memory_space<vmem_shared>>)
        tpu.yield
      }) : () -> ()
    }
    %scan3A_10 = arith.constant 5 : i32
    %scan3A_11 = arith.constant 0 : i32
    %scan3A_12 = arith.constant 0 : i32
    %scan3A_13 = arith.constant 128 : i32
    %scan3A_14 = arith.addi %scan3A_12, %scan3A_13 : i32
    %scan3A_15 = arith.constant 1 : i32
    scf.for %scan3A_27 = %scan3A_12 to %scan3A_14 step %scan3A_15  : i32 {
      %broadcast_in_dim3A = arith.constant 1.000000e+00 : f32
      %broadcast_in_dim3A_28 = vector.broadcast %broadcast_in_dim3A : f32 to vector<16xf32>
      %swap3A = arith.index_cast %scan3A_27 : i32 to index
      %swap3A_29 = arith.constant 0 : index
      %swap3A_30 = tpu.vector_load %arg5[%swap3A, %swap3A_29] {strides = array<i32>} : memref<128x128xf32, #tpu.memory_space<vmem>>, vector<1x16xf32>,
      %swap3A_31 = vector.shape_cast %swap3A_30 : vector<1x16xf32> to vector<16xf32>
      %swap3A_32 = vector.shape_cast %broadcast_in_dim3A_28 : vector<16xf32> to vector<1x16xf32>
      tpu.vector_store %arg5[%swap3A, %swap3A_29], %swap3A_32 {strides = array<i32>} : memref<128x128xf32, #tpu.memory_space<vmem>>, vector<1x16xf32>,
      %broadcast_in_dim3A_33 = arith.constant 1.000000e+00 : f32
      %broadcast_in_dim3A_34 = vector.broadcast %broadcast_in_dim3A_33 : f32 to vector<16xf32>
      %swap3A_35 = arith.index_cast %scan3A_27 : i32 to index
      %swap3A_36 = arith.constant 16 : index
      %swap3A_37 = tpu.vector_load %arg5[%swap3A_35, %swap3A_36] {strides = array<i32>} : memref<128x128xf32, #tpu.memory_space<vmem>>, vector<1x16xf32>,
      %swap3A_38 = vector.shape_cast %swap3A_37 : vector<1x16xf32> to vector<16xf32>
      %swap3A_39 = vector.shape_cast %broadcast_in_dim3A_34 : vector<16xf32> to vector<1x16xf32>
      tpu.vector_store %arg5[%swap3A_35, %swap3A_36], %swap3A_39 {strides = array<i32>} : memref<128x128xf32, #tpu.memory_space<vmem>>, vector<1x16xf32>,
      %broadcast_in_dim3A_40 = arith.constant 1.000000e+00 : f32
      %broadcast_in_dim3A_41 = vector.broadcast %broadcast_in_dim3A_40 : f32 to vector<16xf32>
      %swap3A_42 = arith.index_cast %scan3A_27 : i32 to index
      %swap3A_43 = arith.constant 32 : index
      %swap3A_44 = tpu.vector_load %arg5[%swap3A_42, %swap3A_43] {strides = array<i32>} : memref<128x128xf32, #tpu.memory_space<vmem>>, vector<1x16xf32>,
      %swap3A_45 = vector.shape_cast %swap3A_44 : vector<1x16xf32> to vector<16xf32>
      %swap3A_46 = vector.shape_cast %broadcast_in_dim3A_41 : vector<16xf32> to vector<1x16xf32>
      tpu.vector_store %arg5[%swap3A_42, %swap3A_43], %swap3A_46 {strides = array<i32>} : memref<128x128xf32, #tpu.memory_space<vmem>>, vector<1x16xf32>,
      %broadcast_in_dim3A_47 = arith.constant 1.000000e+00 : f32
      %broadcast_in_dim3A_48 = vector.broadcast %broadcast_in_dim3A_47 : f32 to vector<16xf32>
      %swap3A_49 = arith.index_cast %scan3A_27 : i32 to index
      %swap3A_50 = arith.constant 48 : index
      %swap3A_51 = tpu.vector_load %arg5[%swap3A_49, %swap3A_50] {strides = array<i32>} : memref<128x128xf32, #tpu.memory_space<vmem>>, vector<1x16xf32>,
      %swap3A_52 = vector.shape_cast %swap3A_51 : vector<1x16xf32> to vector<16xf32>
      %swap3A_53 = vector.shape_cast %broadcast_in_dim3A_48 : vector<16xf32> to vector<1x16xf32>
      tpu.vector_store %arg5[%swap3A_49, %swap3A_50], %swap3A_53 {strides = array<i32>} : memref<128x128xf32, #tpu.memory_space<vmem>>, vector<1x16xf32>,
      %broadcast_in_dim3A_54 = arith.constant 1.000000e+00 : f32
      %broadcast_in_dim3A_55 = vector.broadcast %broadcast_in_dim3A_54 : f32 to vector<16xf32>
      %swap3A_56 = arith.index_cast %scan3A_27 : i32 to index
      %swap3A_57 = arith.constant 64 : index
      %swap3A_58 = tpu.vector_load %arg5[%swap3A_56, %swap3A_57] {strides = array<i32>} : memref<128x128xf32, #tpu.memory_space<vmem>>, vector<1x16xf32>,
      %swap3A_59 = vector.shape_cast %swap3A_58 : vector<1x16xf32> to vector<16xf32>
      %swap3A_60 = vector.shape_cast %broadcast_in_dim3A_55 : vector<16xf32> to vector<1x16xf32>
      tpu.vector_store %arg5[%swap3A_56, %swap3A_57], %swap3A_60 {strides = array<i32>} : memref<128x128xf32, #tpu.memory_space<vmem>>, vector<1x16xf32>,
      %broadcast_in_dim3A_61 = arith.constant 1.000000e+00 : f32
      %broadcast_in_dim3A_62 = vector.broadcast %broadcast_in_dim3A_61 : f32 to vector<16xf32>
      %swap3A_63 = arith.index_cast %scan3A_27 : i32 to index
      %swap3A_64 = arith.constant 80 : index
      %swap3A_65 = tpu.vector_load %arg5[%swap3A_63, %swap3A_64] {strides = array<i32>} : memref<128x128xf32, #tpu.memory_space<vmem>>, vector<1x16xf32>,
      %swap3A_66 = vector.shape_cast %swap3A_65 : vector<1x16xf32> to vector<16xf32>
      %swap3A_67 = vector.shape_cast %broadcast_in_dim3A_62 : vector<16xf32> to vector<1x16xf32>
      tpu.vector_store %arg5[%swap3A_63, %swap3A_64], %swap3A_67 {strides = array<i32>} : memref<128x128xf32, #tpu.memory_space<vmem>>, vector<1x16xf32>,
      %broadcast_in_dim3A_68 = arith.constant 1.000000e+00 : f32
      %broadcast_in_dim3A_69 = vector.broadcast %broadcast_in_dim3A_68 : f32 to vector<16xf32>
      %swap3A_70 = arith.index_cast %scan3A_27 : i32 to index
      %swap3A_71 = arith.constant 96 : index
      %swap3A_72 = tpu.vector_load %arg5[%swap3A_70, %swap3A_71] {strides = array<i32>} : memref<128x128xf32, #tpu.memory_space<vmem>>, vector<1x16xf32>,
      %swap3A_73 = vector.shape_cast %swap3A_72 : vector<1x16xf32> to vector<16xf32>
      %swap3A_74 = vector.shape_cast %broadcast_in_dim3A_69 : vector<16xf32> to vector<1x16xf32>
      tpu.vector_store %arg5[%swap3A_70, %swap3A_71], %swap3A_74 {strides = array<i32>} : memref<128x128xf32, #tpu.memory_space<vmem>>, vector<1x16xf32>,
      %broadcast_in_dim3A_75 = arith.constant 1.000000e+00 : f32
      %broadcast_in_dim3A_76 = vector.broadcast %broadcast_in_dim3A_75 : f32 to vector<16xf32>
      %swap3A_77 = arith.index_cast %scan3A_27 : i32 to index
      %swap3A_78 = arith.constant 112 : index
      %swap3A_79 = tpu.vector_load %arg5[%swap3A_77, %swap3A_78] {strides = array<i32>} : memref<128x128xf32, #tpu.memory_space<vmem>>, vector<1x16xf32>,
      %swap3A_80 = vector.shape_cast %swap3A_79 : vector<1x16xf32> to vector<16xf32>
      %swap3A_81 = vector.shape_cast %broadcast_in_dim3A_76 : vector<16xf32> to vector<1x16xf32>
      tpu.vector_store %arg5[%swap3A_77, %swap3A_78], %swap3A_81 {strides = array<i32>} : memref<128x128xf32, #tpu.memory_space<vmem>>, vector<1x16xf32>,
    }
    %scan3A_16 = arith.constant 128 : i32
    "tpu.region"() ({
      %run_scoped3A = tpu.sem_alloc : memref<!tpu.dma_semaphore, #tpu.memory_space<semaphore_mem>>
      %dma_start3A = arith.constant 0 : i32
      %dma_start3A_27 = arith.constant 0 : i32
      %dma_start3A_28 = tpu.memref_slice %arg2[%arg0, %arg1, %dma_start3A, %dma_start3A_27] : memref<2x16x80x128xi32, #tpu.memory_space<hbm>> -> memref<1x1x80x128xi32, #tpu.memory_space<hbm>>
      %dma_start3A_29 = tpu.memref_squeeze %dma_start3A_28 : memref<1x1x80x128xi32, #tpu.memory_space<hbm>> -> memref<80x128xi32, #tpu.memory_space<hbm>>
      %dma_start3A_30 = arith.constant 0 : i32
      %dma_start3A_31 = arith.constant 0 : i32
      %dma_start3A_32 = tpu.memref_slice %arg2[%arg0, %arg1, %dma_start3A_30, %dma_start3A_31] : memref<2x16x80x128xi32, #tpu.memory_space<hbm>> -> memref<1x1x80x128xi32, #tpu.memory_space<hbm>>
      %dma_start3A_33 = tpu.memref_squeeze %dma_start3A_32 : memref<1x1x80x128xi32, #tpu.memory_space<hbm>> -> memref<80x128xi32, #tpu.memory_space<hbm>>
      tpu.enqueue_dma source(%dma_start3A_33 : memref<80x128xi32, #tpu.memory_space<hbm>>) target(%arg4 : memref<80x128xi32, #tpu.memory_space<vmem>>) target_semaphore(%run_scoped3A : memref<!tpu.dma_semaphore, #tpu.memory_space<semaphore_mem>>)
      %dma_wait3A = arith.constant 0 : i32
      %dma_wait3A_34 = arith.constant 0 : i32
      %dma_wait3A_35 = tpu.memref_slice %arg2[%arg0, %arg1, %dma_wait3A, %dma_wait3A_34] : memref<2x16x80x128xi32, #tpu.memory_space<hbm>> -> memref<1x1x80x128xi32, #tpu.memory_space<hbm>>
      %dma_wait3A_36 = tpu.memref_squeeze %dma_wait3A_35 : memref<1x1x80x128xi32, #tpu.memory_space<hbm>> -> memref<80x128xi32, #tpu.memory_space<hbm>>
      %dma_wait3A_37 = arith.constant 0 : i32
      %dma_wait3A_38 = arith.constant 0 : i32
      %dma_wait3A_39 = tpu.memref_slice %arg2[%arg0, %arg1, %dma_wait3A_37, %dma_wait3A_38] : memref<2x16x80x128xi32, #tpu.memory_space<hbm>> -> memref<1x1x80x128xi32, #tpu.memory_space<hbm>>
      %dma_wait3A_40 = tpu.memref_squeeze %dma_wait3A_39 : memref<1x1x80x128xi32, #tpu.memory_space<hbm>> -> memref<80x128xi32, #tpu.memory_space<hbm>>
      tpu.wait_dma2 semaphore(%run_scoped3A : memref<!tpu.dma_semaphore, #tpu.memory_space<semaphore_mem>>) src(%dma_wait3A_40 : memref<80x128xi32, #tpu.memory_space<hbm>>) dst(%arg4 : memref<80x128xi32, #tpu.memory_space<vmem>>)
      tpu.yield
    }) : () -> ()
    %barrier3A = arith.constant 0 : index
    tpu.barrier barrier_id(%barrier3A)
    %scan3A_17 = arith.constant 0 : i32
    %scan3A_18 = arith.constant 0 : i32
    %scan3A_19 = arith.constant 80 : i32
    %scan3A_20 = arith.addi %scan3A_18, %scan3A_19 : i32
    %scan3A_21 = arith.constant 1 : i32
    scf.for %scan3A_27 = %scan3A_18 to %scan3A_20 step %scan3A_21  : i32 {
      "tpu.region"() ({
        %run_scoped3A = tpu.sem_alloc : memref<!tpu.dma_semaphore, #tpu.memory_space<semaphore_mem>>
        %dma_start3A = arith.constant 0 : i32
        %dma_start3A_28 = tpu.memref_slice %arg4[%scan3A_27, %dma_start3A] : memref<80x128xi32, #tpu.memory_space<vmem>> -> memref<1x128xi32, #tpu.memory_space<vmem>>
        %dma_start3A_29 = tpu.memref_squeeze %dma_start3A_28 : memref<1x128xi32, #tpu.memory_space<vmem>> -> memref<128xi32, #tpu.memory_space<vmem>>
        %dma_start3A_30 = arith.constant 0 : i32
        %dma_start3A_31 = arith.constant 0 : i32
        %dma_start3A_32 = tpu.memref_slice %arg6[%dma_start3A_30, %dma_start3A_31] : memref<10240x128xf32, #tpu.memory_space<vmem_shared>> -> memref<10240x128xf32, #tpu.memory_space<vmem_shared>>
        tpu.enqueue_indirect_dma source(%arg5 : memref<128x128xf32, #tpu.memory_space<vmem>>) target(%dma_start3A_32 : memref<10240x128xf32, #tpu.memory_space<vmem_shared>>) offsets(%dma_start3A_29 : memref<128xi32, #tpu.memory_space<vmem>>) semaphore(%run_scoped3A : memref<!tpu.dma_semaphore, #tpu.memory_space<semaphore_mem>>) {add = true}
        %dma_wait3A = arith.constant 0 : i32
        %dma_wait3A_33 = tpu.memref_slice %arg4[%scan3A_27, %dma_wait3A] : memref<80x128xi32, #tpu.memory_space<vmem>> -> memref<1x128xi32, #tpu.memory_space<vmem>>
        %dma_wait3A_34 = tpu.memref_squeeze %dma_wait3A_33 : memref<1x128xi32, #tpu.memory_space<vmem>> -> memref<128xi32, #tpu.memory_space<vmem>>
        %dma_wait3A_35 = arith.constant 0 : i32
        %dma_wait3A_36 = arith.constant 0 : i32
        %dma_wait3A_37 = tpu.memref_slice %arg6[%dma_wait3A_35, %dma_wait3A_36] : memref<10240x128xf32, #tpu.memory_space<vmem_shared>> -> memref<10240x128xf32, #tpu.memory_space<vmem_shared>>
        tpu.wait_indirect_dma semaphore(%run_scoped3A : memref<!tpu.dma_semaphore, #tpu.memory_space<semaphore_mem>>) src(%arg5 : memref<128x128xf32, #tpu.memory_space<vmem>>) dst(%dma_wait3A_37 : memref<10240x128xf32, #tpu.memory_space<vmem_shared>>)
        tpu.yield
      }) : () -> ()
    }
    %scan3A_22 = arith.constant 80 : i32
    %barrier3A_23 = arith.constant 0 : index
    tpu.barrier barrier_id(%barrier3A_23)
    %mul3A = arith.constant 640 : i32
    %mul3A_24 = arith.muli %arg1, %mul3A : i32
    %mul3A_25 = arith.constant 640 : i32
    %mul3A_26 = arith.muli %arg1, %mul3A_25 : i32
    "tpu.region"() ({
      %run_scoped3A = tpu.sem_alloc : memref<!tpu.dma_semaphore, #tpu.memory_space<semaphore_mem>>
      %dma_start3A = arith.constant 0 : i32
      %dma_start3A_27 = tpu.memref_slice %arg3[%arg0, %mul3A_26, %dma_start3A] : memref<2x10240x128xf32, #tpu.memory_space<hbm>> -> memref<1x640x128xf32, #tpu.memory_space<hbm>>
      %dma_start3A_28 = tpu.memref_squeeze %dma_start3A_27 : memref<1x640x128xf32, #tpu.memory_space<hbm>> -> memref<640x128xf32, #tpu.memory_space<hbm>>
      %dma_start3A_29 = arith.constant 0 : i32
      %dma_start3A_30 = tpu.memref_slice %arg6[%mul3A_24, %dma_start3A_29] : memref<10240x128xf32, #tpu.memory_space<vmem_shared>> -> memref<640x128xf32, #tpu.memory_space<vmem_shared>>
      tpu.enqueue_dma source(%dma_start3A_30 : memref<640x128xf32, #tpu.memory_space<vmem_shared>>) target(%dma_start3A_28 : memref<640x128xf32, #tpu.memory_space<hbm>>) target_semaphore(%run_scoped3A : memref<!tpu.dma_semaphore, #tpu.memory_space<semaphore_mem>>)
      %dma_wait3A = arith.constant 0 : i32
      %dma_wait3A_31 = tpu.memref_slice %arg3[%arg0, %mul3A_26, %dma_wait3A] : memref<2x10240x128xf32, #tpu.memory_space<hbm>> -> memref<1x640x128xf32, #tpu.memory_space<hbm>>
      %dma_wait3A_32 = tpu.memref_squeeze %dma_wait3A_31 : memref<1x640x128xf32, #tpu.memory_space<hbm>> -> memref<640x128xf32, #tpu.memory_space<hbm>>
      %dma_wait3A_33 = arith.constant 0 : i32
      %dma_wait3A_34 = tpu.memref_slice %arg6[%mul3A_24, %dma_wait3A_33] : memref<10240x128xf32, #tpu.memory_space<vmem_shared>> -> memref<640x128xf32, #tpu.memory_space<vmem_shared>>
      tpu.wait_dma2 semaphore(%run_scoped3A : memref<!tpu.dma_semaphore, #tpu.memory_space<semaphore_mem>>) src(%dma_wait3A_34 : memref<640x128xf32, #tpu.memory_space<vmem_shared>>) dst(%dma_wait3A_32 : memref<640x128xf32, #tpu.memory_space<hbm>>)
      tpu.yield
    }) : () -> ()
    return
  }
}

#map = affine_map<(d0, d1) -> (0, 0)>
#map1 = affine_map<(d0, d1) -> (0, 0, 0, 0)>
#map2 = affine_map<(d0, d1) -> (0, 0, 0)>
module attributes {stable_mosaic.version = 14 : i64} {
  func.func @segsum(%arg0: i32, %arg1: i32, %arg2: memref<10000x128xf32, #tpu.memory_space<hbm>>, %arg3: memref<2x16x80x128xi32, #tpu.memory_space<hbm>>, %arg4: memref<2x10240x128xf32, #tpu.memory_space<hbm>>, %arg5: memref<80x128xi32, #tpu.memory_space<vmem>>, %arg6: memref<2x2x128xi32, #tpu.memory_space<vmem>>, %arg7: memref<2x128x128xf32, #tpu.memory_space<vmem>>, %arg8: memref<10240x128xf32, #tpu.memory_space<vmem_shared>>, %arg9: memref<!tpu.dma_semaphore, #tpu.memory_space<semaphore_mem>>, %arg10: memref<!tpu.dma_semaphore, #tpu.memory_space<semaphore_mem>>) attributes {dimension_semantics = [#tpu.dimension_semantics<core_parallel>, #tpu.dimension_semantics<subcore_parallel>], iteration_bounds = array<i64: 2, 16>, scalar_prefetch = 0 : i64, scratch_operands = 6 : i64, tpu.core_type = #tpu.core_type<sc_vector_subcore>, window_params = [{transform_indices = #map}, {transform_indices = #map1}, {transform_indices = #map2}]} {
    %scan3A = arith.constant 0 : i32
    %scan3A_0 = arith.constant 0 : i32
    %scan3A_1 = arith.constant 128 : i32
    %scan3A_2 = arith.addi %scan3A_0, %scan3A_1 : i32
    %scan3A_3 = arith.constant 1 : i32
    scf.for %scan3A_158 = %scan3A_0 to %scan3A_2 step %scan3A_3  : i32 {
      %broadcast_in_dim3A = arith.constant 0.000000e+00 : f32
      %broadcast_in_dim3A_159 = vector.broadcast %broadcast_in_dim3A : f32 to vector<16xf32>
      %swap3A = arith.constant 0 : i32
      %swap3A_160 = arith.index_cast %swap3A : i32 to index
      %swap3A_161 = arith.index_cast %scan3A_158 : i32 to index
      %swap3A_162 = arith.constant 0 : index
      %swap3A_163 = tpu.vector_load %arg7[%swap3A_160, %swap3A_161, %swap3A_162] {strides = array<i32>} : memref<2x128x128xf32, #tpu.memory_space<vmem>>, vector<1x1x16xf32>,
      %swap3A_164 = vector.shape_cast %swap3A_163 : vector<1x1x16xf32> to vector<16xf32>
      %swap3A_165 = vector.shape_cast %broadcast_in_dim3A_159 : vector<16xf32> to vector<1x1x16xf32>
      tpu.vector_store %arg7[%swap3A_160, %swap3A_161, %swap3A_162], %swap3A_165 {strides = array<i32>} : memref<2x128x128xf32, #tpu.memory_space<vmem>>, vector<1x1x16xf32>,
      %broadcast_in_dim3A_166 = arith.constant 0.000000e+00 : f32
      %broadcast_in_dim3A_167 = vector.broadcast %broadcast_in_dim3A_166 : f32 to vector<16xf32>
      %swap3A_168 = arith.constant 0 : i32
      %swap3A_169 = arith.index_cast %swap3A_168 : i32 to index
      %swap3A_170 = arith.index_cast %scan3A_158 : i32 to index
      %swap3A_171 = arith.constant 16 : index
      %swap3A_172 = tpu.vector_load %arg7[%swap3A_169, %swap3A_170, %swap3A_171] {strides = array<i32>} : memref<2x128x128xf32, #tpu.memory_space<vmem>>, vector<1x1x16xf32>,
      %swap3A_173 = vector.shape_cast %swap3A_172 : vector<1x1x16xf32> to vector<16xf32>
      %swap3A_174 = vector.shape_cast %broadcast_in_dim3A_167 : vector<16xf32> to vector<1x1x16xf32>
      tpu.vector_store %arg7[%swap3A_169, %swap3A_170, %swap3A_171], %swap3A_174 {strides = array<i32>} : memref<2x128x128xf32, #tpu.memory_space<vmem>>, vector<1x1x16xf32>,
      %broadcast_in_dim3A_175 = arith.constant 0.000000e+00 : f32
      %broadcast_in_dim3A_176 = vector.broadcast %broadcast_in_dim3A_175 : f32 to vector<16xf32>
      %swap3A_177 = arith.constant 0 : i32
      %swap3A_178 = arith.index_cast %swap3A_177 : i32 to index
      %swap3A_179 = arith.index_cast %scan3A_158 : i32 to index
      %swap3A_180 = arith.constant 32 : index
      %swap3A_181 = tpu.vector_load %arg7[%swap3A_178, %swap3A_179, %swap3A_180] {strides = array<i32>} : memref<2x128x128xf32, #tpu.memory_space<vmem>>, vector<1x1x16xf32>,
      %swap3A_182 = vector.shape_cast %swap3A_181 : vector<1x1x16xf32> to vector<16xf32>
      %swap3A_183 = vector.shape_cast %broadcast_in_dim3A_176 : vector<16xf32> to vector<1x1x16xf32>
      tpu.vector_store %arg7[%swap3A_178, %swap3A_179, %swap3A_180], %swap3A_183 {strides = array<i32>} : memref<2x128x128xf32, #tpu.memory_space<vmem>>, vector<1x1x16xf32>,
      %broadcast_in_dim3A_184 = arith.constant 0.000000e+00 : f32
      %broadcast_in_dim3A_185 = vector.broadcast %broadcast_in_dim3A_184 : f32 to vector<16xf32>
      %swap3A_186 = arith.constant 0 : i32
      %swap3A_187 = arith.index_cast %swap3A_186 : i32 to index
      %swap3A_188 = arith.index_cast %scan3A_158 : i32 to index
      %swap3A_189 = arith.constant 48 : index
      %swap3A_190 = tpu.vector_load %arg7[%swap3A_187, %swap3A_188, %swap3A_189] {strides = array<i32>} : memref<2x128x128xf32, #tpu.memory_space<vmem>>, vector<1x1x16xf32>,
      %swap3A_191 = vector.shape_cast %swap3A_190 : vector<1x1x16xf32> to vector<16xf32>
      %swap3A_192 = vector.shape_cast %broadcast_in_dim3A_185 : vector<16xf32> to vector<1x1x16xf32>
      tpu.vector_store %arg7[%swap3A_187, %swap3A_188, %swap3A_189], %swap3A_192 {strides = array<i32>} : memref<2x128x128xf32, #tpu.memory_space<vmem>>, vector<1x1x16xf32>,
      %broadcast_in_dim3A_193 = arith.constant 0.000000e+00 : f32
      %broadcast_in_dim3A_194 = vector.broadcast %broadcast_in_dim3A_193 : f32 to vector<16xf32>
      %swap3A_195 = arith.constant 0 : i32
      %swap3A_196 = arith.index_cast %swap3A_195 : i32 to index
      %swap3A_197 = arith.index_cast %scan3A_158 : i32 to index
      %swap3A_198 = arith.constant 64 : index
      %swap3A_199 = tpu.vector_load %arg7[%swap3A_196, %swap3A_197, %swap3A_198] {strides = array<i32>} : memref<2x128x128xf32, #tpu.memory_space<vmem>>, vector<1x1x16xf32>,
      %swap3A_200 = vector.shape_cast %swap3A_199 : vector<1x1x16xf32> to vector<16xf32>
      %swap3A_201 = vector.shape_cast %broadcast_in_dim3A_194 : vector<16xf32> to vector<1x1x16xf32>
      tpu.vector_store %arg7[%swap3A_196, %swap3A_197, %swap3A_198], %swap3A_201 {strides = array<i32>} : memref<2x128x128xf32, #tpu.memory_space<vmem>>, vector<1x1x16xf32>,
      %broadcast_in_dim3A_202 = arith.constant 0.000000e+00 : f32
      %broadcast_in_dim3A_203 = vector.broadcast %broadcast_in_dim3A_202 : f32 to vector<16xf32>
      %swap3A_204 = arith.constant 0 : i32
      %swap3A_205 = arith.index_cast %swap3A_204 : i32 to index
      %swap3A_206 = arith.index_cast %scan3A_158 : i32 to index
      %swap3A_207 = arith.constant 80 : index
      %swap3A_208 = tpu.vector_load %arg7[%swap3A_205, %swap3A_206, %swap3A_207] {strides = array<i32>} : memref<2x128x128xf32, #tpu.memory_space<vmem>>, vector<1x1x16xf32>,
      %swap3A_209 = vector.shape_cast %swap3A_208 : vector<1x1x16xf32> to vector<16xf32>
      %swap3A_210 = vector.shape_cast %broadcast_in_dim3A_203 : vector<16xf32> to vector<1x1x16xf32>
      tpu.vector_store %arg7[%swap3A_205, %swap3A_206, %swap3A_207], %swap3A_210 {strides = array<i32>} : memref<2x128x128xf32, #tpu.memory_space<vmem>>, vector<1x1x16xf32>,
      %broadcast_in_dim3A_211 = arith.constant 0.000000e+00 : f32
      %broadcast_in_dim3A_212 = vector.broadcast %broadcast_in_dim3A_211 : f32 to vector<16xf32>
      %swap3A_213 = arith.constant 0 : i32
      %swap3A_214 = arith.index_cast %swap3A_213 : i32 to index
      %swap3A_215 = arith.index_cast %scan3A_158 : i32 to index
      %swap3A_216 = arith.constant 96 : index
      %swap3A_217 = tpu.vector_load %arg7[%swap3A_214, %swap3A_215, %swap3A_216] {strides = array<i32>} : memref<2x128x128xf32, #tpu.memory_space<vmem>>, vector<1x1x16xf32>,
      %swap3A_218 = vector.shape_cast %swap3A_217 : vector<1x1x16xf32> to vector<16xf32>
      %swap3A_219 = vector.shape_cast %broadcast_in_dim3A_212 : vector<16xf32> to vector<1x1x16xf32>
      tpu.vector_store %arg7[%swap3A_214, %swap3A_215, %swap3A_216], %swap3A_219 {strides = array<i32>} : memref<2x128x128xf32, #tpu.memory_space<vmem>>, vector<1x1x16xf32>,
      %broadcast_in_dim3A_220 = arith.constant 0.000000e+00 : f32
      %broadcast_in_dim3A_221 = vector.broadcast %broadcast_in_dim3A_220 : f32 to vector<16xf32>
      %swap3A_222 = arith.constant 0 : i32
      %swap3A_223 = arith.index_cast %swap3A_222 : i32 to index
      %swap3A_224 = arith.index_cast %scan3A_158 : i32 to index
      %swap3A_225 = arith.constant 112 : index
      %swap3A_226 = tpu.vector_load %arg7[%swap3A_223, %swap3A_224, %swap3A_225] {strides = array<i32>} : memref<2x128x128xf32, #tpu.memory_space<vmem>>, vector<1x1x16xf32>,
      %swap3A_227 = vector.shape_cast %swap3A_226 : vector<1x1x16xf32> to vector<16xf32>
      %swap3A_228 = vector.shape_cast %broadcast_in_dim3A_221 : vector<16xf32> to vector<1x1x16xf32>
      tpu.vector_store %arg7[%swap3A_223, %swap3A_224, %swap3A_225], %swap3A_228 {strides = array<i32>} : memref<2x128x128xf32, #tpu.memory_space<vmem>>, vector<1x1x16xf32>,
    }
    %scan3A_4 = arith.constant 128 : i32
    %scan3A_5 = arith.constant 0 : i32
    %scan3A_6 = arith.constant 0 : i32
    %scan3A_7 = arith.constant 5 : i32
    %scan3A_8 = arith.addi %scan3A_6, %scan3A_7 : i32
    %scan3A_9 = arith.constant 1 : i32
    scf.for %scan3A_158 = %scan3A_6 to %scan3A_8 step %scan3A_9  : i32 {
      %mul3A_159 = arith.constant 640 : i32
      %mul3A_160 = arith.muli %arg1, %mul3A_159 : i32
      %mul3A_161 = arith.constant 128 : i32
      %mul3A_162 = arith.muli %scan3A_158, %mul3A_161 : i32
      %add3A = arith.addi %mul3A_160, %mul3A_162 : i32
      %run_scoped3A_163 = arith.constant 0 : i32
      "tpu.region"() ({
        %run_scoped3A_164 = tpu.sem_alloc : memref<!tpu.dma_semaphore, #tpu.memory_space<semaphore_mem>>
        %dma_start3A_165 = arith.constant 0 : i32
        %dma_start3A_166 = arith.constant 0 : i32
        %dma_start3A_167 = tpu.memref_slice %arg7[%run_scoped3A_163, %dma_start3A_165, %dma_start3A_166] : memref<2x128x128xf32, #tpu.memory_space<vmem>> -> memref<1x128x128xf32, #tpu.memory_space<vmem>>
        %dma_start3A_168 = tpu.memref_squeeze %dma_start3A_167 : memref<1x128x128xf32, #tpu.memory_space<vmem>> -> memref<128x128xf32, #tpu.memory_space<vmem>>
        %dma_start3A_169 = arith.constant 0 : i32
        %dma_start3A_170 = tpu.memref_slice %arg8[%add3A, %dma_start3A_169] : memref<10240x128xf32, #tpu.memory_space<vmem_shared>> -> memref<128x128xf32, #tpu.memory_space<vmem_shared>>
        %dma_start3A_171 = arith.constant 0 : i32
        %dma_start3A_172 = tpu.memref_slice %arg8[%add3A, %dma_start3A_171] : memref<10240x128xf32, #tpu.memory_space<vmem_shared>> -> memref<128x128xf32, #tpu.memory_space<vmem_shared>>
        %dma_start3A_173 = arith.constant 0 : i32
        %dma_start3A_174 = arith.constant 0 : i32
        %dma_start3A_175 = tpu.memref_slice %arg7[%run_scoped3A_163, %dma_start3A_173, %dma_start3A_174] : memref<2x128x128xf32, #tpu.memory_space<vmem>> -> memref<1x128x128xf32, #tpu.memory_space<vmem>>
        %dma_start3A_176 = tpu.memref_squeeze %dma_start3A_175 : memref<1x128x128xf32, #tpu.memory_space<vmem>> -> memref<128x128xf32, #tpu.memory_space<vmem>>
        tpu.enqueue_dma source(%dma_start3A_176 : memref<128x128xf32, #tpu.memory_space<vmem>>) target(%dma_start3A_172 : memref<128x128xf32, #tpu.memory_space<vmem_shared>>) target_semaphore(%run_scoped3A_164 : memref<!tpu.dma_semaphore, #tpu.memory_space<semaphore_mem>>)
        %dma_wait3A_177 = arith.constant 0 : i32
        %dma_wait3A_178 = arith.constant 0 : i32
        %dma_wait3A_179 = tpu.memref_slice %arg7[%run_scoped3A_163, %dma_wait3A_177, %dma_wait3A_178] : memref<2x128x128xf32, #tpu.memory_space<vmem>> -> memref<1x128x128xf32, #tpu.memory_space<vmem>>
        %dma_wait3A_180 = tpu.memref_squeeze %dma_wait3A_179 : memref<1x128x128xf32, #tpu.memory_space<vmem>> -> memref<128x128xf32, #tpu.memory_space<vmem>>
        %dma_wait3A_181 = arith.constant 0 : i32
        %dma_wait3A_182 = tpu.memref_slice %arg8[%add3A, %dma_wait3A_181] : memref<10240x128xf32, #tpu.memory_space<vmem_shared>> -> memref<128x128xf32, #tpu.memory_space<vmem_shared>>
        %dma_wait3A_183 = arith.constant 0 : i32
        %dma_wait3A_184 = tpu.memref_slice %arg8[%add3A, %dma_wait3A_183] : memref<10240x128xf32, #tpu.memory_space<vmem_shared>> -> memref<128x128xf32, #tpu.memory_space<vmem_shared>>
        %dma_wait3A_185 = arith.constant 0 : i32
        %dma_wait3A_186 = arith.constant 0 : i32
        %dma_wait3A_187 = tpu.memref_slice %arg7[%run_scoped3A_163, %dma_wait3A_185, %dma_wait3A_186] : memref<2x128x128xf32, #tpu.memory_space<vmem>> -> memref<1x128x128xf32, #tpu.memory_space<vmem>>
        %dma_wait3A_188 = tpu.memref_squeeze %dma_wait3A_187 : memref<1x128x128xf32, #tpu.memory_space<vmem>> -> memref<128x128xf32, #tpu.memory_space<vmem>>
        tpu.wait_dma2 semaphore(%run_scoped3A_164 : memref<!tpu.dma_semaphore, #tpu.memory_space<semaphore_mem>>) src(%dma_wait3A_188 : memref<128x128xf32, #tpu.memory_space<vmem>>) dst(%dma_wait3A_184 : memref<128x128xf32, #tpu.memory_space<vmem_shared>>)
        tpu.yield
      }) : () -> ()
    }
    %scan3A_10 = arith.constant 5 : i32
    "tpu.region"() ({
      %run_scoped3A_158 = tpu.sem_alloc : memref<!tpu.dma_semaphore, #tpu.memory_space<semaphore_mem>>
      %dma_start3A_159 = arith.constant 0 : i32
      %dma_start3A_160 = arith.constant 0 : i32
      %dma_start3A_161 = tpu.memref_slice %arg3[%arg0, %arg1, %dma_start3A_159, %dma_start3A_160] : memref<2x16x80x128xi32, #tpu.memory_space<hbm>> -> memref<1x1x80x128xi32, #tpu.memory_space<hbm>>
      %dma_start3A_162 = tpu.memref_squeeze %dma_start3A_161 : memref<1x1x80x128xi32, #tpu.memory_space<hbm>> -> memref<80x128xi32, #tpu.memory_space<hbm>>
      %dma_start3A_163 = arith.constant 0 : i32
      %dma_start3A_164 = arith.constant 0 : i32
      %dma_start3A_165 = tpu.memref_slice %arg3[%arg0, %arg1, %dma_start3A_163, %dma_start3A_164] : memref<2x16x80x128xi32, #tpu.memory_space<hbm>> -> memref<1x1x80x128xi32, #tpu.memory_space<hbm>>
      %dma_start3A_166 = tpu.memref_squeeze %dma_start3A_165 : memref<1x1x80x128xi32, #tpu.memory_space<hbm>> -> memref<80x128xi32, #tpu.memory_space<hbm>>
      tpu.enqueue_dma source(%dma_start3A_166 : memref<80x128xi32, #tpu.memory_space<hbm>>) target(%arg5 : memref<80x128xi32, #tpu.memory_space<vmem>>) target_semaphore(%run_scoped3A_158 : memref<!tpu.dma_semaphore, #tpu.memory_space<semaphore_mem>>)
      %dma_wait3A_167 = arith.constant 0 : i32
      %dma_wait3A_168 = arith.constant 0 : i32
      %dma_wait3A_169 = tpu.memref_slice %arg3[%arg0, %arg1, %dma_wait3A_167, %dma_wait3A_168] : memref<2x16x80x128xi32, #tpu.memory_space<hbm>> -> memref<1x1x80x128xi32, #tpu.memory_space<hbm>>
      %dma_wait3A_170 = tpu.memref_squeeze %dma_wait3A_169 : memref<1x1x80x128xi32, #tpu.memory_space<hbm>> -> memref<80x128xi32, #tpu.memory_space<hbm>>
      %dma_wait3A_171 = arith.constant 0 : i32
      %dma_wait3A_172 = arith.constant 0 : i32
      %dma_wait3A_173 = tpu.memref_slice %arg3[%arg0, %arg1, %dma_wait3A_171, %dma_wait3A_172] : memref<2x16x80x128xi32, #tpu.memory_space<hbm>> -> memref<1x1x80x128xi32, #tpu.memory_space<hbm>>
      %dma_wait3A_174 = tpu.memref_squeeze %dma_wait3A_173 : memref<1x1x80x128xi32, #tpu.memory_space<hbm>> -> memref<80x128xi32, #tpu.memory_space<hbm>>
      tpu.wait_dma2 semaphore(%run_scoped3A_158 : memref<!tpu.dma_semaphore, #tpu.memory_space<semaphore_mem>>) src(%dma_wait3A_174 : memref<80x128xi32, #tpu.memory_space<hbm>>) dst(%arg5 : memref<80x128xi32, #tpu.memory_space<vmem>>)
      tpu.yield
    }) : () -> ()
    %barrier3A = arith.constant 0 : index
    tpu.barrier barrier_id(%barrier3A)
    %scan3A_11 = arith.constant 0 : i32
    %scan3A_12 = arith.constant 0 : i32
    %scan3A_13 = arith.constant 8 : i32
    %scan3A_14 = arith.addi %scan3A_12, %scan3A_13 : i32
    %scan3A_15 = arith.constant 1 : i32
    scf.for %scan3A_158 = %scan3A_12 to %scan3A_14 step %scan3A_15  : i32 {
      %mul3A_159 = arith.constant 16 : i32
      %mul3A_160 = arith.muli %scan3A_158, %mul3A_159 : i32
      %get3A = arith.constant 0 : i32
      %get3A_161 = arith.index_cast %get3A : i32 to index
      %get3A_162 = arith.index_cast %mul3A_160 : i32 to index
      %get3A_163 = tpu.vector_load %arg5[%get3A_161, %get3A_162] {strides = array<i32>} : memref<80x128xi32, #tpu.memory_space<vmem>>, vector<1x16xi32>,
      %get3A_164 = vector.shape_cast %get3A_163 : vector<1x16xi32> to vector<16xi32>
      %shift_right_logical3A = arith.constant 16 : i32
      %shift_right_logical3A_165 = vector.broadcast %shift_right_logical3A : i32 to vector<16xi32>
      %shift_right_logical3A_166 = arith.shrui %get3A_164, %shift_right_logical3A_165 : vector<16xi32>
      %mul3A_167 = arith.constant 16 : i32
      %mul3A_168 = arith.muli %scan3A_158, %mul3A_167 : i32
      %swap3A = arith.constant 0 : i32
      %swap3A_169 = arith.constant 0 : i32
      %swap3A_170 = arith.index_cast %swap3A : i32 to index
      %swap3A_171 = arith.index_cast %swap3A_169 : i32 to index
      %swap3A_172 = arith.index_cast %mul3A_168 : i32 to index
      %swap3A_173 = tpu.vector_load %arg6[%swap3A_170, %swap3A_171, %swap3A_172] {strides = array<i32>} : memref<2x2x128xi32, #tpu.memory_space<vmem>>, vector<1x1x16xi32>,
      %swap3A_174 = vector.shape_cast %swap3A_173 : vector<1x1x16xi32> to vector<16xi32>
      %swap3A_175 = vector.shape_cast %shift_right_logical3A_166 : vector<16xi32> to vector<1x1x16xi32>
      tpu.vector_store %arg6[%swap3A_170, %swap3A_171, %swap3A_172], %swap3A_175 {strides = array<i32>} : memref<2x2x128xi32, #tpu.memory_space<vmem>>, vector<1x1x16xi32>,
      %and3A = arith.constant 65535 : i32
      %and3A_176 = vector.broadcast %and3A : i32 to vector<16xi32>
      %and3A_177 = arith.andi %get3A_164, %and3A_176 : vector<16xi32>
      %mul3A_178 = arith.constant 16 : i32
      %mul3A_179 = arith.muli %scan3A_158, %mul3A_178 : i32
      %swap3A_180 = arith.constant 0 : i32
      %swap3A_181 = arith.constant 1 : i32
      %swap3A_182 = arith.index_cast %swap3A_180 : i32 to index
      %swap3A_183 = arith.index_cast %swap3A_181 : i32 to index
      %swap3A_184 = arith.index_cast %mul3A_179 : i32 to index
      %swap3A_185 = tpu.vector_load %arg6[%swap3A_182, %swap3A_183, %swap3A_184] {strides = array<i32>} : memref<2x2x128xi32, #tpu.memory_space<vmem>>, vector<1x1x16xi32>,
      %swap3A_186 = vector.shape_cast %swap3A_185 : vector<1x1x16xi32> to vector<16xi32>
      %swap3A_187 = vector.shape_cast %and3A_177 : vector<16xi32> to vector<1x1x16xi32>
      tpu.vector_store %arg6[%swap3A_182, %swap3A_183, %swap3A_184], %swap3A_187 {strides = array<i32>} : memref<2x2x128xi32, #tpu.memory_space<vmem>>, vector<1x1x16xi32>,
    }
    %scan3A_16 = arith.constant 8 : i32
    %dma_start3A = arith.constant 0 : i32
    %dma_start3A_17 = arith.constant 0 : i32
    %dma_start3A_18 = arith.constant 0 : i32
    %dma_start3A_19 = arith.constant 0 : i32
    %dma_start3A_20 = arith.constant 0 : i32
    %dma_start3A_21 = tpu.memref_slice %arg7[%dma_start3A_18, %dma_start3A_19, %dma_start3A_20] : memref<2x128x128xf32, #tpu.memory_space<vmem>> -> memref<1x128x128xf32, #tpu.memory_space<vmem>>
    %dma_start3A_22 = tpu.memref_squeeze %dma_start3A_21 : memref<1x128x128xf32, #tpu.memory_space<vmem>> -> memref<128x128xf32, #tpu.memory_space<vmem>>
    %dma_start3A_23 = arith.constant 0 : i32
    %dma_start3A_24 = tpu.memref_slice %arg6[%dma_start3A, %dma_start3A_17, %dma_start3A_23] : memref<2x2x128xi32, #tpu.memory_space<vmem>> -> memref<1x1x128xi32, #tpu.memory_space<vmem>>
    %dma_start3A_25 = tpu.memref_squeeze %dma_start3A_24 : memref<1x1x128xi32, #tpu.memory_space<vmem>> -> memref<128xi32, #tpu.memory_space<vmem>>
    %dma_start3A_26 = arith.constant 0 : i32
    %dma_start3A_27 = arith.constant 0 : i32
    %dma_start3A_28 = tpu.memref_slice %arg2[%dma_start3A_26, %dma_start3A_27] : memref<10000x128xf32, #tpu.memory_space<hbm>> -> memref<10000x128xf32, #tpu.memory_space<hbm>>
    tpu.enqueue_indirect_dma source(%dma_start3A_28 : memref<10000x128xf32, #tpu.memory_space<hbm>>) target(%dma_start3A_22 : memref<128x128xf32, #tpu.memory_space<vmem>>) offsets(%dma_start3A_25 : memref<128xi32, #tpu.memory_space<vmem>>) semaphore(%arg9 : memref<!tpu.dma_semaphore, #tpu.memory_space<semaphore_mem>>)
    %scan3A_29 = arith.constant 0 : i32
    %scan3A_30 = arith.constant 0 : i32
    %scan3A_31 = arith.constant 8 : i32
    %scan3A_32 = arith.addi %scan3A_30, %scan3A_31 : i32
    %scan3A_33 = arith.constant 1 : i32
    scf.for %scan3A_158 = %scan3A_30 to %scan3A_32 step %scan3A_33  : i32 {
      %mul3A_159 = arith.constant 16 : i32
      %mul3A_160 = arith.muli %scan3A_158, %mul3A_159 : i32
      %get3A = arith.constant 1 : i32
      %get3A_161 = arith.index_cast %get3A : i32 to index
      %get3A_162 = arith.index_cast %mul3A_160 : i32 to index
      %get3A_163 = tpu.vector_load %arg5[%get3A_161, %get3A_162] {strides = array<i32>} : memref<80x128xi32, #tpu.memory_space<vmem>>, vector<1x16xi32>,
      %get3A_164 = vector.shape_cast %get3A_163 : vector<1x16xi32> to vector<16xi32>
      %shift_right_logical3A = arith.constant 16 : i32
      %shift_right_logical3A_165 = vector.broadcast %shift_right_logical3A : i32 to vector<16xi32>
      %shift_right_logical3A_166 = arith.shrui %get3A_164, %shift_right_logical3A_165 : vector<16xi32>
      %mul3A_167 = arith.constant 16 : i32
      %mul3A_168 = arith.muli %scan3A_158, %mul3A_167 : i32
      %swap3A = arith.constant 1 : i32
      %swap3A_169 = arith.constant 0 : i32
      %swap3A_170 = arith.index_cast %swap3A : i32 to index
      %swap3A_171 = arith.index_cast %swap3A_169 : i32 to index
      %swap3A_172 = arith.index_cast %mul3A_168 : i32 to index
      %swap3A_173 = tpu.vector_load %arg6[%swap3A_170, %swap3A_171, %swap3A_172] {strides = array<i32>} : memref<2x2x128xi32, #tpu.memory_space<vmem>>, vector<1x1x16xi32>,
      %swap3A_174 = vector.shape_cast %swap3A_173 : vector<1x1x16xi32> to vector<16xi32>
      %swap3A_175 = vector.shape_cast %shift_right_logical3A_166 : vector<16xi32> to vector<1x1x16xi32>
      tpu.vector_store %arg6[%swap3A_170, %swap3A_171, %swap3A_172], %swap3A_175 {strides = array<i32>} : memref<2x2x128xi32, #tpu.memory_space<vmem>>, vector<1x1x16xi32>,
      %and3A = arith.constant 65535 : i32
      %and3A_176 = vector.broadcast %and3A : i32 to vector<16xi32>
      %and3A_177 = arith.andi %get3A_164, %and3A_176 : vector<16xi32>
      %mul3A_178 = arith.constant 16 : i32
      %mul3A_179 = arith.muli %scan3A_158, %mul3A_178 : i32
      %swap3A_180 = arith.constant 1 : i32
      %swap3A_181 = arith.constant 1 : i32
      %swap3A_182 = arith.index_cast %swap3A_180 : i32 to index
      %swap3A_183 = arith.index_cast %swap3A_181 : i32 to index
      %swap3A_184 = arith.index_cast %mul3A_179 : i32 to index
      %swap3A_185 = tpu.vector_load %arg6[%swap3A_182, %swap3A_183, %swap3A_184] {strides = array<i32>} : memref<2x2x128xi32, #tpu.memory_space<vmem>>, vector<1x1x16xi32>,
      %swap3A_186 = vector.shape_cast %swap3A_185 : vector<1x1x16xi32> to vector<16xi32>
      %swap3A_187 = vector.shape_cast %and3A_177 : vector<16xi32> to vector<1x1x16xi32>
      tpu.vector_store %arg6[%swap3A_182, %swap3A_183, %swap3A_184], %swap3A_187 {strides = array<i32>} : memref<2x2x128xi32, #tpu.memory_space<vmem>>, vector<1x1x16xi32>,
    }
    %scan3A_34 = arith.constant 8 : i32
    %scan3A_35 = arith.constant 0 : i32
    %scan3A_36 = arith.constant 0 : i32
    %scan3A_37 = arith.constant 19 : i32
    %scan3A_38 = arith.addi %scan3A_36, %scan3A_37 : i32
    %scan3A_39 = arith.constant 1 : i32
    scf.for %scan3A_158 = %scan3A_36 to %scan3A_38 step %scan3A_39  : i32 {
      %mul3A_159 = arith.constant 4 : i32
      %mul3A_160 = arith.muli %mul3A_159, %scan3A_158 : i32
      %add3A = arith.constant 0 : i32
      %add3A_161 = arith.addi %mul3A_160, %add3A : i32
      %add3A_162 = arith.constant 0 : i32
      %add3A_163 = arith.addi %mul3A_160, %add3A_162 : i32
      %add3A_164 = arith.constant 2 : i32
      %add3A_165 = arith.addi %add3A_163, %add3A_164 : i32
      %dma_start3A_166 = arith.constant 1 : i32
      %dma_start3A_167 = arith.constant 0 : i32
      %dma_start3A_168 = arith.constant 1 : i32
      %dma_start3A_169 = arith.constant 0 : i32
      %dma_start3A_170 = arith.constant 0 : i32
      %dma_start3A_171 = tpu.memref_slice %arg7[%dma_start3A_168, %dma_start3A_169, %dma_start3A_170] : memref<2x128x128xf32, #tpu.memory_space<vmem>> -> memref<1x128x128xf32, #tpu.memory_space<vmem>>
      %dma_start3A_172 = tpu.memref_squeeze %dma_start3A_171 : memref<1x128x128xf32, #tpu.memory_space<vmem>> -> memref<128x128xf32, #tpu.memory_space<vmem>>
      %dma_start3A_173 = arith.constant 0 : i32
      %dma_start3A_174 = tpu.memref_slice %arg6[%dma_start3A_166, %dma_start3A_167, %dma_start3A_173] : memref<2x2x128xi32, #tpu.memory_space<vmem>> -> memref<1x1x128xi32, #tpu.memory_space<vmem>>
      %dma_start3A_175 = tpu.memref_squeeze %dma_start3A_174 : memref<1x1x128xi32, #tpu.memory_space<vmem>> -> memref<128xi32, #tpu.memory_space<vmem>>
      %dma_start3A_176 = arith.constant 0 : i32
      %dma_start3A_177 = arith.constant 0 : i32
      %dma_start3A_178 = tpu.memref_slice %arg2[%dma_start3A_176, %dma_start3A_177] : memref<10000x128xf32, #tpu.memory_space<hbm>> -> memref<10000x128xf32, #tpu.memory_space<hbm>>
      tpu.enqueue_indirect_dma source(%dma_start3A_178 : memref<10000x128xf32, #tpu.memory_space<hbm>>) target(%dma_start3A_172 : memref<128x128xf32, #tpu.memory_space<vmem>>) offsets(%dma_start3A_175 : memref<128xi32, #tpu.memory_space<vmem>>) semaphore(%arg10 : memref<!tpu.dma_semaphore, #tpu.memory_space<semaphore_mem>>)
      %dma_wait3A_179 = arith.constant 0 : i32
      %dma_wait3A_180 = arith.constant 0 : i32
      %dma_wait3A_181 = arith.constant 0 : i32
      %dma_wait3A_182 = arith.constant 0 : i32
      %dma_wait3A_183 = arith.constant 0 : i32
      %dma_wait3A_184 = tpu.memref_slice %arg7[%dma_wait3A_181, %dma_wait3A_182, %dma_wait3A_183] : memref<2x128x128xf32, #tpu.memory_space<vmem>> -> memref<1x128x128xf32, #tpu.memory_space<vmem>>
      %dma_wait3A_185 = tpu.memref_squeeze %dma_wait3A_184 : memref<1x128x128xf32, #tpu.memory_space<vmem>> -> memref<128x128xf32, #tpu.memory_space<vmem>>
      %dma_wait3A_186 = arith.constant 0 : i32
      %dma_wait3A_187 = tpu.memref_slice %arg6[%dma_wait3A_179, %dma_wait3A_180, %dma_wait3A_186] : memref<2x2x128xi32, #tpu.memory_space<vmem>> -> memref<1x1x128xi32, #tpu.memory_space<vmem>>
      %dma_wait3A_188 = tpu.memref_squeeze %dma_wait3A_187 : memref<1x1x128xi32, #tpu.memory_space<vmem>> -> memref<128xi32, #tpu.memory_space<vmem>>
      %dma_wait3A_189 = arith.constant 0 : i32
      %dma_wait3A_190 = arith.constant 0 : i32
      %dma_wait3A_191 = tpu.memref_slice %arg2[%dma_wait3A_189, %dma_wait3A_190] : memref<10000x128xf32, #tpu.memory_space<hbm>> -> memref<10000x128xf32, #tpu.memory_space<hbm>>
      tpu.wait_indirect_dma semaphore(%arg9 : memref<!tpu.dma_semaphore, #tpu.memory_space<semaphore_mem>>) src(%dma_wait3A_191 : memref<10000x128xf32, #tpu.memory_space<hbm>>) dst(%dma_wait3A_185 : memref<128x128xf32, #tpu.memory_space<vmem>>)
      %run_scoped3A_192 = arith.constant 0 : i32
      %run_scoped3A_193 = arith.constant 0 : i32
      %run_scoped3A_194 = arith.constant 1 : i32
      "tpu.region"() ({
        %run_scoped3A_324 = tpu.sem_alloc : memref<!tpu.dma_semaphore, #tpu.memory_space<semaphore_mem>>
        %dma_start3A_325 = arith.constant 0 : i32
        %dma_start3A_326 = arith.constant 0 : i32
        %dma_start3A_327 = tpu.memref_slice %arg7[%run_scoped3A_192, %dma_start3A_325, %dma_start3A_326] : memref<2x128x128xf32, #tpu.memory_space<vmem>> -> memref<1x128x128xf32, #tpu.memory_space<vmem>>
        %dma_start3A_328 = tpu.memref_squeeze %dma_start3A_327 : memref<1x128x128xf32, #tpu.memory_space<vmem>> -> memref<128x128xf32, #tpu.memory_space<vmem>>
        %dma_start3A_329 = arith.constant 0 : i32
        %dma_start3A_330 = tpu.memref_slice %arg6[%run_scoped3A_193, %run_scoped3A_194, %dma_start3A_329] : memref<2x2x128xi32, #tpu.memory_space<vmem>> -> memref<1x1x128xi32, #tpu.memory_space<vmem>>
        %dma_start3A_331 = tpu.memref_squeeze %dma_start3A_330 : memref<1x1x128xi32, #tpu.memory_space<vmem>> -> memref<128xi32, #tpu.memory_space<vmem>>
        %dma_start3A_332 = arith.constant 0 : i32
        %dma_start3A_333 = arith.constant 0 : i32
        %dma_start3A_334 = tpu.memref_slice %arg8[%dma_start3A_332, %dma_start3A_333] : memref<10240x128xf32, #tpu.memory_space<vmem_shared>> -> memref<10240x128xf32, #tpu.memory_space<vmem_shared>>
        tpu.enqueue_indirect_dma source(%dma_start3A_328 : memref<128x128xf32, #tpu.memory_space<vmem>>) target(%dma_start3A_334 : memref<10240x128xf32, #tpu.memory_space<vmem_shared>>) offsets(%dma_start3A_331 : memref<128xi32, #tpu.memory_space<vmem>>) semaphore(%run_scoped3A_324 : memref<!tpu.dma_semaphore, #tpu.memory_space<semaphore_mem>>) {add = true}
        %dma_wait3A_335 = arith.constant 0 : i32
        %dma_wait3A_336 = arith.constant 0 : i32
        %dma_wait3A_337 = tpu.memref_slice %arg7[%run_scoped3A_192, %dma_wait3A_335, %dma_wait3A_336] : memref<2x128x128xf32, #tpu.memory_space<vmem>> -> memref<1x128x128xf32, #tpu.memory_space<vmem>>
        %dma_wait3A_338 = tpu.memref_squeeze %dma_wait3A_337 : memref<1x128x128xf32, #tpu.memory_space<vmem>> -> memref<128x128xf32, #tpu.memory_space<vmem>>
        %dma_wait3A_339 = arith.constant 0 : i32
        %dma_wait3A_340 = tpu.memref_slice %arg6[%run_scoped3A_193, %run_scoped3A_194, %dma_wait3A_339] : memref<2x2x128xi32, #tpu.memory_space<vmem>> -> memref<1x1x128xi32, #tpu.memory_space<vmem>>
        %dma_wait3A_341 = tpu.memref_squeeze %dma_wait3A_340 : memref<1x1x128xi32, #tpu.memory_space<vmem>> -> memref<128xi32, #tpu.memory_space<vmem>>
        %dma_wait3A_342 = arith.constant 0 : i32
        %dma_wait3A_343 = arith.constant 0 : i32
        %dma_wait3A_344 = tpu.memref_slice %arg8[%dma_wait3A_342, %dma_wait3A_343] : memref<10240x128xf32, #tpu.memory_space<vmem_shared>> -> memref<10240x128xf32, #tpu.memory_space<vmem_shared>>
        tpu.wait_indirect_dma semaphore(%run_scoped3A_324 : memref<!tpu.dma_semaphore, #tpu.memory_space<semaphore_mem>>) src(%dma_wait3A_338 : memref<128x128xf32, #tpu.memory_space<vmem>>) dst(%dma_wait3A_344 : memref<10240x128xf32, #tpu.memory_space<vmem_shared>>)
        tpu.yield
      }) : () -> ()
      %scan3A_195 = arith.constant 0 : i32
      %scan3A_196 = arith.constant 0 : i32
      %scan3A_197 = arith.constant 8 : i32
      %scan3A_198 = arith.addi %scan3A_196, %scan3A_197 : i32
      %scan3A_199 = arith.constant 1 : i32
      scf.for %scan3A_324 = %scan3A_196 to %scan3A_198 step %scan3A_199  : i32 {
        %mul3A_325 = arith.constant 16 : i32
        %mul3A_326 = arith.muli %scan3A_324, %mul3A_325 : i32
        %get3A = arith.index_cast %add3A_165 : i32 to index
        %get3A_327 = arith.index_cast %mul3A_326 : i32 to index
        %get3A_328 = tpu.vector_load %arg5[%get3A, %get3A_327] {strides = array<i32>} : memref<80x128xi32, #tpu.memory_space<vmem>>, vector<1x16xi32>,
        %get3A_329 = vector.shape_cast %get3A_328 : vector<1x16xi32> to vector<16xi32>
        %shift_right_logical3A = arith.constant 16 : i32
        %shift_right_logical3A_330 = vector.broadcast %shift_right_logical3A : i32 to vector<16xi32>
        %shift_right_logical3A_331 = arith.shrui %get3A_329, %shift_right_logical3A_330 : vector<16xi32>
        %mul3A_332 = arith.constant 16 : i32
        %mul3A_333 = arith.muli %scan3A_324, %mul3A_332 : i32
        %swap3A = arith.constant 0 : i32
        %swap3A_334 = arith.constant 0 : i32
        %swap3A_335 = arith.index_cast %swap3A : i32 to index
        %swap3A_336 = arith.index_cast %swap3A_334 : i32 to index
        %swap3A_337 = arith.index_cast %mul3A_333 : i32 to index
        %swap3A_338 = tpu.vector_load %arg6[%swap3A_335, %swap3A_336, %swap3A_337] {strides = array<i32>} : memref<2x2x128xi32, #tpu.memory_space<vmem>>, vector<1x1x16xi32>,
        %swap3A_339 = vector.shape_cast %swap3A_338 : vector<1x1x16xi32> to vector<16xi32>
        %swap3A_340 = vector.shape_cast %shift_right_logical3A_331 : vector<16xi32> to vector<1x1x16xi32>
        tpu.vector_store %arg6[%swap3A_335, %swap3A_336, %swap3A_337], %swap3A_340 {strides = array<i32>} : memref<2x2x128xi32, #tpu.memory_space<vmem>>, vector<1x1x16xi32>,
        %and3A = arith.constant 65535 : i32
        %and3A_341 = vector.broadcast %and3A : i32 to vector<16xi32>
        %and3A_342 = arith.andi %get3A_329, %and3A_341 : vector<16xi32>
        %mul3A_343 = arith.constant 16 : i32
        %mul3A_344 = arith.muli %scan3A_324, %mul3A_343 : i32
        %swap3A_345 = arith.constant 0 : i32
        %swap3A_346 = arith.constant 1 : i32
        %swap3A_347 = arith.index_cast %swap3A_345 : i32 to index
        %swap3A_348 = arith.index_cast %swap3A_346 : i32 to index
        %swap3A_349 = arith.index_cast %mul3A_344 : i32 to index
        %swap3A_350 = tpu.vector_load %arg6[%swap3A_347, %swap3A_348, %swap3A_349] {strides = array<i32>} : memref<2x2x128xi32, #tpu.memory_space<vmem>>, vector<1x1x16xi32>,
        %swap3A_351 = vector.shape_cast %swap3A_350 : vector<1x1x16xi32> to vector<16xi32>
        %swap3A_352 = vector.shape_cast %and3A_342 : vector<16xi32> to vector<1x1x16xi32>
        tpu.vector_store %arg6[%swap3A_347, %swap3A_348, %swap3A_349], %swap3A_352 {strides = array<i32>} : memref<2x2x128xi32, #tpu.memory_space<vmem>>, vector<1x1x16xi32>,
      }
      %scan3A_200 = arith.constant 8 : i32
      %add3A_201 = arith.constant 1 : i32
      %add3A_202 = arith.addi %mul3A_160, %add3A_201 : i32
      %add3A_203 = arith.constant 1 : i32
      %add3A_204 = arith.addi %mul3A_160, %add3A_203 : i32
      %add3A_205 = arith.constant 2 : i32
      %add3A_206 = arith.addi %add3A_204, %add3A_205 : i32
      %dma_start3A_207 = arith.constant 0 : i32
      %dma_start3A_208 = arith.constant 0 : i32
      %dma_start3A_209 = arith.constant 0 : i32
      %dma_start3A_210 = arith.constant 0 : i32
      %dma_start3A_211 = arith.constant 0 : i32
      %dma_start3A_212 = tpu.memref_slice %arg7[%dma_start3A_209, %dma_start3A_210, %dma_start3A_211] : memref<2x128x128xf32, #tpu.memory_space<vmem>> -> memref<1x128x128xf32, #tpu.memory_space<vmem>>
      %dma_start3A_213 = tpu.memref_squeeze %dma_start3A_212 : memref<1x128x128xf32, #tpu.memory_space<vmem>> -> memref<128x128xf32, #tpu.memory_space<vmem>>
      %dma_start3A_214 = arith.constant 0 : i32
      %dma_start3A_215 = tpu.memref_slice %arg6[%dma_start3A_207, %dma_start3A_208, %dma_start3A_214] : memref<2x2x128xi32, #tpu.memory_space<vmem>> -> memref<1x1x128xi32, #tpu.memory_space<vmem>>
      %dma_start3A_216 = tpu.memref_squeeze %dma_start3A_215 : memref<1x1x128xi32, #tpu.memory_space<vmem>> -> memref<128xi32, #tpu.memory_space<vmem>>
      %dma_start3A_217 = arith.constant 0 : i32
      %dma_start3A_218 = arith.constant 0 : i32
      %dma_start3A_219 = tpu.memref_slice %arg2[%dma_start3A_217, %dma_start3A_218] : memref<10000x128xf32, #tpu.memory_space<hbm>> -> memref<10000x128xf32, #tpu.memory_space<hbm>>
      tpu.enqueue_indirect_dma source(%dma_start3A_219 : memref<10000x128xf32, #tpu.memory_space<hbm>>) target(%dma_start3A_213 : memref<128x128xf32, #tpu.memory_space<vmem>>) offsets(%dma_start3A_216 : memref<128xi32, #tpu.memory_space<vmem>>) semaphore(%arg9 : memref<!tpu.dma_semaphore, #tpu.memory_space<semaphore_mem>>)
      %dma_wait3A_220 = arith.constant 1 : i32
      %dma_wait3A_221 = arith.constant 0 : i32
      %dma_wait3A_222 = arith.constant 1 : i32
      %dma_wait3A_223 = arith.constant 0 : i32
      %dma_wait3A_224 = arith.constant 0 : i32
      %dma_wait3A_225 = tpu.memref_slice %arg7[%dma_wait3A_222, %dma_wait3A_223, %dma_wait3A_224] : memref<2x128x128xf32, #tpu.memory_space<vmem>> -> memref<1x128x128xf32, #tpu.memory_space<vmem>>
      %dma_wait3A_226 = tpu.memref_squeeze %dma_wait3A_225 : memref<1x128x128xf32, #tpu.memory_space<vmem>> -> memref<128x128xf32, #tpu.memory_space<vmem>>
      %dma_wait3A_227 = arith.constant 0 : i32
      %dma_wait3A_228 = tpu.memref_slice %arg6[%dma_wait3A_220, %dma_wait3A_221, %dma_wait3A_227] : memref<2x2x128xi32, #tpu.memory_space<vmem>> -> memref<1x1x128xi32, #tpu.memory_space<vmem>>
      %dma_wait3A_229 = tpu.memref_squeeze %dma_wait3A_228 : memref<1x1x128xi32, #tpu.memory_space<vmem>> -> memref<128xi32, #tpu.memory_space<vmem>>
      %dma_wait3A_230 = arith.constant 0 : i32
      %dma_wait3A_231 = arith.constant 0 : i32
      %dma_wait3A_232 = tpu.memref_slice %arg2[%dma_wait3A_230, %dma_wait3A_231] : memref<10000x128xf32, #tpu.memory_space<hbm>> -> memref<10000x128xf32, #tpu.memory_space<hbm>>
      tpu.wait_indirect_dma semaphore(%arg10 : memref<!tpu.dma_semaphore, #tpu.memory_space<semaphore_mem>>) src(%dma_wait3A_232 : memref<10000x128xf32, #tpu.memory_space<hbm>>) dst(%dma_wait3A_226 : memref<128x128xf32, #tpu.memory_space<vmem>>)
      %run_scoped3A_233 = arith.constant 1 : i32
      %run_scoped3A_234 = arith.constant 1 : i32
      %run_scoped3A_235 = arith.constant 1 : i32
      "tpu.region"() ({
        %run_scoped3A_324 = tpu.sem_alloc : memref<!tpu.dma_semaphore, #tpu.memory_space<semaphore_mem>>
        %dma_start3A_325 = arith.constant 0 : i32
        %dma_start3A_326 = arith.constant 0 : i32
        %dma_start3A_327 = tpu.memref_slice %arg7[%run_scoped3A_233, %dma_start3A_325, %dma_start3A_326] : memref<2x128x128xf32, #tpu.memory_space<vmem>> -> memref<1x128x128xf32, #tpu.memory_space<vmem>>
        %dma_start3A_328 = tpu.memref_squeeze %dma_start3A_327 : memref<1x128x128xf32, #tpu.memory_space<vmem>> -> memref<128x128xf32, #tpu.memory_space<vmem>>
        %dma_start3A_329 = arith.constant 0 : i32
        %dma_start3A_330 = tpu.memref_slice %arg6[%run_scoped3A_234, %run_scoped3A_235, %dma_start3A_329] : memref<2x2x128xi32, #tpu.memory_space<vmem>> -> memref<1x1x128xi32, #tpu.memory_space<vmem>>
        %dma_start3A_331 = tpu.memref_squeeze %dma_start3A_330 : memref<1x1x128xi32, #tpu.memory_space<vmem>> -> memref<128xi32, #tpu.memory_space<vmem>>
        %dma_start3A_332 = arith.constant 0 : i32
        %dma_start3A_333 = arith.constant 0 : i32
        %dma_start3A_334 = tpu.memref_slice %arg8[%dma_start3A_332, %dma_start3A_333] : memref<10240x128xf32, #tpu.memory_space<vmem_shared>> -> memref<10240x128xf32, #tpu.memory_space<vmem_shared>>
        tpu.enqueue_indirect_dma source(%dma_start3A_328 : memref<128x128xf32, #tpu.memory_space<vmem>>) target(%dma_start3A_334 : memref<10240x128xf32, #tpu.memory_space<vmem_shared>>) offsets(%dma_start3A_331 : memref<128xi32, #tpu.memory_space<vmem>>) semaphore(%run_scoped3A_324 : memref<!tpu.dma_semaphore, #tpu.memory_space<semaphore_mem>>) {add = true}
        %dma_wait3A_335 = arith.constant 0 : i32
        %dma_wait3A_336 = arith.constant 0 : i32
        %dma_wait3A_337 = tpu.memref_slice %arg7[%run_scoped3A_233, %dma_wait3A_335, %dma_wait3A_336] : memref<2x128x128xf32, #tpu.memory_space<vmem>> -> memref<1x128x128xf32, #tpu.memory_space<vmem>>
        %dma_wait3A_338 = tpu.memref_squeeze %dma_wait3A_337 : memref<1x128x128xf32, #tpu.memory_space<vmem>> -> memref<128x128xf32, #tpu.memory_space<vmem>>
        %dma_wait3A_339 = arith.constant 0 : i32
        %dma_wait3A_340 = tpu.memref_slice %arg6[%run_scoped3A_234, %run_scoped3A_235, %dma_wait3A_339] : memref<2x2x128xi32, #tpu.memory_space<vmem>> -> memref<1x1x128xi32, #tpu.memory_space<vmem>>
        %dma_wait3A_341 = tpu.memref_squeeze %dma_wait3A_340 : memref<1x1x128xi32, #tpu.memory_space<vmem>> -> memref<128xi32, #tpu.memory_space<vmem>>
        %dma_wait3A_342 = arith.constant 0 : i32
        %dma_wait3A_343 = arith.constant 0 : i32
        %dma_wait3A_344 = tpu.memref_slice %arg8[%dma_wait3A_342, %dma_wait3A_343] : memref<10240x128xf32, #tpu.memory_space<vmem_shared>> -> memref<10240x128xf32, #tpu.memory_space<vmem_shared>>
        tpu.wait_indirect_dma semaphore(%run_scoped3A_324 : memref<!tpu.dma_semaphore, #tpu.memory_space<semaphore_mem>>) src(%dma_wait3A_338 : memref<128x128xf32, #tpu.memory_space<vmem>>) dst(%dma_wait3A_344 : memref<10240x128xf32, #tpu.memory_space<vmem_shared>>)
        tpu.yield
      }) : () -> ()
      %scan3A_236 = arith.constant 0 : i32
      %scan3A_237 = arith.constant 0 : i32
      %scan3A_238 = arith.constant 8 : i32
      %scan3A_239 = arith.addi %scan3A_237, %scan3A_238 : i32
      %scan3A_240 = arith.constant 1 : i32
      scf.for %scan3A_324 = %scan3A_237 to %scan3A_239 step %scan3A_240  : i32 {
        %mul3A_325 = arith.constant 16 : i32
        %mul3A_326 = arith.muli %scan3A_324, %mul3A_325 : i32
        %get3A = arith.index_cast %add3A_206 : i32 to index
        %get3A_327 = arith.index_cast %mul3A_326 : i32 to index
        %get3A_328 = tpu.vector_load %arg5[%get3A, %get3A_327] {strides = array<i32>} : memref<80x128xi32, #tpu.memory_space<vmem>>, vector<1x16xi32>,
        %get3A_329 = vector.shape_cast %get3A_328 : vector<1x16xi32> to vector<16xi32>
        %shift_right_logical3A = arith.constant 16 : i32
        %shift_right_logical3A_330 = vector.broadcast %shift_right_logical3A : i32 to vector<16xi32>
        %shift_right_logical3A_331 = arith.shrui %get3A_329, %shift_right_logical3A_330 : vector<16xi32>
        %mul3A_332 = arith.constant 16 : i32
        %mul3A_333 = arith.muli %scan3A_324, %mul3A_332 : i32
        %swap3A = arith.constant 1 : i32
        %swap3A_334 = arith.constant 0 : i32
        %swap3A_335 = arith.index_cast %swap3A : i32 to index
        %swap3A_336 = arith.index_cast %swap3A_334 : i32 to index
        %swap3A_337 = arith.index_cast %mul3A_333 : i32 to index
        %swap3A_338 = tpu.vector_load %arg6[%swap3A_335, %swap3A_336, %swap3A_337] {strides = array<i32>} : memref<2x2x128xi32, #tpu.memory_space<vmem>>, vector<1x1x16xi32>,
        %swap3A_339 = vector.shape_cast %swap3A_338 : vector<1x1x16xi32> to vector<16xi32>
        %swap3A_340 = vector.shape_cast %shift_right_logical3A_331 : vector<16xi32> to vector<1x1x16xi32>
        tpu.vector_store %arg6[%swap3A_335, %swap3A_336, %swap3A_337], %swap3A_340 {strides = array<i32>} : memref<2x2x128xi32, #tpu.memory_space<vmem>>, vector<1x1x16xi32>,
        %and3A = arith.constant 65535 : i32
        %and3A_341 = vector.broadcast %and3A : i32 to vector<16xi32>
        %and3A_342 = arith.andi %get3A_329, %and3A_341 : vector<16xi32>
        %mul3A_343 = arith.constant 16 : i32
        %mul3A_344 = arith.muli %scan3A_324, %mul3A_343 : i32
        %swap3A_345 = arith.constant 1 : i32
        %swap3A_346 = arith.constant 1 : i32
        %swap3A_347 = arith.index_cast %swap3A_345 : i32 to index
        %swap3A_348 = arith.index_cast %swap3A_346 : i32 to index
        %swap3A_349 = arith.index_cast %mul3A_344 : i32 to index
        %swap3A_350 = tpu.vector_load %arg6[%swap3A_347, %swap3A_348, %swap3A_349] {strides = array<i32>} : memref<2x2x128xi32, #tpu.memory_space<vmem>>, vector<1x1x16xi32>,
        %swap3A_351 = vector.shape_cast %swap3A_350 : vector<1x1x16xi32> to vector<16xi32>
        %swap3A_352 = vector.shape_cast %and3A_342 : vector<16xi32> to vector<1x1x16xi32>
        tpu.vector_store %arg6[%swap3A_347, %swap3A_348, %swap3A_349], %swap3A_352 {strides = array<i32>} : memref<2x2x128xi32, #tpu.memory_space<vmem>>, vector<1x1x16xi32>,
      }
      %scan3A_241 = arith.constant 8 : i32
      %add3A_242 = arith.constant 2 : i32
      %add3A_243 = arith.addi %mul3A_160, %add3A_242 : i32
      %add3A_244 = arith.constant 2 : i32
      %add3A_245 = arith.addi %mul3A_160, %add3A_244 : i32
      %add3A_246 = arith.constant 2 : i32
      %add3A_247 = arith.addi %add3A_245, %add3A_246 : i32
      %dma_start3A_248 = arith.constant 1 : i32
      %dma_start3A_249 = arith.constant 0 : i32
      %dma_start3A_250 = arith.constant 1 : i32
      %dma_start3A_251 = arith.constant 0 : i32
      %dma_start3A_252 = arith.constant 0 : i32
      %dma_start3A_253 = tpu.memref_slice %arg7[%dma_start3A_250, %dma_start3A_251, %dma_start3A_252] : memref<2x128x128xf32, #tpu.memory_space<vmem>> -> memref<1x128x128xf32, #tpu.memory_space<vmem>>
      %dma_start3A_254 = tpu.memref_squeeze %dma_start3A_253 : memref<1x128x128xf32, #tpu.memory_space<vmem>> -> memref<128x128xf32, #tpu.memory_space<vmem>>
      %dma_start3A_255 = arith.constant 0 : i32
      %dma_start3A_256 = tpu.memref_slice %arg6[%dma_start3A_248, %dma_start3A_249, %dma_start3A_255] : memref<2x2x128xi32, #tpu.memory_space<vmem>> -> memref<1x1x128xi32, #tpu.memory_space<vmem>>
      %dma_start3A_257 = tpu.memref_squeeze %dma_start3A_256 : memref<1x1x128xi32, #tpu.memory_space<vmem>> -> memref<128xi32, #tpu.memory_space<vmem>>
      %dma_start3A_258 = arith.constant 0 : i32
      %dma_start3A_259 = arith.constant 0 : i32
      %dma_start3A_260 = tpu.memref_slice %arg2[%dma_start3A_258, %dma_start3A_259] : memref<10000x128xf32, #tpu.memory_space<hbm>> -> memref<10000x128xf32, #tpu.memory_space<hbm>>
      tpu.enqueue_indirect_dma source(%dma_start3A_260 : memref<10000x128xf32, #tpu.memory_space<hbm>>) target(%dma_start3A_254 : memref<128x128xf32, #tpu.memory_space<vmem>>) offsets(%dma_start3A_257 : memref<128xi32, #tpu.memory_space<vmem>>) semaphore(%arg10 : memref<!tpu.dma_semaphore, #tpu.memory_space<semaphore_mem>>)
      %dma_wait3A_261 = arith.constant 0 : i32
      %dma_wait3A_262 = arith.constant 0 : i32
      %dma_wait3A_263 = arith.constant 0 : i32
      %dma_wait3A_264 = arith.constant 0 : i32
      %dma_wait3A_265 = arith.constant 0 : i32
      %dma_wait3A_266 = tpu.memref_slice %arg7[%dma_wait3A_263, %dma_wait3A_264, %dma_wait3A_265] : memref<2x128x128xf32, #tpu.memory_space<vmem>> -> memref<1x128x128xf32, #tpu.memory_space<vmem>>
      %dma_wait3A_267 = tpu.memref_squeeze %dma_wait3A_266 : memref<1x128x128xf32, #tpu.memory_space<vmem>> -> memref<128x128xf32, #tpu.memory_space<vmem>>
      %dma_wait3A_268 = arith.constant 0 : i32
      %dma_wait3A_269 = tpu.memref_slice %arg6[%dma_wait3A_261, %dma_wait3A_262, %dma_wait3A_268] : memref<2x2x128xi32, #tpu.memory_space<vmem>> -> memref<1x1x128xi32, #tpu.memory_space<vmem>>
      %dma_wait3A_270 = tpu.memref_squeeze %dma_wait3A_269 : memref<1x1x128xi32, #tpu.memory_space<vmem>> -> memref<128xi32, #tpu.memory_space<vmem>>
      %dma_wait3A_271 = arith.constant 0 : i32
      %dma_wait3A_272 = arith.constant 0 : i32
      %dma_wait3A_273 = tpu.memref_slice %arg2[%dma_wait3A_271, %dma_wait3A_272] : memref<10000x128xf32, #tpu.memory_space<hbm>> -> memref<10000x128xf32, #tpu.memory_space<hbm>>
      tpu.wait_indirect_dma semaphore(%arg9 : memref<!tpu.dma_semaphore, #tpu.memory_space<semaphore_mem>>) src(%dma_wait3A_273 : memref<10000x128xf32, #tpu.memory_space<hbm>>) dst(%dma_wait3A_267 : memref<128x128xf32, #tpu.memory_space<vmem>>)
      %run_scoped3A_274 = arith.constant 0 : i32
      %run_scoped3A_275 = arith.constant 0 : i32
      %run_scoped3A_276 = arith.constant 1 : i32
      "tpu.region"() ({
        %run_scoped3A_324 = tpu.sem_alloc : memref<!tpu.dma_semaphore, #tpu.memory_space<semaphore_mem>>
        %dma_start3A_325 = arith.constant 0 : i32
        %dma_start3A_326 = arith.constant 0 : i32
        %dma_start3A_327 = tpu.memref_slice %arg7[%run_scoped3A_274, %dma_start3A_325, %dma_start3A_326] : memref<2x128x128xf32, #tpu.memory_space<vmem>> -> memref<1x128x128xf32, #tpu.memory_space<vmem>>
        %dma_start3A_328 = tpu.memref_squeeze %dma_start3A_327 : memref<1x128x128xf32, #tpu.memory_space<vmem>> -> memref<128x128xf32, #tpu.memory_space<vmem>>
        %dma_start3A_329 = arith.constant 0 : i32
        %dma_start3A_330 = tpu.memref_slice %arg6[%run_scoped3A_275, %run_scoped3A_276, %dma_start3A_329] : memref<2x2x128xi32, #tpu.memory_space<vmem>> -> memref<1x1x128xi32, #tpu.memory_space<vmem>>
        %dma_start3A_331 = tpu.memref_squeeze %dma_start3A_330 : memref<1x1x128xi32, #tpu.memory_space<vmem>> -> memref<128xi32, #tpu.memory_space<vmem>>
        %dma_start3A_332 = arith.constant 0 : i32
        %dma_start3A_333 = arith.constant 0 : i32
        %dma_start3A_334 = tpu.memref_slice %arg8[%dma_start3A_332, %dma_start3A_333] : memref<10240x128xf32, #tpu.memory_space<vmem_shared>> -> memref<10240x128xf32, #tpu.memory_space<vmem_shared>>
        tpu.enqueue_indirect_dma source(%dma_start3A_328 : memref<128x128xf32, #tpu.memory_space<vmem>>) target(%dma_start3A_334 : memref<10240x128xf32, #tpu.memory_space<vmem_shared>>) offsets(%dma_start3A_331 : memref<128xi32, #tpu.memory_space<vmem>>) semaphore(%run_scoped3A_324 : memref<!tpu.dma_semaphore, #tpu.memory_space<semaphore_mem>>) {add = true}
        %dma_wait3A_335 = arith.constant 0 : i32
        %dma_wait3A_336 = arith.constant 0 : i32
        %dma_wait3A_337 = tpu.memref_slice %arg7[%run_scoped3A_274, %dma_wait3A_335, %dma_wait3A_336] : memref<2x128x128xf32, #tpu.memory_space<vmem>> -> memref<1x128x128xf32, #tpu.memory_space<vmem>>
        %dma_wait3A_338 = tpu.memref_squeeze %dma_wait3A_337 : memref<1x128x128xf32, #tpu.memory_space<vmem>> -> memref<128x128xf32, #tpu.memory_space<vmem>>
        %dma_wait3A_339 = arith.constant 0 : i32
        %dma_wait3A_340 = tpu.memref_slice %arg6[%run_scoped3A_275, %run_scoped3A_276, %dma_wait3A_339] : memref<2x2x128xi32, #tpu.memory_space<vmem>> -> memref<1x1x128xi32, #tpu.memory_space<vmem>>
        %dma_wait3A_341 = tpu.memref_squeeze %dma_wait3A_340 : memref<1x1x128xi32, #tpu.memory_space<vmem>> -> memref<128xi32, #tpu.memory_space<vmem>>
        %dma_wait3A_342 = arith.constant 0 : i32
        %dma_wait3A_343 = arith.constant 0 : i32
        %dma_wait3A_344 = tpu.memref_slice %arg8[%dma_wait3A_342, %dma_wait3A_343] : memref<10240x128xf32, #tpu.memory_space<vmem_shared>> -> memref<10240x128xf32, #tpu.memory_space<vmem_shared>>
        tpu.wait_indirect_dma semaphore(%run_scoped3A_324 : memref<!tpu.dma_semaphore, #tpu.memory_space<semaphore_mem>>) src(%dma_wait3A_338 : memref<128x128xf32, #tpu.memory_space<vmem>>) dst(%dma_wait3A_344 : memref<10240x128xf32, #tpu.memory_space<vmem_shared>>)
        tpu.yield
      }) : () -> ()
      %scan3A_277 = arith.constant 0 : i32
      %scan3A_278 = arith.constant 0 : i32
      %scan3A_279 = arith.constant 8 : i32
      %scan3A_280 = arith.addi %scan3A_278, %scan3A_279 : i32
      %scan3A_281 = arith.constant 1 : i32
      scf.for %scan3A_324 = %scan3A_278 to %scan3A_280 step %scan3A_281  : i32 {
        %mul3A_325 = arith.constant 16 : i32
        %mul3A_326 = arith.muli %scan3A_324, %mul3A_325 : i32
        %get3A = arith.index_cast %add3A_247 : i32 to index
        %get3A_327 = arith.index_cast %mul3A_326 : i32 to index
        %get3A_328 = tpu.vector_load %arg5[%get3A, %get3A_327] {strides = array<i32>} : memref<80x128xi32, #tpu.memory_space<vmem>>, vector<1x16xi32>,
        %get3A_329 = vector.shape_cast %get3A_328 : vector<1x16xi32> to vector<16xi32>
        %shift_right_logical3A = arith.constant 16 : i32
        %shift_right_logical3A_330 = vector.broadcast %shift_right_logical3A : i32 to vector<16xi32>
        %shift_right_logical3A_331 = arith.shrui %get3A_329, %shift_right_logical3A_330 : vector<16xi32>
        %mul3A_332 = arith.constant 16 : i32
        %mul3A_333 = arith.muli %scan3A_324, %mul3A_332 : i32
        %swap3A = arith.constant 0 : i32
        %swap3A_334 = arith.constant 0 : i32
        %swap3A_335 = arith.index_cast %swap3A : i32 to index
        %swap3A_336 = arith.index_cast %swap3A_334 : i32 to index
        %swap3A_337 = arith.index_cast %mul3A_333 : i32 to index
        %swap3A_338 = tpu.vector_load %arg6[%swap3A_335, %swap3A_336, %swap3A_337] {strides = array<i32>} : memref<2x2x128xi32, #tpu.memory_space<vmem>>, vector<1x1x16xi32>,
        %swap3A_339 = vector.shape_cast %swap3A_338 : vector<1x1x16xi32> to vector<16xi32>
        %swap3A_340 = vector.shape_cast %shift_right_logical3A_331 : vector<16xi32> to vector<1x1x16xi32>
        tpu.vector_store %arg6[%swap3A_335, %swap3A_336, %swap3A_337], %swap3A_340 {strides = array<i32>} : memref<2x2x128xi32, #tpu.memory_space<vmem>>, vector<1x1x16xi32>,
        %and3A = arith.constant 65535 : i32
        %and3A_341 = vector.broadcast %and3A : i32 to vector<16xi32>
        %and3A_342 = arith.andi %get3A_329, %and3A_341 : vector<16xi32>
        %mul3A_343 = arith.constant 16 : i32
        %mul3A_344 = arith.muli %scan3A_324, %mul3A_343 : i32
        %swap3A_345 = arith.constant 0 : i32
        %swap3A_346 = arith.constant 1 : i32
        %swap3A_347 = arith.index_cast %swap3A_345 : i32 to index
        %swap3A_348 = arith.index_cast %swap3A_346 : i32 to index
        %swap3A_349 = arith.index_cast %mul3A_344 : i32 to index
        %swap3A_350 = tpu.vector_load %arg6[%swap3A_347, %swap3A_348, %swap3A_349] {strides = array<i32>} : memref<2x2x128xi32, #tpu.memory_space<vmem>>, vector<1x1x16xi32>,
        %swap3A_351 = vector.shape_cast %swap3A_350 : vector<1x1x16xi32> to vector<16xi32>
        %swap3A_352 = vector.shape_cast %and3A_342 : vector<16xi32> to vector<1x1x16xi32>
        tpu.vector_store %arg6[%swap3A_347, %swap3A_348, %swap3A_349], %swap3A_352 {strides = array<i32>} : memref<2x2x128xi32, #tpu.memory_space<vmem>>, vector<1x1x16xi32>,
      }
      %scan3A_282 = arith.constant 8 : i32
      %add3A_283 = arith.constant 3 : i32
      %add3A_284 = arith.addi %mul3A_160, %add3A_283 : i32
      %add3A_285 = arith.constant 3 : i32
      %add3A_286 = arith.addi %mul3A_160, %add3A_285 : i32
      %add3A_287 = arith.constant 2 : i32
      %add3A_288 = arith.addi %add3A_286, %add3A_287 : i32
      %dma_start3A_289 = arith.constant 0 : i32
      %dma_start3A_290 = arith.constant 0 : i32
      %dma_start3A_291 = arith.constant 0 : i32
      %dma_start3A_292 = arith.constant 0 : i32
      %dma_start3A_293 = arith.constant 0 : i32
      %dma_start3A_294 = tpu.memref_slice %arg7[%dma_start3A_291, %dma_start3A_292, %dma_start3A_293] : memref<2x128x128xf32, #tpu.memory_space<vmem>> -> memref<1x128x128xf32, #tpu.memory_space<vmem>>
      %dma_start3A_295 = tpu.memref_squeeze %dma_start3A_294 : memref<1x128x128xf32, #tpu.memory_space<vmem>> -> memref<128x128xf32, #tpu.memory_space<vmem>>
      %dma_start3A_296 = arith.constant 0 : i32
      %dma_start3A_297 = tpu.memref_slice %arg6[%dma_start3A_289, %dma_start3A_290, %dma_start3A_296] : memref<2x2x128xi32, #tpu.memory_space<vmem>> -> memref<1x1x128xi32, #tpu.memory_space<vmem>>
      %dma_start3A_298 = tpu.memref_squeeze %dma_start3A_297 : memref<1x1x128xi32, #tpu.memory_space<vmem>> -> memref<128xi32, #tpu.memory_space<vmem>>
      %dma_start3A_299 = arith.constant 0 : i32
      %dma_start3A_300 = arith.constant 0 : i32
      %dma_start3A_301 = tpu.memref_slice %arg2[%dma_start3A_299, %dma_start3A_300] : memref<10000x128xf32, #tpu.memory_space<hbm>> -> memref<10000x128xf32, #tpu.memory_space<hbm>>
      tpu.enqueue_indirect_dma source(%dma_start3A_301 : memref<10000x128xf32, #tpu.memory_space<hbm>>) target(%dma_start3A_295 : memref<128x128xf32, #tpu.memory_space<vmem>>) offsets(%dma_start3A_298 : memref<128xi32, #tpu.memory_space<vmem>>) semaphore(%arg9 : memref<!tpu.dma_semaphore, #tpu.memory_space<semaphore_mem>>)
      %dma_wait3A_302 = arith.constant 1 : i32
      %dma_wait3A_303 = arith.constant 0 : i32
      %dma_wait3A_304 = arith.constant 1 : i32
      %dma_wait3A_305 = arith.constant 0 : i32
      %dma_wait3A_306 = arith.constant 0 : i32
      %dma_wait3A_307 = tpu.memref_slice %arg7[%dma_wait3A_304, %dma_wait3A_305, %dma_wait3A_306] : memref<2x128x128xf32, #tpu.memory_space<vmem>> -> memref<1x128x128xf32, #tpu.memory_space<vmem>>
      %dma_wait3A_308 = tpu.memref_squeeze %dma_wait3A_307 : memref<1x128x128xf32, #tpu.memory_space<vmem>> -> memref<128x128xf32, #tpu.memory_space<vmem>>
      %dma_wait3A_309 = arith.constant 0 : i32
      %dma_wait3A_310 = tpu.memref_slice %arg6[%dma_wait3A_302, %dma_wait3A_303, %dma_wait3A_309] : memref<2x2x128xi32, #tpu.memory_space<vmem>> -> memref<1x1x128xi32, #tpu.memory_space<vmem>>
      %dma_wait3A_311 = tpu.memref_squeeze %dma_wait3A_310 : memref<1x1x128xi32, #tpu.memory_space<vmem>> -> memref<128xi32, #tpu.memory_space<vmem>>
      %dma_wait3A_312 = arith.constant 0 : i32
      %dma_wait3A_313 = arith.constant 0 : i32
      %dma_wait3A_314 = tpu.memref_slice %arg2[%dma_wait3A_312, %dma_wait3A_313] : memref<10000x128xf32, #tpu.memory_space<hbm>> -> memref<10000x128xf32, #tpu.memory_space<hbm>>
      tpu.wait_indirect_dma semaphore(%arg10 : memref<!tpu.dma_semaphore, #tpu.memory_space<semaphore_mem>>) src(%dma_wait3A_314 : memref<10000x128xf32, #tpu.memory_space<hbm>>) dst(%dma_wait3A_308 : memref<128x128xf32, #tpu.memory_space<vmem>>)
      %run_scoped3A_315 = arith.constant 1 : i32
      %run_scoped3A_316 = arith.constant 1 : i32
      %run_scoped3A_317 = arith.constant 1 : i32
      "tpu.region"() ({
        %run_scoped3A_324 = tpu.sem_alloc : memref<!tpu.dma_semaphore, #tpu.memory_space<semaphore_mem>>
        %dma_start3A_325 = arith.constant 0 : i32
        %dma_start3A_326 = arith.constant 0 : i32
        %dma_start3A_327 = tpu.memref_slice %arg7[%run_scoped3A_315, %dma_start3A_325, %dma_start3A_326] : memref<2x128x128xf32, #tpu.memory_space<vmem>> -> memref<1x128x128xf32, #tpu.memory_space<vmem>>
        %dma_start3A_328 = tpu.memref_squeeze %dma_start3A_327 : memref<1x128x128xf32, #tpu.memory_space<vmem>> -> memref<128x128xf32, #tpu.memory_space<vmem>>
        %dma_start3A_329 = arith.constant 0 : i32
        %dma_start3A_330 = tpu.memref_slice %arg6[%run_scoped3A_316, %run_scoped3A_317, %dma_start3A_329] : memref<2x2x128xi32, #tpu.memory_space<vmem>> -> memref<1x1x128xi32, #tpu.memory_space<vmem>>
        %dma_start3A_331 = tpu.memref_squeeze %dma_start3A_330 : memref<1x1x128xi32, #tpu.memory_space<vmem>> -> memref<128xi32, #tpu.memory_space<vmem>>
        %dma_start3A_332 = arith.constant 0 : i32
        %dma_start3A_333 = arith.constant 0 : i32
        %dma_start3A_334 = tpu.memref_slice %arg8[%dma_start3A_332, %dma_start3A_333] : memref<10240x128xf32, #tpu.memory_space<vmem_shared>> -> memref<10240x128xf32, #tpu.memory_space<vmem_shared>>
        tpu.enqueue_indirect_dma source(%dma_start3A_328 : memref<128x128xf32, #tpu.memory_space<vmem>>) target(%dma_start3A_334 : memref<10240x128xf32, #tpu.memory_space<vmem_shared>>) offsets(%dma_start3A_331 : memref<128xi32, #tpu.memory_space<vmem>>) semaphore(%run_scoped3A_324 : memref<!tpu.dma_semaphore, #tpu.memory_space<semaphore_mem>>) {add = true}
        %dma_wait3A_335 = arith.constant 0 : i32
        %dma_wait3A_336 = arith.constant 0 : i32
        %dma_wait3A_337 = tpu.memref_slice %arg7[%run_scoped3A_315, %dma_wait3A_335, %dma_wait3A_336] : memref<2x128x128xf32, #tpu.memory_space<vmem>> -> memref<1x128x128xf32, #tpu.memory_space<vmem>>
        %dma_wait3A_338 = tpu.memref_squeeze %dma_wait3A_337 : memref<1x128x128xf32, #tpu.memory_space<vmem>> -> memref<128x128xf32, #tpu.memory_space<vmem>>
        %dma_wait3A_339 = arith.constant 0 : i32
        %dma_wait3A_340 = tpu.memref_slice %arg6[%run_scoped3A_316, %run_scoped3A_317, %dma_wait3A_339] : memref<2x2x128xi32, #tpu.memory_space<vmem>> -> memref<1x1x128xi32, #tpu.memory_space<vmem>>
        %dma_wait3A_341 = tpu.memref_squeeze %dma_wait3A_340 : memref<1x1x128xi32, #tpu.memory_space<vmem>> -> memref<128xi32, #tpu.memory_space<vmem>>
        %dma_wait3A_342 = arith.constant 0 : i32
        %dma_wait3A_343 = arith.constant 0 : i32
        %dma_wait3A_344 = tpu.memref_slice %arg8[%dma_wait3A_342, %dma_wait3A_343] : memref<10240x128xf32, #tpu.memory_space<vmem_shared>> -> memref<10240x128xf32, #tpu.memory_space<vmem_shared>>
        tpu.wait_indirect_dma semaphore(%run_scoped3A_324 : memref<!tpu.dma_semaphore, #tpu.memory_space<semaphore_mem>>) src(%dma_wait3A_338 : memref<128x128xf32, #tpu.memory_space<vmem>>) dst(%dma_wait3A_344 : memref<10240x128xf32, #tpu.memory_space<vmem_shared>>)
        tpu.yield
      }) : () -> ()
      %scan3A_318 = arith.constant 0 : i32
      %scan3A_319 = arith.constant 0 : i32
      %scan3A_320 = arith.constant 8 : i32
      %scan3A_321 = arith.addi %scan3A_319, %scan3A_320 : i32
      %scan3A_322 = arith.constant 1 : i32
      scf.for %scan3A_324 = %scan3A_319 to %scan3A_321 step %scan3A_322  : i32 {
        %mul3A_325 = arith.constant 16 : i32
        %mul3A_326 = arith.muli %scan3A_324, %mul3A_325 : i32
        %get3A = arith.index_cast %add3A_288 : i32 to index
        %get3A_327 = arith.index_cast %mul3A_326 : i32 to index
        %get3A_328 = tpu.vector_load %arg5[%get3A, %get3A_327] {strides = array<i32>} : memref<80x128xi32, #tpu.memory_space<vmem>>, vector<1x16xi32>,
        %get3A_329 = vector.shape_cast %get3A_328 : vector<1x16xi32> to vector<16xi32>
        %shift_right_logical3A = arith.constant 16 : i32
        %shift_right_logical3A_330 = vector.broadcast %shift_right_logical3A : i32 to vector<16xi32>
        %shift_right_logical3A_331 = arith.shrui %get3A_329, %shift_right_logical3A_330 : vector<16xi32>
        %mul3A_332 = arith.constant 16 : i32
        %mul3A_333 = arith.muli %scan3A_324, %mul3A_332 : i32
        %swap3A = arith.constant 1 : i32
        %swap3A_334 = arith.constant 0 : i32
        %swap3A_335 = arith.index_cast %swap3A : i32 to index
        %swap3A_336 = arith.index_cast %swap3A_334 : i32 to index
        %swap3A_337 = arith.index_cast %mul3A_333 : i32 to index
        %swap3A_338 = tpu.vector_load %arg6[%swap3A_335, %swap3A_336, %swap3A_337] {strides = array<i32>} : memref<2x2x128xi32, #tpu.memory_space<vmem>>, vector<1x1x16xi32>,
        %swap3A_339 = vector.shape_cast %swap3A_338 : vector<1x1x16xi32> to vector<16xi32>
        %swap3A_340 = vector.shape_cast %shift_right_logical3A_331 : vector<16xi32> to vector<1x1x16xi32>
        tpu.vector_store %arg6[%swap3A_335, %swap3A_336, %swap3A_337], %swap3A_340 {strides = array<i32>} : memref<2x2x128xi32, #tpu.memory_space<vmem>>, vector<1x1x16xi32>,
        %and3A = arith.constant 65535 : i32
        %and3A_341 = vector.broadcast %and3A : i32 to vector<16xi32>
        %and3A_342 = arith.andi %get3A_329, %and3A_341 : vector<16xi32>
        %mul3A_343 = arith.constant 16 : i32
        %mul3A_344 = arith.muli %scan3A_324, %mul3A_343 : i32
        %swap3A_345 = arith.constant 1 : i32
        %swap3A_346 = arith.constant 1 : i32
        %swap3A_347 = arith.index_cast %swap3A_345 : i32 to index
        %swap3A_348 = arith.index_cast %swap3A_346 : i32 to index
        %swap3A_349 = arith.index_cast %mul3A_344 : i32 to index
        %swap3A_350 = tpu.vector_load %arg6[%swap3A_347, %swap3A_348, %swap3A_349] {strides = array<i32>} : memref<2x2x128xi32, #tpu.memory_space<vmem>>, vector<1x1x16xi32>,
        %swap3A_351 = vector.shape_cast %swap3A_350 : vector<1x1x16xi32> to vector<16xi32>
        %swap3A_352 = vector.shape_cast %and3A_342 : vector<16xi32> to vector<1x1x16xi32>
        tpu.vector_store %arg6[%swap3A_347, %swap3A_348, %swap3A_349], %swap3A_352 {strides = array<i32>} : memref<2x2x128xi32, #tpu.memory_space<vmem>>, vector<1x1x16xi32>,
      }
      %scan3A_323 = arith.constant 8 : i32
    }
    %scan3A_40 = arith.constant 19 : i32
    %dma_start3A_41 = arith.constant 1 : i32
    %dma_start3A_42 = arith.constant 0 : i32
    %dma_start3A_43 = arith.constant 1 : i32
    %dma_start3A_44 = arith.constant 0 : i32
    %dma_start3A_45 = arith.constant 0 : i32
    %dma_start3A_46 = tpu.memref_slice %arg7[%dma_start3A_43, %dma_start3A_44, %dma_start3A_45] : memref<2x128x128xf32, #tpu.memory_space<vmem>> -> memref<1x128x128xf32, #tpu.memory_space<vmem>>
    %dma_start3A_47 = tpu.memref_squeeze %dma_start3A_46 : memref<1x128x128xf32, #tpu.memory_space<vmem>> -> memref<128x128xf32, #tpu.memory_space<vmem>>
    %dma_start3A_48 = arith.constant 0 : i32
    %dma_start3A_49 = tpu.memref_slice %arg6[%dma_start3A_41, %dma_start3A_42, %dma_start3A_48] : memref<2x2x128xi32, #tpu.memory_space<vmem>> -> memref<1x1x128xi32, #tpu.memory_space<vmem>>
    %dma_start3A_50 = tpu.memref_squeeze %dma_start3A_49 : memref<1x1x128xi32, #tpu.memory_space<vmem>> -> memref<128xi32, #tpu.memory_space<vmem>>
    %dma_start3A_51 = arith.constant 0 : i32
    %dma_start3A_52 = arith.constant 0 : i32
    %dma_start3A_53 = tpu.memref_slice %arg2[%dma_start3A_51, %dma_start3A_52] : memref<10000x128xf32, #tpu.memory_space<hbm>> -> memref<10000x128xf32, #tpu.memory_space<hbm>>
    tpu.enqueue_indirect_dma source(%dma_start3A_53 : memref<10000x128xf32, #tpu.memory_space<hbm>>) target(%dma_start3A_47 : memref<128x128xf32, #tpu.memory_space<vmem>>) offsets(%dma_start3A_50 : memref<128xi32, #tpu.memory_space<vmem>>) semaphore(%arg10 : memref<!tpu.dma_semaphore, #tpu.memory_space<semaphore_mem>>)
    %dma_wait3A = arith.constant 0 : i32
    %dma_wait3A_54 = arith.constant 0 : i32
    %dma_wait3A_55 = arith.constant 0 : i32
    %dma_wait3A_56 = arith.constant 0 : i32
    %dma_wait3A_57 = arith.constant 0 : i32
    %dma_wait3A_58 = tpu.memref_slice %arg7[%dma_wait3A_55, %dma_wait3A_56, %dma_wait3A_57] : memref<2x128x128xf32, #tpu.memory_space<vmem>> -> memref<1x128x128xf32, #tpu.memory_space<vmem>>
    %dma_wait3A_59 = tpu.memref_squeeze %dma_wait3A_58 : memref<1x128x128xf32, #tpu.memory_space<vmem>> -> memref<128x128xf32, #tpu.memory_space<vmem>>
    %dma_wait3A_60 = arith.constant 0 : i32
    %dma_wait3A_61 = tpu.memref_slice %arg6[%dma_wait3A, %dma_wait3A_54, %dma_wait3A_60] : memref<2x2x128xi32, #tpu.memory_space<vmem>> -> memref<1x1x128xi32, #tpu.memory_space<vmem>>
    %dma_wait3A_62 = tpu.memref_squeeze %dma_wait3A_61 : memref<1x1x128xi32, #tpu.memory_space<vmem>> -> memref<128xi32, #tpu.memory_space<vmem>>
    %dma_wait3A_63 = arith.constant 0 : i32
    %dma_wait3A_64 = arith.constant 0 : i32
    %dma_wait3A_65 = tpu.memref_slice %arg2[%dma_wait3A_63, %dma_wait3A_64] : memref<10000x128xf32, #tpu.memory_space<hbm>> -> memref<10000x128xf32, #tpu.memory_space<hbm>>
    tpu.wait_indirect_dma semaphore(%arg9 : memref<!tpu.dma_semaphore, #tpu.memory_space<semaphore_mem>>) src(%dma_wait3A_65 : memref<10000x128xf32, #tpu.memory_space<hbm>>) dst(%dma_wait3A_59 : memref<128x128xf32, #tpu.memory_space<vmem>>)
    %run_scoped3A = arith.constant 0 : i32
    %run_scoped3A_66 = arith.constant 0 : i32
    %run_scoped3A_67 = arith.constant 1 : i32
    "tpu.region"() ({
      %run_scoped3A_158 = tpu.sem_alloc : memref<!tpu.dma_semaphore, #tpu.memory_space<semaphore_mem>>
      %dma_start3A_159 = arith.constant 0 : i32
      %dma_start3A_160 = arith.constant 0 : i32
      %dma_start3A_161 = tpu.memref_slice %arg7[%run_scoped3A, %dma_start3A_159, %dma_start3A_160] : memref<2x128x128xf32, #tpu.memory_space<vmem>> -> memref<1x128x128xf32, #tpu.memory_space<vmem>>
      %dma_start3A_162 = tpu.memref_squeeze %dma_start3A_161 : memref<1x128x128xf32, #tpu.memory_space<vmem>> -> memref<128x128xf32, #tpu.memory_space<vmem>>
      %dma_start3A_163 = arith.constant 0 : i32
      %dma_start3A_164 = tpu.memref_slice %arg6[%run_scoped3A_66, %run_scoped3A_67, %dma_start3A_163] : memref<2x2x128xi32, #tpu.memory_space<vmem>> -> memref<1x1x128xi32, #tpu.memory_space<vmem>>
      %dma_start3A_165 = tpu.memref_squeeze %dma_start3A_164 : memref<1x1x128xi32, #tpu.memory_space<vmem>> -> memref<128xi32, #tpu.memory_space<vmem>>
      %dma_start3A_166 = arith.constant 0 : i32
      %dma_start3A_167 = arith.constant 0 : i32
      %dma_start3A_168 = tpu.memref_slice %arg8[%dma_start3A_166, %dma_start3A_167] : memref<10240x128xf32, #tpu.memory_space<vmem_shared>> -> memref<10240x128xf32, #tpu.memory_space<vmem_shared>>
      tpu.enqueue_indirect_dma source(%dma_start3A_162 : memref<128x128xf32, #tpu.memory_space<vmem>>) target(%dma_start3A_168 : memref<10240x128xf32, #tpu.memory_space<vmem_shared>>) offsets(%dma_start3A_165 : memref<128xi32, #tpu.memory_space<vmem>>) semaphore(%run_scoped3A_158 : memref<!tpu.dma_semaphore, #tpu.memory_space<semaphore_mem>>) {add = true}
      %dma_wait3A_169 = arith.constant 0 : i32
      %dma_wait3A_170 = arith.constant 0 : i32
      %dma_wait3A_171 = tpu.memref_slice %arg7[%run_scoped3A, %dma_wait3A_169, %dma_wait3A_170] : memref<2x128x128xf32, #tpu.memory_space<vmem>> -> memref<1x128x128xf32, #tpu.memory_space<vmem>>
      %dma_wait3A_172 = tpu.memref_squeeze %dma_wait3A_171 : memref<1x128x128xf32, #tpu.memory_space<vmem>> -> memref<128x128xf32, #tpu.memory_space<vmem>>
      %dma_wait3A_173 = arith.constant 0 : i32
      %dma_wait3A_174 = tpu.memref_slice %arg6[%run_scoped3A_66, %run_scoped3A_67, %dma_wait3A_173] : memref<2x2x128xi32, #tpu.memory_space<vmem>> -> memref<1x1x128xi32, #tpu.memory_space<vmem>>
      %dma_wait3A_175 = tpu.memref_squeeze %dma_wait3A_174 : memref<1x1x128xi32, #tpu.memory_space<vmem>> -> memref<128xi32, #tpu.memory_space<vmem>>
      %dma_wait3A_176 = arith.constant 0 : i32
      %dma_wait3A_177 = arith.constant 0 : i32
      %dma_wait3A_178 = tpu.memref_slice %arg8[%dma_wait3A_176, %dma_wait3A_177] : memref<10240x128xf32, #tpu.memory_space<vmem_shared>> -> memref<10240x128xf32, #tpu.memory_space<vmem_shared>>
      tpu.wait_indirect_dma semaphore(%run_scoped3A_158 : memref<!tpu.dma_semaphore, #tpu.memory_space<semaphore_mem>>) src(%dma_wait3A_172 : memref<128x128xf32, #tpu.memory_space<vmem>>) dst(%dma_wait3A_178 : memref<10240x128xf32, #tpu.memory_space<vmem_shared>>)
      tpu.yield
    }) : () -> ()
    %scan3A_68 = arith.constant 0 : i32
    %scan3A_69 = arith.constant 0 : i32
    %scan3A_70 = arith.constant 8 : i32
    %scan3A_71 = arith.addi %scan3A_69, %scan3A_70 : i32
    %scan3A_72 = arith.constant 1 : i32
    scf.for %scan3A_158 = %scan3A_69 to %scan3A_71 step %scan3A_72  : i32 {
      %mul3A_159 = arith.constant 16 : i32
      %mul3A_160 = arith.muli %scan3A_158, %mul3A_159 : i32
      %get3A = arith.constant 78 : i32
      %get3A_161 = arith.index_cast %get3A : i32 to index
      %get3A_162 = arith.index_cast %mul3A_160 : i32 to index
      %get3A_163 = tpu.vector_load %arg5[%get3A_161, %get3A_162] {strides = array<i32>} : memref<80x128xi32, #tpu.memory_space<vmem>>, vector<1x16xi32>,
      %get3A_164 = vector.shape_cast %get3A_163 : vector<1x16xi32> to vector<16xi32>
      %shift_right_logical3A = arith.constant 16 : i32
      %shift_right_logical3A_165 = vector.broadcast %shift_right_logical3A : i32 to vector<16xi32>
      %shift_right_logical3A_166 = arith.shrui %get3A_164, %shift_right_logical3A_165 : vector<16xi32>
      %mul3A_167 = arith.constant 16 : i32
      %mul3A_168 = arith.muli %scan3A_158, %mul3A_167 : i32
      %swap3A = arith.constant 0 : i32
      %swap3A_169 = arith.constant 0 : i32
      %swap3A_170 = arith.index_cast %swap3A : i32 to index
      %swap3A_171 = arith.index_cast %swap3A_169 : i32 to index
      %swap3A_172 = arith.index_cast %mul3A_168 : i32 to index
      %swap3A_173 = tpu.vector_load %arg6[%swap3A_170, %swap3A_171, %swap3A_172] {strides = array<i32>} : memref<2x2x128xi32, #tpu.memory_space<vmem>>, vector<1x1x16xi32>,
      %swap3A_174 = vector.shape_cast %swap3A_173 : vector<1x1x16xi32> to vector<16xi32>
      %swap3A_175 = vector.shape_cast %shift_right_logical3A_166 : vector<16xi32> to vector<1x1x16xi32>
      tpu.vector_store %arg6[%swap3A_170, %swap3A_171, %swap3A_172], %swap3A_175 {strides = array<i32>} : memref<2x2x128xi32, #tpu.memory_space<vmem>>, vector<1x1x16xi32>,
      %and3A = arith.constant 65535 : i32
      %and3A_176 = vector.broadcast %and3A : i32 to vector<16xi32>
      %and3A_177 = arith.andi %get3A_164, %and3A_176 : vector<16xi32>
      %mul3A_178 = arith.constant 16 : i32
      %mul3A_179 = arith.muli %scan3A_158, %mul3A_178 : i32
      %swap3A_180 = arith.constant 0 : i32
      %swap3A_181 = arith.constant 1 : i32
      %swap3A_182 = arith.index_cast %swap3A_180 : i32 to index
      %swap3A_183 = arith.index_cast %swap3A_181 : i32 to index
      %swap3A_184 = arith.index_cast %mul3A_179 : i32 to index
      %swap3A_185 = tpu.vector_load %arg6[%swap3A_182, %swap3A_183, %swap3A_184] {strides = array<i32>} : memref<2x2x128xi32, #tpu.memory_space<vmem>>, vector<1x1x16xi32>,
      %swap3A_186 = vector.shape_cast %swap3A_185 : vector<1x1x16xi32> to vector<16xi32>
      %swap3A_187 = vector.shape_cast %and3A_177 : vector<16xi32> to vector<1x1x16xi32>
      tpu.vector_store %arg6[%swap3A_182, %swap3A_183, %swap3A_184], %swap3A_187 {strides = array<i32>} : memref<2x2x128xi32, #tpu.memory_space<vmem>>, vector<1x1x16xi32>,
    }
    %scan3A_73 = arith.constant 8 : i32
    %dma_start3A_74 = arith.constant 0 : i32
    %dma_start3A_75 = arith.constant 0 : i32
    %dma_start3A_76 = arith.constant 0 : i32
    %dma_start3A_77 = arith.constant 0 : i32
    %dma_start3A_78 = arith.constant 0 : i32
    %dma_start3A_79 = tpu.memref_slice %arg7[%dma_start3A_76, %dma_start3A_77, %dma_start3A_78] : memref<2x128x128xf32, #tpu.memory_space<vmem>> -> memref<1x128x128xf32, #tpu.memory_space<vmem>>
    %dma_start3A_80 = tpu.memref_squeeze %dma_start3A_79 : memref<1x128x128xf32, #tpu.memory_space<vmem>> -> memref<128x128xf32, #tpu.memory_space<vmem>>
    %dma_start3A_81 = arith.constant 0 : i32
    %dma_start3A_82 = tpu.memref_slice %arg6[%dma_start3A_74, %dma_start3A_75, %dma_start3A_81] : memref<2x2x128xi32, #tpu.memory_space<vmem>> -> memref<1x1x128xi32, #tpu.memory_space<vmem>>
    %dma_start3A_83 = tpu.memref_squeeze %dma_start3A_82 : memref<1x1x128xi32, #tpu.memory_space<vmem>> -> memref<128xi32, #tpu.memory_space<vmem>>
    %dma_start3A_84 = arith.constant 0 : i32
    %dma_start3A_85 = arith.constant 0 : i32
    %dma_start3A_86 = tpu.memref_slice %arg2[%dma_start3A_84, %dma_start3A_85] : memref<10000x128xf32, #tpu.memory_space<hbm>> -> memref<10000x128xf32, #tpu.memory_space<hbm>>
    tpu.enqueue_indirect_dma source(%dma_start3A_86 : memref<10000x128xf32, #tpu.memory_space<hbm>>) target(%dma_start3A_80 : memref<128x128xf32, #tpu.memory_space<vmem>>) offsets(%dma_start3A_83 : memref<128xi32, #tpu.memory_space<vmem>>) semaphore(%arg9 : memref<!tpu.dma_semaphore, #tpu.memory_space<semaphore_mem>>)
    %dma_wait3A_87 = arith.constant 1 : i32
    %dma_wait3A_88 = arith.constant 0 : i32
    %dma_wait3A_89 = arith.constant 1 : i32
    %dma_wait3A_90 = arith.constant 0 : i32
    %dma_wait3A_91 = arith.constant 0 : i32
    %dma_wait3A_92 = tpu.memref_slice %arg7[%dma_wait3A_89, %dma_wait3A_90, %dma_wait3A_91] : memref<2x128x128xf32, #tpu.memory_space<vmem>> -> memref<1x128x128xf32, #tpu.memory_space<vmem>>
    %dma_wait3A_93 = tpu.memref_squeeze %dma_wait3A_92 : memref<1x128x128xf32, #tpu.memory_space<vmem>> -> memref<128x128xf32, #tpu.memory_space<vmem>>
    %dma_wait3A_94 = arith.constant 0 : i32
    %dma_wait3A_95 = tpu.memref_slice %arg6[%dma_wait3A_87, %dma_wait3A_88, %dma_wait3A_94] : memref<2x2x128xi32, #tpu.memory_space<vmem>> -> memref<1x1x128xi32, #tpu.memory_space<vmem>>
    %dma_wait3A_96 = tpu.memref_squeeze %dma_wait3A_95 : memref<1x1x128xi32, #tpu.memory_space<vmem>> -> memref<128xi32, #tpu.memory_space<vmem>>
    %dma_wait3A_97 = arith.constant 0 : i32
    %dma_wait3A_98 = arith.constant 0 : i32
    %dma_wait3A_99 = tpu.memref_slice %arg2[%dma_wait3A_97, %dma_wait3A_98] : memref<10000x128xf32, #tpu.memory_space<hbm>> -> memref<10000x128xf32, #tpu.memory_space<hbm>>
    tpu.wait_indirect_dma semaphore(%arg10 : memref<!tpu.dma_semaphore, #tpu.memory_space<semaphore_mem>>) src(%dma_wait3A_99 : memref<10000x128xf32, #tpu.memory_space<hbm>>) dst(%dma_wait3A_93 : memref<128x128xf32, #tpu.memory_space<vmem>>)
    %run_scoped3A_100 = arith.constant 1 : i32
    %run_scoped3A_101 = arith.constant 1 : i32
    %run_scoped3A_102 = arith.constant 1 : i32
    "tpu.region"() ({
      %run_scoped3A_158 = tpu.sem_alloc : memref<!tpu.dma_semaphore, #tpu.memory_space<semaphore_mem>>
      %dma_start3A_159 = arith.constant 0 : i32
      %dma_start3A_160 = arith.constant 0 : i32
      %dma_start3A_161 = tpu.memref_slice %arg7[%run_scoped3A_100, %dma_start3A_159, %dma_start3A_160] : memref<2x128x128xf32, #tpu.memory_space<vmem>> -> memref<1x128x128xf32, #tpu.memory_space<vmem>>
      %dma_start3A_162 = tpu.memref_squeeze %dma_start3A_161 : memref<1x128x128xf32, #tpu.memory_space<vmem>> -> memref<128x128xf32, #tpu.memory_space<vmem>>
      %dma_start3A_163 = arith.constant 0 : i32
      %dma_start3A_164 = tpu.memref_slice %arg6[%run_scoped3A_101, %run_scoped3A_102, %dma_start3A_163] : memref<2x2x128xi32, #tpu.memory_space<vmem>> -> memref<1x1x128xi32, #tpu.memory_space<vmem>>
      %dma_start3A_165 = tpu.memref_squeeze %dma_start3A_164 : memref<1x1x128xi32, #tpu.memory_space<vmem>> -> memref<128xi32, #tpu.memory_space<vmem>>
      %dma_start3A_166 = arith.constant 0 : i32
      %dma_start3A_167 = arith.constant 0 : i32
      %dma_start3A_168 = tpu.memref_slice %arg8[%dma_start3A_166, %dma_start3A_167] : memref<10240x128xf32, #tpu.memory_space<vmem_shared>> -> memref<10240x128xf32, #tpu.memory_space<vmem_shared>>
      tpu.enqueue_indirect_dma source(%dma_start3A_162 : memref<128x128xf32, #tpu.memory_space<vmem>>) target(%dma_start3A_168 : memref<10240x128xf32, #tpu.memory_space<vmem_shared>>) offsets(%dma_start3A_165 : memref<128xi32, #tpu.memory_space<vmem>>) semaphore(%run_scoped3A_158 : memref<!tpu.dma_semaphore, #tpu.memory_space<semaphore_mem>>) {add = true}
      %dma_wait3A_169 = arith.constant 0 : i32
      %dma_wait3A_170 = arith.constant 0 : i32
      %dma_wait3A_171 = tpu.memref_slice %arg7[%run_scoped3A_100, %dma_wait3A_169, %dma_wait3A_170] : memref<2x128x128xf32, #tpu.memory_space<vmem>> -> memref<1x128x128xf32, #tpu.memory_space<vmem>>
      %dma_wait3A_172 = tpu.memref_squeeze %dma_wait3A_171 : memref<1x128x128xf32, #tpu.memory_space<vmem>> -> memref<128x128xf32, #tpu.memory_space<vmem>>
      %dma_wait3A_173 = arith.constant 0 : i32
      %dma_wait3A_174 = tpu.memref_slice %arg6[%run_scoped3A_101, %run_scoped3A_102, %dma_wait3A_173] : memref<2x2x128xi32, #tpu.memory_space<vmem>> -> memref<1x1x128xi32, #tpu.memory_space<vmem>>
      %dma_wait3A_175 = tpu.memref_squeeze %dma_wait3A_174 : memref<1x1x128xi32, #tpu.memory_space<vmem>> -> memref<128xi32, #tpu.memory_space<vmem>>
      %dma_wait3A_176 = arith.constant 0 : i32
      %dma_wait3A_177 = arith.constant 0 : i32
      %dma_wait3A_178 = tpu.memref_slice %arg8[%dma_wait3A_176, %dma_wait3A_177] : memref<10240x128xf32, #tpu.memory_space<vmem_shared>> -> memref<10240x128xf32, #tpu.memory_space<vmem_shared>>
      tpu.wait_indirect_dma semaphore(%run_scoped3A_158 : memref<!tpu.dma_semaphore, #tpu.memory_space<semaphore_mem>>) src(%dma_wait3A_172 : memref<128x128xf32, #tpu.memory_space<vmem>>) dst(%dma_wait3A_178 : memref<10240x128xf32, #tpu.memory_space<vmem_shared>>)
      tpu.yield
    }) : () -> ()
    %scan3A_103 = arith.constant 0 : i32
    %scan3A_104 = arith.constant 0 : i32
    %scan3A_105 = arith.constant 8 : i32
    %scan3A_106 = arith.addi %scan3A_104, %scan3A_105 : i32
    %scan3A_107 = arith.constant 1 : i32
    scf.for %scan3A_158 = %scan3A_104 to %scan3A_106 step %scan3A_107  : i32 {
      %mul3A_159 = arith.constant 16 : i32
      %mul3A_160 = arith.muli %scan3A_158, %mul3A_159 : i32
      %get3A = arith.constant 79 : i32
      %get3A_161 = arith.index_cast %get3A : i32 to index
      %get3A_162 = arith.index_cast %mul3A_160 : i32 to index
      %get3A_163 = tpu.vector_load %arg5[%get3A_161, %get3A_162] {strides = array<i32>} : memref<80x128xi32, #tpu.memory_space<vmem>>, vector<1x16xi32>,
      %get3A_164 = vector.shape_cast %get3A_163 : vector<1x16xi32> to vector<16xi32>
      %shift_right_logical3A = arith.constant 16 : i32
      %shift_right_logical3A_165 = vector.broadcast %shift_right_logical3A : i32 to vector<16xi32>
      %shift_right_logical3A_166 = arith.shrui %get3A_164, %shift_right_logical3A_165 : vector<16xi32>
      %mul3A_167 = arith.constant 16 : i32
      %mul3A_168 = arith.muli %scan3A_158, %mul3A_167 : i32
      %swap3A = arith.constant 1 : i32
      %swap3A_169 = arith.constant 0 : i32
      %swap3A_170 = arith.index_cast %swap3A : i32 to index
      %swap3A_171 = arith.index_cast %swap3A_169 : i32 to index
      %swap3A_172 = arith.index_cast %mul3A_168 : i32 to index
      %swap3A_173 = tpu.vector_load %arg6[%swap3A_170, %swap3A_171, %swap3A_172] {strides = array<i32>} : memref<2x2x128xi32, #tpu.memory_space<vmem>>, vector<1x1x16xi32>,
      %swap3A_174 = vector.shape_cast %swap3A_173 : vector<1x1x16xi32> to vector<16xi32>
      %swap3A_175 = vector.shape_cast %shift_right_logical3A_166 : vector<16xi32> to vector<1x1x16xi32>
      tpu.vector_store %arg6[%swap3A_170, %swap3A_171, %swap3A_172], %swap3A_175 {strides = array<i32>} : memref<2x2x128xi32, #tpu.memory_space<vmem>>, vector<1x1x16xi32>,
      %and3A = arith.constant 65535 : i32
      %and3A_176 = vector.broadcast %and3A : i32 to vector<16xi32>
      %and3A_177 = arith.andi %get3A_164, %and3A_176 : vector<16xi32>
      %mul3A_178 = arith.constant 16 : i32
      %mul3A_179 = arith.muli %scan3A_158, %mul3A_178 : i32
      %swap3A_180 = arith.constant 1 : i32
      %swap3A_181 = arith.constant 1 : i32
      %swap3A_182 = arith.index_cast %swap3A_180 : i32 to index
      %swap3A_183 = arith.index_cast %swap3A_181 : i32 to index
      %swap3A_184 = arith.index_cast %mul3A_179 : i32 to index
      %swap3A_185 = tpu.vector_load %arg6[%swap3A_182, %swap3A_183, %swap3A_184] {strides = array<i32>} : memref<2x2x128xi32, #tpu.memory_space<vmem>>, vector<1x1x16xi32>,
      %swap3A_186 = vector.shape_cast %swap3A_185 : vector<1x1x16xi32> to vector<16xi32>
      %swap3A_187 = vector.shape_cast %and3A_177 : vector<16xi32> to vector<1x1x16xi32>
      tpu.vector_store %arg6[%swap3A_182, %swap3A_183, %swap3A_184], %swap3A_187 {strides = array<i32>} : memref<2x2x128xi32, #tpu.memory_space<vmem>>, vector<1x1x16xi32>,
    }
    %scan3A_108 = arith.constant 8 : i32
    %dma_start3A_109 = arith.constant 1 : i32
    %dma_start3A_110 = arith.constant 0 : i32
    %dma_start3A_111 = arith.constant 1 : i32
    %dma_start3A_112 = arith.constant 0 : i32
    %dma_start3A_113 = arith.constant 0 : i32
    %dma_start3A_114 = tpu.memref_slice %arg7[%dma_start3A_111, %dma_start3A_112, %dma_start3A_113] : memref<2x128x128xf32, #tpu.memory_space<vmem>> -> memref<1x128x128xf32, #tpu.memory_space<vmem>>
    %dma_start3A_115 = tpu.memref_squeeze %dma_start3A_114 : memref<1x128x128xf32, #tpu.memory_space<vmem>> -> memref<128x128xf32, #tpu.memory_space<vmem>>
    %dma_start3A_116 = arith.constant 0 : i32
    %dma_start3A_117 = tpu.memref_slice %arg6[%dma_start3A_109, %dma_start3A_110, %dma_start3A_116] : memref<2x2x128xi32, #tpu.memory_space<vmem>> -> memref<1x1x128xi32, #tpu.memory_space<vmem>>
    %dma_start3A_118 = tpu.memref_squeeze %dma_start3A_117 : memref<1x1x128xi32, #tpu.memory_space<vmem>> -> memref<128xi32, #tpu.memory_space<vmem>>
    %dma_start3A_119 = arith.constant 0 : i32
    %dma_start3A_120 = arith.constant 0 : i32
    %dma_start3A_121 = tpu.memref_slice %arg2[%dma_start3A_119, %dma_start3A_120] : memref<10000x128xf32, #tpu.memory_space<hbm>> -> memref<10000x128xf32, #tpu.memory_space<hbm>>
    tpu.enqueue_indirect_dma source(%dma_start3A_121 : memref<10000x128xf32, #tpu.memory_space<hbm>>) target(%dma_start3A_115 : memref<128x128xf32, #tpu.memory_space<vmem>>) offsets(%dma_start3A_118 : memref<128xi32, #tpu.memory_space<vmem>>) semaphore(%arg10 : memref<!tpu.dma_semaphore, #tpu.memory_space<semaphore_mem>>)
    %dma_wait3A_122 = arith.constant 0 : i32
    %dma_wait3A_123 = arith.constant 0 : i32
    %dma_wait3A_124 = arith.constant 0 : i32
    %dma_wait3A_125 = arith.constant 0 : i32
    %dma_wait3A_126 = arith.constant 0 : i32
    %dma_wait3A_127 = tpu.memref_slice %arg7[%dma_wait3A_124, %dma_wait3A_125, %dma_wait3A_126] : memref<2x128x128xf32, #tpu.memory_space<vmem>> -> memref<1x128x128xf32, #tpu.memory_space<vmem>>
    %dma_wait3A_128 = tpu.memref_squeeze %dma_wait3A_127 : memref<1x128x128xf32, #tpu.memory_space<vmem>> -> memref<128x128xf32, #tpu.memory_space<vmem>>
    %dma_wait3A_129 = arith.constant 0 : i32
    %dma_wait3A_130 = tpu.memref_slice %arg6[%dma_wait3A_122, %dma_wait3A_123, %dma_wait3A_129] : memref<2x2x128xi32, #tpu.memory_space<vmem>> -> memref<1x1x128xi32, #tpu.memory_space<vmem>>
    %dma_wait3A_131 = tpu.memref_squeeze %dma_wait3A_130 : memref<1x1x128xi32, #tpu.memory_space<vmem>> -> memref<128xi32, #tpu.memory_space<vmem>>
    %dma_wait3A_132 = arith.constant 0 : i32
    %dma_wait3A_133 = arith.constant 0 : i32
    %dma_wait3A_134 = tpu.memref_slice %arg2[%dma_wait3A_132, %dma_wait3A_133] : memref<10000x128xf32, #tpu.memory_space<hbm>> -> memref<10000x128xf32, #tpu.memory_space<hbm>>
    tpu.wait_indirect_dma semaphore(%arg9 : memref<!tpu.dma_semaphore, #tpu.memory_space<semaphore_mem>>) src(%dma_wait3A_134 : memref<10000x128xf32, #tpu.memory_space<hbm>>) dst(%dma_wait3A_128 : memref<128x128xf32, #tpu.memory_space<vmem>>)
    %run_scoped3A_135 = arith.constant 0 : i32
    %run_scoped3A_136 = arith.constant 0 : i32
    %run_scoped3A_137 = arith.constant 1 : i32
    "tpu.region"() ({
      %run_scoped3A_158 = tpu.sem_alloc : memref<!tpu.dma_semaphore, #tpu.memory_space<semaphore_mem>>
      %dma_start3A_159 = arith.constant 0 : i32
      %dma_start3A_160 = arith.constant 0 : i32
      %dma_start3A_161 = tpu.memref_slice %arg7[%run_scoped3A_135, %dma_start3A_159, %dma_start3A_160] : memref<2x128x128xf32, #tpu.memory_space<vmem>> -> memref<1x128x128xf32, #tpu.memory_space<vmem>>
      %dma_start3A_162 = tpu.memref_squeeze %dma_start3A_161 : memref<1x128x128xf32, #tpu.memory_space<vmem>> -> memref<128x128xf32, #tpu.memory_space<vmem>>
      %dma_start3A_163 = arith.constant 0 : i32
      %dma_start3A_164 = tpu.memref_slice %arg6[%run_scoped3A_136, %run_scoped3A_137, %dma_start3A_163] : memref<2x2x128xi32, #tpu.memory_space<vmem>> -> memref<1x1x128xi32, #tpu.memory_space<vmem>>
      %dma_start3A_165 = tpu.memref_squeeze %dma_start3A_164 : memref<1x1x128xi32, #tpu.memory_space<vmem>> -> memref<128xi32, #tpu.memory_space<vmem>>
      %dma_start3A_166 = arith.constant 0 : i32
      %dma_start3A_167 = arith.constant 0 : i32
      %dma_start3A_168 = tpu.memref_slice %arg8[%dma_start3A_166, %dma_start3A_167] : memref<10240x128xf32, #tpu.memory_space<vmem_shared>> -> memref<10240x128xf32, #tpu.memory_space<vmem_shared>>
      tpu.enqueue_indirect_dma source(%dma_start3A_162 : memref<128x128xf32, #tpu.memory_space<vmem>>) target(%dma_start3A_168 : memref<10240x128xf32, #tpu.memory_space<vmem_shared>>) offsets(%dma_start3A_165 : memref<128xi32, #tpu.memory_space<vmem>>) semaphore(%run_scoped3A_158 : memref<!tpu.dma_semaphore, #tpu.memory_space<semaphore_mem>>) {add = true}
      %dma_wait3A_169 = arith.constant 0 : i32
      %dma_wait3A_170 = arith.constant 0 : i32
      %dma_wait3A_171 = tpu.memref_slice %arg7[%run_scoped3A_135, %dma_wait3A_169, %dma_wait3A_170] : memref<2x128x128xf32, #tpu.memory_space<vmem>> -> memref<1x128x128xf32, #tpu.memory_space<vmem>>
      %dma_wait3A_172 = tpu.memref_squeeze %dma_wait3A_171 : memref<1x128x128xf32, #tpu.memory_space<vmem>> -> memref<128x128xf32, #tpu.memory_space<vmem>>
      %dma_wait3A_173 = arith.constant 0 : i32
      %dma_wait3A_174 = tpu.memref_slice %arg6[%run_scoped3A_136, %run_scoped3A_137, %dma_wait3A_173] : memref<2x2x128xi32, #tpu.memory_space<vmem>> -> memref<1x1x128xi32, #tpu.memory_space<vmem>>
      %dma_wait3A_175 = tpu.memref_squeeze %dma_wait3A_174 : memref<1x1x128xi32, #tpu.memory_space<vmem>> -> memref<128xi32, #tpu.memory_space<vmem>>
      %dma_wait3A_176 = arith.constant 0 : i32
      %dma_wait3A_177 = arith.constant 0 : i32
      %dma_wait3A_178 = tpu.memref_slice %arg8[%dma_wait3A_176, %dma_wait3A_177] : memref<10240x128xf32, #tpu.memory_space<vmem_shared>> -> memref<10240x128xf32, #tpu.memory_space<vmem_shared>>
      tpu.wait_indirect_dma semaphore(%run_scoped3A_158 : memref<!tpu.dma_semaphore, #tpu.memory_space<semaphore_mem>>) src(%dma_wait3A_172 : memref<128x128xf32, #tpu.memory_space<vmem>>) dst(%dma_wait3A_178 : memref<10240x128xf32, #tpu.memory_space<vmem_shared>>)
      tpu.yield
    }) : () -> ()
    %dma_wait3A_138 = arith.constant 1 : i32
    %dma_wait3A_139 = arith.constant 0 : i32
    %dma_wait3A_140 = arith.constant 1 : i32
    %dma_wait3A_141 = arith.constant 0 : i32
    %dma_wait3A_142 = arith.constant 0 : i32
    %dma_wait3A_143 = tpu.memref_slice %arg7[%dma_wait3A_140, %dma_wait3A_141, %dma_wait3A_142] : memref<2x128x128xf32, #tpu.memory_space<vmem>> -> memref<1x128x128xf32, #tpu.memory_space<vmem>>
    %dma_wait3A_144 = tpu.memref_squeeze %dma_wait3A_143 : memref<1x128x128xf32, #tpu.memory_space<vmem>> -> memref<128x128xf32, #tpu.memory_space<vmem>>
    %dma_wait3A_145 = arith.constant 0 : i32
    %dma_wait3A_146 = tpu.memref_slice %arg6[%dma_wait3A_138, %dma_wait3A_139, %dma_wait3A_145] : memref<2x2x128xi32, #tpu.memory_space<vmem>> -> memref<1x1x128xi32, #tpu.memory_space<vmem>>
    %dma_wait3A_147 = tpu.memref_squeeze %dma_wait3A_146 : memref<1x1x128xi32, #tpu.memory_space<vmem>> -> memref<128xi32, #tpu.memory_space<vmem>>
    %dma_wait3A_148 = arith.constant 0 : i32
    %dma_wait3A_149 = arith.constant 0 : i32
    %dma_wait3A_150 = tpu.memref_slice %arg2[%dma_wait3A_148, %dma_wait3A_149] : memref<10000x128xf32, #tpu.memory_space<hbm>> -> memref<10000x128xf32, #tpu.memory_space<hbm>>
    tpu.wait_indirect_dma semaphore(%arg10 : memref<!tpu.dma_semaphore, #tpu.memory_space<semaphore_mem>>) src(%dma_wait3A_150 : memref<10000x128xf32, #tpu.memory_space<hbm>>) dst(%dma_wait3A_144 : memref<128x128xf32, #tpu.memory_space<vmem>>)
    %run_scoped3A_151 = arith.constant 1 : i32
    %run_scoped3A_152 = arith.constant 1 : i32
    %run_scoped3A_153 = arith.constant 1 : i32
    "tpu.region"() ({
      %run_scoped3A_158 = tpu.sem_alloc : memref<!tpu.dma_semaphore, #tpu.memory_space<semaphore_mem>>
      %dma_start3A_159 = arith.constant 0 : i32
      %dma_start3A_160 = arith.constant 0 : i32
      %dma_start3A_161 = tpu.memref_slice %arg7[%run_scoped3A_151, %dma_start3A_159, %dma_start3A_160] : memref<2x128x128xf32, #tpu.memory_space<vmem>> -> memref<1x128x128xf32, #tpu.memory_space<vmem>>
      %dma_start3A_162 = tpu.memref_squeeze %dma_start3A_161 : memref<1x128x128xf32, #tpu.memory_space<vmem>> -> memref<128x128xf32, #tpu.memory_space<vmem>>
      %dma_start3A_163 = arith.constant 0 : i32
      %dma_start3A_164 = tpu.memref_slice %arg6[%run_scoped3A_152, %run_scoped3A_153, %dma_start3A_163] : memref<2x2x128xi32, #tpu.memory_space<vmem>> -> memref<1x1x128xi32, #tpu.memory_space<vmem>>
      %dma_start3A_165 = tpu.memref_squeeze %dma_start3A_164 : memref<1x1x128xi32, #tpu.memory_space<vmem>> -> memref<128xi32, #tpu.memory_space<vmem>>
      %dma_start3A_166 = arith.constant 0 : i32
      %dma_start3A_167 = arith.constant 0 : i32
      %dma_start3A_168 = tpu.memref_slice %arg8[%dma_start3A_166, %dma_start3A_167] : memref<10240x128xf32, #tpu.memory_space<vmem_shared>> -> memref<10240x128xf32, #tpu.memory_space<vmem_shared>>
      tpu.enqueue_indirect_dma source(%dma_start3A_162 : memref<128x128xf32, #tpu.memory_space<vmem>>) target(%dma_start3A_168 : memref<10240x128xf32, #tpu.memory_space<vmem_shared>>) offsets(%dma_start3A_165 : memref<128xi32, #tpu.memory_space<vmem>>) semaphore(%run_scoped3A_158 : memref<!tpu.dma_semaphore, #tpu.memory_space<semaphore_mem>>) {add = true}
      %dma_wait3A_169 = arith.constant 0 : i32
      %dma_wait3A_170 = arith.constant 0 : i32
      %dma_wait3A_171 = tpu.memref_slice %arg7[%run_scoped3A_151, %dma_wait3A_169, %dma_wait3A_170] : memref<2x128x128xf32, #tpu.memory_space<vmem>> -> memref<1x128x128xf32, #tpu.memory_space<vmem>>
      %dma_wait3A_172 = tpu.memref_squeeze %dma_wait3A_171 : memref<1x128x128xf32, #tpu.memory_space<vmem>> -> memref<128x128xf32, #tpu.memory_space<vmem>>
      %dma_wait3A_173 = arith.constant 0 : i32
      %dma_wait3A_174 = tpu.memref_slice %arg6[%run_scoped3A_152, %run_scoped3A_153, %dma_wait3A_173] : memref<2x2x128xi32, #tpu.memory_space<vmem>> -> memref<1x1x128xi32, #tpu.memory_space<vmem>>
      %dma_wait3A_175 = tpu.memref_squeeze %dma_wait3A_174 : memref<1x1x128xi32, #tpu.memory_space<vmem>> -> memref<128xi32, #tpu.memory_space<vmem>>
      %dma_wait3A_176 = arith.constant 0 : i32
      %dma_wait3A_177 = arith.constant 0 : i32
      %dma_wait3A_178 = tpu.memref_slice %arg8[%dma_wait3A_176, %dma_wait3A_177] : memref<10240x128xf32, #tpu.memory_space<vmem_shared>> -> memref<10240x128xf32, #tpu.memory_space<vmem_shared>>
      tpu.wait_indirect_dma semaphore(%run_scoped3A_158 : memref<!tpu.dma_semaphore, #tpu.memory_space<semaphore_mem>>) src(%dma_wait3A_172 : memref<128x128xf32, #tpu.memory_space<vmem>>) dst(%dma_wait3A_178 : memref<10240x128xf32, #tpu.memory_space<vmem_shared>>)
      tpu.yield
    }) : () -> ()
    %barrier3A_154 = arith.constant 0 : index
    tpu.barrier barrier_id(%barrier3A_154)
    %mul3A = arith.constant 640 : i32
    %mul3A_155 = arith.muli %arg1, %mul3A : i32
    %mul3A_156 = arith.constant 640 : i32
    %mul3A_157 = arith.muli %arg1, %mul3A_156 : i32
    "tpu.region"() ({
      %run_scoped3A_158 = tpu.sem_alloc : memref<!tpu.dma_semaphore, #tpu.memory_space<semaphore_mem>>
      %dma_start3A_159 = arith.constant 0 : i32
      %dma_start3A_160 = tpu.memref_slice %arg4[%arg0, %mul3A_157, %dma_start3A_159] : memref<2x10240x128xf32, #tpu.memory_space<hbm>> -> memref<1x640x128xf32, #tpu.memory_space<hbm>>
      %dma_start3A_161 = tpu.memref_squeeze %dma_start3A_160 : memref<1x640x128xf32, #tpu.memory_space<hbm>> -> memref<640x128xf32, #tpu.memory_space<hbm>>
      %dma_start3A_162 = arith.constant 0 : i32
      %dma_start3A_163 = tpu.memref_slice %arg8[%mul3A_155, %dma_start3A_162] : memref<10240x128xf32, #tpu.memory_space<vmem_shared>> -> memref<640x128xf32, #tpu.memory_space<vmem_shared>>
      tpu.enqueue_dma source(%dma_start3A_163 : memref<640x128xf32, #tpu.memory_space<vmem_shared>>) target(%dma_start3A_161 : memref<640x128xf32, #tpu.memory_space<hbm>>) target_semaphore(%run_scoped3A_158 : memref<!tpu.dma_semaphore, #tpu.memory_space<semaphore_mem>>)
      %dma_wait3A_164 = arith.constant 0 : i32
      %dma_wait3A_165 = tpu.memref_slice %arg4[%arg0, %mul3A_157, %dma_wait3A_164] : memref<2x10240x128xf32, #tpu.memory_space<hbm>> -> memref<1x640x128xf32, #tpu.memory_space<hbm>>
      %dma_wait3A_166 = tpu.memref_squeeze %dma_wait3A_165 : memref<1x640x128xf32, #tpu.memory_space<hbm>> -> memref<640x128xf32, #tpu.memory_space<hbm>>
      %dma_wait3A_167 = arith.constant 0 : i32
      %dma_wait3A_168 = tpu.memref_slice %arg8[%mul3A_155, %dma_wait3A_167] : memref<10240x128xf32, #tpu.memory_space<vmem_shared>> -> memref<640x128xf32, #tpu.memory_space<vmem_shared>>
      tpu.wait_dma2 semaphore(%run_scoped3A_158 : memref<!tpu.dma_semaphore, #tpu.memory_space<semaphore_mem>>) src(%dma_wait3A_168 : memref<640x128xf32, #tpu.memory_space<vmem_shared>>) dst(%dma_wait3A_166 : memref<640x128xf32, #tpu.memory_space<hbm>>)
      tpu.yield
    }) : () -> ()
    return
  }
}

#map = affine_map<(d0, d1) -> (0, 0)>
#map1 = affine_map<(d0, d1) -> (0, 0, 0, 0)>
#map2 = affine_map<(d0, d1) -> (0, 0, 0)>
module attributes {stable_mosaic.version = 14 : i64} {
  func.func @segsum(%arg0: i32, %arg1: i32, %arg2: memref<10000x128xf32, #tpu.memory_space<hbm>>, %arg3: memref<2x16x80x128xi32, #tpu.memory_space<hbm>>, %arg4: memref<2x10240x128xf32, #tpu.memory_space<hbm>>, %arg5: memref<80x128xi32, #tpu.memory_space<vmem>>, %arg6: memref<2x2x128xi32, #tpu.memory_space<vmem>>, %arg7: memref<2x128x128xf32, #tpu.memory_space<vmem>>, %arg8: memref<10240x128xf32, #tpu.memory_space<vmem_shared>>, %arg9: memref<!tpu.dma_semaphore, #tpu.memory_space<semaphore_mem>>, %arg10: memref<!tpu.dma_semaphore, #tpu.memory_space<semaphore_mem>>) attributes {dimension_semantics = [#tpu.dimension_semantics<core_parallel>, #tpu.dimension_semantics<subcore_parallel>], iteration_bounds = array<i64: 2, 16>, scalar_prefetch = 0 : i64, scratch_operands = 6 : i64, tpu.core_type = #tpu.core_type<sc_vector_subcore>, window_params = [{transform_indices = #map}, {transform_indices = #map1}, {transform_indices = #map2}]} {
    %scan3A = arith.constant 0 : i32
    %scan3A_0 = arith.constant 0 : i32
    %scan3A_1 = arith.constant 128 : i32
    %scan3A_2 = arith.addi %scan3A_0, %scan3A_1 : i32
    %scan3A_3 = arith.constant 1 : i32
    scf.for %scan3A_158 = %scan3A_0 to %scan3A_2 step %scan3A_3  : i32 {
      %broadcast_in_dim3A = arith.constant 0.000000e+00 : f32
      %broadcast_in_dim3A_159 = vector.broadcast %broadcast_in_dim3A : f32 to vector<16xf32>
      %swap3A = arith.constant 0 : i32
      %swap3A_160 = arith.index_cast %swap3A : i32 to index
      %swap3A_161 = arith.index_cast %scan3A_158 : i32 to index
      %swap3A_162 = arith.constant 0 : index
      %swap3A_163 = tpu.vector_load %arg7[%swap3A_160, %swap3A_161, %swap3A_162] {strides = array<i32>} : memref<2x128x128xf32, #tpu.memory_space<vmem>>, vector<1x1x16xf32>,
      %swap3A_164 = vector.shape_cast %swap3A_163 : vector<1x1x16xf32> to vector<16xf32>
      %swap3A_165 = vector.shape_cast %broadcast_in_dim3A_159 : vector<16xf32> to vector<1x1x16xf32>
      tpu.vector_store %arg7[%swap3A_160, %swap3A_161, %swap3A_162], %swap3A_165 {strides = array<i32>} : memref<2x128x128xf32, #tpu.memory_space<vmem>>, vector<1x1x16xf32>,
      %broadcast_in_dim3A_166 = arith.constant 0.000000e+00 : f32
      %broadcast_in_dim3A_167 = vector.broadcast %broadcast_in_dim3A_166 : f32 to vector<16xf32>
      %swap3A_168 = arith.constant 0 : i32
      %swap3A_169 = arith.index_cast %swap3A_168 : i32 to index
      %swap3A_170 = arith.index_cast %scan3A_158 : i32 to index
      %swap3A_171 = arith.constant 16 : index
      %swap3A_172 = tpu.vector_load %arg7[%swap3A_169, %swap3A_170, %swap3A_171] {strides = array<i32>} : memref<2x128x128xf32, #tpu.memory_space<vmem>>, vector<1x1x16xf32>,
      %swap3A_173 = vector.shape_cast %swap3A_172 : vector<1x1x16xf32> to vector<16xf32>
      %swap3A_174 = vector.shape_cast %broadcast_in_dim3A_167 : vector<16xf32> to vector<1x1x16xf32>
      tpu.vector_store %arg7[%swap3A_169, %swap3A_170, %swap3A_171], %swap3A_174 {strides = array<i32>} : memref<2x128x128xf32, #tpu.memory_space<vmem>>, vector<1x1x16xf32>,
      %broadcast_in_dim3A_175 = arith.constant 0.000000e+00 : f32
      %broadcast_in_dim3A_176 = vector.broadcast %broadcast_in_dim3A_175 : f32 to vector<16xf32>
      %swap3A_177 = arith.constant 0 : i32
      %swap3A_178 = arith.index_cast %swap3A_177 : i32 to index
      %swap3A_179 = arith.index_cast %scan3A_158 : i32 to index
      %swap3A_180 = arith.constant 32 : index
      %swap3A_181 = tpu.vector_load %arg7[%swap3A_178, %swap3A_179, %swap3A_180] {strides = array<i32>} : memref<2x128x128xf32, #tpu.memory_space<vmem>>, vector<1x1x16xf32>,
      %swap3A_182 = vector.shape_cast %swap3A_181 : vector<1x1x16xf32> to vector<16xf32>
      %swap3A_183 = vector.shape_cast %broadcast_in_dim3A_176 : vector<16xf32> to vector<1x1x16xf32>
      tpu.vector_store %arg7[%swap3A_178, %swap3A_179, %swap3A_180], %swap3A_183 {strides = array<i32>} : memref<2x128x128xf32, #tpu.memory_space<vmem>>, vector<1x1x16xf32>,
      %broadcast_in_dim3A_184 = arith.constant 0.000000e+00 : f32
      %broadcast_in_dim3A_185 = vector.broadcast %broadcast_in_dim3A_184 : f32 to vector<16xf32>
      %swap3A_186 = arith.constant 0 : i32
      %swap3A_187 = arith.index_cast %swap3A_186 : i32 to index
      %swap3A_188 = arith.index_cast %scan3A_158 : i32 to index
      %swap3A_189 = arith.constant 48 : index
      %swap3A_190 = tpu.vector_load %arg7[%swap3A_187, %swap3A_188, %swap3A_189] {strides = array<i32>} : memref<2x128x128xf32, #tpu.memory_space<vmem>>, vector<1x1x16xf32>,
      %swap3A_191 = vector.shape_cast %swap3A_190 : vector<1x1x16xf32> to vector<16xf32>
      %swap3A_192 = vector.shape_cast %broadcast_in_dim3A_185 : vector<16xf32> to vector<1x1x16xf32>
      tpu.vector_store %arg7[%swap3A_187, %swap3A_188, %swap3A_189], %swap3A_192 {strides = array<i32>} : memref<2x128x128xf32, #tpu.memory_space<vmem>>, vector<1x1x16xf32>,
      %broadcast_in_dim3A_193 = arith.constant 0.000000e+00 : f32
      %broadcast_in_dim3A_194 = vector.broadcast %broadcast_in_dim3A_193 : f32 to vector<16xf32>
      %swap3A_195 = arith.constant 0 : i32
      %swap3A_196 = arith.index_cast %swap3A_195 : i32 to index
      %swap3A_197 = arith.index_cast %scan3A_158 : i32 to index
      %swap3A_198 = arith.constant 64 : index
      %swap3A_199 = tpu.vector_load %arg7[%swap3A_196, %swap3A_197, %swap3A_198] {strides = array<i32>} : memref<2x128x128xf32, #tpu.memory_space<vmem>>, vector<1x1x16xf32>,
      %swap3A_200 = vector.shape_cast %swap3A_199 : vector<1x1x16xf32> to vector<16xf32>
      %swap3A_201 = vector.shape_cast %broadcast_in_dim3A_194 : vector<16xf32> to vector<1x1x16xf32>
      tpu.vector_store %arg7[%swap3A_196, %swap3A_197, %swap3A_198], %swap3A_201 {strides = array<i32>} : memref<2x128x128xf32, #tpu.memory_space<vmem>>, vector<1x1x16xf32>,
      %broadcast_in_dim3A_202 = arith.constant 0.000000e+00 : f32
      %broadcast_in_dim3A_203 = vector.broadcast %broadcast_in_dim3A_202 : f32 to vector<16xf32>
      %swap3A_204 = arith.constant 0 : i32
      %swap3A_205 = arith.index_cast %swap3A_204 : i32 to index
      %swap3A_206 = arith.index_cast %scan3A_158 : i32 to index
      %swap3A_207 = arith.constant 80 : index
      %swap3A_208 = tpu.vector_load %arg7[%swap3A_205, %swap3A_206, %swap3A_207] {strides = array<i32>} : memref<2x128x128xf32, #tpu.memory_space<vmem>>, vector<1x1x16xf32>,
      %swap3A_209 = vector.shape_cast %swap3A_208 : vector<1x1x16xf32> to vector<16xf32>
      %swap3A_210 = vector.shape_cast %broadcast_in_dim3A_203 : vector<16xf32> to vector<1x1x16xf32>
      tpu.vector_store %arg7[%swap3A_205, %swap3A_206, %swap3A_207], %swap3A_210 {strides = array<i32>} : memref<2x128x128xf32, #tpu.memory_space<vmem>>, vector<1x1x16xf32>,
      %broadcast_in_dim3A_211 = arith.constant 0.000000e+00 : f32
      %broadcast_in_dim3A_212 = vector.broadcast %broadcast_in_dim3A_211 : f32 to vector<16xf32>
      %swap3A_213 = arith.constant 0 : i32
      %swap3A_214 = arith.index_cast %swap3A_213 : i32 to index
      %swap3A_215 = arith.index_cast %scan3A_158 : i32 to index
      %swap3A_216 = arith.constant 96 : index
      %swap3A_217 = tpu.vector_load %arg7[%swap3A_214, %swap3A_215, %swap3A_216] {strides = array<i32>} : memref<2x128x128xf32, #tpu.memory_space<vmem>>, vector<1x1x16xf32>,
      %swap3A_218 = vector.shape_cast %swap3A_217 : vector<1x1x16xf32> to vector<16xf32>
      %swap3A_219 = vector.shape_cast %broadcast_in_dim3A_212 : vector<16xf32> to vector<1x1x16xf32>
      tpu.vector_store %arg7[%swap3A_214, %swap3A_215, %swap3A_216], %swap3A_219 {strides = array<i32>} : memref<2x128x128xf32, #tpu.memory_space<vmem>>, vector<1x1x16xf32>,
      %broadcast_in_dim3A_220 = arith.constant 0.000000e+00 : f32
      %broadcast_in_dim3A_221 = vector.broadcast %broadcast_in_dim3A_220 : f32 to vector<16xf32>
      %swap3A_222 = arith.constant 0 : i32
      %swap3A_223 = arith.index_cast %swap3A_222 : i32 to index
      %swap3A_224 = arith.index_cast %scan3A_158 : i32 to index
      %swap3A_225 = arith.constant 112 : index
      %swap3A_226 = tpu.vector_load %arg7[%swap3A_223, %swap3A_224, %swap3A_225] {strides = array<i32>} : memref<2x128x128xf32, #tpu.memory_space<vmem>>, vector<1x1x16xf32>,
      %swap3A_227 = vector.shape_cast %swap3A_226 : vector<1x1x16xf32> to vector<16xf32>
      %swap3A_228 = vector.shape_cast %broadcast_in_dim3A_221 : vector<16xf32> to vector<1x1x16xf32>
      tpu.vector_store %arg7[%swap3A_223, %swap3A_224, %swap3A_225], %swap3A_228 {strides = array<i32>} : memref<2x128x128xf32, #tpu.memory_space<vmem>>, vector<1x1x16xf32>,
    }
    %scan3A_4 = arith.constant 128 : i32
    %scan3A_5 = arith.constant 0 : i32
    %scan3A_6 = arith.constant 0 : i32
    %scan3A_7 = arith.constant 5 : i32
    %scan3A_8 = arith.addi %scan3A_6, %scan3A_7 : i32
    %scan3A_9 = arith.constant 1 : i32
    scf.for %scan3A_158 = %scan3A_6 to %scan3A_8 step %scan3A_9  : i32 {
      %mul3A_159 = arith.constant 640 : i32
      %mul3A_160 = arith.muli %arg1, %mul3A_159 : i32
      %mul3A_161 = arith.constant 128 : i32
      %mul3A_162 = arith.muli %scan3A_158, %mul3A_161 : i32
      %add3A = arith.addi %mul3A_160, %mul3A_162 : i32
      %run_scoped3A_163 = arith.constant 0 : i32
      "tpu.region"() ({
        %run_scoped3A_164 = tpu.sem_alloc : memref<!tpu.dma_semaphore, #tpu.memory_space<semaphore_mem>>
        %dma_start3A_165 = arith.constant 0 : i32
        %dma_start3A_166 = arith.constant 0 : i32
        %dma_start3A_167 = tpu.memref_slice %arg7[%run_scoped3A_163, %dma_start3A_165, %dma_start3A_166] : memref<2x128x128xf32, #tpu.memory_space<vmem>> -> memref<1x128x128xf32, #tpu.memory_space<vmem>>
        %dma_start3A_168 = tpu.memref_squeeze %dma_start3A_167 : memref<1x128x128xf32, #tpu.memory_space<vmem>> -> memref<128x128xf32, #tpu.memory_space<vmem>>
        %dma_start3A_169 = arith.constant 0 : i32
        %dma_start3A_170 = tpu.memref_slice %arg8[%add3A, %dma_start3A_169] : memref<10240x128xf32, #tpu.memory_space<vmem_shared>> -> memref<128x128xf32, #tpu.memory_space<vmem_shared>>
        %dma_start3A_171 = arith.constant 0 : i32
        %dma_start3A_172 = tpu.memref_slice %arg8[%add3A, %dma_start3A_171] : memref<10240x128xf32, #tpu.memory_space<vmem_shared>> -> memref<128x128xf32, #tpu.memory_space<vmem_shared>>
        %dma_start3A_173 = arith.constant 0 : i32
        %dma_start3A_174 = arith.constant 0 : i32
        %dma_start3A_175 = tpu.memref_slice %arg7[%run_scoped3A_163, %dma_start3A_173, %dma_start3A_174] : memref<2x128x128xf32, #tpu.memory_space<vmem>> -> memref<1x128x128xf32, #tpu.memory_space<vmem>>
        %dma_start3A_176 = tpu.memref_squeeze %dma_start3A_175 : memref<1x128x128xf32, #tpu.memory_space<vmem>> -> memref<128x128xf32, #tpu.memory_space<vmem>>
        tpu.enqueue_dma source(%dma_start3A_176 : memref<128x128xf32, #tpu.memory_space<vmem>>) target(%dma_start3A_172 : memref<128x128xf32, #tpu.memory_space<vmem_shared>>) target_semaphore(%run_scoped3A_164 : memref<!tpu.dma_semaphore, #tpu.memory_space<semaphore_mem>>)
        %dma_wait3A_177 = arith.constant 0 : i32
        %dma_wait3A_178 = arith.constant 0 : i32
        %dma_wait3A_179 = tpu.memref_slice %arg7[%run_scoped3A_163, %dma_wait3A_177, %dma_wait3A_178] : memref<2x128x128xf32, #tpu.memory_space<vmem>> -> memref<1x128x128xf32, #tpu.memory_space<vmem>>
        %dma_wait3A_180 = tpu.memref_squeeze %dma_wait3A_179 : memref<1x128x128xf32, #tpu.memory_space<vmem>> -> memref<128x128xf32, #tpu.memory_space<vmem>>
        %dma_wait3A_181 = arith.constant 0 : i32
        %dma_wait3A_182 = tpu.memref_slice %arg8[%add3A, %dma_wait3A_181] : memref<10240x128xf32, #tpu.memory_space<vmem_shared>> -> memref<128x128xf32, #tpu.memory_space<vmem_shared>>
        %dma_wait3A_183 = arith.constant 0 : i32
        %dma_wait3A_184 = tpu.memref_slice %arg8[%add3A, %dma_wait3A_183] : memref<10240x128xf32, #tpu.memory_space<vmem_shared>> -> memref<128x128xf32, #tpu.memory_space<vmem_shared>>
        %dma_wait3A_185 = arith.constant 0 : i32
        %dma_wait3A_186 = arith.constant 0 : i32
        %dma_wait3A_187 = tpu.memref_slice %arg7[%run_scoped3A_163, %dma_wait3A_185, %dma_wait3A_186] : memref<2x128x128xf32, #tpu.memory_space<vmem>> -> memref<1x128x128xf32, #tpu.memory_space<vmem>>
        %dma_wait3A_188 = tpu.memref_squeeze %dma_wait3A_187 : memref<1x128x128xf32, #tpu.memory_space<vmem>> -> memref<128x128xf32, #tpu.memory_space<vmem>>
        tpu.wait_dma2 semaphore(%run_scoped3A_164 : memref<!tpu.dma_semaphore, #tpu.memory_space<semaphore_mem>>) src(%dma_wait3A_188 : memref<128x128xf32, #tpu.memory_space<vmem>>) dst(%dma_wait3A_184 : memref<128x128xf32, #tpu.memory_space<vmem_shared>>)
        tpu.yield
      }) : () -> ()
    }
    %scan3A_10 = arith.constant 5 : i32
    "tpu.region"() ({
      %run_scoped3A_158 = tpu.sem_alloc : memref<!tpu.dma_semaphore, #tpu.memory_space<semaphore_mem>>
      %dma_start3A_159 = arith.constant 0 : i32
      %dma_start3A_160 = arith.constant 0 : i32
      %dma_start3A_161 = tpu.memref_slice %arg3[%arg0, %arg1, %dma_start3A_159, %dma_start3A_160] : memref<2x16x80x128xi32, #tpu.memory_space<hbm>> -> memref<1x1x80x128xi32, #tpu.memory_space<hbm>>
      %dma_start3A_162 = tpu.memref_squeeze %dma_start3A_161 : memref<1x1x80x128xi32, #tpu.memory_space<hbm>> -> memref<80x128xi32, #tpu.memory_space<hbm>>
      %dma_start3A_163 = arith.constant 0 : i32
      %dma_start3A_164 = arith.constant 0 : i32
      %dma_start3A_165 = tpu.memref_slice %arg3[%arg0, %arg1, %dma_start3A_163, %dma_start3A_164] : memref<2x16x80x128xi32, #tpu.memory_space<hbm>> -> memref<1x1x80x128xi32, #tpu.memory_space<hbm>>
      %dma_start3A_166 = tpu.memref_squeeze %dma_start3A_165 : memref<1x1x80x128xi32, #tpu.memory_space<hbm>> -> memref<80x128xi32, #tpu.memory_space<hbm>>
      tpu.enqueue_dma source(%dma_start3A_166 : memref<80x128xi32, #tpu.memory_space<hbm>>) target(%arg5 : memref<80x128xi32, #tpu.memory_space<vmem>>) target_semaphore(%run_scoped3A_158 : memref<!tpu.dma_semaphore, #tpu.memory_space<semaphore_mem>>)
      %dma_wait3A_167 = arith.constant 0 : i32
      %dma_wait3A_168 = arith.constant 0 : i32
      %dma_wait3A_169 = tpu.memref_slice %arg3[%arg0, %arg1, %dma_wait3A_167, %dma_wait3A_168] : memref<2x16x80x128xi32, #tpu.memory_space<hbm>> -> memref<1x1x80x128xi32, #tpu.memory_space<hbm>>
      %dma_wait3A_170 = tpu.memref_squeeze %dma_wait3A_169 : memref<1x1x80x128xi32, #tpu.memory_space<hbm>> -> memref<80x128xi32, #tpu.memory_space<hbm>>
      %dma_wait3A_171 = arith.constant 0 : i32
      %dma_wait3A_172 = arith.constant 0 : i32
      %dma_wait3A_173 = tpu.memref_slice %arg3[%arg0, %arg1, %dma_wait3A_171, %dma_wait3A_172] : memref<2x16x80x128xi32, #tpu.memory_space<hbm>> -> memref<1x1x80x128xi32, #tpu.memory_space<hbm>>
      %dma_wait3A_174 = tpu.memref_squeeze %dma_wait3A_173 : memref<1x1x80x128xi32, #tpu.memory_space<hbm>> -> memref<80x128xi32, #tpu.memory_space<hbm>>
      tpu.wait_dma2 semaphore(%run_scoped3A_158 : memref<!tpu.dma_semaphore, #tpu.memory_space<semaphore_mem>>) src(%dma_wait3A_174 : memref<80x128xi32, #tpu.memory_space<hbm>>) dst(%arg5 : memref<80x128xi32, #tpu.memory_space<vmem>>)
      tpu.yield
    }) : () -> ()
    %barrier3A = arith.constant 0 : index
    tpu.barrier barrier_id(%barrier3A)
    %scan3A_11 = arith.constant 0 : i32
    %scan3A_12 = arith.constant 0 : i32
    %scan3A_13 = arith.constant 8 : i32
    %scan3A_14 = arith.addi %scan3A_12, %scan3A_13 : i32
    %scan3A_15 = arith.constant 1 : i32
    scf.for %scan3A_158 = %scan3A_12 to %scan3A_14 step %scan3A_15  : i32 {
      %mul3A_159 = arith.constant 16 : i32
      %mul3A_160 = arith.muli %scan3A_158, %mul3A_159 : i32
      %get3A = arith.constant 0 : i32
      %get3A_161 = arith.index_cast %get3A : i32 to index
      %get3A_162 = arith.index_cast %mul3A_160 : i32 to index
      %get3A_163 = tpu.vector_load %arg5[%get3A_161, %get3A_162] {strides = array<i32>} : memref<80x128xi32, #tpu.memory_space<vmem>>, vector<1x16xi32>,
      %get3A_164 = vector.shape_cast %get3A_163 : vector<1x16xi32> to vector<16xi32>
      %shift_right_logical3A = arith.constant 16 : i32
      %shift_right_logical3A_165 = vector.broadcast %shift_right_logical3A : i32 to vector<16xi32>
      %shift_right_logical3A_166 = arith.shrui %get3A_164, %shift_right_logical3A_165 : vector<16xi32>
      %mul3A_167 = arith.constant 16 : i32
      %mul3A_168 = arith.muli %scan3A_158, %mul3A_167 : i32
      %swap3A = arith.constant 0 : i32
      %swap3A_169 = arith.constant 0 : i32
      %swap3A_170 = arith.index_cast %swap3A : i32 to index
      %swap3A_171 = arith.index_cast %swap3A_169 : i32 to index
      %swap3A_172 = arith.index_cast %mul3A_168 : i32 to index
      %swap3A_173 = tpu.vector_load %arg6[%swap3A_170, %swap3A_171, %swap3A_172] {strides = array<i32>} : memref<2x2x128xi32, #tpu.memory_space<vmem>>, vector<1x1x16xi32>,
      %swap3A_174 = vector.shape_cast %swap3A_173 : vector<1x1x16xi32> to vector<16xi32>
      %swap3A_175 = vector.shape_cast %shift_right_logical3A_166 : vector<16xi32> to vector<1x1x16xi32>
      tpu.vector_store %arg6[%swap3A_170, %swap3A_171, %swap3A_172], %swap3A_175 {strides = array<i32>} : memref<2x2x128xi32, #tpu.memory_space<vmem>>, vector<1x1x16xi32>,
      %and3A = arith.constant 65535 : i32
      %and3A_176 = vector.broadcast %and3A : i32 to vector<16xi32>
      %and3A_177 = arith.andi %get3A_164, %and3A_176 : vector<16xi32>
      %mul3A_178 = arith.constant 16 : i32
      %mul3A_179 = arith.muli %scan3A_158, %mul3A_178 : i32
      %swap3A_180 = arith.constant 0 : i32
      %swap3A_181 = arith.constant 1 : i32
      %swap3A_182 = arith.index_cast %swap3A_180 : i32 to index
      %swap3A_183 = arith.index_cast %swap3A_181 : i32 to index
      %swap3A_184 = arith.index_cast %mul3A_179 : i32 to index
      %swap3A_185 = tpu.vector_load %arg6[%swap3A_182, %swap3A_183, %swap3A_184] {strides = array<i32>} : memref<2x2x128xi32, #tpu.memory_space<vmem>>, vector<1x1x16xi32>,
      %swap3A_186 = vector.shape_cast %swap3A_185 : vector<1x1x16xi32> to vector<16xi32>
      %swap3A_187 = vector.shape_cast %and3A_177 : vector<16xi32> to vector<1x1x16xi32>
      tpu.vector_store %arg6[%swap3A_182, %swap3A_183, %swap3A_184], %swap3A_187 {strides = array<i32>} : memref<2x2x128xi32, #tpu.memory_space<vmem>>, vector<1x1x16xi32>,
    }
    %scan3A_16 = arith.constant 8 : i32
    %dma_start3A = arith.constant 0 : i32
    %dma_start3A_17 = arith.constant 0 : i32
    %dma_start3A_18 = arith.constant 0 : i32
    %dma_start3A_19 = arith.constant 0 : i32
    %dma_start3A_20 = arith.constant 0 : i32
    %dma_start3A_21 = tpu.memref_slice %arg7[%dma_start3A_18, %dma_start3A_19, %dma_start3A_20] : memref<2x128x128xf32, #tpu.memory_space<vmem>> -> memref<1x128x128xf32, #tpu.memory_space<vmem>>
    %dma_start3A_22 = tpu.memref_squeeze %dma_start3A_21 : memref<1x128x128xf32, #tpu.memory_space<vmem>> -> memref<128x128xf32, #tpu.memory_space<vmem>>
    %dma_start3A_23 = arith.constant 0 : i32
    %dma_start3A_24 = tpu.memref_slice %arg6[%dma_start3A, %dma_start3A_17, %dma_start3A_23] : memref<2x2x128xi32, #tpu.memory_space<vmem>> -> memref<1x1x128xi32, #tpu.memory_space<vmem>>
    %dma_start3A_25 = tpu.memref_squeeze %dma_start3A_24 : memref<1x1x128xi32, #tpu.memory_space<vmem>> -> memref<128xi32, #tpu.memory_space<vmem>>
    %dma_start3A_26 = arith.constant 0 : i32
    %dma_start3A_27 = arith.constant 0 : i32
    %dma_start3A_28 = tpu.memref_slice %arg2[%dma_start3A_26, %dma_start3A_27] : memref<10000x128xf32, #tpu.memory_space<hbm>> -> memref<10000x128xf32, #tpu.memory_space<hbm>>
    tpu.enqueue_indirect_dma source(%dma_start3A_28 : memref<10000x128xf32, #tpu.memory_space<hbm>>) target(%dma_start3A_22 : memref<128x128xf32, #tpu.memory_space<vmem>>) offsets(%dma_start3A_25 : memref<128xi32, #tpu.memory_space<vmem>>) semaphore(%arg9 : memref<!tpu.dma_semaphore, #tpu.memory_space<semaphore_mem>>)
    %scan3A_29 = arith.constant 0 : i32
    %scan3A_30 = arith.constant 0 : i32
    %scan3A_31 = arith.constant 8 : i32
    %scan3A_32 = arith.addi %scan3A_30, %scan3A_31 : i32
    %scan3A_33 = arith.constant 1 : i32
    scf.for %scan3A_158 = %scan3A_30 to %scan3A_32 step %scan3A_33  : i32 {
      %mul3A_159 = arith.constant 16 : i32
      %mul3A_160 = arith.muli %scan3A_158, %mul3A_159 : i32
      %get3A = arith.constant 1 : i32
      %get3A_161 = arith.index_cast %get3A : i32 to index
      %get3A_162 = arith.index_cast %mul3A_160 : i32 to index
      %get3A_163 = tpu.vector_load %arg5[%get3A_161, %get3A_162] {strides = array<i32>} : memref<80x128xi32, #tpu.memory_space<vmem>>, vector<1x16xi32>,
      %get3A_164 = vector.shape_cast %get3A_163 : vector<1x16xi32> to vector<16xi32>
      %shift_right_logical3A = arith.constant 16 : i32
      %shift_right_logical3A_165 = vector.broadcast %shift_right_logical3A : i32 to vector<16xi32>
      %shift_right_logical3A_166 = arith.shrui %get3A_164, %shift_right_logical3A_165 : vector<16xi32>
      %mul3A_167 = arith.constant 16 : i32
      %mul3A_168 = arith.muli %scan3A_158, %mul3A_167 : i32
      %swap3A = arith.constant 1 : i32
      %swap3A_169 = arith.constant 0 : i32
      %swap3A_170 = arith.index_cast %swap3A : i32 to index
      %swap3A_171 = arith.index_cast %swap3A_169 : i32 to index
      %swap3A_172 = arith.index_cast %mul3A_168 : i32 to index
      %swap3A_173 = tpu.vector_load %arg6[%swap3A_170, %swap3A_171, %swap3A_172] {strides = array<i32>} : memref<2x2x128xi32, #tpu.memory_space<vmem>>, vector<1x1x16xi32>,
      %swap3A_174 = vector.shape_cast %swap3A_173 : vector<1x1x16xi32> to vector<16xi32>
      %swap3A_175 = vector.shape_cast %shift_right_logical3A_166 : vector<16xi32> to vector<1x1x16xi32>
      tpu.vector_store %arg6[%swap3A_170, %swap3A_171, %swap3A_172], %swap3A_175 {strides = array<i32>} : memref<2x2x128xi32, #tpu.memory_space<vmem>>, vector<1x1x16xi32>,
      %and3A = arith.constant 65535 : i32
      %and3A_176 = vector.broadcast %and3A : i32 to vector<16xi32>
      %and3A_177 = arith.andi %get3A_164, %and3A_176 : vector<16xi32>
      %mul3A_178 = arith.constant 16 : i32
      %mul3A_179 = arith.muli %scan3A_158, %mul3A_178 : i32
      %swap3A_180 = arith.constant 1 : i32
      %swap3A_181 = arith.constant 1 : i32
      %swap3A_182 = arith.index_cast %swap3A_180 : i32 to index
      %swap3A_183 = arith.index_cast %swap3A_181 : i32 to index
      %swap3A_184 = arith.index_cast %mul3A_179 : i32 to index
      %swap3A_185 = tpu.vector_load %arg6[%swap3A_182, %swap3A_183, %swap3A_184] {strides = array<i32>} : memref<2x2x128xi32, #tpu.memory_space<vmem>>, vector<1x1x16xi32>,
      %swap3A_186 = vector.shape_cast %swap3A_185 : vector<1x1x16xi32> to vector<16xi32>
      %swap3A_187 = vector.shape_cast %and3A_177 : vector<16xi32> to vector<1x1x16xi32>
      tpu.vector_store %arg6[%swap3A_182, %swap3A_183, %swap3A_184], %swap3A_187 {strides = array<i32>} : memref<2x2x128xi32, #tpu.memory_space<vmem>>, vector<1x1x16xi32>,
    }
    %scan3A_34 = arith.constant 8 : i32
    %scan3A_35 = arith.constant 0 : i32
    %scan3A_36 = arith.constant 0 : i32
    %scan3A_37 = arith.constant 19 : i32
    %scan3A_38 = arith.addi %scan3A_36, %scan3A_37 : i32
    %scan3A_39 = arith.constant 1 : i32
    scf.for %scan3A_158 = %scan3A_36 to %scan3A_38 step %scan3A_39  : i32 {
      %mul3A_159 = arith.constant 4 : i32
      %mul3A_160 = arith.muli %mul3A_159, %scan3A_158 : i32
      %add3A = arith.constant 0 : i32
      %add3A_161 = arith.addi %mul3A_160, %add3A : i32
      %add3A_162 = arith.constant 0 : i32
      %add3A_163 = arith.addi %mul3A_160, %add3A_162 : i32
      %add3A_164 = arith.constant 2 : i32
      %add3A_165 = arith.addi %add3A_163, %add3A_164 : i32
      %dma_start3A_166 = arith.constant 1 : i32
      %dma_start3A_167 = arith.constant 0 : i32
      %dma_start3A_168 = arith.constant 1 : i32
      %dma_start3A_169 = arith.constant 0 : i32
      %dma_start3A_170 = arith.constant 0 : i32
      %dma_start3A_171 = tpu.memref_slice %arg7[%dma_start3A_168, %dma_start3A_169, %dma_start3A_170] : memref<2x128x128xf32, #tpu.memory_space<vmem>> -> memref<1x128x128xf32, #tpu.memory_space<vmem>>
      %dma_start3A_172 = tpu.memref_squeeze %dma_start3A_171 : memref<1x128x128xf32, #tpu.memory_space<vmem>> -> memref<128x128xf32, #tpu.memory_space<vmem>>
      %dma_start3A_173 = arith.constant 0 : i32
      %dma_start3A_174 = tpu.memref_slice %arg6[%dma_start3A_166, %dma_start3A_167, %dma_start3A_173] : memref<2x2x128xi32, #tpu.memory_space<vmem>> -> memref<1x1x128xi32, #tpu.memory_space<vmem>>
      %dma_start3A_175 = tpu.memref_squeeze %dma_start3A_174 : memref<1x1x128xi32, #tpu.memory_space<vmem>> -> memref<128xi32, #tpu.memory_space<vmem>>
      %dma_start3A_176 = arith.constant 0 : i32
      %dma_start3A_177 = arith.constant 0 : i32
      %dma_start3A_178 = tpu.memref_slice %arg2[%dma_start3A_176, %dma_start3A_177] : memref<10000x128xf32, #tpu.memory_space<hbm>> -> memref<10000x128xf32, #tpu.memory_space<hbm>>
      tpu.enqueue_indirect_dma source(%dma_start3A_178 : memref<10000x128xf32, #tpu.memory_space<hbm>>) target(%dma_start3A_172 : memref<128x128xf32, #tpu.memory_space<vmem>>) offsets(%dma_start3A_175 : memref<128xi32, #tpu.memory_space<vmem>>) semaphore(%arg10 : memref<!tpu.dma_semaphore, #tpu.memory_space<semaphore_mem>>)
      %dma_wait3A_179 = arith.constant 0 : i32
      %dma_wait3A_180 = arith.constant 0 : i32
      %dma_wait3A_181 = arith.constant 0 : i32
      %dma_wait3A_182 = arith.constant 0 : i32
      %dma_wait3A_183 = arith.constant 0 : i32
      %dma_wait3A_184 = tpu.memref_slice %arg7[%dma_wait3A_181, %dma_wait3A_182, %dma_wait3A_183] : memref<2x128x128xf32, #tpu.memory_space<vmem>> -> memref<1x128x128xf32, #tpu.memory_space<vmem>>
      %dma_wait3A_185 = tpu.memref_squeeze %dma_wait3A_184 : memref<1x128x128xf32, #tpu.memory_space<vmem>> -> memref<128x128xf32, #tpu.memory_space<vmem>>
      %dma_wait3A_186 = arith.constant 0 : i32
      %dma_wait3A_187 = tpu.memref_slice %arg6[%dma_wait3A_179, %dma_wait3A_180, %dma_wait3A_186] : memref<2x2x128xi32, #tpu.memory_space<vmem>> -> memref<1x1x128xi32, #tpu.memory_space<vmem>>
      %dma_wait3A_188 = tpu.memref_squeeze %dma_wait3A_187 : memref<1x1x128xi32, #tpu.memory_space<vmem>> -> memref<128xi32, #tpu.memory_space<vmem>>
      %dma_wait3A_189 = arith.constant 0 : i32
      %dma_wait3A_190 = arith.constant 0 : i32
      %dma_wait3A_191 = tpu.memref_slice %arg2[%dma_wait3A_189, %dma_wait3A_190] : memref<10000x128xf32, #tpu.memory_space<hbm>> -> memref<10000x128xf32, #tpu.memory_space<hbm>>
      tpu.wait_indirect_dma semaphore(%arg9 : memref<!tpu.dma_semaphore, #tpu.memory_space<semaphore_mem>>) src(%dma_wait3A_191 : memref<10000x128xf32, #tpu.memory_space<hbm>>) dst(%dma_wait3A_185 : memref<128x128xf32, #tpu.memory_space<vmem>>)
      %run_scoped3A_192 = arith.constant 0 : i32
      %run_scoped3A_193 = arith.constant 0 : i32
      %run_scoped3A_194 = arith.constant 1 : i32
      "tpu.region"() ({
        %run_scoped3A_324 = tpu.sem_alloc : memref<!tpu.dma_semaphore, #tpu.memory_space<semaphore_mem>>
        %dma_start3A_325 = arith.constant 0 : i32
        %dma_start3A_326 = arith.constant 0 : i32
        %dma_start3A_327 = tpu.memref_slice %arg7[%run_scoped3A_192, %dma_start3A_325, %dma_start3A_326] : memref<2x128x128xf32, #tpu.memory_space<vmem>> -> memref<1x128x128xf32, #tpu.memory_space<vmem>>
        %dma_start3A_328 = tpu.memref_squeeze %dma_start3A_327 : memref<1x128x128xf32, #tpu.memory_space<vmem>> -> memref<128x128xf32, #tpu.memory_space<vmem>>
        %dma_start3A_329 = arith.constant 0 : i32
        %dma_start3A_330 = tpu.memref_slice %arg6[%run_scoped3A_193, %run_scoped3A_194, %dma_start3A_329] : memref<2x2x128xi32, #tpu.memory_space<vmem>> -> memref<1x1x128xi32, #tpu.memory_space<vmem>>
        %dma_start3A_331 = tpu.memref_squeeze %dma_start3A_330 : memref<1x1x128xi32, #tpu.memory_space<vmem>> -> memref<128xi32, #tpu.memory_space<vmem>>
        %dma_start3A_332 = arith.constant 0 : i32
        %dma_start3A_333 = arith.constant 0 : i32
        %dma_start3A_334 = tpu.memref_slice %arg8[%dma_start3A_332, %dma_start3A_333] : memref<10240x128xf32, #tpu.memory_space<vmem_shared>> -> memref<10240x128xf32, #tpu.memory_space<vmem_shared>>
        tpu.enqueue_indirect_dma source(%dma_start3A_328 : memref<128x128xf32, #tpu.memory_space<vmem>>) target(%dma_start3A_334 : memref<10240x128xf32, #tpu.memory_space<vmem_shared>>) offsets(%dma_start3A_331 : memref<128xi32, #tpu.memory_space<vmem>>) semaphore(%run_scoped3A_324 : memref<!tpu.dma_semaphore, #tpu.memory_space<semaphore_mem>>) {add = true}
        %dma_wait3A_335 = arith.constant 0 : i32
        %dma_wait3A_336 = arith.constant 0 : i32
        %dma_wait3A_337 = tpu.memref_slice %arg7[%run_scoped3A_192, %dma_wait3A_335, %dma_wait3A_336] : memref<2x128x128xf32, #tpu.memory_space<vmem>> -> memref<1x128x128xf32, #tpu.memory_space<vmem>>
        %dma_wait3A_338 = tpu.memref_squeeze %dma_wait3A_337 : memref<1x128x128xf32, #tpu.memory_space<vmem>> -> memref<128x128xf32, #tpu.memory_space<vmem>>
        %dma_wait3A_339 = arith.constant 0 : i32
        %dma_wait3A_340 = tpu.memref_slice %arg6[%run_scoped3A_193, %run_scoped3A_194, %dma_wait3A_339] : memref<2x2x128xi32, #tpu.memory_space<vmem>> -> memref<1x1x128xi32, #tpu.memory_space<vmem>>
        %dma_wait3A_341 = tpu.memref_squeeze %dma_wait3A_340 : memref<1x1x128xi32, #tpu.memory_space<vmem>> -> memref<128xi32, #tpu.memory_space<vmem>>
        %dma_wait3A_342 = arith.constant 0 : i32
        %dma_wait3A_343 = arith.constant 0 : i32
        %dma_wait3A_344 = tpu.memref_slice %arg8[%dma_wait3A_342, %dma_wait3A_343] : memref<10240x128xf32, #tpu.memory_space<vmem_shared>> -> memref<10240x128xf32, #tpu.memory_space<vmem_shared>>
        tpu.wait_indirect_dma semaphore(%run_scoped3A_324 : memref<!tpu.dma_semaphore, #tpu.memory_space<semaphore_mem>>) src(%dma_wait3A_338 : memref<128x128xf32, #tpu.memory_space<vmem>>) dst(%dma_wait3A_344 : memref<10240x128xf32, #tpu.memory_space<vmem_shared>>)
        tpu.yield
      }) : () -> ()
      %scan3A_195 = arith.constant 0 : i32
      %scan3A_196 = arith.constant 0 : i32
      %scan3A_197 = arith.constant 8 : i32
      %scan3A_198 = arith.addi %scan3A_196, %scan3A_197 : i32
      %scan3A_199 = arith.constant 1 : i32
      scf.for %scan3A_324 = %scan3A_196 to %scan3A_198 step %scan3A_199  : i32 {
        %mul3A_325 = arith.constant 16 : i32
        %mul3A_326 = arith.muli %scan3A_324, %mul3A_325 : i32
        %get3A = arith.index_cast %add3A_165 : i32 to index
        %get3A_327 = arith.index_cast %mul3A_326 : i32 to index
        %get3A_328 = tpu.vector_load %arg5[%get3A, %get3A_327] {strides = array<i32>} : memref<80x128xi32, #tpu.memory_space<vmem>>, vector<1x16xi32>,
        %get3A_329 = vector.shape_cast %get3A_328 : vector<1x16xi32> to vector<16xi32>
        %shift_right_logical3A = arith.constant 16 : i32
        %shift_right_logical3A_330 = vector.broadcast %shift_right_logical3A : i32 to vector<16xi32>
        %shift_right_logical3A_331 = arith.shrui %get3A_329, %shift_right_logical3A_330 : vector<16xi32>
        %mul3A_332 = arith.constant 16 : i32
        %mul3A_333 = arith.muli %scan3A_324, %mul3A_332 : i32
        %swap3A = arith.constant 0 : i32
        %swap3A_334 = arith.constant 0 : i32
        %swap3A_335 = arith.index_cast %swap3A : i32 to index
        %swap3A_336 = arith.index_cast %swap3A_334 : i32 to index
        %swap3A_337 = arith.index_cast %mul3A_333 : i32 to index
        %swap3A_338 = tpu.vector_load %arg6[%swap3A_335, %swap3A_336, %swap3A_337] {strides = array<i32>} : memref<2x2x128xi32, #tpu.memory_space<vmem>>, vector<1x1x16xi32>,
        %swap3A_339 = vector.shape_cast %swap3A_338 : vector<1x1x16xi32> to vector<16xi32>
        %swap3A_340 = vector.shape_cast %shift_right_logical3A_331 : vector<16xi32> to vector<1x1x16xi32>
        tpu.vector_store %arg6[%swap3A_335, %swap3A_336, %swap3A_337], %swap3A_340 {strides = array<i32>} : memref<2x2x128xi32, #tpu.memory_space<vmem>>, vector<1x1x16xi32>,
        %and3A = arith.constant 65535 : i32
        %and3A_341 = vector.broadcast %and3A : i32 to vector<16xi32>
        %and3A_342 = arith.andi %get3A_329, %and3A_341 : vector<16xi32>
        %mul3A_343 = arith.constant 16 : i32
        %mul3A_344 = arith.muli %scan3A_324, %mul3A_343 : i32
        %swap3A_345 = arith.constant 0 : i32
        %swap3A_346 = arith.constant 1 : i32
        %swap3A_347 = arith.index_cast %swap3A_345 : i32 to index
        %swap3A_348 = arith.index_cast %swap3A_346 : i32 to index
        %swap3A_349 = arith.index_cast %mul3A_344 : i32 to index
        %swap3A_350 = tpu.vector_load %arg6[%swap3A_347, %swap3A_348, %swap3A_349] {strides = array<i32>} : memref<2x2x128xi32, #tpu.memory_space<vmem>>, vector<1x1x16xi32>,
        %swap3A_351 = vector.shape_cast %swap3A_350 : vector<1x1x16xi32> to vector<16xi32>
        %swap3A_352 = vector.shape_cast %and3A_342 : vector<16xi32> to vector<1x1x16xi32>
        tpu.vector_store %arg6[%swap3A_347, %swap3A_348, %swap3A_349], %swap3A_352 {strides = array<i32>} : memref<2x2x128xi32, #tpu.memory_space<vmem>>, vector<1x1x16xi32>,
      }
      %scan3A_200 = arith.constant 8 : i32
      %add3A_201 = arith.constant 1 : i32
      %add3A_202 = arith.addi %mul3A_160, %add3A_201 : i32
      %add3A_203 = arith.constant 1 : i32
      %add3A_204 = arith.addi %mul3A_160, %add3A_203 : i32
      %add3A_205 = arith.constant 2 : i32
      %add3A_206 = arith.addi %add3A_204, %add3A_205 : i32
      %dma_start3A_207 = arith.constant 0 : i32
      %dma_start3A_208 = arith.constant 0 : i32
      %dma_start3A_209 = arith.constant 0 : i32
      %dma_start3A_210 = arith.constant 0 : i32
      %dma_start3A_211 = arith.constant 0 : i32
      %dma_start3A_212 = tpu.memref_slice %arg7[%dma_start3A_209, %dma_start3A_210, %dma_start3A_211] : memref<2x128x128xf32, #tpu.memory_space<vmem>> -> memref<1x128x128xf32, #tpu.memory_space<vmem>>
      %dma_start3A_213 = tpu.memref_squeeze %dma_start3A_212 : memref<1x128x128xf32, #tpu.memory_space<vmem>> -> memref<128x128xf32, #tpu.memory_space<vmem>>
      %dma_start3A_214 = arith.constant 0 : i32
      %dma_start3A_215 = tpu.memref_slice %arg6[%dma_start3A_207, %dma_start3A_208, %dma_start3A_214] : memref<2x2x128xi32, #tpu.memory_space<vmem>> -> memref<1x1x128xi32, #tpu.memory_space<vmem>>
      %dma_start3A_216 = tpu.memref_squeeze %dma_start3A_215 : memref<1x1x128xi32, #tpu.memory_space<vmem>> -> memref<128xi32, #tpu.memory_space<vmem>>
      %dma_start3A_217 = arith.constant 0 : i32
      %dma_start3A_218 = arith.constant 0 : i32
      %dma_start3A_219 = tpu.memref_slice %arg2[%dma_start3A_217, %dma_start3A_218] : memref<10000x128xf32, #tpu.memory_space<hbm>> -> memref<10000x128xf32, #tpu.memory_space<hbm>>
      tpu.enqueue_indirect_dma source(%dma_start3A_219 : memref<10000x128xf32, #tpu.memory_space<hbm>>) target(%dma_start3A_213 : memref<128x128xf32, #tpu.memory_space<vmem>>) offsets(%dma_start3A_216 : memref<128xi32, #tpu.memory_space<vmem>>) semaphore(%arg9 : memref<!tpu.dma_semaphore, #tpu.memory_space<semaphore_mem>>)
      %dma_wait3A_220 = arith.constant 1 : i32
      %dma_wait3A_221 = arith.constant 0 : i32
      %dma_wait3A_222 = arith.constant 1 : i32
      %dma_wait3A_223 = arith.constant 0 : i32
      %dma_wait3A_224 = arith.constant 0 : i32
      %dma_wait3A_225 = tpu.memref_slice %arg7[%dma_wait3A_222, %dma_wait3A_223, %dma_wait3A_224] : memref<2x128x128xf32, #tpu.memory_space<vmem>> -> memref<1x128x128xf32, #tpu.memory_space<vmem>>
      %dma_wait3A_226 = tpu.memref_squeeze %dma_wait3A_225 : memref<1x128x128xf32, #tpu.memory_space<vmem>> -> memref<128x128xf32, #tpu.memory_space<vmem>>
      %dma_wait3A_227 = arith.constant 0 : i32
      %dma_wait3A_228 = tpu.memref_slice %arg6[%dma_wait3A_220, %dma_wait3A_221, %dma_wait3A_227] : memref<2x2x128xi32, #tpu.memory_space<vmem>> -> memref<1x1x128xi32, #tpu.memory_space<vmem>>
      %dma_wait3A_229 = tpu.memref_squeeze %dma_wait3A_228 : memref<1x1x128xi32, #tpu.memory_space<vmem>> -> memref<128xi32, #tpu.memory_space<vmem>>
      %dma_wait3A_230 = arith.constant 0 : i32
      %dma_wait3A_231 = arith.constant 0 : i32
      %dma_wait3A_232 = tpu.memref_slice %arg2[%dma_wait3A_230, %dma_wait3A_231] : memref<10000x128xf32, #tpu.memory_space<hbm>> -> memref<10000x128xf32, #tpu.memory_space<hbm>>
      tpu.wait_indirect_dma semaphore(%arg10 : memref<!tpu.dma_semaphore, #tpu.memory_space<semaphore_mem>>) src(%dma_wait3A_232 : memref<10000x128xf32, #tpu.memory_space<hbm>>) dst(%dma_wait3A_226 : memref<128x128xf32, #tpu.memory_space<vmem>>)
      %run_scoped3A_233 = arith.constant 1 : i32
      %run_scoped3A_234 = arith.constant 1 : i32
      %run_scoped3A_235 = arith.constant 1 : i32
      "tpu.region"() ({
        %run_scoped3A_324 = tpu.sem_alloc : memref<!tpu.dma_semaphore, #tpu.memory_space<semaphore_mem>>
        %dma_start3A_325 = arith.constant 0 : i32
        %dma_start3A_326 = arith.constant 0 : i32
        %dma_start3A_327 = tpu.memref_slice %arg7[%run_scoped3A_233, %dma_start3A_325, %dma_start3A_326] : memref<2x128x128xf32, #tpu.memory_space<vmem>> -> memref<1x128x128xf32, #tpu.memory_space<vmem>>
        %dma_start3A_328 = tpu.memref_squeeze %dma_start3A_327 : memref<1x128x128xf32, #tpu.memory_space<vmem>> -> memref<128x128xf32, #tpu.memory_space<vmem>>
        %dma_start3A_329 = arith.constant 0 : i32
        %dma_start3A_330 = tpu.memref_slice %arg6[%run_scoped3A_234, %run_scoped3A_235, %dma_start3A_329] : memref<2x2x128xi32, #tpu.memory_space<vmem>> -> memref<1x1x128xi32, #tpu.memory_space<vmem>>
        %dma_start3A_331 = tpu.memref_squeeze %dma_start3A_330 : memref<1x1x128xi32, #tpu.memory_space<vmem>> -> memref<128xi32, #tpu.memory_space<vmem>>
        %dma_start3A_332 = arith.constant 0 : i32
        %dma_start3A_333 = arith.constant 0 : i32
        %dma_start3A_334 = tpu.memref_slice %arg8[%dma_start3A_332, %dma_start3A_333] : memref<10240x128xf32, #tpu.memory_space<vmem_shared>> -> memref<10240x128xf32, #tpu.memory_space<vmem_shared>>
        tpu.enqueue_indirect_dma source(%dma_start3A_328 : memref<128x128xf32, #tpu.memory_space<vmem>>) target(%dma_start3A_334 : memref<10240x128xf32, #tpu.memory_space<vmem_shared>>) offsets(%dma_start3A_331 : memref<128xi32, #tpu.memory_space<vmem>>) semaphore(%run_scoped3A_324 : memref<!tpu.dma_semaphore, #tpu.memory_space<semaphore_mem>>) {add = true}
        %dma_wait3A_335 = arith.constant 0 : i32
        %dma_wait3A_336 = arith.constant 0 : i32
        %dma_wait3A_337 = tpu.memref_slice %arg7[%run_scoped3A_233, %dma_wait3A_335, %dma_wait3A_336] : memref<2x128x128xf32, #tpu.memory_space<vmem>> -> memref<1x128x128xf32, #tpu.memory_space<vmem>>
        %dma_wait3A_338 = tpu.memref_squeeze %dma_wait3A_337 : memref<1x128x128xf32, #tpu.memory_space<vmem>> -> memref<128x128xf32, #tpu.memory_space<vmem>>
        %dma_wait3A_339 = arith.constant 0 : i32
        %dma_wait3A_340 = tpu.memref_slice %arg6[%run_scoped3A_234, %run_scoped3A_235, %dma_wait3A_339] : memref<2x2x128xi32, #tpu.memory_space<vmem>> -> memref<1x1x128xi32, #tpu.memory_space<vmem>>
        %dma_wait3A_341 = tpu.memref_squeeze %dma_wait3A_340 : memref<1x1x128xi32, #tpu.memory_space<vmem>> -> memref<128xi32, #tpu.memory_space<vmem>>
        %dma_wait3A_342 = arith.constant 0 : i32
        %dma_wait3A_343 = arith.constant 0 : i32
        %dma_wait3A_344 = tpu.memref_slice %arg8[%dma_wait3A_342, %dma_wait3A_343] : memref<10240x128xf32, #tpu.memory_space<vmem_shared>> -> memref<10240x128xf32, #tpu.memory_space<vmem_shared>>
        tpu.wait_indirect_dma semaphore(%run_scoped3A_324 : memref<!tpu.dma_semaphore, #tpu.memory_space<semaphore_mem>>) src(%dma_wait3A_338 : memref<128x128xf32, #tpu.memory_space<vmem>>) dst(%dma_wait3A_344 : memref<10240x128xf32, #tpu.memory_space<vmem_shared>>)
        tpu.yield
      }) : () -> ()
      %scan3A_236 = arith.constant 0 : i32
      %scan3A_237 = arith.constant 0 : i32
      %scan3A_238 = arith.constant 8 : i32
      %scan3A_239 = arith.addi %scan3A_237, %scan3A_238 : i32
      %scan3A_240 = arith.constant 1 : i32
      scf.for %scan3A_324 = %scan3A_237 to %scan3A_239 step %scan3A_240  : i32 {
        %mul3A_325 = arith.constant 16 : i32
        %mul3A_326 = arith.muli %scan3A_324, %mul3A_325 : i32
        %get3A = arith.index_cast %add3A_206 : i32 to index
        %get3A_327 = arith.index_cast %mul3A_326 : i32 to index
        %get3A_328 = tpu.vector_load %arg5[%get3A, %get3A_327] {strides = array<i32>} : memref<80x128xi32, #tpu.memory_space<vmem>>, vector<1x16xi32>,
        %get3A_329 = vector.shape_cast %get3A_328 : vector<1x16xi32> to vector<16xi32>
        %shift_right_logical3A = arith.constant 16 : i32
        %shift_right_logical3A_330 = vector.broadcast %shift_right_logical3A : i32 to vector<16xi32>
        %shift_right_logical3A_331 = arith.shrui %get3A_329, %shift_right_logical3A_330 : vector<16xi32>
        %mul3A_332 = arith.constant 16 : i32
        %mul3A_333 = arith.muli %scan3A_324, %mul3A_332 : i32
        %swap3A = arith.constant 1 : i32
        %swap3A_334 = arith.constant 0 : i32
        %swap3A_335 = arith.index_cast %swap3A : i32 to index
        %swap3A_336 = arith.index_cast %swap3A_334 : i32 to index
        %swap3A_337 = arith.index_cast %mul3A_333 : i32 to index
        %swap3A_338 = tpu.vector_load %arg6[%swap3A_335, %swap3A_336, %swap3A_337] {strides = array<i32>} : memref<2x2x128xi32, #tpu.memory_space<vmem>>, vector<1x1x16xi32>,
        %swap3A_339 = vector.shape_cast %swap3A_338 : vector<1x1x16xi32> to vector<16xi32>
        %swap3A_340 = vector.shape_cast %shift_right_logical3A_331 : vector<16xi32> to vector<1x1x16xi32>
        tpu.vector_store %arg6[%swap3A_335, %swap3A_336, %swap3A_337], %swap3A_340 {strides = array<i32>} : memref<2x2x128xi32, #tpu.memory_space<vmem>>, vector<1x1x16xi32>,
        %and3A = arith.constant 65535 : i32
        %and3A_341 = vector.broadcast %and3A : i32 to vector<16xi32>
        %and3A_342 = arith.andi %get3A_329, %and3A_341 : vector<16xi32>
        %mul3A_343 = arith.constant 16 : i32
        %mul3A_344 = arith.muli %scan3A_324, %mul3A_343 : i32
        %swap3A_345 = arith.constant 1 : i32
        %swap3A_346 = arith.constant 1 : i32
        %swap3A_347 = arith.index_cast %swap3A_345 : i32 to index
        %swap3A_348 = arith.index_cast %swap3A_346 : i32 to index
        %swap3A_349 = arith.index_cast %mul3A_344 : i32 to index
        %swap3A_350 = tpu.vector_load %arg6[%swap3A_347, %swap3A_348, %swap3A_349] {strides = array<i32>} : memref<2x2x128xi32, #tpu.memory_space<vmem>>, vector<1x1x16xi32>,
        %swap3A_351 = vector.shape_cast %swap3A_350 : vector<1x1x16xi32> to vector<16xi32>
        %swap3A_352 = vector.shape_cast %and3A_342 : vector<16xi32> to vector<1x1x16xi32>
        tpu.vector_store %arg6[%swap3A_347, %swap3A_348, %swap3A_349], %swap3A_352 {strides = array<i32>} : memref<2x2x128xi32, #tpu.memory_space<vmem>>, vector<1x1x16xi32>,
      }
      %scan3A_241 = arith.constant 8 : i32
      %add3A_242 = arith.constant 2 : i32
      %add3A_243 = arith.addi %mul3A_160, %add3A_242 : i32
      %add3A_244 = arith.constant 2 : i32
      %add3A_245 = arith.addi %mul3A_160, %add3A_244 : i32
      %add3A_246 = arith.constant 2 : i32
      %add3A_247 = arith.addi %add3A_245, %add3A_246 : i32
      %dma_start3A_248 = arith.constant 1 : i32
      %dma_start3A_249 = arith.constant 0 : i32
      %dma_start3A_250 = arith.constant 1 : i32
      %dma_start3A_251 = arith.constant 0 : i32
      %dma_start3A_252 = arith.constant 0 : i32
      %dma_start3A_253 = tpu.memref_slice %arg7[%dma_start3A_250, %dma_start3A_251, %dma_start3A_252] : memref<2x128x128xf32, #tpu.memory_space<vmem>> -> memref<1x128x128xf32, #tpu.memory_space<vmem>>
      %dma_start3A_254 = tpu.memref_squeeze %dma_start3A_253 : memref<1x128x128xf32, #tpu.memory_space<vmem>> -> memref<128x128xf32, #tpu.memory_space<vmem>>
      %dma_start3A_255 = arith.constant 0 : i32
      %dma_start3A_256 = tpu.memref_slice %arg6[%dma_start3A_248, %dma_start3A_249, %dma_start3A_255] : memref<2x2x128xi32, #tpu.memory_space<vmem>> -> memref<1x1x128xi32, #tpu.memory_space<vmem>>
      %dma_start3A_257 = tpu.memref_squeeze %dma_start3A_256 : memref<1x1x128xi32, #tpu.memory_space<vmem>> -> memref<128xi32, #tpu.memory_space<vmem>>
      %dma_start3A_258 = arith.constant 0 : i32
      %dma_start3A_259 = arith.constant 0 : i32
      %dma_start3A_260 = tpu.memref_slice %arg2[%dma_start3A_258, %dma_start3A_259] : memref<10000x128xf32, #tpu.memory_space<hbm>> -> memref<10000x128xf32, #tpu.memory_space<hbm>>
      tpu.enqueue_indirect_dma source(%dma_start3A_260 : memref<10000x128xf32, #tpu.memory_space<hbm>>) target(%dma_start3A_254 : memref<128x128xf32, #tpu.memory_space<vmem>>) offsets(%dma_start3A_257 : memref<128xi32, #tpu.memory_space<vmem>>) semaphore(%arg10 : memref<!tpu.dma_semaphore, #tpu.memory_space<semaphore_mem>>)
      %dma_wait3A_261 = arith.constant 0 : i32
      %dma_wait3A_262 = arith.constant 0 : i32
      %dma_wait3A_263 = arith.constant 0 : i32
      %dma_wait3A_264 = arith.constant 0 : i32
      %dma_wait3A_265 = arith.constant 0 : i32
      %dma_wait3A_266 = tpu.memref_slice %arg7[%dma_wait3A_263, %dma_wait3A_264, %dma_wait3A_265] : memref<2x128x128xf32, #tpu.memory_space<vmem>> -> memref<1x128x128xf32, #tpu.memory_space<vmem>>
      %dma_wait3A_267 = tpu.memref_squeeze %dma_wait3A_266 : memref<1x128x128xf32, #tpu.memory_space<vmem>> -> memref<128x128xf32, #tpu.memory_space<vmem>>
      %dma_wait3A_268 = arith.constant 0 : i32
      %dma_wait3A_269 = tpu.memref_slice %arg6[%dma_wait3A_261, %dma_wait3A_262, %dma_wait3A_268] : memref<2x2x128xi32, #tpu.memory_space<vmem>> -> memref<1x1x128xi32, #tpu.memory_space<vmem>>
      %dma_wait3A_270 = tpu.memref_squeeze %dma_wait3A_269 : memref<1x1x128xi32, #tpu.memory_space<vmem>> -> memref<128xi32, #tpu.memory_space<vmem>>
      %dma_wait3A_271 = arith.constant 0 : i32
      %dma_wait3A_272 = arith.constant 0 : i32
      %dma_wait3A_273 = tpu.memref_slice %arg2[%dma_wait3A_271, %dma_wait3A_272] : memref<10000x128xf32, #tpu.memory_space<hbm>> -> memref<10000x128xf32, #tpu.memory_space<hbm>>
      tpu.wait_indirect_dma semaphore(%arg9 : memref<!tpu.dma_semaphore, #tpu.memory_space<semaphore_mem>>) src(%dma_wait3A_273 : memref<10000x128xf32, #tpu.memory_space<hbm>>) dst(%dma_wait3A_267 : memref<128x128xf32, #tpu.memory_space<vmem>>)
      %run_scoped3A_274 = arith.constant 0 : i32
      %run_scoped3A_275 = arith.constant 0 : i32
      %run_scoped3A_276 = arith.constant 1 : i32
      "tpu.region"() ({
        %run_scoped3A_324 = tpu.sem_alloc : memref<!tpu.dma_semaphore, #tpu.memory_space<semaphore_mem>>
        %dma_start3A_325 = arith.constant 0 : i32
        %dma_start3A_326 = arith.constant 0 : i32
        %dma_start3A_327 = tpu.memref_slice %arg7[%run_scoped3A_274, %dma_start3A_325, %dma_start3A_326] : memref<2x128x128xf32, #tpu.memory_space<vmem>> -> memref<1x128x128xf32, #tpu.memory_space<vmem>>
        %dma_start3A_328 = tpu.memref_squeeze %dma_start3A_327 : memref<1x128x128xf32, #tpu.memory_space<vmem>> -> memref<128x128xf32, #tpu.memory_space<vmem>>
        %dma_start3A_329 = arith.constant 0 : i32
        %dma_start3A_330 = tpu.memref_slice %arg6[%run_scoped3A_275, %run_scoped3A_276, %dma_start3A_329] : memref<2x2x128xi32, #tpu.memory_space<vmem>> -> memref<1x1x128xi32, #tpu.memory_space<vmem>>
        %dma_start3A_331 = tpu.memref_squeeze %dma_start3A_330 : memref<1x1x128xi32, #tpu.memory_space<vmem>> -> memref<128xi32, #tpu.memory_space<vmem>>
        %dma_start3A_332 = arith.constant 0 : i32
        %dma_start3A_333 = arith.constant 0 : i32
        %dma_start3A_334 = tpu.memref_slice %arg8[%dma_start3A_332, %dma_start3A_333] : memref<10240x128xf32, #tpu.memory_space<vmem_shared>> -> memref<10240x128xf32, #tpu.memory_space<vmem_shared>>
        tpu.enqueue_indirect_dma source(%dma_start3A_328 : memref<128x128xf32, #tpu.memory_space<vmem>>) target(%dma_start3A_334 : memref<10240x128xf32, #tpu.memory_space<vmem_shared>>) offsets(%dma_start3A_331 : memref<128xi32, #tpu.memory_space<vmem>>) semaphore(%run_scoped3A_324 : memref<!tpu.dma_semaphore, #tpu.memory_space<semaphore_mem>>) {add = true}
        %dma_wait3A_335 = arith.constant 0 : i32
        %dma_wait3A_336 = arith.constant 0 : i32
        %dma_wait3A_337 = tpu.memref_slice %arg7[%run_scoped3A_274, %dma_wait3A_335, %dma_wait3A_336] : memref<2x128x128xf32, #tpu.memory_space<vmem>> -> memref<1x128x128xf32, #tpu.memory_space<vmem>>
        %dma_wait3A_338 = tpu.memref_squeeze %dma_wait3A_337 : memref<1x128x128xf32, #tpu.memory_space<vmem>> -> memref<128x128xf32, #tpu.memory_space<vmem>>
        %dma_wait3A_339 = arith.constant 0 : i32
        %dma_wait3A_340 = tpu.memref_slice %arg6[%run_scoped3A_275, %run_scoped3A_276, %dma_wait3A_339] : memref<2x2x128xi32, #tpu.memory_space<vmem>> -> memref<1x1x128xi32, #tpu.memory_space<vmem>>
        %dma_wait3A_341 = tpu.memref_squeeze %dma_wait3A_340 : memref<1x1x128xi32, #tpu.memory_space<vmem>> -> memref<128xi32, #tpu.memory_space<vmem>>
        %dma_wait3A_342 = arith.constant 0 : i32
        %dma_wait3A_343 = arith.constant 0 : i32
        %dma_wait3A_344 = tpu.memref_slice %arg8[%dma_wait3A_342, %dma_wait3A_343] : memref<10240x128xf32, #tpu.memory_space<vmem_shared>> -> memref<10240x128xf32, #tpu.memory_space<vmem_shared>>
        tpu.wait_indirect_dma semaphore(%run_scoped3A_324 : memref<!tpu.dma_semaphore, #tpu.memory_space<semaphore_mem>>) src(%dma_wait3A_338 : memref<128x128xf32, #tpu.memory_space<vmem>>) dst(%dma_wait3A_344 : memref<10240x128xf32, #tpu.memory_space<vmem_shared>>)
        tpu.yield
      }) : () -> ()
      %scan3A_277 = arith.constant 0 : i32
      %scan3A_278 = arith.constant 0 : i32
      %scan3A_279 = arith.constant 8 : i32
      %scan3A_280 = arith.addi %scan3A_278, %scan3A_279 : i32
      %scan3A_281 = arith.constant 1 : i32
      scf.for %scan3A_324 = %scan3A_278 to %scan3A_280 step %scan3A_281  : i32 {
        %mul3A_325 = arith.constant 16 : i32
        %mul3A_326 = arith.muli %scan3A_324, %mul3A_325 : i32
        %get3A = arith.index_cast %add3A_247 : i32 to index
        %get3A_327 = arith.index_cast %mul3A_326 : i32 to index
        %get3A_328 = tpu.vector_load %arg5[%get3A, %get3A_327] {strides = array<i32>} : memref<80x128xi32, #tpu.memory_space<vmem>>, vector<1x16xi32>,
        %get3A_329 = vector.shape_cast %get3A_328 : vector<1x16xi32> to vector<16xi32>
        %shift_right_logical3A = arith.constant 16 : i32
        %shift_right_logical3A_330 = vector.broadcast %shift_right_logical3A : i32 to vector<16xi32>
        %shift_right_logical3A_331 = arith.shrui %get3A_329, %shift_right_logical3A_330 : vector<16xi32>
        %mul3A_332 = arith.constant 16 : i32
        %mul3A_333 = arith.muli %scan3A_324, %mul3A_332 : i32
        %swap3A = arith.constant 0 : i32
        %swap3A_334 = arith.constant 0 : i32
        %swap3A_335 = arith.index_cast %swap3A : i32 to index
        %swap3A_336 = arith.index_cast %swap3A_334 : i32 to index
        %swap3A_337 = arith.index_cast %mul3A_333 : i32 to index
        %swap3A_338 = tpu.vector_load %arg6[%swap3A_335, %swap3A_336, %swap3A_337] {strides = array<i32>} : memref<2x2x128xi32, #tpu.memory_space<vmem>>, vector<1x1x16xi32>,
        %swap3A_339 = vector.shape_cast %swap3A_338 : vector<1x1x16xi32> to vector<16xi32>
        %swap3A_340 = vector.shape_cast %shift_right_logical3A_331 : vector<16xi32> to vector<1x1x16xi32>
        tpu.vector_store %arg6[%swap3A_335, %swap3A_336, %swap3A_337], %swap3A_340 {strides = array<i32>} : memref<2x2x128xi32, #tpu.memory_space<vmem>>, vector<1x1x16xi32>,
        %and3A = arith.constant 65535 : i32
        %and3A_341 = vector.broadcast %and3A : i32 to vector<16xi32>
        %and3A_342 = arith.andi %get3A_329, %and3A_341 : vector<16xi32>
        %mul3A_343 = arith.constant 16 : i32
        %mul3A_344 = arith.muli %scan3A_324, %mul3A_343 : i32
        %swap3A_345 = arith.constant 0 : i32
        %swap3A_346 = arith.constant 1 : i32
        %swap3A_347 = arith.index_cast %swap3A_345 : i32 to index
        %swap3A_348 = arith.index_cast %swap3A_346 : i32 to index
        %swap3A_349 = arith.index_cast %mul3A_344 : i32 to index
        %swap3A_350 = tpu.vector_load %arg6[%swap3A_347, %swap3A_348, %swap3A_349] {strides = array<i32>} : memref<2x2x128xi32, #tpu.memory_space<vmem>>, vector<1x1x16xi32>,
        %swap3A_351 = vector.shape_cast %swap3A_350 : vector<1x1x16xi32> to vector<16xi32>
        %swap3A_352 = vector.shape_cast %and3A_342 : vector<16xi32> to vector<1x1x16xi32>
        tpu.vector_store %arg6[%swap3A_347, %swap3A_348, %swap3A_349], %swap3A_352 {strides = array<i32>} : memref<2x2x128xi32, #tpu.memory_space<vmem>>, vector<1x1x16xi32>,
      }
      %scan3A_282 = arith.constant 8 : i32
      %add3A_283 = arith.constant 3 : i32
      %add3A_284 = arith.addi %mul3A_160, %add3A_283 : i32
      %add3A_285 = arith.constant 3 : i32
      %add3A_286 = arith.addi %mul3A_160, %add3A_285 : i32
      %add3A_287 = arith.constant 2 : i32
      %add3A_288 = arith.addi %add3A_286, %add3A_287 : i32
      %dma_start3A_289 = arith.constant 0 : i32
      %dma_start3A_290 = arith.constant 0 : i32
      %dma_start3A_291 = arith.constant 0 : i32
      %dma_start3A_292 = arith.constant 0 : i32
      %dma_start3A_293 = arith.constant 0 : i32
      %dma_start3A_294 = tpu.memref_slice %arg7[%dma_start3A_291, %dma_start3A_292, %dma_start3A_293] : memref<2x128x128xf32, #tpu.memory_space<vmem>> -> memref<1x128x128xf32, #tpu.memory_space<vmem>>
      %dma_start3A_295 = tpu.memref_squeeze %dma_start3A_294 : memref<1x128x128xf32, #tpu.memory_space<vmem>> -> memref<128x128xf32, #tpu.memory_space<vmem>>
      %dma_start3A_296 = arith.constant 0 : i32
      %dma_start3A_297 = tpu.memref_slice %arg6[%dma_start3A_289, %dma_start3A_290, %dma_start3A_296] : memref<2x2x128xi32, #tpu.memory_space<vmem>> -> memref<1x1x128xi32, #tpu.memory_space<vmem>>
      %dma_start3A_298 = tpu.memref_squeeze %dma_start3A_297 : memref<1x1x128xi32, #tpu.memory_space<vmem>> -> memref<128xi32, #tpu.memory_space<vmem>>
      %dma_start3A_299 = arith.constant 0 : i32
      %dma_start3A_300 = arith.constant 0 : i32
      %dma_start3A_301 = tpu.memref_slice %arg2[%dma_start3A_299, %dma_start3A_300] : memref<10000x128xf32, #tpu.memory_space<hbm>> -> memref<10000x128xf32, #tpu.memory_space<hbm>>
      tpu.enqueue_indirect_dma source(%dma_start3A_301 : memref<10000x128xf32, #tpu.memory_space<hbm>>) target(%dma_start3A_295 : memref<128x128xf32, #tpu.memory_space<vmem>>) offsets(%dma_start3A_298 : memref<128xi32, #tpu.memory_space<vmem>>) semaphore(%arg9 : memref<!tpu.dma_semaphore, #tpu.memory_space<semaphore_mem>>)
      %dma_wait3A_302 = arith.constant 1 : i32
      %dma_wait3A_303 = arith.constant 0 : i32
      %dma_wait3A_304 = arith.constant 1 : i32
      %dma_wait3A_305 = arith.constant 0 : i32
      %dma_wait3A_306 = arith.constant 0 : i32
      %dma_wait3A_307 = tpu.memref_slice %arg7[%dma_wait3A_304, %dma_wait3A_305, %dma_wait3A_306] : memref<2x128x128xf32, #tpu.memory_space<vmem>> -> memref<1x128x128xf32, #tpu.memory_space<vmem>>
      %dma_wait3A_308 = tpu.memref_squeeze %dma_wait3A_307 : memref<1x128x128xf32, #tpu.memory_space<vmem>> -> memref<128x128xf32, #tpu.memory_space<vmem>>
      %dma_wait3A_309 = arith.constant 0 : i32
      %dma_wait3A_310 = tpu.memref_slice %arg6[%dma_wait3A_302, %dma_wait3A_303, %dma_wait3A_309] : memref<2x2x128xi32, #tpu.memory_space<vmem>> -> memref<1x1x128xi32, #tpu.memory_space<vmem>>
      %dma_wait3A_311 = tpu.memref_squeeze %dma_wait3A_310 : memref<1x1x128xi32, #tpu.memory_space<vmem>> -> memref<128xi32, #tpu.memory_space<vmem>>
      %dma_wait3A_312 = arith.constant 0 : i32
      %dma_wait3A_313 = arith.constant 0 : i32
      %dma_wait3A_314 = tpu.memref_slice %arg2[%dma_wait3A_312, %dma_wait3A_313] : memref<10000x128xf32, #tpu.memory_space<hbm>> -> memref<10000x128xf32, #tpu.memory_space<hbm>>
      tpu.wait_indirect_dma semaphore(%arg10 : memref<!tpu.dma_semaphore, #tpu.memory_space<semaphore_mem>>) src(%dma_wait3A_314 : memref<10000x128xf32, #tpu.memory_space<hbm>>) dst(%dma_wait3A_308 : memref<128x128xf32, #tpu.memory_space<vmem>>)
      %run_scoped3A_315 = arith.constant 1 : i32
      %run_scoped3A_316 = arith.constant 1 : i32
      %run_scoped3A_317 = arith.constant 1 : i32
      "tpu.region"() ({
        %run_scoped3A_324 = tpu.sem_alloc : memref<!tpu.dma_semaphore, #tpu.memory_space<semaphore_mem>>
        %dma_start3A_325 = arith.constant 0 : i32
        %dma_start3A_326 = arith.constant 0 : i32
        %dma_start3A_327 = tpu.memref_slice %arg7[%run_scoped3A_315, %dma_start3A_325, %dma_start3A_326] : memref<2x128x128xf32, #tpu.memory_space<vmem>> -> memref<1x128x128xf32, #tpu.memory_space<vmem>>
        %dma_start3A_328 = tpu.memref_squeeze %dma_start3A_327 : memref<1x128x128xf32, #tpu.memory_space<vmem>> -> memref<128x128xf32, #tpu.memory_space<vmem>>
        %dma_start3A_329 = arith.constant 0 : i32
        %dma_start3A_330 = tpu.memref_slice %arg6[%run_scoped3A_316, %run_scoped3A_317, %dma_start3A_329] : memref<2x2x128xi32, #tpu.memory_space<vmem>> -> memref<1x1x128xi32, #tpu.memory_space<vmem>>
        %dma_start3A_331 = tpu.memref_squeeze %dma_start3A_330 : memref<1x1x128xi32, #tpu.memory_space<vmem>> -> memref<128xi32, #tpu.memory_space<vmem>>
        %dma_start3A_332 = arith.constant 0 : i32
        %dma_start3A_333 = arith.constant 0 : i32
        %dma_start3A_334 = tpu.memref_slice %arg8[%dma_start3A_332, %dma_start3A_333] : memref<10240x128xf32, #tpu.memory_space<vmem_shared>> -> memref<10240x128xf32, #tpu.memory_space<vmem_shared>>
        tpu.enqueue_indirect_dma source(%dma_start3A_328 : memref<128x128xf32, #tpu.memory_space<vmem>>) target(%dma_start3A_334 : memref<10240x128xf32, #tpu.memory_space<vmem_shared>>) offsets(%dma_start3A_331 : memref<128xi32, #tpu.memory_space<vmem>>) semaphore(%run_scoped3A_324 : memref<!tpu.dma_semaphore, #tpu.memory_space<semaphore_mem>>) {add = true}
        %dma_wait3A_335 = arith.constant 0 : i32
        %dma_wait3A_336 = arith.constant 0 : i32
        %dma_wait3A_337 = tpu.memref_slice %arg7[%run_scoped3A_315, %dma_wait3A_335, %dma_wait3A_336] : memref<2x128x128xf32, #tpu.memory_space<vmem>> -> memref<1x128x128xf32, #tpu.memory_space<vmem>>
        %dma_wait3A_338 = tpu.memref_squeeze %dma_wait3A_337 : memref<1x128x128xf32, #tpu.memory_space<vmem>> -> memref<128x128xf32, #tpu.memory_space<vmem>>
        %dma_wait3A_339 = arith.constant 0 : i32
        %dma_wait3A_340 = tpu.memref_slice %arg6[%run_scoped3A_316, %run_scoped3A_317, %dma_wait3A_339] : memref<2x2x128xi32, #tpu.memory_space<vmem>> -> memref<1x1x128xi32, #tpu.memory_space<vmem>>
        %dma_wait3A_341 = tpu.memref_squeeze %dma_wait3A_340 : memref<1x1x128xi32, #tpu.memory_space<vmem>> -> memref<128xi32, #tpu.memory_space<vmem>>
        %dma_wait3A_342 = arith.constant 0 : i32
        %dma_wait3A_343 = arith.constant 0 : i32
        %dma_wait3A_344 = tpu.memref_slice %arg8[%dma_wait3A_342, %dma_wait3A_343] : memref<10240x128xf32, #tpu.memory_space<vmem_shared>> -> memref<10240x128xf32, #tpu.memory_space<vmem_shared>>
        tpu.wait_indirect_dma semaphore(%run_scoped3A_324 : memref<!tpu.dma_semaphore, #tpu.memory_space<semaphore_mem>>) src(%dma_wait3A_338 : memref<128x128xf32, #tpu.memory_space<vmem>>) dst(%dma_wait3A_344 : memref<10240x128xf32, #tpu.memory_space<vmem_shared>>)
        tpu.yield
      }) : () -> ()
      %scan3A_318 = arith.constant 0 : i32
      %scan3A_319 = arith.constant 0 : i32
      %scan3A_320 = arith.constant 8 : i32
      %scan3A_321 = arith.addi %scan3A_319, %scan3A_320 : i32
      %scan3A_322 = arith.constant 1 : i32
      scf.for %scan3A_324 = %scan3A_319 to %scan3A_321 step %scan3A_322  : i32 {
        %mul3A_325 = arith.constant 16 : i32
        %mul3A_326 = arith.muli %scan3A_324, %mul3A_325 : i32
        %get3A = arith.index_cast %add3A_288 : i32 to index
        %get3A_327 = arith.index_cast %mul3A_326 : i32 to index
        %get3A_328 = tpu.vector_load %arg5[%get3A, %get3A_327] {strides = array<i32>} : memref<80x128xi32, #tpu.memory_space<vmem>>, vector<1x16xi32>,
        %get3A_329 = vector.shape_cast %get3A_328 : vector<1x16xi32> to vector<16xi32>
        %shift_right_logical3A = arith.constant 16 : i32
        %shift_right_logical3A_330 = vector.broadcast %shift_right_logical3A : i32 to vector<16xi32>
        %shift_right_logical3A_331 = arith.shrui %get3A_329, %shift_right_logical3A_330 : vector<16xi32>
        %mul3A_332 = arith.constant 16 : i32
        %mul3A_333 = arith.muli %scan3A_324, %mul3A_332 : i32
        %swap3A = arith.constant 1 : i32
        %swap3A_334 = arith.constant 0 : i32
        %swap3A_335 = arith.index_cast %swap3A : i32 to index
        %swap3A_336 = arith.index_cast %swap3A_334 : i32 to index
        %swap3A_337 = arith.index_cast %mul3A_333 : i32 to index
        %swap3A_338 = tpu.vector_load %arg6[%swap3A_335, %swap3A_336, %swap3A_337] {strides = array<i32>} : memref<2x2x128xi32, #tpu.memory_space<vmem>>, vector<1x1x16xi32>,
        %swap3A_339 = vector.shape_cast %swap3A_338 : vector<1x1x16xi32> to vector<16xi32>
        %swap3A_340 = vector.shape_cast %shift_right_logical3A_331 : vector<16xi32> to vector<1x1x16xi32>
        tpu.vector_store %arg6[%swap3A_335, %swap3A_336, %swap3A_337], %swap3A_340 {strides = array<i32>} : memref<2x2x128xi32, #tpu.memory_space<vmem>>, vector<1x1x16xi32>,
        %and3A = arith.constant 65535 : i32
        %and3A_341 = vector.broadcast %and3A : i32 to vector<16xi32>
        %and3A_342 = arith.andi %get3A_329, %and3A_341 : vector<16xi32>
        %mul3A_343 = arith.constant 16 : i32
        %mul3A_344 = arith.muli %scan3A_324, %mul3A_343 : i32
        %swap3A_345 = arith.constant 1 : i32
        %swap3A_346 = arith.constant 1 : i32
        %swap3A_347 = arith.index_cast %swap3A_345 : i32 to index
        %swap3A_348 = arith.index_cast %swap3A_346 : i32 to index
        %swap3A_349 = arith.index_cast %mul3A_344 : i32 to index
        %swap3A_350 = tpu.vector_load %arg6[%swap3A_347, %swap3A_348, %swap3A_349] {strides = array<i32>} : memref<2x2x128xi32, #tpu.memory_space<vmem>>, vector<1x1x16xi32>,
        %swap3A_351 = vector.shape_cast %swap3A_350 : vector<1x1x16xi32> to vector<16xi32>
        %swap3A_352 = vector.shape_cast %and3A_342 : vector<16xi32> to vector<1x1x16xi32>
        tpu.vector_store %arg6[%swap3A_347, %swap3A_348, %swap3A_349], %swap3A_352 {strides = array<i32>} : memref<2x2x128xi32, #tpu.memory_space<vmem>>, vector<1x1x16xi32>,
      }
      %scan3A_323 = arith.constant 8 : i32
    }
    %scan3A_40 = arith.constant 19 : i32
    %dma_start3A_41 = arith.constant 1 : i32
    %dma_start3A_42 = arith.constant 0 : i32
    %dma_start3A_43 = arith.constant 1 : i32
    %dma_start3A_44 = arith.constant 0 : i32
    %dma_start3A_45 = arith.constant 0 : i32
    %dma_start3A_46 = tpu.memref_slice %arg7[%dma_start3A_43, %dma_start3A_44, %dma_start3A_45] : memref<2x128x128xf32, #tpu.memory_space<vmem>> -> memref<1x128x128xf32, #tpu.memory_space<vmem>>
    %dma_start3A_47 = tpu.memref_squeeze %dma_start3A_46 : memref<1x128x128xf32, #tpu.memory_space<vmem>> -> memref<128x128xf32, #tpu.memory_space<vmem>>
    %dma_start3A_48 = arith.constant 0 : i32
    %dma_start3A_49 = tpu.memref_slice %arg6[%dma_start3A_41, %dma_start3A_42, %dma_start3A_48] : memref<2x2x128xi32, #tpu.memory_space<vmem>> -> memref<1x1x128xi32, #tpu.memory_space<vmem>>
    %dma_start3A_50 = tpu.memref_squeeze %dma_start3A_49 : memref<1x1x128xi32, #tpu.memory_space<vmem>> -> memref<128xi32, #tpu.memory_space<vmem>>
    %dma_start3A_51 = arith.constant 0 : i32
    %dma_start3A_52 = arith.constant 0 : i32
    %dma_start3A_53 = tpu.memref_slice %arg2[%dma_start3A_51, %dma_start3A_52] : memref<10000x128xf32, #tpu.memory_space<hbm>> -> memref<10000x128xf32, #tpu.memory_space<hbm>>
    tpu.enqueue_indirect_dma source(%dma_start3A_53 : memref<10000x128xf32, #tpu.memory_space<hbm>>) target(%dma_start3A_47 : memref<128x128xf32, #tpu.memory_space<vmem>>) offsets(%dma_start3A_50 : memref<128xi32, #tpu.memory_space<vmem>>) semaphore(%arg10 : memref<!tpu.dma_semaphore, #tpu.memory_space<semaphore_mem>>)
    %dma_wait3A = arith.constant 0 : i32
    %dma_wait3A_54 = arith.constant 0 : i32
    %dma_wait3A_55 = arith.constant 0 : i32
    %dma_wait3A_56 = arith.constant 0 : i32
    %dma_wait3A_57 = arith.constant 0 : i32
    %dma_wait3A_58 = tpu.memref_slice %arg7[%dma_wait3A_55, %dma_wait3A_56, %dma_wait3A_57] : memref<2x128x128xf32, #tpu.memory_space<vmem>> -> memref<1x128x128xf32, #tpu.memory_space<vmem>>
    %dma_wait3A_59 = tpu.memref_squeeze %dma_wait3A_58 : memref<1x128x128xf32, #tpu.memory_space<vmem>> -> memref<128x128xf32, #tpu.memory_space<vmem>>
    %dma_wait3A_60 = arith.constant 0 : i32
    %dma_wait3A_61 = tpu.memref_slice %arg6[%dma_wait3A, %dma_wait3A_54, %dma_wait3A_60] : memref<2x2x128xi32, #tpu.memory_space<vmem>> -> memref<1x1x128xi32, #tpu.memory_space<vmem>>
    %dma_wait3A_62 = tpu.memref_squeeze %dma_wait3A_61 : memref<1x1x128xi32, #tpu.memory_space<vmem>> -> memref<128xi32, #tpu.memory_space<vmem>>
    %dma_wait3A_63 = arith.constant 0 : i32
    %dma_wait3A_64 = arith.constant 0 : i32
    %dma_wait3A_65 = tpu.memref_slice %arg2[%dma_wait3A_63, %dma_wait3A_64] : memref<10000x128xf32, #tpu.memory_space<hbm>> -> memref<10000x128xf32, #tpu.memory_space<hbm>>
    tpu.wait_indirect_dma semaphore(%arg9 : memref<!tpu.dma_semaphore, #tpu.memory_space<semaphore_mem>>) src(%dma_wait3A_65 : memref<10000x128xf32, #tpu.memory_space<hbm>>) dst(%dma_wait3A_59 : memref<128x128xf32, #tpu.memory_space<vmem>>)
    %run_scoped3A = arith.constant 0 : i32
    %run_scoped3A_66 = arith.constant 0 : i32
    %run_scoped3A_67 = arith.constant 1 : i32
    "tpu.region"() ({
      %run_scoped3A_158 = tpu.sem_alloc : memref<!tpu.dma_semaphore, #tpu.memory_space<semaphore_mem>>
      %dma_start3A_159 = arith.constant 0 : i32
      %dma_start3A_160 = arith.constant 0 : i32
      %dma_start3A_161 = tpu.memref_slice %arg7[%run_scoped3A, %dma_start3A_159, %dma_start3A_160] : memref<2x128x128xf32, #tpu.memory_space<vmem>> -> memref<1x128x128xf32, #tpu.memory_space<vmem>>
      %dma_start3A_162 = tpu.memref_squeeze %dma_start3A_161 : memref<1x128x128xf32, #tpu.memory_space<vmem>> -> memref<128x128xf32, #tpu.memory_space<vmem>>
      %dma_start3A_163 = arith.constant 0 : i32
      %dma_start3A_164 = tpu.memref_slice %arg6[%run_scoped3A_66, %run_scoped3A_67, %dma_start3A_163] : memref<2x2x128xi32, #tpu.memory_space<vmem>> -> memref<1x1x128xi32, #tpu.memory_space<vmem>>
      %dma_start3A_165 = tpu.memref_squeeze %dma_start3A_164 : memref<1x1x128xi32, #tpu.memory_space<vmem>> -> memref<128xi32, #tpu.memory_space<vmem>>
      %dma_start3A_166 = arith.constant 0 : i32
      %dma_start3A_167 = arith.constant 0 : i32
      %dma_start3A_168 = tpu.memref_slice %arg8[%dma_start3A_166, %dma_start3A_167] : memref<10240x128xf32, #tpu.memory_space<vmem_shared>> -> memref<10240x128xf32, #tpu.memory_space<vmem_shared>>
      tpu.enqueue_indirect_dma source(%dma_start3A_162 : memref<128x128xf32, #tpu.memory_space<vmem>>) target(%dma_start3A_168 : memref<10240x128xf32, #tpu.memory_space<vmem_shared>>) offsets(%dma_start3A_165 : memref<128xi32, #tpu.memory_space<vmem>>) semaphore(%run_scoped3A_158 : memref<!tpu.dma_semaphore, #tpu.memory_space<semaphore_mem>>) {add = true}
      %dma_wait3A_169 = arith.constant 0 : i32
      %dma_wait3A_170 = arith.constant 0 : i32
      %dma_wait3A_171 = tpu.memref_slice %arg7[%run_scoped3A, %dma_wait3A_169, %dma_wait3A_170] : memref<2x128x128xf32, #tpu.memory_space<vmem>> -> memref<1x128x128xf32, #tpu.memory_space<vmem>>
      %dma_wait3A_172 = tpu.memref_squeeze %dma_wait3A_171 : memref<1x128x128xf32, #tpu.memory_space<vmem>> -> memref<128x128xf32, #tpu.memory_space<vmem>>
      %dma_wait3A_173 = arith.constant 0 : i32
      %dma_wait3A_174 = tpu.memref_slice %arg6[%run_scoped3A_66, %run_scoped3A_67, %dma_wait3A_173] : memref<2x2x128xi32, #tpu.memory_space<vmem>> -> memref<1x1x128xi32, #tpu.memory_space<vmem>>
      %dma_wait3A_175 = tpu.memref_squeeze %dma_wait3A_174 : memref<1x1x128xi32, #tpu.memory_space<vmem>> -> memref<128xi32, #tpu.memory_space<vmem>>
      %dma_wait3A_176 = arith.constant 0 : i32
      %dma_wait3A_177 = arith.constant 0 : i32
      %dma_wait3A_178 = tpu.memref_slice %arg8[%dma_wait3A_176, %dma_wait3A_177] : memref<10240x128xf32, #tpu.memory_space<vmem_shared>> -> memref<10240x128xf32, #tpu.memory_space<vmem_shared>>
      tpu.wait_indirect_dma semaphore(%run_scoped3A_158 : memref<!tpu.dma_semaphore, #tpu.memory_space<semaphore_mem>>) src(%dma_wait3A_172 : memref<128x128xf32, #tpu.memory_space<vmem>>) dst(%dma_wait3A_178 : memref<10240x128xf32, #tpu.memory_space<vmem_shared>>)
      tpu.yield
    }) : () -> ()
    %scan3A_68 = arith.constant 0 : i32
    %scan3A_69 = arith.constant 0 : i32
    %scan3A_70 = arith.constant 8 : i32
    %scan3A_71 = arith.addi %scan3A_69, %scan3A_70 : i32
    %scan3A_72 = arith.constant 1 : i32
    scf.for %scan3A_158 = %scan3A_69 to %scan3A_71 step %scan3A_72  : i32 {
      %mul3A_159 = arith.constant 16 : i32
      %mul3A_160 = arith.muli %scan3A_158, %mul3A_159 : i32
      %get3A = arith.constant 78 : i32
      %get3A_161 = arith.index_cast %get3A : i32 to index
      %get3A_162 = arith.index_cast %mul3A_160 : i32 to index
      %get3A_163 = tpu.vector_load %arg5[%get3A_161, %get3A_162] {strides = array<i32>} : memref<80x128xi32, #tpu.memory_space<vmem>>, vector<1x16xi32>,
      %get3A_164 = vector.shape_cast %get3A_163 : vector<1x16xi32> to vector<16xi32>
      %shift_right_logical3A = arith.constant 16 : i32
      %shift_right_logical3A_165 = vector.broadcast %shift_right_logical3A : i32 to vector<16xi32>
      %shift_right_logical3A_166 = arith.shrui %get3A_164, %shift_right_logical3A_165 : vector<16xi32>
      %mul3A_167 = arith.constant 16 : i32
      %mul3A_168 = arith.muli %scan3A_158, %mul3A_167 : i32
      %swap3A = arith.constant 0 : i32
      %swap3A_169 = arith.constant 0 : i32
      %swap3A_170 = arith.index_cast %swap3A : i32 to index
      %swap3A_171 = arith.index_cast %swap3A_169 : i32 to index
      %swap3A_172 = arith.index_cast %mul3A_168 : i32 to index
      %swap3A_173 = tpu.vector_load %arg6[%swap3A_170, %swap3A_171, %swap3A_172] {strides = array<i32>} : memref<2x2x128xi32, #tpu.memory_space<vmem>>, vector<1x1x16xi32>,
      %swap3A_174 = vector.shape_cast %swap3A_173 : vector<1x1x16xi32> to vector<16xi32>
      %swap3A_175 = vector.shape_cast %shift_right_logical3A_166 : vector<16xi32> to vector<1x1x16xi32>
      tpu.vector_store %arg6[%swap3A_170, %swap3A_171, %swap3A_172], %swap3A_175 {strides = array<i32>} : memref<2x2x128xi32, #tpu.memory_space<vmem>>, vector<1x1x16xi32>,
      %and3A = arith.constant 65535 : i32
      %and3A_176 = vector.broadcast %and3A : i32 to vector<16xi32>
      %and3A_177 = arith.andi %get3A_164, %and3A_176 : vector<16xi32>
      %mul3A_178 = arith.constant 16 : i32
      %mul3A_179 = arith.muli %scan3A_158, %mul3A_178 : i32
      %swap3A_180 = arith.constant 0 : i32
      %swap3A_181 = arith.constant 1 : i32
      %swap3A_182 = arith.index_cast %swap3A_180 : i32 to index
      %swap3A_183 = arith.index_cast %swap3A_181 : i32 to index
      %swap3A_184 = arith.index_cast %mul3A_179 : i32 to index
      %swap3A_185 = tpu.vector_load %arg6[%swap3A_182, %swap3A_183, %swap3A_184] {strides = array<i32>} : memref<2x2x128xi32, #tpu.memory_space<vmem>>, vector<1x1x16xi32>,
      %swap3A_186 = vector.shape_cast %swap3A_185 : vector<1x1x16xi32> to vector<16xi32>
      %swap3A_187 = vector.shape_cast %and3A_177 : vector<16xi32> to vector<1x1x16xi32>
      tpu.vector_store %arg6[%swap3A_182, %swap3A_183, %swap3A_184], %swap3A_187 {strides = array<i32>} : memref<2x2x128xi32, #tpu.memory_space<vmem>>, vector<1x1x16xi32>,
    }
    %scan3A_73 = arith.constant 8 : i32
    %dma_start3A_74 = arith.constant 0 : i32
    %dma_start3A_75 = arith.constant 0 : i32
    %dma_start3A_76 = arith.constant 0 : i32
    %dma_start3A_77 = arith.constant 0 : i32
    %dma_start3A_78 = arith.constant 0 : i32
    %dma_start3A_79 = tpu.memref_slice %arg7[%dma_start3A_76, %dma_start3A_77, %dma_start3A_78] : memref<2x128x128xf32, #tpu.memory_space<vmem>> -> memref<1x128x128xf32, #tpu.memory_space<vmem>>
    %dma_start3A_80 = tpu.memref_squeeze %dma_start3A_79 : memref<1x128x128xf32, #tpu.memory_space<vmem>> -> memref<128x128xf32, #tpu.memory_space<vmem>>
    %dma_start3A_81 = arith.constant 0 : i32
    %dma_start3A_82 = tpu.memref_slice %arg6[%dma_start3A_74, %dma_start3A_75, %dma_start3A_81] : memref<2x2x128xi32, #tpu.memory_space<vmem>> -> memref<1x1x128xi32, #tpu.memory_space<vmem>>
    %dma_start3A_83 = tpu.memref_squeeze %dma_start3A_82 : memref<1x1x128xi32, #tpu.memory_space<vmem>> -> memref<128xi32, #tpu.memory_space<vmem>>
    %dma_start3A_84 = arith.constant 0 : i32
    %dma_start3A_85 = arith.constant 0 : i32
    %dma_start3A_86 = tpu.memref_slice %arg2[%dma_start3A_84, %dma_start3A_85] : memref<10000x128xf32, #tpu.memory_space<hbm>> -> memref<10000x128xf32, #tpu.memory_space<hbm>>
    tpu.enqueue_indirect_dma source(%dma_start3A_86 : memref<10000x128xf32, #tpu.memory_space<hbm>>) target(%dma_start3A_80 : memref<128x128xf32, #tpu.memory_space<vmem>>) offsets(%dma_start3A_83 : memref<128xi32, #tpu.memory_space<vmem>>) semaphore(%arg9 : memref<!tpu.dma_semaphore, #tpu.memory_space<semaphore_mem>>)
    %dma_wait3A_87 = arith.constant 1 : i32
    %dma_wait3A_88 = arith.constant 0 : i32
    %dma_wait3A_89 = arith.constant 1 : i32
    %dma_wait3A_90 = arith.constant 0 : i32
    %dma_wait3A_91 = arith.constant 0 : i32
    %dma_wait3A_92 = tpu.memref_slice %arg7[%dma_wait3A_89, %dma_wait3A_90, %dma_wait3A_91] : memref<2x128x128xf32, #tpu.memory_space<vmem>> -> memref<1x128x128xf32, #tpu.memory_space<vmem>>
    %dma_wait3A_93 = tpu.memref_squeeze %dma_wait3A_92 : memref<1x128x128xf32, #tpu.memory_space<vmem>> -> memref<128x128xf32, #tpu.memory_space<vmem>>
    %dma_wait3A_94 = arith.constant 0 : i32
    %dma_wait3A_95 = tpu.memref_slice %arg6[%dma_wait3A_87, %dma_wait3A_88, %dma_wait3A_94] : memref<2x2x128xi32, #tpu.memory_space<vmem>> -> memref<1x1x128xi32, #tpu.memory_space<vmem>>
    %dma_wait3A_96 = tpu.memref_squeeze %dma_wait3A_95 : memref<1x1x128xi32, #tpu.memory_space<vmem>> -> memref<128xi32, #tpu.memory_space<vmem>>
    %dma_wait3A_97 = arith.constant 0 : i32
    %dma_wait3A_98 = arith.constant 0 : i32
    %dma_wait3A_99 = tpu.memref_slice %arg2[%dma_wait3A_97, %dma_wait3A_98] : memref<10000x128xf32, #tpu.memory_space<hbm>> -> memref<10000x128xf32, #tpu.memory_space<hbm>>
    tpu.wait_indirect_dma semaphore(%arg10 : memref<!tpu.dma_semaphore, #tpu.memory_space<semaphore_mem>>) src(%dma_wait3A_99 : memref<10000x128xf32, #tpu.memory_space<hbm>>) dst(%dma_wait3A_93 : memref<128x128xf32, #tpu.memory_space<vmem>>)
    %run_scoped3A_100 = arith.constant 1 : i32
    %run_scoped3A_101 = arith.constant 1 : i32
    %run_scoped3A_102 = arith.constant 1 : i32
    "tpu.region"() ({
      %run_scoped3A_158 = tpu.sem_alloc : memref<!tpu.dma_semaphore, #tpu.memory_space<semaphore_mem>>
      %dma_start3A_159 = arith.constant 0 : i32
      %dma_start3A_160 = arith.constant 0 : i32
      %dma_start3A_161 = tpu.memref_slice %arg7[%run_scoped3A_100, %dma_start3A_159, %dma_start3A_160] : memref<2x128x128xf32, #tpu.memory_space<vmem>> -> memref<1x128x128xf32, #tpu.memory_space<vmem>>
      %dma_start3A_162 = tpu.memref_squeeze %dma_start3A_161 : memref<1x128x128xf32, #tpu.memory_space<vmem>> -> memref<128x128xf32, #tpu.memory_space<vmem>>
      %dma_start3A_163 = arith.constant 0 : i32
      %dma_start3A_164 = tpu.memref_slice %arg6[%run_scoped3A_101, %run_scoped3A_102, %dma_start3A_163] : memref<2x2x128xi32, #tpu.memory_space<vmem>> -> memref<1x1x128xi32, #tpu.memory_space<vmem>>
      %dma_start3A_165 = tpu.memref_squeeze %dma_start3A_164 : memref<1x1x128xi32, #tpu.memory_space<vmem>> -> memref<128xi32, #tpu.memory_space<vmem>>
      %dma_start3A_166 = arith.constant 0 : i32
      %dma_start3A_167 = arith.constant 0 : i32
      %dma_start3A_168 = tpu.memref_slice %arg8[%dma_start3A_166, %dma_start3A_167] : memref<10240x128xf32, #tpu.memory_space<vmem_shared>> -> memref<10240x128xf32, #tpu.memory_space<vmem_shared>>
      tpu.enqueue_indirect_dma source(%dma_start3A_162 : memref<128x128xf32, #tpu.memory_space<vmem>>) target(%dma_start3A_168 : memref<10240x128xf32, #tpu.memory_space<vmem_shared>>) offsets(%dma_start3A_165 : memref<128xi32, #tpu.memory_space<vmem>>) semaphore(%run_scoped3A_158 : memref<!tpu.dma_semaphore, #tpu.memory_space<semaphore_mem>>) {add = true}
      %dma_wait3A_169 = arith.constant 0 : i32
      %dma_wait3A_170 = arith.constant 0 : i32
      %dma_wait3A_171 = tpu.memref_slice %arg7[%run_scoped3A_100, %dma_wait3A_169, %dma_wait3A_170] : memref<2x128x128xf32, #tpu.memory_space<vmem>> -> memref<1x128x128xf32, #tpu.memory_space<vmem>>
      %dma_wait3A_172 = tpu.memref_squeeze %dma_wait3A_171 : memref<1x128x128xf32, #tpu.memory_space<vmem>> -> memref<128x128xf32, #tpu.memory_space<vmem>>
      %dma_wait3A_173 = arith.constant 0 : i32
      %dma_wait3A_174 = tpu.memref_slice %arg6[%run_scoped3A_101, %run_scoped3A_102, %dma_wait3A_173] : memref<2x2x128xi32, #tpu.memory_space<vmem>> -> memref<1x1x128xi32, #tpu.memory_space<vmem>>
      %dma_wait3A_175 = tpu.memref_squeeze %dma_wait3A_174 : memref<1x1x128xi32, #tpu.memory_space<vmem>> -> memref<128xi32, #tpu.memory_space<vmem>>
      %dma_wait3A_176 = arith.constant 0 : i32
      %dma_wait3A_177 = arith.constant 0 : i32
      %dma_wait3A_178 = tpu.memref_slice %arg8[%dma_wait3A_176, %dma_wait3A_177] : memref<10240x128xf32, #tpu.memory_space<vmem_shared>> -> memref<10240x128xf32, #tpu.memory_space<vmem_shared>>
      tpu.wait_indirect_dma semaphore(%run_scoped3A_158 : memref<!tpu.dma_semaphore, #tpu.memory_space<semaphore_mem>>) src(%dma_wait3A_172 : memref<128x128xf32, #tpu.memory_space<vmem>>) dst(%dma_wait3A_178 : memref<10240x128xf32, #tpu.memory_space<vmem_shared>>)
      tpu.yield
    }) : () -> ()
    %scan3A_103 = arith.constant 0 : i32
    %scan3A_104 = arith.constant 0 : i32
    %scan3A_105 = arith.constant 8 : i32
    %scan3A_106 = arith.addi %scan3A_104, %scan3A_105 : i32
    %scan3A_107 = arith.constant 1 : i32
    scf.for %scan3A_158 = %scan3A_104 to %scan3A_106 step %scan3A_107  : i32 {
      %mul3A_159 = arith.constant 16 : i32
      %mul3A_160 = arith.muli %scan3A_158, %mul3A_159 : i32
      %get3A = arith.constant 79 : i32
      %get3A_161 = arith.index_cast %get3A : i32 to index
      %get3A_162 = arith.index_cast %mul3A_160 : i32 to index
      %get3A_163 = tpu.vector_load %arg5[%get3A_161, %get3A_162] {strides = array<i32>} : memref<80x128xi32, #tpu.memory_space<vmem>>, vector<1x16xi32>,
      %get3A_164 = vector.shape_cast %get3A_163 : vector<1x16xi32> to vector<16xi32>
      %shift_right_logical3A = arith.constant 16 : i32
      %shift_right_logical3A_165 = vector.broadcast %shift_right_logical3A : i32 to vector<16xi32>
      %shift_right_logical3A_166 = arith.shrui %get3A_164, %shift_right_logical3A_165 : vector<16xi32>
      %mul3A_167 = arith.constant 16 : i32
      %mul3A_168 = arith.muli %scan3A_158, %mul3A_167 : i32
      %swap3A = arith.constant 1 : i32
      %swap3A_169 = arith.constant 0 : i32
      %swap3A_170 = arith.index_cast %swap3A : i32 to index
      %swap3A_171 = arith.index_cast %swap3A_169 : i32 to index
      %swap3A_172 = arith.index_cast %mul3A_168 : i32 to index
      %swap3A_173 = tpu.vector_load %arg6[%swap3A_170, %swap3A_171, %swap3A_172] {strides = array<i32>} : memref<2x2x128xi32, #tpu.memory_space<vmem>>, vector<1x1x16xi32>,
      %swap3A_174 = vector.shape_cast %swap3A_173 : vector<1x1x16xi32> to vector<16xi32>
      %swap3A_175 = vector.shape_cast %shift_right_logical3A_166 : vector<16xi32> to vector<1x1x16xi32>
      tpu.vector_store %arg6[%swap3A_170, %swap3A_171, %swap3A_172], %swap3A_175 {strides = array<i32>} : memref<2x2x128xi32, #tpu.memory_space<vmem>>, vector<1x1x16xi32>,
      %and3A = arith.constant 65535 : i32
      %and3A_176 = vector.broadcast %and3A : i32 to vector<16xi32>
      %and3A_177 = arith.andi %get3A_164, %and3A_176 : vector<16xi32>
      %mul3A_178 = arith.constant 16 : i32
      %mul3A_179 = arith.muli %scan3A_158, %mul3A_178 : i32
      %swap3A_180 = arith.constant 1 : i32
      %swap3A_181 = arith.constant 1 : i32
      %swap3A_182 = arith.index_cast %swap3A_180 : i32 to index
      %swap3A_183 = arith.index_cast %swap3A_181 : i32 to index
      %swap3A_184 = arith.index_cast %mul3A_179 : i32 to index
      %swap3A_185 = tpu.vector_load %arg6[%swap3A_182, %swap3A_183, %swap3A_184] {strides = array<i32>} : memref<2x2x128xi32, #tpu.memory_space<vmem>>, vector<1x1x16xi32>,
      %swap3A_186 = vector.shape_cast %swap3A_185 : vector<1x1x16xi32> to vector<16xi32>
      %swap3A_187 = vector.shape_cast %and3A_177 : vector<16xi32> to vector<1x1x16xi32>
      tpu.vector_store %arg6[%swap3A_182, %swap3A_183, %swap3A_184], %swap3A_187 {strides = array<i32>} : memref<2x2x128xi32, #tpu.memory_space<vmem>>, vector<1x1x16xi32>,
    }
    %scan3A_108 = arith.constant 8 : i32
    %dma_start3A_109 = arith.constant 1 : i32
    %dma_start3A_110 = arith.constant 0 : i32
    %dma_start3A_111 = arith.constant 1 : i32
    %dma_start3A_112 = arith.constant 0 : i32
    %dma_start3A_113 = arith.constant 0 : i32
    %dma_start3A_114 = tpu.memref_slice %arg7[%dma_start3A_111, %dma_start3A_112, %dma_start3A_113] : memref<2x128x128xf32, #tpu.memory_space<vmem>> -> memref<1x128x128xf32, #tpu.memory_space<vmem>>
    %dma_start3A_115 = tpu.memref_squeeze %dma_start3A_114 : memref<1x128x128xf32, #tpu.memory_space<vmem>> -> memref<128x128xf32, #tpu.memory_space<vmem>>
    %dma_start3A_116 = arith.constant 0 : i32
    %dma_start3A_117 = tpu.memref_slice %arg6[%dma_start3A_109, %dma_start3A_110, %dma_start3A_116] : memref<2x2x128xi32, #tpu.memory_space<vmem>> -> memref<1x1x128xi32, #tpu.memory_space<vmem>>
    %dma_start3A_118 = tpu.memref_squeeze %dma_start3A_117 : memref<1x1x128xi32, #tpu.memory_space<vmem>> -> memref<128xi32, #tpu.memory_space<vmem>>
    %dma_start3A_119 = arith.constant 0 : i32
    %dma_start3A_120 = arith.constant 0 : i32
    %dma_start3A_121 = tpu.memref_slice %arg2[%dma_start3A_119, %dma_start3A_120] : memref<10000x128xf32, #tpu.memory_space<hbm>> -> memref<10000x128xf32, #tpu.memory_space<hbm>>
    tpu.enqueue_indirect_dma source(%dma_start3A_121 : memref<10000x128xf32, #tpu.memory_space<hbm>>) target(%dma_start3A_115 : memref<128x128xf32, #tpu.memory_space<vmem>>) offsets(%dma_start3A_118 : memref<128xi32, #tpu.memory_space<vmem>>) semaphore(%arg10 : memref<!tpu.dma_semaphore, #tpu.memory_space<semaphore_mem>>)
    %dma_wait3A_122 = arith.constant 0 : i32
    %dma_wait3A_123 = arith.constant 0 : i32
    %dma_wait3A_124 = arith.constant 0 : i32
    %dma_wait3A_125 = arith.constant 0 : i32
    %dma_wait3A_126 = arith.constant 0 : i32
    %dma_wait3A_127 = tpu.memref_slice %arg7[%dma_wait3A_124, %dma_wait3A_125, %dma_wait3A_126] : memref<2x128x128xf32, #tpu.memory_space<vmem>> -> memref<1x128x128xf32, #tpu.memory_space<vmem>>
    %dma_wait3A_128 = tpu.memref_squeeze %dma_wait3A_127 : memref<1x128x128xf32, #tpu.memory_space<vmem>> -> memref<128x128xf32, #tpu.memory_space<vmem>>
    %dma_wait3A_129 = arith.constant 0 : i32
    %dma_wait3A_130 = tpu.memref_slice %arg6[%dma_wait3A_122, %dma_wait3A_123, %dma_wait3A_129] : memref<2x2x128xi32, #tpu.memory_space<vmem>> -> memref<1x1x128xi32, #tpu.memory_space<vmem>>
    %dma_wait3A_131 = tpu.memref_squeeze %dma_wait3A_130 : memref<1x1x128xi32, #tpu.memory_space<vmem>> -> memref<128xi32, #tpu.memory_space<vmem>>
    %dma_wait3A_132 = arith.constant 0 : i32
    %dma_wait3A_133 = arith.constant 0 : i32
    %dma_wait3A_134 = tpu.memref_slice %arg2[%dma_wait3A_132, %dma_wait3A_133] : memref<10000x128xf32, #tpu.memory_space<hbm>> -> memref<10000x128xf32, #tpu.memory_space<hbm>>
    tpu.wait_indirect_dma semaphore(%arg9 : memref<!tpu.dma_semaphore, #tpu.memory_space<semaphore_mem>>) src(%dma_wait3A_134 : memref<10000x128xf32, #tpu.memory_space<hbm>>) dst(%dma_wait3A_128 : memref<128x128xf32, #tpu.memory_space<vmem>>)
    %run_scoped3A_135 = arith.constant 0 : i32
    %run_scoped3A_136 = arith.constant 0 : i32
    %run_scoped3A_137 = arith.constant 1 : i32
    "tpu.region"() ({
      %run_scoped3A_158 = tpu.sem_alloc : memref<!tpu.dma_semaphore, #tpu.memory_space<semaphore_mem>>
      %dma_start3A_159 = arith.constant 0 : i32
      %dma_start3A_160 = arith.constant 0 : i32
      %dma_start3A_161 = tpu.memref_slice %arg7[%run_scoped3A_135, %dma_start3A_159, %dma_start3A_160] : memref<2x128x128xf32, #tpu.memory_space<vmem>> -> memref<1x128x128xf32, #tpu.memory_space<vmem>>
      %dma_start3A_162 = tpu.memref_squeeze %dma_start3A_161 : memref<1x128x128xf32, #tpu.memory_space<vmem>> -> memref<128x128xf32, #tpu.memory_space<vmem>>
      %dma_start3A_163 = arith.constant 0 : i32
      %dma_start3A_164 = tpu.memref_slice %arg6[%run_scoped3A_136, %run_scoped3A_137, %dma_start3A_163] : memref<2x2x128xi32, #tpu.memory_space<vmem>> -> memref<1x1x128xi32, #tpu.memory_space<vmem>>
      %dma_start3A_165 = tpu.memref_squeeze %dma_start3A_164 : memref<1x1x128xi32, #tpu.memory_space<vmem>> -> memref<128xi32, #tpu.memory_space<vmem>>
      %dma_start3A_166 = arith.constant 0 : i32
      %dma_start3A_167 = arith.constant 0 : i32
      %dma_start3A_168 = tpu.memref_slice %arg8[%dma_start3A_166, %dma_start3A_167] : memref<10240x128xf32, #tpu.memory_space<vmem_shared>> -> memref<10240x128xf32, #tpu.memory_space<vmem_shared>>
      tpu.enqueue_indirect_dma source(%dma_start3A_162 : memref<128x128xf32, #tpu.memory_space<vmem>>) target(%dma_start3A_168 : memref<10240x128xf32, #tpu.memory_space<vmem_shared>>) offsets(%dma_start3A_165 : memref<128xi32, #tpu.memory_space<vmem>>) semaphore(%run_scoped3A_158 : memref<!tpu.dma_semaphore, #tpu.memory_space<semaphore_mem>>) {add = true}
      %dma_wait3A_169 = arith.constant 0 : i32
      %dma_wait3A_170 = arith.constant 0 : i32
      %dma_wait3A_171 = tpu.memref_slice %arg7[%run_scoped3A_135, %dma_wait3A_169, %dma_wait3A_170] : memref<2x128x128xf32, #tpu.memory_space<vmem>> -> memref<1x128x128xf32, #tpu.memory_space<vmem>>
      %dma_wait3A_172 = tpu.memref_squeeze %dma_wait3A_171 : memref<1x128x128xf32, #tpu.memory_space<vmem>> -> memref<128x128xf32, #tpu.memory_space<vmem>>
      %dma_wait3A_173 = arith.constant 0 : i32
      %dma_wait3A_174 = tpu.memref_slice %arg6[%run_scoped3A_136, %run_scoped3A_137, %dma_wait3A_173] : memref<2x2x128xi32, #tpu.memory_space<vmem>> -> memref<1x1x128xi32, #tpu.memory_space<vmem>>
      %dma_wait3A_175 = tpu.memref_squeeze %dma_wait3A_174 : memref<1x1x128xi32, #tpu.memory_space<vmem>> -> memref<128xi32, #tpu.memory_space<vmem>>
      %dma_wait3A_176 = arith.constant 0 : i32
      %dma_wait3A_177 = arith.constant 0 : i32
      %dma_wait3A_178 = tpu.memref_slice %arg8[%dma_wait3A_176, %dma_wait3A_177] : memref<10240x128xf32, #tpu.memory_space<vmem_shared>> -> memref<10240x128xf32, #tpu.memory_space<vmem_shared>>
      tpu.wait_indirect_dma semaphore(%run_scoped3A_158 : memref<!tpu.dma_semaphore, #tpu.memory_space<semaphore_mem>>) src(%dma_wait3A_172 : memref<128x128xf32, #tpu.memory_space<vmem>>) dst(%dma_wait3A_178 : memref<10240x128xf32, #tpu.memory_space<vmem_shared>>)
      tpu.yield
    }) : () -> ()
    %dma_wait3A_138 = arith.constant 1 : i32
    %dma_wait3A_139 = arith.constant 0 : i32
    %dma_wait3A_140 = arith.constant 1 : i32
    %dma_wait3A_141 = arith.constant 0 : i32
    %dma_wait3A_142 = arith.constant 0 : i32
    %dma_wait3A_143 = tpu.memref_slice %arg7[%dma_wait3A_140, %dma_wait3A_141, %dma_wait3A_142] : memref<2x128x128xf32, #tpu.memory_space<vmem>> -> memref<1x128x128xf32, #tpu.memory_space<vmem>>
    %dma_wait3A_144 = tpu.memref_squeeze %dma_wait3A_143 : memref<1x128x128xf32, #tpu.memory_space<vmem>> -> memref<128x128xf32, #tpu.memory_space<vmem>>
    %dma_wait3A_145 = arith.constant 0 : i32
    %dma_wait3A_146 = tpu.memref_slice %arg6[%dma_wait3A_138, %dma_wait3A_139, %dma_wait3A_145] : memref<2x2x128xi32, #tpu.memory_space<vmem>> -> memref<1x1x128xi32, #tpu.memory_space<vmem>>
    %dma_wait3A_147 = tpu.memref_squeeze %dma_wait3A_146 : memref<1x1x128xi32, #tpu.memory_space<vmem>> -> memref<128xi32, #tpu.memory_space<vmem>>
    %dma_wait3A_148 = arith.constant 0 : i32
    %dma_wait3A_149 = arith.constant 0 : i32
    %dma_wait3A_150 = tpu.memref_slice %arg2[%dma_wait3A_148, %dma_wait3A_149] : memref<10000x128xf32, #tpu.memory_space<hbm>> -> memref<10000x128xf32, #tpu.memory_space<hbm>>
    tpu.wait_indirect_dma semaphore(%arg10 : memref<!tpu.dma_semaphore, #tpu.memory_space<semaphore_mem>>) src(%dma_wait3A_150 : memref<10000x128xf32, #tpu.memory_space<hbm>>) dst(%dma_wait3A_144 : memref<128x128xf32, #tpu.memory_space<vmem>>)
    %run_scoped3A_151 = arith.constant 1 : i32
    %run_scoped3A_152 = arith.constant 1 : i32
    %run_scoped3A_153 = arith.constant 1 : i32
    "tpu.region"() ({
      %run_scoped3A_158 = tpu.sem_alloc : memref<!tpu.dma_semaphore, #tpu.memory_space<semaphore_mem>>
      %dma_start3A_159 = arith.constant 0 : i32
      %dma_start3A_160 = arith.constant 0 : i32
      %dma_start3A_161 = tpu.memref_slice %arg7[%run_scoped3A_151, %dma_start3A_159, %dma_start3A_160] : memref<2x128x128xf32, #tpu.memory_space<vmem>> -> memref<1x128x128xf32, #tpu.memory_space<vmem>>
      %dma_start3A_162 = tpu.memref_squeeze %dma_start3A_161 : memref<1x128x128xf32, #tpu.memory_space<vmem>> -> memref<128x128xf32, #tpu.memory_space<vmem>>
      %dma_start3A_163 = arith.constant 0 : i32
      %dma_start3A_164 = tpu.memref_slice %arg6[%run_scoped3A_152, %run_scoped3A_153, %dma_start3A_163] : memref<2x2x128xi32, #tpu.memory_space<vmem>> -> memref<1x1x128xi32, #tpu.memory_space<vmem>>
      %dma_start3A_165 = tpu.memref_squeeze %dma_start3A_164 : memref<1x1x128xi32, #tpu.memory_space<vmem>> -> memref<128xi32, #tpu.memory_space<vmem>>
      %dma_start3A_166 = arith.constant 0 : i32
      %dma_start3A_167 = arith.constant 0 : i32
      %dma_start3A_168 = tpu.memref_slice %arg8[%dma_start3A_166, %dma_start3A_167] : memref<10240x128xf32, #tpu.memory_space<vmem_shared>> -> memref<10240x128xf32, #tpu.memory_space<vmem_shared>>
      tpu.enqueue_indirect_dma source(%dma_start3A_162 : memref<128x128xf32, #tpu.memory_space<vmem>>) target(%dma_start3A_168 : memref<10240x128xf32, #tpu.memory_space<vmem_shared>>) offsets(%dma_start3A_165 : memref<128xi32, #tpu.memory_space<vmem>>) semaphore(%run_scoped3A_158 : memref<!tpu.dma_semaphore, #tpu.memory_space<semaphore_mem>>) {add = true}
      %dma_wait3A_169 = arith.constant 0 : i32
      %dma_wait3A_170 = arith.constant 0 : i32
      %dma_wait3A_171 = tpu.memref_slice %arg7[%run_scoped3A_151, %dma_wait3A_169, %dma_wait3A_170] : memref<2x128x128xf32, #tpu.memory_space<vmem>> -> memref<1x128x128xf32, #tpu.memory_space<vmem>>
      %dma_wait3A_172 = tpu.memref_squeeze %dma_wait3A_171 : memref<1x128x128xf32, #tpu.memory_space<vmem>> -> memref<128x128xf32, #tpu.memory_space<vmem>>
      %dma_wait3A_173 = arith.constant 0 : i32
      %dma_wait3A_174 = tpu.memref_slice %arg6[%run_scoped3A_152, %run_scoped3A_153, %dma_wait3A_173] : memref<2x2x128xi32, #tpu.memory_space<vmem>> -> memref<1x1x128xi32, #tpu.memory_space<vmem>>
      %dma_wait3A_175 = tpu.memref_squeeze %dma_wait3A_174 : memref<1x1x128xi32, #tpu.memory_space<vmem>> -> memref<128xi32, #tpu.memory_space<vmem>>
      %dma_wait3A_176 = arith.constant 0 : i32
      %dma_wait3A_177 = arith.constant 0 : i32
      %dma_wait3A_178 = tpu.memref_slice %arg8[%dma_wait3A_176, %dma_wait3A_177] : memref<10240x128xf32, #tpu.memory_space<vmem_shared>> -> memref<10240x128xf32, #tpu.memory_space<vmem_shared>>
      tpu.wait_indirect_dma semaphore(%run_scoped3A_158 : memref<!tpu.dma_semaphore, #tpu.memory_space<semaphore_mem>>) src(%dma_wait3A_172 : memref<128x128xf32, #tpu.memory_space<vmem>>) dst(%dma_wait3A_178 : memref<10240x128xf32, #tpu.memory_space<vmem_shared>>)
      tpu.yield
    }) : () -> ()
    %barrier3A_154 = arith.constant 0 : index
    tpu.barrier barrier_id(%barrier3A_154)
    %mul3A = arith.constant 640 : i32
    %mul3A_155 = arith.muli %arg1, %mul3A : i32
    %mul3A_156 = arith.constant 640 : i32
    %mul3A_157 = arith.muli %arg1, %mul3A_156 : i32
    "tpu.region"() ({
      %run_scoped3A_158 = tpu.sem_alloc : memref<!tpu.dma_semaphore, #tpu.memory_space<semaphore_mem>>
      %dma_start3A_159 = arith.constant 0 : i32
      %dma_start3A_160 = tpu.memref_slice %arg4[%arg0, %mul3A_157, %dma_start3A_159] : memref<2x10240x128xf32, #tpu.memory_space<hbm>> -> memref<1x640x128xf32, #tpu.memory_space<hbm>>
      %dma_start3A_161 = tpu.memref_squeeze %dma_start3A_160 : memref<1x640x128xf32, #tpu.memory_space<hbm>> -> memref<640x128xf32, #tpu.memory_space<hbm>>
      %dma_start3A_162 = arith.constant 0 : i32
      %dma_start3A_163 = tpu.memref_slice %arg8[%mul3A_155, %dma_start3A_162] : memref<10240x128xf32, #tpu.memory_space<vmem_shared>> -> memref<640x128xf32, #tpu.memory_space<vmem_shared>>
      tpu.enqueue_dma source(%dma_start3A_163 : memref<640x128xf32, #tpu.memory_space<vmem_shared>>) target(%dma_start3A_161 : memref<640x128xf32, #tpu.memory_space<hbm>>) target_semaphore(%run_scoped3A_158 : memref<!tpu.dma_semaphore, #tpu.memory_space<semaphore_mem>>)
      %dma_wait3A_164 = arith.constant 0 : i32
      %dma_wait3A_165 = tpu.memref_slice %arg4[%arg0, %mul3A_157, %dma_wait3A_164] : memref<2x10240x128xf32, #tpu.memory_space<hbm>> -> memref<1x640x128xf32, #tpu.memory_space<hbm>>
      %dma_wait3A_166 = tpu.memref_squeeze %dma_wait3A_165 : memref<1x640x128xf32, #tpu.memory_space<hbm>> -> memref<640x128xf32, #tpu.memory_space<hbm>>
      %dma_wait3A_167 = arith.constant 0 : i32
      %dma_wait3A_168 = tpu.memref_slice %arg8[%mul3A_155, %dma_wait3A_167] : memref<10240x128xf32, #tpu.memory_space<vmem_shared>> -> memref<640x128xf32, #tpu.memory_space<vmem_shared>>
      tpu.wait_dma2 semaphore(%run_scoped3A_158 : memref<!tpu.dma_semaphore, #tpu.memory_space<semaphore_mem>>) src(%dma_wait3A_168 : memref<640x128xf32, #tpu.memory_space<vmem_shared>>) dst(%dma_wait3A_166 : memref<640x128xf32, #tpu.memory_space<hbm>>)
      tpu.yield
    }) : () -> ()
    return
  }
}

module attributes {stable_mosaic.version = 14 : i64} {
  func.func @_embed_body(%arg0: i32, %arg1: memref<1000x1553xf32, #tpu.memory_space<vmem>>, %arg2: memref<1553x128xf32, #tpu.memory_space<vmem>>, %arg3: memref<128x128xf32, #tpu.memory_space<vmem>>, %arg4: memref<1x128xf32, #tpu.memory_space<vmem>>, %arg5: memref<1x128xf32, #tpu.memory_space<vmem>>, %arg6: memref<1000x128xf32, #tpu.memory_space<vmem>>) attributes {dimension_semantics = [#tpu.dimension_semantics<arbitrary>], iteration_bounds = array<i64: 10>, scalar_prefetch = 0 : i64, scratch_operands = 0 : i64, tpu.core_type = #tpu.core_type<tc>, window_params = [{transform_indices = @transform_0, window_bounds = array<i64: 1000, 1553>}, {pipeline_mode = #tpu.pipeline_mode<synchronous>, transform_indices = @transform_1, window_bounds = array<i64: 1553, 128>}, {pipeline_mode = #tpu.pipeline_mode<synchronous>, transform_indices = @transform_2, window_bounds = array<i64: 128, 128>}, {pipeline_mode = #tpu.pipeline_mode<synchronous>, transform_indices = @transform_3, window_bounds = array<i64: 1, 128>}, {pipeline_mode = #tpu.pipeline_mode<synchronous>, transform_indices = @transform_4, window_bounds = array<i64: 1, 128>}, {transform_indices = @transform_5, window_bounds = array<i64: 1000, 128>}]} {
    %get3A = arith.constant 0 : index
    %get3A_0 = arith.constant 0 : index
    %get3A_1 = vector.load %arg1[%get3A, %get3A_0] : memref<1000x1553xf32, #tpu.memory_space<vmem>>, vector<1000x1553xf32>
    %get3A_2 = arith.constant 0 : index
    %get3A_3 = arith.constant 0 : index
    %get3A_4 = vector.load %arg2[%get3A_2, %get3A_3] : memref<1553x128xf32, #tpu.memory_space<vmem>>, vector<1553x128xf32>
    %dot_general3A = arith.constant dense<0.000000e+00> : vector<1000x128xf32>
    %dot_general3A_5 = tpu.matmul %get3A_1, %get3A_4, %dot_general3A {dimension_numbers = #tpu.dot_dimension_numbers<[1], [0], [0], [1], [0, 0, 1, 1], [], []>, transpose_lhs_hint = false} : vector<1000x1553xf32>, vector<1553x128xf32>, vector<1000x128xf32> -> vector<1000x128xf32>
    %get3A_6 = arith.constant 0 : index
    %get3A_7 = arith.constant 0 : index
    %get3A_8 = vector.load %arg4[%get3A_6, %get3A_7] : memref<1x128xf32, #tpu.memory_space<vmem>>, vector<1x128xf32>
    %add3A = vector.broadcast %get3A_8 : vector<1x128xf32> to vector<1000x128xf32>
    %add3A_9 = arith.addf %dot_general3A_5, %add3A : vector<1000x128xf32>
    %mul3A = arith.constant 0.00999999977 : f32
    %mul3A_10 = vector.broadcast %mul3A : f32 to vector<1000x128xf32>
    %mul3A_11 = arith.mulf %mul3A_10, %add3A_9 : vector<1000x128xf32>
    %max3A = arith.maximumf %add3A_9, %mul3A_11 : vector<1000x128xf32>
    %get3A_12 = arith.constant 0 : index
    %get3A_13 = arith.constant 0 : index
    %get3A_14 = vector.load %arg3[%get3A_12, %get3A_13] : memref<128x128xf32, #tpu.memory_space<vmem>>, vector<128x128xf32>
    %dot_general3A_15 = arith.constant dense<0.000000e+00> : vector<1000x128xf32>
    %dot_general3A_16 = tpu.matmul %max3A, %get3A_14, %dot_general3A_15 {dimension_numbers = #tpu.dot_dimension_numbers<[1], [0], [0], [1], [0, 0, 1, 1], [], []>, transpose_lhs_hint = false} : vector<1000x128xf32>, vector<128x128xf32>, vector<1000x128xf32> -> vector<1000x128xf32>
    %get3A_17 = arith.constant 0 : index
    %get3A_18 = arith.constant 0 : index
    %get3A_19 = vector.load %arg5[%get3A_17, %get3A_18] : memref<1x128xf32, #tpu.memory_space<vmem>>, vector<1x128xf32>
    %add3A_20 = vector.broadcast %get3A_19 : vector<1x128xf32> to vector<1000x128xf32>
    %add3A_21 = arith.addf %dot_general3A_16, %add3A_20 : vector<1000x128xf32>
    %mul3A_22 = arith.constant 0.00999999977 : f32
    %mul3A_23 = vector.broadcast %mul3A_22 : f32 to vector<1000x128xf32>
    %mul3A_24 = arith.mulf %mul3A_23, %add3A_21 : vector<1000x128xf32>
    %max3A_25 = arith.maximumf %add3A_21, %mul3A_24 : vector<1000x128xf32>
    %swap3A = arith.constant 0 : index
    %swap3A_26 = arith.constant 0 : index
    %swap3A_27 = vector.load %arg6[%swap3A, %swap3A_26] : memref<1000x128xf32, #tpu.memory_space<vmem>>, vector<1000x128xf32>
    tpu.vector_store %arg6[%swap3A, %swap3A_26], %max3A_25 {strides = array<i32>} : memref<1000x128xf32, #tpu.memory_space<vmem>>, vector<1000x128xf32>,
    return
  }
  func.func @transform_0(%arg0: i32) -> (i32, i32) {
    %c0_i32 = arith.constant 0 : i32
    %c0_i32_0 = arith.constant 0 : i32
    return %arg0, %c0_i32 : i32, i32
  }
  func.func @transform_1(%arg0: i32) -> (i32, i32) {
    %c0_i32 = arith.constant 0 : i32
    %c0_i32_0 = arith.constant 0 : i32
    %c0_i32_1 = arith.constant 0 : i32
    return %c0_i32, %c0_i32_0 : i32, i32
  }
  func.func @transform_2(%arg0: i32) -> (i32, i32) {
    %c0_i32 = arith.constant 0 : i32
    %c0_i32_0 = arith.constant 0 : i32
    %c0_i32_1 = arith.constant 0 : i32
    return %c0_i32, %c0_i32_0 : i32, i32
  }
  func.func @transform_3(%arg0: i32) -> (i32, i32) {
    %c0_i32 = arith.constant 0 : i32
    %c0_i32_0 = arith.constant 0 : i32
    %c0_i32_1 = arith.constant 0 : i32
    return %c0_i32, %c0_i32_0 : i32, i32
  }
  func.func @transform_4(%arg0: i32) -> (i32, i32) {
    %c0_i32 = arith.constant 0 : i32
    %c0_i32_0 = arith.constant 0 : i32
    %c0_i32_1 = arith.constant 0 : i32
    return %c0_i32, %c0_i32_0 : i32, i32
  }
  func.func @transform_5(%arg0: i32) -> (i32, i32) {
    %c0_i32 = arith.constant 0 : i32
    %c0_i32_0 = arith.constant 0 : i32
    return %arg0, %c0_i32 : i32, i32
  }
}

module attributes {stable_mosaic.version = 14 : i64} {
  func.func @_combine_body(%arg0: i32, %arg1: memref<1000x128xf32, #tpu.memory_space<vmem>>, %arg2: memref<1x1000x128xf32, #tpu.memory_space<vmem>>, %arg3: memref<1x1000x128xf32, #tpu.memory_space<vmem>>, %arg4: memref<1x1000x128xf32, #tpu.memory_space<vmem>>, %arg5: memref<1x1000x128xf32, #tpu.memory_space<vmem>>, %arg6: memref<128x128xf32, #tpu.memory_space<vmem>>, %arg7: memref<128x128xf32, #tpu.memory_space<vmem>>, %arg8: memref<128x128xf32, #tpu.memory_space<vmem>>, %arg9: memref<1x128xf32, #tpu.memory_space<vmem>>, %arg10: memref<1000x128xf32, #tpu.memory_space<vmem>>) attributes {dimension_semantics = [#tpu.dimension_semantics<arbitrary>], iteration_bounds = array<i64: 10>, scalar_prefetch = 0 : i64, scratch_operands = 0 : i64, tpu.core_type = #tpu.core_type<tc>, window_params = [{transform_indices = @transform_0, window_bounds = array<i64: 1000, 128>}, {transform_indices = @transform_1, window_bounds = array<i64: 1, 1000, 128>}, {transform_indices = @transform_2, window_bounds = array<i64: 1, 1000, 128>}, {transform_indices = @transform_3, window_bounds = array<i64: 1, 1000, 128>}, {transform_indices = @transform_4, window_bounds = array<i64: 1, 1000, 128>}, {pipeline_mode = #tpu.pipeline_mode<synchronous>, transform_indices = @transform_5, window_bounds = array<i64: 128, 128>}, {pipeline_mode = #tpu.pipeline_mode<synchronous>, transform_indices = @transform_6, window_bounds = array<i64: 128, 128>}, {pipeline_mode = #tpu.pipeline_mode<synchronous>, transform_indices = @transform_7, window_bounds = array<i64: 128, 128>}, {pipeline_mode = #tpu.pipeline_mode<synchronous>, transform_indices = @transform_8, window_bounds = array<i64: 1, 128>}, {transform_indices = @transform_9, window_bounds = array<i64: 1000, 128>}]} {
    %get3A = arith.constant 0 : index
    %get3A_0 = arith.constant 0 : index
    %get3A_1 = arith.constant 0 : index
    %get3A_2 = vector.load %arg2[%get3A, %get3A_0, %get3A_1] : memref<1x1000x128xf32, #tpu.memory_space<vmem>>, vector<1x1000x128xf32>
    %get3A_3 = vector.shape_cast %get3A_2 : vector<1x1000x128xf32> to vector<1000x128xf32>
    %get3A_4 = arith.constant 0 : index
    %get3A_5 = arith.constant 0 : index
    %get3A_6 = arith.constant 0 : index
    %get3A_7 = vector.load %arg4[%get3A_4, %get3A_5, %get3A_6] : memref<1x1000x128xf32, #tpu.memory_space<vmem>>, vector<1x1000x128xf32>
    %get3A_8 = vector.shape_cast %get3A_7 : vector<1x1000x128xf32> to vector<1000x128xf32>
    %slice3A = vector.extract_strided_slice %get3A_8 {offsets = [0, 0], sizes = [1000, 1], strides = [1, 1]} : vector<1000x128xf32> to vector<1000x1xf32>
    %max3A = arith.constant 1.000000e+00 : f32
    %max3A_9 = vector.broadcast %max3A : f32 to vector<1000x1xf32>
    %max3A_10 = arith.maximumf %slice3A, %max3A_9 : vector<1000x1xf32>
    %div3A = vector.broadcast %max3A_10 : vector<1000x1xf32> to vector<1000x128xf32>
    %div3A_11 = arith.divf %get3A_3, %div3A : vector<1000x128xf32>
    %get3A_12 = arith.constant 0 : index
    %get3A_13 = arith.constant 0 : index
    %get3A_14 = arith.constant 0 : index
    %get3A_15 = vector.load %arg3[%get3A_12, %get3A_13, %get3A_14] : memref<1x1000x128xf32, #tpu.memory_space<vmem>>, vector<1x1000x128xf32>
    %get3A_16 = vector.shape_cast %get3A_15 : vector<1x1000x128xf32> to vector<1000x128xf32>
    %get3A_17 = arith.constant 0 : index
    %get3A_18 = arith.constant 0 : index
    %get3A_19 = arith.constant 0 : index
    %get3A_20 = vector.load %arg5[%get3A_17, %get3A_18, %get3A_19] : memref<1x1000x128xf32, #tpu.memory_space<vmem>>, vector<1x1000x128xf32>
    %get3A_21 = vector.shape_cast %get3A_20 : vector<1x1000x128xf32> to vector<1000x128xf32>
    %slice3A_22 = vector.extract_strided_slice %get3A_21 {offsets = [0, 0], sizes = [1000, 1], strides = [1, 1]} : vector<1000x128xf32> to vector<1000x1xf32>
    %max3A_23 = arith.constant 1.000000e+00 : f32
    %max3A_24 = vector.broadcast %max3A_23 : f32 to vector<1000x1xf32>
    %max3A_25 = arith.maximumf %slice3A_22, %max3A_24 : vector<1000x1xf32>
    %div3A_26 = vector.broadcast %max3A_25 : vector<1000x1xf32> to vector<1000x128xf32>
    %div3A_27 = arith.divf %get3A_16, %div3A_26 : vector<1000x128xf32>
    %get3A_28 = arith.constant 0 : index
    %get3A_29 = arith.constant 0 : index
    %get3A_30 = vector.load %arg1[%get3A_28, %get3A_29] : memref<1000x128xf32, #tpu.memory_space<vmem>>, vector<1000x128xf32>
    %get3A_31 = arith.constant 0 : index
    %get3A_32 = arith.constant 0 : index
    %get3A_33 = vector.load %arg6[%get3A_31, %get3A_32] : memref<128x128xf32, #tpu.memory_space<vmem>>, vector<128x128xf32>
    %dot_general3A = arith.constant dense<0.000000e+00> : vector<1000x128xf32>
    %dot_general3A_34 = tpu.matmul %get3A_30, %get3A_33, %dot_general3A {dimension_numbers = #tpu.dot_dimension_numbers<[1], [0], [0], [1], [0, 0, 1, 1], [], []>, transpose_lhs_hint = false} : vector<1000x128xf32>, vector<128x128xf32>, vector<1000x128xf32> -> vector<1000x128xf32>
    %get3A_35 = arith.constant 0 : index
    %get3A_36 = arith.constant 0 : index
    %get3A_37 = vector.load %arg7[%get3A_35, %get3A_36] : memref<128x128xf32, #tpu.memory_space<vmem>>, vector<128x128xf32>
    %dot_general3A_38 = arith.constant dense<0.000000e+00> : vector<1000x128xf32>
    %dot_general3A_39 = tpu.matmul %div3A_11, %get3A_37, %dot_general3A_38 {dimension_numbers = #tpu.dot_dimension_numbers<[1], [0], [0], [1], [0, 0, 1, 1], [], []>, transpose_lhs_hint = false} : vector<1000x128xf32>, vector<128x128xf32>, vector<1000x128xf32> -> vector<1000x128xf32>
    %add3A = arith.addf %dot_general3A_34, %dot_general3A_39 : vector<1000x128xf32>
    %get3A_40 = arith.constant 0 : index
    %get3A_41 = arith.constant 0 : index
    %get3A_42 = vector.load %arg8[%get3A_40, %get3A_41] : memref<128x128xf32, #tpu.memory_space<vmem>>, vector<128x128xf32>
    %dot_general3A_43 = arith.constant dense<0.000000e+00> : vector<1000x128xf32>
    %dot_general3A_44 = tpu.matmul %div3A_27, %get3A_42, %dot_general3A_43 {dimension_numbers = #tpu.dot_dimension_numbers<[1], [0], [0], [1], [0, 0, 1, 1], [], []>, transpose_lhs_hint = false} : vector<1000x128xf32>, vector<128x128xf32>, vector<1000x128xf32> -> vector<1000x128xf32>
    %add3A_45 = arith.addf %add3A, %dot_general3A_44 : vector<1000x128xf32>
    %get3A_46 = arith.constant 0 : index
    %get3A_47 = arith.constant 0 : index
    %get3A_48 = vector.load %arg9[%get3A_46, %get3A_47] : memref<1x128xf32, #tpu.memory_space<vmem>>, vector<1x128xf32>
    %add3A_49 = vector.broadcast %get3A_48 : vector<1x128xf32> to vector<1000x128xf32>
    %add3A_50 = arith.addf %add3A_45, %add3A_49 : vector<1000x128xf32>
    %swap3A = arith.constant 0 : index
    %swap3A_51 = arith.constant 0 : index
    %swap3A_52 = vector.load %arg10[%swap3A, %swap3A_51] : memref<1000x128xf32, #tpu.memory_space<vmem>>, vector<1000x128xf32>
    tpu.vector_store %arg10[%swap3A, %swap3A_51], %add3A_50 {strides = array<i32>} : memref<1000x128xf32, #tpu.memory_space<vmem>>, vector<1000x128xf32>,
    return
  }
  func.func @transform_0(%arg0: i32) -> (i32, i32) {
    %c0_i32 = arith.constant 0 : i32
    %c0_i32_0 = arith.constant 0 : i32
    return %arg0, %c0_i32 : i32, i32
  }
  func.func @transform_1(%arg0: i32) -> (i32, i32, i32) {
    %c0_i32 = arith.constant 0 : i32
    %c0_i32_0 = arith.constant 0 : i32
    %c0_i32_1 = arith.constant 0 : i32
    return %c0_i32, %arg0, %c0_i32_0 : i32, i32, i32
  }
  func.func @transform_2(%arg0: i32) -> (i32, i32, i32) {
    %c1_i32 = arith.constant 1 : i32
    %c0_i32 = arith.constant 0 : i32
    %c0_i32_0 = arith.constant 0 : i32
    return %c1_i32, %arg0, %c0_i32 : i32, i32, i32
  }
  func.func @transform_3(%arg0: i32) -> (i32, i32, i32) {
    %c0_i32 = arith.constant 0 : i32
    %c0_i32_0 = arith.constant 0 : i32
    %c0_i32_1 = arith.constant 0 : i32
    return %c0_i32, %arg0, %c0_i32_0 : i32, i32, i32
  }
  func.func @transform_4(%arg0: i32) -> (i32, i32, i32) {
    %c1_i32 = arith.constant 1 : i32
    %c0_i32 = arith.constant 0 : i32
    %c0_i32_0 = arith.constant 0 : i32
    return %c1_i32, %arg0, %c0_i32 : i32, i32, i32
  }
  func.func @transform_5(%arg0: i32) -> (i32, i32) {
    %c0_i32 = arith.constant 0 : i32
    %c0_i32_0 = arith.constant 0 : i32
    %c0_i32_1 = arith.constant 0 : i32
    return %c0_i32, %c0_i32_0 : i32, i32
  }
  func.func @transform_6(%arg0: i32) -> (i32, i32) {
    %c0_i32 = arith.constant 0 : i32
    %c0_i32_0 = arith.constant 0 : i32
    %c0_i32_1 = arith.constant 0 : i32
    return %c0_i32, %c0_i32_0 : i32, i32
  }
  func.func @transform_7(%arg0: i32) -> (i32, i32) {
    %c0_i32 = arith.constant 0 : i32
    %c0_i32_0 = arith.constant 0 : i32
    %c0_i32_1 = arith.constant 0 : i32
    return %c0_i32, %c0_i32_0 : i32, i32
  }
  func.func @transform_8(%arg0: i32) -> (i32, i32) {
    %c0_i32 = arith.constant 0 : i32
    %c0_i32_0 = arith.constant 0 : i32
    %c0_i32_1 = arith.constant 0 : i32
    return %c0_i32, %c0_i32_0 : i32, i32
  }
  func.func @transform_9(%arg0: i32) -> (i32, i32) {
    %c0_i32 = arith.constant 0 : i32
    %c0_i32_0 = arith.constant 0 : i32
    return %arg0, %c0_i32 : i32, i32
  }
}

module attributes {stable_mosaic.version = 14 : i64} {
  func.func @_final_body(%arg0: i32, %arg1: memref<1000x128xf32, #tpu.memory_space<vmem>>, %arg2: memref<1x1000x128xf32, #tpu.memory_space<vmem>>, %arg3: memref<1x1000x128xf32, #tpu.memory_space<vmem>>, %arg4: memref<1x1000x128xf32, #tpu.memory_space<vmem>>, %arg5: memref<1x1000x128xf32, #tpu.memory_space<vmem>>, %arg6: memref<128x128xf32, #tpu.memory_space<vmem>>, %arg7: memref<128x128xf32, #tpu.memory_space<vmem>>, %arg8: memref<128x128xf32, #tpu.memory_space<vmem>>, %arg9: memref<1x128xf32, #tpu.memory_space<vmem>>, %arg10: memref<128x128xf32, #tpu.memory_space<vmem>>, %arg11: memref<1x128xf32, #tpu.memory_space<vmem>>, %arg12: memref<128x2xf32, #tpu.memory_space<vmem>>, %arg13: memref<1x2xf32, #tpu.memory_space<vmem>>, %arg14: memref<1000x2xf32, #tpu.memory_space<vmem>>) attributes {dimension_semantics = [#tpu.dimension_semantics<arbitrary>], iteration_bounds = array<i64: 10>, scalar_prefetch = 0 : i64, scratch_operands = 0 : i64, tpu.core_type = #tpu.core_type<tc>, window_params = [{transform_indices = @transform_0, window_bounds = array<i64: 1000, 128>}, {transform_indices = @transform_1, window_bounds = array<i64: 1, 1000, 128>}, {transform_indices = @transform_2, window_bounds = array<i64: 1, 1000, 128>}, {transform_indices = @transform_3, window_bounds = array<i64: 1, 1000, 128>}, {transform_indices = @transform_4, window_bounds = array<i64: 1, 1000, 128>}, {pipeline_mode = #tpu.pipeline_mode<synchronous>, transform_indices = @transform_5, window_bounds = array<i64: 128, 128>}, {pipeline_mode = #tpu.pipeline_mode<synchronous>, transform_indices = @transform_6, window_bounds = array<i64: 128, 128>}, {pipeline_mode = #tpu.pipeline_mode<synchronous>, transform_indices = @transform_7, window_bounds = array<i64: 128, 128>}, {pipeline_mode = #tpu.pipeline_mode<synchronous>, transform_indices = @transform_8, window_bounds = array<i64: 1, 128>}, {pipeline_mode = #tpu.pipeline_mode<synchronous>, transform_indices = @transform_9, window_bounds = array<i64: 128, 128>}, {pipeline_mode = #tpu.pipeline_mode<synchronous>, transform_indices = @transform_10, window_bounds = array<i64: 1, 128>}, {pipeline_mode = #tpu.pipeline_mode<synchronous>, transform_indices = @transform_11, window_bounds = array<i64: 128, 2>}, {pipeline_mode = #tpu.pipeline_mode<synchronous>, transform_indices = @transform_12, window_bounds = array<i64: 1, 2>}, {transform_indices = @transform_13, window_bounds = array<i64: 1000, 2>}]} {
    %get3A = arith.constant 0 : index
    %get3A_0 = arith.constant 0 : index
    %get3A_1 = arith.constant 0 : index
    %get3A_2 = vector.load %arg2[%get3A, %get3A_0, %get3A_1] : memref<1x1000x128xf32, #tpu.memory_space<vmem>>, vector<1x1000x128xf32>
    %get3A_3 = vector.shape_cast %get3A_2 : vector<1x1000x128xf32> to vector<1000x128xf32>
    %get3A_4 = arith.constant 0 : index
    %get3A_5 = arith.constant 0 : index
    %get3A_6 = arith.constant 0 : index
    %get3A_7 = vector.load %arg4[%get3A_4, %get3A_5, %get3A_6] : memref<1x1000x128xf32, #tpu.memory_space<vmem>>, vector<1x1000x128xf32>
    %get3A_8 = vector.shape_cast %get3A_7 : vector<1x1000x128xf32> to vector<1000x128xf32>
    %slice3A = vector.extract_strided_slice %get3A_8 {offsets = [0, 0], sizes = [1000, 1], strides = [1, 1]} : vector<1000x128xf32> to vector<1000x1xf32>
    %max3A = arith.constant 1.000000e+00 : f32
    %max3A_9 = vector.broadcast %max3A : f32 to vector<1000x1xf32>
    %max3A_10 = arith.maximumf %slice3A, %max3A_9 : vector<1000x1xf32>
    %div3A = vector.broadcast %max3A_10 : vector<1000x1xf32> to vector<1000x128xf32>
    %div3A_11 = arith.divf %get3A_3, %div3A : vector<1000x128xf32>
    %get3A_12 = arith.constant 0 : index
    %get3A_13 = arith.constant 0 : index
    %get3A_14 = arith.constant 0 : index
    %get3A_15 = vector.load %arg3[%get3A_12, %get3A_13, %get3A_14] : memref<1x1000x128xf32, #tpu.memory_space<vmem>>, vector<1x1000x128xf32>
    %get3A_16 = vector.shape_cast %get3A_15 : vector<1x1000x128xf32> to vector<1000x128xf32>
    %get3A_17 = arith.constant 0 : index
    %get3A_18 = arith.constant 0 : index
    %get3A_19 = arith.constant 0 : index
    %get3A_20 = vector.load %arg5[%get3A_17, %get3A_18, %get3A_19] : memref<1x1000x128xf32, #tpu.memory_space<vmem>>, vector<1x1000x128xf32>
    %get3A_21 = vector.shape_cast %get3A_20 : vector<1x1000x128xf32> to vector<1000x128xf32>
    %slice3A_22 = vector.extract_strided_slice %get3A_21 {offsets = [0, 0], sizes = [1000, 1], strides = [1, 1]} : vector<1000x128xf32> to vector<1000x1xf32>
    %max3A_23 = arith.constant 1.000000e+00 : f32
    %max3A_24 = vector.broadcast %max3A_23 : f32 to vector<1000x1xf32>
    %max3A_25 = arith.maximumf %slice3A_22, %max3A_24 : vector<1000x1xf32>
    %div3A_26 = vector.broadcast %max3A_25 : vector<1000x1xf32> to vector<1000x128xf32>
    %div3A_27 = arith.divf %get3A_16, %div3A_26 : vector<1000x128xf32>
    %get3A_28 = arith.constant 0 : index
    %get3A_29 = arith.constant 0 : index
    %get3A_30 = vector.load %arg1[%get3A_28, %get3A_29] : memref<1000x128xf32, #tpu.memory_space<vmem>>, vector<1000x128xf32>
    %get3A_31 = arith.constant 0 : index
    %get3A_32 = arith.constant 0 : index
    %get3A_33 = vector.load %arg6[%get3A_31, %get3A_32] : memref<128x128xf32, #tpu.memory_space<vmem>>, vector<128x128xf32>
    %dot_general3A = arith.constant dense<0.000000e+00> : vector<1000x128xf32>
    %dot_general3A_34 = tpu.matmul %get3A_30, %get3A_33, %dot_general3A {dimension_numbers = #tpu.dot_dimension_numbers<[1], [0], [0], [1], [0, 0, 1, 1], [], []>, transpose_lhs_hint = false} : vector<1000x128xf32>, vector<128x128xf32>, vector<1000x128xf32> -> vector<1000x128xf32>
    %get3A_35 = arith.constant 0 : index
    %get3A_36 = arith.constant 0 : index
    %get3A_37 = vector.load %arg7[%get3A_35, %get3A_36] : memref<128x128xf32, #tpu.memory_space<vmem>>, vector<128x128xf32>
    %dot_general3A_38 = arith.constant dense<0.000000e+00> : vector<1000x128xf32>
    %dot_general3A_39 = tpu.matmul %div3A_11, %get3A_37, %dot_general3A_38 {dimension_numbers = #tpu.dot_dimension_numbers<[1], [0], [0], [1], [0, 0, 1, 1], [], []>, transpose_lhs_hint = false} : vector<1000x128xf32>, vector<128x128xf32>, vector<1000x128xf32> -> vector<1000x128xf32>
    %add3A = arith.addf %dot_general3A_34, %dot_general3A_39 : vector<1000x128xf32>
    %get3A_40 = arith.constant 0 : index
    %get3A_41 = arith.constant 0 : index
    %get3A_42 = vector.load %arg8[%get3A_40, %get3A_41] : memref<128x128xf32, #tpu.memory_space<vmem>>, vector<128x128xf32>
    %dot_general3A_43 = arith.constant dense<0.000000e+00> : vector<1000x128xf32>
    %dot_general3A_44 = tpu.matmul %div3A_27, %get3A_42, %dot_general3A_43 {dimension_numbers = #tpu.dot_dimension_numbers<[1], [0], [0], [1], [0, 0, 1, 1], [], []>, transpose_lhs_hint = false} : vector<1000x128xf32>, vector<128x128xf32>, vector<1000x128xf32> -> vector<1000x128xf32>
    %add3A_45 = arith.addf %add3A, %dot_general3A_44 : vector<1000x128xf32>
    %get3A_46 = arith.constant 0 : index
    %get3A_47 = arith.constant 0 : index
    %get3A_48 = vector.load %arg9[%get3A_46, %get3A_47] : memref<1x128xf32, #tpu.memory_space<vmem>>, vector<1x128xf32>
    %add3A_49 = vector.broadcast %get3A_48 : vector<1x128xf32> to vector<1000x128xf32>
    %add3A_50 = arith.addf %add3A_45, %add3A_49 : vector<1000x128xf32>
    %get3A_51 = arith.constant 0 : index
    %get3A_52 = arith.constant 0 : index
    %get3A_53 = vector.load %arg10[%get3A_51, %get3A_52] : memref<128x128xf32, #tpu.memory_space<vmem>>, vector<128x128xf32>
    %dot_general3A_54 = arith.constant dense<0.000000e+00> : vector<1000x128xf32>
    %dot_general3A_55 = tpu.matmul %add3A_50, %get3A_53, %dot_general3A_54 {dimension_numbers = #tpu.dot_dimension_numbers<[1], [0], [0], [1], [0, 0, 1, 1], [], []>, transpose_lhs_hint = false} : vector<1000x128xf32>, vector<128x128xf32>, vector<1000x128xf32> -> vector<1000x128xf32>
    %get3A_56 = arith.constant 0 : index
    %get3A_57 = arith.constant 0 : index
    %get3A_58 = vector.load %arg11[%get3A_56, %get3A_57] : memref<1x128xf32, #tpu.memory_space<vmem>>, vector<1x128xf32>
    %add3A_59 = vector.broadcast %get3A_58 : vector<1x128xf32> to vector<1000x128xf32>
    %add3A_60 = arith.addf %dot_general3A_55, %add3A_59 : vector<1000x128xf32>
    %mul3A = arith.constant 0.00999999977 : f32
    %mul3A_61 = vector.broadcast %mul3A : f32 to vector<1000x128xf32>
    %mul3A_62 = arith.mulf %mul3A_61, %add3A_60 : vector<1000x128xf32>
    %max3A_63 = arith.maximumf %add3A_60, %mul3A_62 : vector<1000x128xf32>
    %get3A_64 = arith.constant 0 : index
    %get3A_65 = arith.constant 0 : index
    %get3A_66 = vector.load %arg12[%get3A_64, %get3A_65] : memref<128x2xf32, #tpu.memory_space<vmem>>, vector<128x2xf32>
    %dot_general3A_67 = arith.constant dense<0.000000e+00> : vector<1000x2xf32>
    %dot_general3A_68 = tpu.matmul %max3A_63, %get3A_66, %dot_general3A_67 {dimension_numbers = #tpu.dot_dimension_numbers<[1], [0], [0], [1], [0, 0, 1, 1], [], []>, transpose_lhs_hint = false} : vector<1000x128xf32>, vector<128x2xf32>, vector<1000x2xf32> -> vector<1000x2xf32>
    %get3A_69 = arith.constant 0 : index
    %get3A_70 = arith.constant 0 : index
    %get3A_71 = vector.load %arg13[%get3A_69, %get3A_70] : memref<1x2xf32, #tpu.memory_space<vmem>>, vector<1x2xf32>
    %add3A_72 = vector.broadcast %get3A_71 : vector<1x2xf32> to vector<1000x2xf32>
    %add3A_73 = arith.addf %dot_general3A_68, %add3A_72 : vector<1000x2xf32>
    %swap3A = arith.constant 0 : index
    %swap3A_74 = arith.constant 0 : index
    %swap3A_75 = vector.load %arg14[%swap3A, %swap3A_74] : memref<1000x2xf32, #tpu.memory_space<vmem>>, vector<1000x2xf32>
    tpu.vector_store %arg14[%swap3A, %swap3A_74], %add3A_73 {strides = array<i32>} : memref<1000x2xf32, #tpu.memory_space<vmem>>, vector<1000x2xf32>,
    return
  }
  func.func @transform_0(%arg0: i32) -> (i32, i32) {
    %c0_i32 = arith.constant 0 : i32
    %c0_i32_0 = arith.constant 0 : i32
    return %arg0, %c0_i32 : i32, i32
  }
  func.func @transform_1(%arg0: i32) -> (i32, i32, i32) {
    %c0_i32 = arith.constant 0 : i32
    %c0_i32_0 = arith.constant 0 : i32
    %c0_i32_1 = arith.constant 0 : i32
    return %c0_i32, %arg0, %c0_i32_0 : i32, i32, i32
  }
  func.func @transform_2(%arg0: i32) -> (i32, i32, i32) {
    %c1_i32 = arith.constant 1 : i32
    %c0_i32 = arith.constant 0 : i32
    %c0_i32_0 = arith.constant 0 : i32
    return %c1_i32, %arg0, %c0_i32 : i32, i32, i32
  }
  func.func @transform_3(%arg0: i32) -> (i32, i32, i32) {
    %c0_i32 = arith.constant 0 : i32
    %c0_i32_0 = arith.constant 0 : i32
    %c0_i32_1 = arith.constant 0 : i32
    return %c0_i32, %arg0, %c0_i32_0 : i32, i32, i32
  }
  func.func @transform_4(%arg0: i32) -> (i32, i32, i32) {
    %c1_i32 = arith.constant 1 : i32
    %c0_i32 = arith.constant 0 : i32
    %c0_i32_0 = arith.constant 0 : i32
    return %c1_i32, %arg0, %c0_i32 : i32, i32, i32
  }
  func.func @transform_5(%arg0: i32) -> (i32, i32) {
    %c0_i32 = arith.constant 0 : i32
    %c0_i32_0 = arith.constant 0 : i32
    %c0_i32_1 = arith.constant 0 : i32
    return %c0_i32, %c0_i32_0 : i32, i32
  }
  func.func @transform_6(%arg0: i32) -> (i32, i32) {
    %c0_i32 = arith.constant 0 : i32
    %c0_i32_0 = arith.constant 0 : i32
    %c0_i32_1 = arith.constant 0 : i32
    return %c0_i32, %c0_i32_0 : i32, i32
  }
  func.func @transform_7(%arg0: i32) -> (i32, i32) {
    %c0_i32 = arith.constant 0 : i32
    %c0_i32_0 = arith.constant 0 : i32
    %c0_i32_1 = arith.constant 0 : i32
    return %c0_i32, %c0_i32_0 : i32, i32
  }
  func.func @transform_8(%arg0: i32) -> (i32, i32) {
    %c0_i32 = arith.constant 0 : i32
    %c0_i32_0 = arith.constant 0 : i32
    %c0_i32_1 = arith.constant 0 : i32
    return %c0_i32, %c0_i32_0 : i32, i32
  }
  func.func @transform_9(%arg0: i32) -> (i32, i32) {
    %c0_i32 = arith.constant 0 : i32
    %c0_i32_0 = arith.constant 0 : i32
    %c0_i32_1 = arith.constant 0 : i32
    return %c0_i32, %c0_i32_0 : i32, i32
  }
  func.func @transform_10(%arg0: i32) -> (i32, i32) {
    %c0_i32 = arith.constant 0 : i32
    %c0_i32_0 = arith.constant 0 : i32
    %c0_i32_1 = arith.constant 0 : i32
    return %c0_i32, %c0_i32_0 : i32, i32
  }
  func.func @transform_11(%arg0: i32) -> (i32, i32) {
    %c0_i32 = arith.constant 0 : i32
    %c0_i32_0 = arith.constant 0 : i32
    %c0_i32_1 = arith.constant 0 : i32
    return %c0_i32, %c0_i32_0 : i32, i32
  }
  func.func @transform_12(%arg0: i32) -> (i32, i32) {
    %c0_i32 = arith.constant 0 : i32
    %c0_i32_0 = arith.constant 0 : i32
    %c0_i32_1 = arith.constant 0 : i32
    return %c0_i32, %c0_i32_0 : i32, i32
  }
  func.func @transform_13(%arg0: i32) -> (i32, i32) {
    %c0_i32 = arith.constant 0 : i32
    %c0_i32_0 = arith.constant 0 : i32
    return %arg0, %c0_i32 : i32, i32
  }
}

</mosaic_0001>

<sc_bundles>
// kernel: kernel.11.cloned.1.call-start
scs
__scs_entry_jumppad:
0x0: {  	(pc) =	sbr.rel $0x88, $3  }
0x1: {  	(tag) =	ssettag $0x0;
	lr =	simm.s32 $0x1  }
0x2: {  	[smem:$0x3F8D] =	sst lr;
	_ =	strace $0xD0000000  }
0x3: {  	_ = 	snop  }
0x4: {  	_ = 	snop  }
0x5: {  	_ = 	snop  }
0x6: {  	_ = 	snop  }
0x7: {  	_ = 	snop  }
__scs_overlays_trampoline_lowered:
0x8: {  	[smem:$0x3F9C] =	sst s0  }
0x9: {  	[smem:$0x3F9D] =	sst s1  }
0xa: {  	[smem:$0x3F9E] =	sst s2  }
0xb: {  	[smem:$0x3F9F] =	sst s3  }
0xc: {  	[smem:$0x3FA0] =	sst s4  }
0xd: {  	[smem:$0x3FA1] =	sst s5  }
0xe: {  	[smem:$0x3FA2] =	sst s6  }
0xf: {  	[smem:$0x3FA3] =	sst s7  }
0x10: {  	[smem:$0x3FA4] =	sst s8  }
0x11: {  	[smem:$0x3FA5] =	sst s9;
	s0 =	simm.s32 @!p0 $0x0  }
0x12: {  	s1 =	sld [smem:$0x3F8B];
	s0 =	simm.s32 @p0 $0x1  }
0x13: {  	[smem:$0x3FA6] =	sst s0;
	s0 =	simm.s32 @!p1 $0x0  }
0x14: {  	s2 =	sld [smem:$0x3F8A];
	s0 =	simm.s32 @p1 $0x1  }
0x15: {  	[smem:$0x3FA7] =	sst s0;
	s0 =	simm.s32 @!p2 $0x0  }
0x16: {  	s3 =	sld [smem:$0x3FDB];
	s0 =	simm.s32 @p2 $0x1  }
0x17: {  	s4 =	simm.s32 $0x1BF5;
	[smem:$0x3FA9] =	sst s0  }
0x18: {  	s0 =	sld [smem:$0x3F8C];
	_ =	swait.ge [sflag:s4], $0x0  }
0x19: {  	s7 =	sld [smem:$0x3F8D]  }
0x1a: {  	s8 =	sadd.s32 $0xFFFFE003, lr  }
0x1b: {  	s9 =	sadd.s32 $0xFFFFFEF7, lr;
	s5 =	simm.s32 $0xFFFFFFFF;
	p2 =	slt.u32 s8, $0xFFFFF086  }
0x1c: {  	p1 =	slt.u32 s9, $0xF7A;
	s5 =	simm.s32 @!p2 $0x0  }
0x1d: {  	s5 =	simm.s32 @p1 $0x1;
	p0 =	seq.s32 s7, s2  }
0x1e: {  	s7 =	smul.u32 @!p0 $0xF7A, s2;
	p2 =	seq.s32 @!p0 s5, $0x0  }
0x1f: {  	s9 =	smul.u32 $0xF7A, s1;
	s8 =	simm.s32 @!p0 $0x1BF5;
	p2 =	por !p2, p0  }
0x20: {  	[sflag:s8] =	ssyncset.s32 @!p0 $0xFFFFF086;
	s6 =	sadd.s32 @!p0 s3, s7;
	s7 =	simm.s32 @!p0 $0x108  }
0x21: {  	s3 =	sadd.s32 s3, s9;
	s6 =	sadd.s32 @!p0 $0x88, s6;
	s7 =	simm.s32 @p2 $0x1082  }
0x22: {  	[simem:s7], [sflag:s8] =	dma.local @!p0 [hbm:s6], $0xF7A  }
0x23: {  	s9 =	sor.u32 $0xD0000000, s2;
	s6 =	simm.s32 $0x108;
	_ =	swait.ge @!p0 [sflag:s8], $0x0  }
0x24: {  	s3 =	sadd.s32 $0x88, s3;
	s6 =	simm.s32 @!p1 $0x1082;
	[sflag:s4] =	ssyncset.s32 $0xFFFFF086  }
0x25: {  	[simem:s6], [sflag:s4] =	dma.local [hbm:s3], $0xF7A  }
0x26: {  	[smem:$0x3F8D] =	sst s1;
	(tag) =	ssettag s2;
	_ =	strace s9  }
0x27: {  	s1 =	sld [smem:$0x3F9D]  }
0x28: {  	s2 =	sld [smem:$0x3F9E]  }
0x29: {  	s4 =	sld [smem:$0x3FA0]  }
0x2a: {  	p0 =	seq.s32 s5, $0x0;
	s5 =	sld [smem:$0x3FA1]  }
0x2b: {  	s6 =	sld [smem:$0x3FA2]  }
0x2c: {  	s7 =	sld [smem:$0x3FA3]  }
0x2d: {  	s3 =	simm.s32 $0x108;
	s8 =	sld [smem:$0x3FA4]  }
0x2e: {  	s3 =	simm.s32 @!p0 $0x1082;
	s9 =	sld [smem:$0x3FA5]  }
0x2f: {  	lr =	sadd.s32 s0, s3;
	s0 =	sld [smem:$0x3F9C]  }
0x30: {  	s3 =	sld [smem:$0x3F9F]  }
0x31: {  	[smem:$0x3FA8] =	sst s10  }
0x32: {  	s10 =	sld [smem:$0x3FA6];
	_ =	sdelay $0x3  }
0x33: {  	p0 =	seq.s32 s10, $0x1;
	s10 =	sld [smem:$0x3FA8];
	_ =	sdelay $0x3  }
0x34: {  	[smem:$0x3FA8] =	sst s10  }
0x35: {  	s10 =	sld [smem:$0x3FA7];
	_ =	sdelay $0x3  }
0x36: {  	p1 =	seq.s32 s10, $0x1;
	s10 =	sld [smem:$0x3FA8];
	_ =	sdelay $0x3  }
0x37: {  	[smem:$0x3FA8] =	sst s10  }
0x38: {  	s10 =	sld [smem:$0x3FA9]  }
0x39: {  	_ = 	snop;
	(pc) =	sbr.ind lr, $3  }
0x3a: {  	_ = 	snop  }
0x3b: {  	_ = 	snop  }
0x3c: {  	p2 =	seq.s32 s10, $0x1;
	s10 =	sld [smem:$0x3FA8]  }
0x3d: {  	_ =	shalt  }
0x3e: {  	_ =	shalt  }
0x3f: {  	_ =	shalt  }
0x40: {  	_ =	shalt  }
0x41: {  	_ =	shalt  }
0x42: {  	_ =	shalt  }
0x43: {  	_ =	shalt  }
0x44: {  	_ =	shalt  }
0x45: {  	_ =	shalt  }
0x46: {  	_ =	shalt  }
0x47: {  	_ =	shalt  }
0x48: {  	_ =	shalt  }
0x49: {  	_ =	shalt  }
0x4a: {  	_ =	shalt  }
0x4b: {  	_ =	shalt  }
0x4c: {  	_ =	shalt  }
0x4d: {  	_ =	shalt  }
0x4e: {  	_ =	shalt  }
0x4f: {  	_ =	shalt  }
0x50: {  	_ =	shalt  }
0x51: {  	_ =	shalt  }
0x52: {  	_ =	shalt  }
0x53: {  	_ =	shalt  }
0x54: {  	_ =	shalt  }
0x55: {  	_ =	shalt  }
0x56: {  	_ =	shalt  }
0x57: {  	_ =	shalt  }
0x58: {  	_ =	shalt  }
0x59: {  	_ =	shalt  }
0x5a: {  	_ =	shalt  }
0x5b: {  	_ =	shalt  }
0x5c: {  	_ =	shalt  }
0x5d: {  	_ =	shalt  }
0x5e: {  	_ =	shalt  }
0x5f: {  	_ =	shalt  }
0x60: {  	_ =	shalt  }
0x61: {  	_ =	shalt  }
0x62: {  	_ =	shalt  }
0x63: {  	_ =	shalt  }
0x64: {  	_ =	shalt  }
0x65: {  	_ =	shalt  }
0x66: {  	_ =	shalt  }
0x67: {  	_ =	shalt  }
0x68: {  	_ =	shalt  }
0x69: {  	_ =	shalt  }
0x6a: {  	_ =	shalt  }
0x6b: {  	_ =	shalt  }
0x6c: {  	_ =	shalt  }
0x6d: {  	_ =	shalt  }
0x6e: {  	_ =	shalt  }
0x6f: {  	_ =	shalt  }
0x70: {  	_ =	shalt  }
0x71: {  	_ =	shalt  }
0x72: {  	_ =	shalt  }
0x73: {  	_ =	shalt  }
0x74: {  	_ =	shalt  }
0x75: {  	_ =	shalt  }
0x76: {  	_ =	shalt  }
0x77: {  	_ =	shalt  }
0x78: {  	_ =	shalt  }
0x79: {  	_ =	shalt  }
0x7a: {  	_ =	shalt  }
0x7b: {  	_ =	shalt  }
0x7c: {  	_ =	shalt  }
0x7d: {  	_ =	shalt  }
0x7e: {  	_ =	shalt  }
0x7f: {  	_ =	shalt  }
0x80: {  	_ =	shalt  }
0x81: {  	_ =	shalt  }
0x82: {  	_ =	shalt  }
0x83: {  	_ =	shalt  }
0x84: {  	_ =	shalt  }
0x85: {  	_ =	shalt  }
0x86: {  	_ =	shalt  }
0x87: {  	_ =	shalt  }
.Lfunc_end0:
.L_simem_size_0:
called_computation.1_lowered:
.L_overlay_start_0:
0x88: {  	s2 =	sld [smem:$0x3FD9]  }
0x89: {  	s3 =	sld [smem:$0x3FFE];
	_ =	sdelay $0x1  }
0x8a: {  	s1 =	srdreg.scid  }
0x8b: {  	s0 =	sand.u32 $0x1, s1  }
0x8c: {  	s16 =	sshll.u32 s0, $0xA;
	s2 =	sadd.s32 s3, s2  }
0x8d: {  	s2 =	sadd.s32 s2, s16  }
0x8e: {  	[smem:$0x3FB4] =	sst s2  }
0x8f: {  	_ = 	snop  }
0x90: {  	(tm) =	ssettm $0x1  }
0x91: {  	s17 =	sld [smem:$0x3FFB];
	_ =	sdelay $0x3  }
0x92: {  	_ =	strace s17  }
0x93: {  	s2 =	sld [smem:$0x3FFC];
	_ =	sdelay $0x3  }
0x94: {  	_ =	strace s2  }
0x95: {  	s2 =	sld [smem:$0x3FFD];
	_ =	sdelay $0x3  }
0x96: {  	_ =	strace s2  }
0x97: {  	_ =	strace $0x8FFFFFFF  }
0x98: {  	s18 =	sld [smem:$0x3FDB];
	_ =	sdelay $0x1  }
0x99: {  	s19 =	simm.s32 $_scs_section_size  }
0x9a: {  	s4 =	simm.s32 $_size__tile_overlayer_lowered;
	s5 =	simm.s32 $_tile_overlayer_lowered  }
0x9b: {  	s22 =	simm.s32 $0x1BFF;
	s21 =	sshll.u32 s5, $0x1;
	s2 =	sadd.s32 s19, s18  }
0x9c: {  	s6 =	simm.s32 $0x0;
	s20 =	sshll.u32 s4, $0x1;
	s4 =	sadd.s32 s21, s2  }
0x9d: {  	[timem:s6], [sflag:s22] =	dma.local [hbm:s4], s20  }
0x9e: {  	_ =	swait.ge [sflag:s22], s20  }
0x9f: {  	s3 =	ssub.s32 $0x0, s20;
	[sflag:s22] =	ssyncset.done $0x0  }
0xa0: {  	[sflag:s22] =	ssyncadd.s32 s3;
	_ =	sdelay $0x1  }
0xa1: {  	s23 =	simm.s32 $0x1B8B  }
0xa2: {  	_ =	swait.ge [sflag:s23], $0x1  }
0xa3: {  	[sflag:s23] =	ssyncset.done $0x0  }
0xa4: {  	s25 =	simm.s32 $0x1B8E;
	s24 =	sld [smem:$0x3FFE];
	[sflag:s23] =	ssyncadd.s32 $0xFFFFFFFF  }
0xa5: {  	s26 =	simm.s32 $execute0_lowered;
	[smem:$0x3FD2] =	sst s25  }
0xa6: {  	s4 =	sshll.u32 s26, $0x1;
	_ =	strace $0x80000046;
	[dreg:$0x1] =	wrdreg $0xFFFFFFFF  }
0xa7: {  	s28 =	simm.s32 $_size_execute0_lowered;
	s2 =	sadd.s32 s2, s4;
	[dreg:$0x0] =	wrdreg $0x0  }
0xa8: {  	s4 =	sshll.u32 s28, $0x1;
	[dreg:$0x2] =	wrdreg s2  }
0xa9: {  	[dreg:$0x3] =	wrdreg s4  }
0xaa: {  	[dreg:$0x4] =	wrdreg $0xC0  }
0xab: {  	_ =	task [dreg:s6], $0x5FFFF  }
0xac: {  	[dreg:$0x1] =	wrdreg $0xFFFFFFFF  }
0xad: {  	[dreg:$0x0] =	wrdreg $0x60  }
0xae: {  	[dreg:$0x2] =	wrdreg s24  }
0xaf: {  	[dreg:$0x3] =	wrdreg $0xAA000  }
0xb0: {  	[dreg:$0x4] =	wrdreg $0xA  }
0xb1: {  	_ =	task.clear_ibuf [dreg:s6], $0x5FFFF;
	_ =	strace $0x90000046  }
0xb2: {  	s29 =	simm.s32 $0xA;
	_ =	strace $0x80000048  }
0xb3: {  	_ =	swait.ge [sflag:s29], $0x1  }
0xb4: {  	[sflag:s29] =	ssyncadd.s32 $0xFFFFFFFF  }
0xb5: {  	_ =	strace $0x90000048  }
0xb6: {  	_ =	sfence  }
0xb7: {  	s30 =	sld [smem:$0x0];
	_ =	sdelay $0x2  }
0xb8: {  	s31 =	sshll.u32 s1, $0xD;
	s1 =	sshrl.u32 s1, $0x2  }
0xb9: {  	s3 =	sand.u32 $0x4000, s31;
	s1 =	sadd.s32 s1, s30  }
0xba: {  	s0 =	sor.u32 s3, s0;
	s1 =	sshll.u32 s1, $0x11  }
0xbb: {  	s0 =	sor.u32 s1, s0  }
0xbc: {  	s0 =	sadd.s32 $0x8F2B, s0  }
0xbd: {  	[sflag:s0] =	ssyncadd.remote.s32 $0x1  }
0xbe: {  	_ =	sfence.sel $0xFFFF  }
0xbf: {  	[dreg:$0x0] =	wrdreg $0xFFFFFFFF;
	(pc) =	sbr.abs _section_cstart, $3  }
0xc0: {  	[dreg:$0x1] =	wrdreg $0xFFFFFFFF  }
0xc1: {  	_ =	task.clear_ibuf [dreg:s6], $0x2FFFF;
	_ =	strace $0x9FFFFFFF  }
0xc2: {  	(tm) =	ssettm $0x7FFFFFFF  }
0xc3: {  	_ =	shalt  }
tec
execute0_lowered:
.L_overlay_start_1:
0x0: {  	(tag) =	ssettag $0x1  }
0x1: {  	s5 =	rddreg [dreg:$0x0]  }
0x2: {  	s2 =	rddreg [dreg:$0x1]  }
0x3: {  	s0 =	srdreg.scid;
	s1 =	rddreg [dreg:$0x2]  }
0x4: {  	s3 =	simm.s32 $0x0;
	s13 =	simm.s32 $0x2A00;
	s14 =	simm.s32 $0x3  }
0x5: {  	s15 =	simm.s32 $0x80;
	s16 =	simm.s32 $0x2800;
	s6 =	sand.u32 $0x1, s0  }
0x6: {  	s17 =	simm.s32 $0x2900;
	s0 =	stileid.u32;
	s4 =	smul.u32 $0x28000, s6  }
0x7: {  	s18 =	simm.s32 $0x6A00;
	s19 =	simm.s32 $0x1;
	s7 =	smul.u32 $0x2800, s0  }
0x8: {  	s20 =	simm.s32 $0x2880;
	s21 =	simm.s32 $0x2;
	s8 =	smul.u32 $0x140000, s6  }
0x9: {  	s22 =	simm.s32 $0x2980;
	[smem:$0x7FF] =	sst s3;
	s9 =	smul.u32 $0x14000, s0  }
0xa: {  	_ =	strace $0x80000047;
	s6 =	ssub.s32 $0x2, s6;
	s30 =	smul.u32 $0x50000, s0  }
0xb: {  	s10 =	sshrl.u32 s6, $0x1;
	s7 =	sadd.s32 s7, s4;
	s4 =	sadd.s32 $0x3600, s5  }
0xc: {  	s8 =	sadd.s32 s9, s8;
	s10 =	ssub.s32 s6, s10;
	s7 =	sshrl.u32 s7, $0x3  }
0xd: {  	s31 =	sshrl.u32 s30, $0x2;
	s8 =	sshrl.u32 s8, $0x3;
	s7 =	sadd.s32 s7, s5  }
0xe: {  	s8 =	sadd.s32 s8, s5;
	s5 =	sadd.s32 s31, s2;
	s6 =	sadd.s32 $0x209400, s7  }
0xf: {  	s7 =	sadd.s32 $0x2A800, s8;
	s8 =	smax.u32 s10, $0x1;
	s9 =	sadd.s32 $0x4000, s5  }
0x10: {  	v0 =	vimm.f32 $0.0e+00;
	s10 =	sadd.s32 $0x8000, s5;
	s11 =	sadd.s32 $0xC000, s5;
	s12 =	sadd.s32 $0x10000, s5  }
.LBB2_1:
0x11: {  	s23 =	simm.s32 $0x0;
	s24 =	simm.s32 $0x200  }
.LBB2_2:
0x12: {  	p0 =	sne.s32 s24, $0xFE00;
	[tilespmem:s23+$0x2A70] =	vst v0  }
0x13: {  	[tilespmem:s23+$0x2A00] =	vst v0  }
0x14: {  	[tilespmem:s23+$0x2A10] =	vst v0  }
.Ltmp0:
0x15: {  	[tilespmem:s23+$0x2A20] =	vst v0;
	(pc) =	sbr.rel @p0 .LBB2_2-.Ltmp0, $4  }
0x16: {  	[tilespmem:s23+$0x2A30] =	vst v0  }
0x17: {  	[tilespmem:s23+$0x2A40] =	vst v0  }
0x18: {  	[tilespmem:s23+$0x2A50] =	vst v0  }
0x19: {  	[tilespmem:s23+$0x2A60] =	vst v0;
	s23 =	sshra.s32 s24, $0x2;
	s24 =	sadd.s32 $0x200, s24  }
0x1a: {  	[tilespmem:s23+$0x2A70] =	vst v0  }
0x1b: {  	[tilespmem:s23+$0x2A00] =	vst v0  }
0x1c: {  	[tilespmem:s23+$0x2A10] =	vst v0  }
0x1d: {  	[tilespmem:s23+$0x2A20] =	vst v0  }
0x1e: {  	[tilespmem:s23+$0x2A30] =	vst v0  }
0x1f: {  	[tilespmem:s23+$0x2A40] =	vst v0  }
0x20: {  	[tilespmem:s23+$0x2A50] =	vst v0  }
0x21: {  	[tilespmem:s23+$0x2A60] =	vst v0  }
0x22: {  	[spmem:s5] =	stream.linear.scatter [tilespmem:s13], [sflag:$0x3], $0x4000, $0x38;
	[tilespmem:$0x1EA00] =	vst v63  }
0x23: {  	_ =	swait.ge [sflag:s14], $0x4000  }
0x24: {  	[sflag:s14] =	ssyncset.done $0x0  }
0x25: {  	[sflag:s14] =	ssyncadd.s32 $0xFFFFC000  }
0x26: {  	[spmem:s9] =	stream.linear.scatter [tilespmem:s13], [sflag:$0x3], $0x4000, $0x38;
	[tilespmem:$0x1EA00] =	vst v63  }
0x27: {  	_ =	swait.ge [sflag:s14], $0x4000  }
0x28: {  	[sflag:s14] =	ssyncset.done $0x0  }
0x29: {  	[sflag:s14] =	ssyncadd.s32 $0xFFFFC000  }
0x2a: {  	[spmem:s10] =	stream.linear.scatter [tilespmem:s13], [sflag:$0x3], $0x4000, $0x38;
	[tilespmem:$0x1EA00] =	vst v63  }
0x2b: {  	_ =	swait.ge [sflag:s14], $0x4000  }
0x2c: {  	[sflag:s14] =	ssyncset.done $0x0  }
0x2d: {  	[sflag:s14] =	ssyncadd.s32 $0xFFFFC000  }
0x2e: {  	[spmem:s11] =	stream.linear.scatter [tilespmem:s13], [sflag:$0x3], $0x4000, $0x38;
	[tilespmem:$0x1EA00] =	vst v63  }
0x2f: {  	_ =	swait.ge [sflag:s14], $0x4000  }
0x30: {  	[sflag:s14] =	ssyncset.done $0x0  }
0x31: {  	[sflag:s14] =	ssyncadd.s32 $0xFFFFC000  }
0x32: {  	[spmem:s12] =	stream.linear.scatter [tilespmem:s13], [sflag:$0x3], $0x4000, $0x38;
	[tilespmem:$0x1EA00] =	vst v63  }
0x33: {  	_ =	swait.ge [sflag:s14], $0x4000  }
0x34: {  	[sflag:s14] =	ssyncset.done $0x0  }
0x35: {  	s31 =	simm.s32 $0x0;
	[sflag:s14] =	ssyncadd.s32 $0xFFFFC000  }
0x36: {  	[tilespmem:s31], [sflag:$0x3] =	stream.linear.gather [hbm4b:s6+s31], $0x2800, $0x38;
	[tilespmem:$0x1EA00] =	vst v63  }
0x37: {  	_ =	swait.ge [sflag:s14], $0x2800  }
0x38: {  	[sflag:s14] =	ssyncset.done $0x0  }
0x39: {  	[sflag:s14] =	ssyncadd.s32 $0xFFFFD800  }
0x3a: {  	[bflag:$0x0] =	sbarrier.arrive $0xFFFF  }
0x3b: {  	v1 =	vld [tilespmem:$0x0];
	_ =	sdelay $0x1  }
0x3c: {  	v2 =	vld [tilespmem:$0x10];
	_ =	sdelay $0x1  }
0x3d: {  	v3 =	vld [tilespmem:$0x20]  }
0x3e: {  	v4 =	vshrl.u32 v1, $0x10  }
0x3f: {  	v59 =	vld [tilespmem:$0x30];
	v1 =	vand.u32 $0xFFFF, v1;
	[tilespmem:$0x2800] =	vst v4  }
0x40: {  	[tilespmem:$0x2880] =	vst v1;
	v1 =	vshrl.u32 v2, $0x10  }
0x41: {  	[tilespmem:$0x2810] =	vst v1;
	v1 =	vand.u32 $0xFFFF, v2;
	v2 =	vld [tilespmem:$0x40]  }
0x42: {  	[tilespmem:$0x2890] =	vst v1;
	v1 =	vshrl.u32 v3, $0x10  }
0x43: {  	[tilespmem:$0x2820] =	vst v1;
	v1 =	vand.u32 $0xFFFF, v3;
	v3 =	vld [tilespmem:$0x50]  }
0x44: {  	[tilespmem:$0x28A0] =	vst v1;
	v1 =	vshrl.u32 v59, $0x10  }
0x45: {  	v60 =	vld [tilespmem:$0x60];
	[tilespmem:$0x2830] =	vst v1;
	v1 =	vand.u32 $0xFFFF, v59  }
0x46: {  	[tilespmem:$0x28B0] =	vst v1;
	v1 =	vshrl.u32 v2, $0x10  }
0x47: {  	[tilespmem:$0x2840] =	vst v1;
	v1 =	vand.u32 $0xFFFF, v2;
	v2 =	vld [tilespmem:$0x70]  }
0x48: {  	[tilespmem:$0x28C0] =	vst v1;
	v1 =	vshrl.u32 v3, $0x10  }
0x49: {  	[tilespmem:$0x2850] =	vst v1;
	v1 =	vand.u32 $0xFFFF, v3  }
0x4a: {  	[tilespmem:$0x28D0] =	vst v1;
	v1 =	vshrl.u32 v60, $0x10  }
0x4b: {  	[tilespmem:$0x2860] =	vst v1;
	v1 =	vand.u32 $0xFFFF, v60  }
0x4c: {  	[tilespmem:$0x28E0] =	vst v1;
	v1 =	vshrl.u32 v2, $0x10  }
0x4d: {  	[tilespmem:$0x2870] =	vst v1;
	v1 =	vand.u32 $0xFFFF, v2  }
0x4e: {  	[tilespmem:$0x28F0] =	vst v1  }
0x4f: {  	[tilespmem:s13], [sflag:$0x1] =	stream.indirect.gather [hbm4b:s4+s15], $0x80, s16, s15, $0xb8;
	[tilespmem:$0x1EA00] =	vst v63  }
0x50: {  	v1 =	vld [tilespmem:$0x80];
	_ =	sdelay $0x1  }
0x51: {  	v2 =	vld [tilespmem:$0x90];
	_ =	sdelay $0x1  }
0x52: {  	v3 =	vld [tilespmem:$0xA0]  }
0x53: {  	v61 =	vshrl.u32 v1, $0x10  }
0x54: {  	v62 =	vld [tilespmem:$0xB0];
	v1 =	vand.u32 $0xFFFF, v1;
	[tilespmem:$0x2900] =	vst v61  }
0x55: {  	[tilespmem:$0x2980] =	vst v1;
	v1 =	vshrl.u32 v2, $0x10  }
0x56: {  	[tilespmem:$0x2910] =	vst v1;
	v1 =	vand.u32 $0xFFFF, v2;
	v2 =	vld [tilespmem:$0xC0]  }
0x57: {  	[tilespmem:$0x2990] =	vst v1;
	v1 =	vshrl.u32 v3, $0x10  }
0x58: {  	[tilespmem:$0x2920] =	vst v1;
	v1 =	vand.u32 $0xFFFF, v3;
	v3 =	vld [tilespmem:$0xD0]  }
0x59: {  	[tilespmem:$0x29A0] =	vst v1;
	v1 =	vshrl.u32 v62, $0x10  }
0x5a: {  	v63 =	vld [tilespmem:$0xE0];
	[tilespmem:$0x2930] =	vst v1;
	v1 =	vand.u32 $0xFFFF, v62  }
0x5b: {  	[tilespmem:$0x29B0] =	vst v1;
	v1 =	vshrl.u32 v2, $0x10  }
0x5c: {  	[tilespmem:$0x2940] =	vst v1;
	v1 =	vand.u32 $0xFFFF, v2;
	v2 =	vld [tilespmem:$0xF0]  }
0x5d: {  	[tilespmem:$0x29C0] =	vst v1;
	v1 =	vshrl.u32 v3, $0x10  }
0x5e: {  	[tilespmem:$0x2950] =	vst v1;
	v1 =	vand.u32 $0xFFFF, v3  }
0x5f: {  	[tilespmem:$0x29D0] =	vst v1;
	v1 =	vshrl.u32 v63, $0x10  }
0x60: {  	[tilespmem:$0x2960] =	vst v1;
	v1 =	vand.u32 $0xFFFF, v63  }
0x61: {  	[tilespmem:$0x29E0] =	vst v1;
	v1 =	vshrl.u32 v2, $0x10  }
0x62: {  	[tilespmem:$0x2970] =	vst v1;
	v1 =	vand.u32 $0xFFFF, v2  }
0x63: {  	[tilespmem:$0x29F0] =	vst v1  }
0x64: {  	[tilespmem:s18], [sflag:$0x2] =	stream.indirect.gather [hbm4b:s4+s15], $0x80, s17, s15, $0xb8;
	[tilespmem:$0x1EA00] =	vst v63  }
0x65: {  	_ =	swait.ge [sflag:s19], $0x4000  }
0x66: {  	[sflag:s19] =	ssyncset.done $0x0  }
0x67: {  	[sflag:s19] =	ssyncadd.s32 $0xFFFFC000  }
0x68: {  	[spmem:s2] =	stream.indirect.scatter.add.f32 [tilespmem:s13], [sflag:$0x3], $0x80, s20, s15, $0xb8;
	[tilespmem:$0x1EA00] =	vst v63  }
0x69: {  	_ =	swait.ge [sflag:s14], $0x4000  }
0x6a: {  	[sflag:s14] =	ssyncset.done $0x0  }
0x6b: {  	s23 =	simm.s32 $0x0;
	[sflag:s14] =	ssyncadd.s32 $0xFFFFC000  }
0x6c: {  	v1 =	vld [tilespmem:s23+$0x100];
	_ =	sdelay $0x4  }
0x6d: {  	v2 =	vshrl.u32 v1, $0x10  }
0x6e: {  	v1 =	vand.u32 $0xFFFF, v1;
	[tilespmem:$0x2800] =	vst v2  }
0x6f: {  	[tilespmem:$0x2880] =	vst v1  }
0x70: {  	v1 =	vld [tilespmem:s23+$0x110];
	_ =	sdelay $0x4  }
0x71: {  	v2 =	vshrl.u32 v1, $0x10  }
0x72: {  	v1 =	vand.u32 $0xFFFF, v1;
	[tilespmem:$0x2810] =	vst v2  }
0x73: {  	[tilespmem:$0x2890] =	vst v1  }
0x74: {  	v1 =	vld [tilespmem:s23+$0x120];
	_ =	sdelay $0x4  }
0x75: {  	v2 =	vshrl.u32 v1, $0x10  }
0x76: {  	v1 =	vand.u32 $0xFFFF, v1;
	[tilespmem:$0x2820] =	vst v2  }
0x77: {  	[tilespmem:$0x28A0] =	vst v1  }
0x78: {  	v1 =	vld [tilespmem:s23+$0x130];
	_ =	sdelay $0x4  }
0x79: {  	v2 =	vshrl.u32 v1, $0x10  }
0x7a: {  	v1 =	vand.u32 $0xFFFF, v1;
	[tilespmem:$0x2830] =	vst v2  }
0x7b: {  	[tilespmem:$0x28B0] =	vst v1  }
0x7c: {  	v1 =	vld [tilespmem:s23+$0x140];
	_ =	sdelay $0x4  }
0x7d: {  	v2 =	vshrl.u32 v1, $0x10  }
0x7e: {  	v1 =	vand.u32 $0xFFFF, v1;
	[tilespmem:$0x2840] =	vst v2  }
0x7f: {  	[tilespmem:$0x28C0] =	vst v1  }
0x80: {  	v1 =	vld [tilespmem:s23+$0x150];
	_ =	sdelay $0x4  }
0x81: {  	v2 =	vshrl.u32 v1, $0x10  }
0x82: {  	v1 =	vand.u32 $0xFFFF, v1;
	[tilespmem:$0x2850] =	vst v2  }
0x83: {  	[tilespmem:$0x28D0] =	vst v1  }
0x84: {  	v1 =	vld [tilespmem:s23+$0x160];
	_ =	sdelay $0x4  }
0x85: {  	v2 =	vshrl.u32 v1, $0x10  }
0x86: {  	v1 =	vand.u32 $0xFFFF, v1;
	[tilespmem:$0x2860] =	vst v2  }
0x87: {  	[tilespmem:$0x28E0] =	vst v1  }
0x88: {  	v1 =	vld [tilespmem:s23+$0x170];
	_ =	sdelay $0x4  }
0x89: {  	v2 =	vshrl.u32 v1, $0x10  }
0x8a: {  	v1 =	vand.u32 $0xFFFF, v1;
	[tilespmem:$0x2870] =	vst v2  }
0x8b: {  	[tilespmem:$0x28F0] =	vst v1  }
0x8c: {  	[tilespmem:s13], [sflag:$0x1] =	stream.indirect.gather [hbm4b:s4+s15], $0x80, s16, s15, $0xb8;
	[tilespmem:$0x1EA00] =	vst v63  }
0x8d: {  	_ =	swait.ge [sflag:s21], $0x4000  }
0x8e: {  	[sflag:s21] =	ssyncset.done $0x0  }
0x8f: {  	[sflag:s21] =	ssyncadd.s32 $0xFFFFC000  }
0x90: {  	[spmem:s2] =	stream.indirect.scatter.add.f32 [tilespmem:s18], [sflag:$0x3], $0x80, s22, s15, $0xb8;
	[tilespmem:$0x1EA00] =	vst v63  }
0x91: {  	_ =	swait.ge [sflag:s14], $0x4000  }
0x92: {  	[sflag:s14] =	ssyncset.done $0x0  }
0x93: {  	[sflag:s14] =	ssyncadd.s32 $0xFFFFC000  }
0x94: {  	v1 =	vld [tilespmem:s23+$0x180];
	_ =	sdelay $0x4  }
0x95: {  	v2 =	vshrl.u32 v1, $0x10  }
0x96: {  	v1 =	vand.u32 $0xFFFF, v1;
	[tilespmem:$0x2900] =	vst v2  }
0x97: {  	[tilespmem:$0x2980] =	vst v1  }
0x98: {  	v1 =	vld [tilespmem:s23+$0x190];
	_ =	sdelay $0x4  }
0x99: {  	v2 =	vshrl.u32 v1, $0x10  }
0x9a: {  	v1 =	vand.u32 $0xFFFF, v1;
	[tilespmem:$0x2910] =	vst v2  }
0x9b: {  	[tilespmem:$0x2990] =	vst v1  }
0x9c: {  	v1 =	vld [tilespmem:s23+$0x1A0];
	_ =	sdelay $0x4  }
0x9d: {  	v2 =	vshrl.u32 v1, $0x10  }
0x9e: {  	v1 =	vand.u32 $0xFFFF, v1;
	[tilespmem:$0x2920] =	vst v2  }
0x9f: {  	[tilespmem:$0x29A0] =	vst v1  }
0xa0: {  	v1 =	vld [tilespmem:s23+$0x1B0];
	_ =	sdelay $0x4  }
0xa1: {  	v2 =	vshrl.u32 v1, $0x10  }
0xa2: {  	v1 =	vand.u32 $0xFFFF, v1;
	[tilespmem:$0x2930] =	vst v2  }
0xa3: {  	[tilespmem:$0x29B0] =	vst v1  }
0xa4: {  	v1 =	vld [tilespmem:s23+$0x1C0];
	_ =	sdelay $0x4  }
0xa5: {  	v2 =	vshrl.u32 v1, $0x10  }
0xa6: {  	v1 =	vand.u32 $0xFFFF, v1;
	[tilespmem:$0x2940] =	vst v2  }
0xa7: {  	[tilespmem:$0x29C0] =	vst v1  }
0xa8: {  	v1 =	vld [tilespmem:s23+$0x1D0];
	_ =	sdelay $0x4  }
0xa9: {  	v2 =	vshrl.u32 v1, $0x10  }
0xaa: {  	v1 =	vand.u32 $0xFFFF, v1;
	[tilespmem:$0x2950] =	vst v2  }
0xab: {  	[tilespmem:$0x29D0] =	vst v1  }
0xac: {  	v1 =	vld [tilespmem:s23+$0x1E0];
	_ =	sdelay $0x4  }
0xad: {  	v2 =	vshrl.u32 v1, $0x10  }
0xae: {  	v1 =	vand.u32 $0xFFFF, v1;
	[tilespmem:$0x2960] =	vst v2  }
0xaf: {  	[tilespmem:$0x29E0] =	vst v1  }
0xb0: {  	v1 =	vld [tilespmem:s23+$0x1F0];
	_ =	sdelay $0x4  }
0xb1: {  	v2 =	vshrl.u32 v1, $0x10  }
0xb2: {  	v1 =	vand.u32 $0xFFFF, v1;
	[tilespmem:$0x2970] =	vst v2  }
0xb3: {  	[tilespmem:$0x29F0] =	vst v1  }
0xb4: {  	[tilespmem:s18], [sflag:$0x2] =	stream.indirect.gather [hbm4b:s4+s15], $0x80, s17, s15, $0xb8;
	[tilespmem:$0x1EA00] =	vst v63  }
0xb5: {  	_ =	swait.ge [sflag:s19], $0x4000  }
0xb6: {  	[sflag:s19] =	ssyncset.done $0x0  }
0xb7: {  	[sflag:s19] =	ssyncadd.s32 $0xFFFFC000  }
0xb8: {  	[spmem:s2] =	stream.indirect.scatter.add.f32 [tilespmem:s13], [sflag:$0x3], $0x80, s20, s15, $0xb8;
	[tilespmem:$0x1EA00] =	vst v63  }
0xb9: {  	_ =	swait.ge [sflag:s14], $0x4000  }
0xba: {  	[sflag:s14] =	ssyncset.done $0x0  }
0xbb: {  	[sflag:s14] =	ssyncadd.s32 $0xFFFFC000  }
0xbc: {  	v1 =	vld [tilespmem:s23+$0x200];
	_ =	sdelay $0x4  }
0xbd: {  	v2 =	vshrl.u32 v1, $0x10  }
0xbe: {  	v1 =	vand.u32 $0xFFFF, v1;
	[tilespmem:$0x2800] =	vst v2  }
0xbf: {  	[tilespmem:$0x2880] =	vst v1  }
0xc0: {  	v1 =	vld [tilespmem:s23+$0x210];
	_ =	sdelay $0x4  }
0xc1: {  	v2 =	vshrl.u32 v1, $0x10  }
0xc2: {  	v1 =	vand.u32 $0xFFFF, v1;
	[tilespmem:$0x2810] =	vst v2  }
0xc3: {  	[tilespmem:$0x2890] =	vst v1  }
0xc4: {  	v1 =	vld [tilespmem:s23+$0x220];
	_ =	sdelay $0x4  }
0xc5: {  	v2 =	vshrl.u32 v1, $0x10  }
0xc6: {  	v1 =	vand.u32 $0xFFFF, v1;
	[tilespmem:$0x2820] =	vst v2  }
0xc7: {  	[tilespmem:$0x28A0] =	vst v1  }
0xc8: {  	v1 =	vld [tilespmem:s23+$0x230];
	_ =	sdelay $0x4  }
0xc9: {  	v2 =	vshrl.u32 v1, $0x10  }
0xca: {  	v1 =	vand.u32 $0xFFFF, v1;
	[tilespmem:$0x2830] =	vst v2  }
0xcb: {  	[tilespmem:$0x28B0] =	vst v1  }
0xcc: {  	v1 =	vld [tilespmem:s23+$0x240];
	_ =	sdelay $0x4  }
0xcd: {  	v2 =	vshrl.u32 v1, $0x10  }
0xce: {  	v1 =	vand.u32 $0xFFFF, v1;
	[tilespmem:$0x2840] =	vst v2  }
0xcf: {  	[tilespmem:$0x28C0] =	vst v1  }
0xd0: {  	v1 =	vld [tilespmem:s23+$0x250];
	_ =	sdelay $0x4  }
0xd1: {  	v2 =	vshrl.u32 v1, $0x10  }
0xd2: {  	v1 =	vand.u32 $0xFFFF, v1;
	[tilespmem:$0x2850] =	vst v2  }
0xd3: {  	[tilespmem:$0x28D0] =	vst v1  }
0xd4: {  	v1 =	vld [tilespmem:s23+$0x260];
	_ =	sdelay $0x4  }
0xd5: {  	v2 =	vshrl.u32 v1, $0x10  }
0xd6: {  	v1 =	vand.u32 $0xFFFF, v1;
	[tilespmem:$0x2860] =	vst v2  }
0xd7: {  	[tilespmem:$0x28E0] =	vst v1  }
0xd8: {  	v1 =	vld [tilespmem:s23+$0x270];
	_ =	sdelay $0x4  }
0xd9: {  	v2 =	vshrl.u32 v1, $0x10  }
0xda: {  	v1 =	vand.u32 $0xFFFF, v1;
	[tilespmem:$0x2870] =	vst v2  }
0xdb: {  	[tilespmem:$0x28F0] =	vst v1  }
0xdc: {  	[tilespmem:s13], [sflag:$0x1] =	stream.indirect.gather [hbm4b:s4+s15], $0x80, s16, s15, $0xb8;
	[tilespmem:$0x1EA00] =	vst v63  }
0xdd: {  	_ =	swait.ge [sflag:s21], $0x4000  }
0xde: {  	[sflag:s21] =	ssyncset.done $0x0  }
0xdf: {  	[sflag:s21] =	ssyncadd.s32 $0xFFFFC000  }
0xe0: {  	[spmem:s2] =	stream.indirect.scatter.add.f32 [tilespmem:s18], [sflag:$0x3], $0x80, s22, s15, $0xb8;
	[tilespmem:$0x1EA00] =	vst v63  }
0xe1: {  	_ =	swait.ge [sflag:s14], $0x4000  }
0xe2: {  	[sflag:s14] =	ssyncset.done $0x0  }
0xe3: {  	[sflag:s14] =	ssyncadd.s32 $0xFFFFC000  }
0xe4: {  	v1 =	vld [tilespmem:s23+$0x280];
	_ =	sdelay $0x4  }
0xe5: {  	v2 =	vshrl.u32 v1, $0x10  }
0xe6: {  	v1 =	vand.u32 $0xFFFF, v1;
	[tilespmem:$0x2900] =	vst v2  }
0xe7: {  	[tilespmem:$0x2980] =	vst v1  }
0xe8: {  	v1 =	vld [tilespmem:s23+$0x290];
	_ =	sdelay $0x4  }
0xe9: {  	v2 =	vshrl.u32 v1, $0x10  }
0xea: {  	v1 =	vand.u32 $0xFFFF, v1;
	[tilespmem:$0x2910] =	vst v2  }
0xeb: {  	[tilespmem:$0x2990] =	vst v1  }
0xec: {  	v1 =	vld [tilespmem:s23+$0x2A0];
	_ =	sdelay $0x4  }
0xed: {  	v2 =	vshrl.u32 v1, $0x10  }
0xee: {  	v1 =	vand.u32 $0xFFFF, v1;
	[tilespmem:$0x2920] =	vst v2  }
0xef: {  	[tilespmem:$0x29A0] =	vst v1  }
0xf0: {  	v1 =	vld [tilespmem:s23+$0x2B0];
	_ =	sdelay $0x4  }
0xf1: {  	v2 =	vshrl.u32 v1, $0x10  }
0xf2: {  	s24 =	simm.s32 $0x800;
	v1 =	vand.u32 $0xFFFF, v1;
	[tilespmem:$0x2930] =	vst v2  }
.LBB2_4:
0xf3: {  	p0 =	sne.s32 s24, $0x9000;
	[tilespmem:$0x29B0] =	vst v1;
	s25 =	smov.u32 s24;
	s24 =	sadd.s32 $0x800, s24  }
0xf4: {  	v1 =	vld [tilespmem:s23+$0x2C0];
	_ =	sdelay $0x4  }
0xf5: {  	v2 =	vshrl.u32 v1, $0x10;
	v1 =	vand.u32 $0xFFFF, v1  }
0xf6: {  	[tilespmem:$0x2940] =	vst v2  }
0xf7: {  	[tilespmem:$0x29C0] =	vst v1  }
0xf8: {  	v1 =	vld [tilespmem:s23+$0x2D0];
	_ =	sdelay $0x4  }
0xf9: {  	v2 =	vshrl.u32 v1, $0x10;
	v1 =	vand.u32 $0xFFFF, v1  }
0xfa: {  	[tilespmem:$0x2950] =	vst v2  }
0xfb: {  	[tilespmem:$0x29D0] =	vst v1  }
0xfc: {  	v1 =	vld [tilespmem:s23+$0x2E0];
	_ =	sdelay $0x4  }
0xfd: {  	v2 =	vshrl.u32 v1, $0x10;
	v1 =	vand.u32 $0xFFFF, v1  }
0xfe: {  	[tilespmem:$0x2960] =	vst v2  }
0xff: {  	[tilespmem:$0x29E0] =	vst v1  }
0x100: {  	v1 =	vld [tilespmem:s23+$0x2F0];
	_ =	sdelay $0x4  }
0x101: {  	v2 =	vshrl.u32 v1, $0x10;
	v1 =	vand.u32 $0xFFFF, v1  }
0x102: {  	[tilespmem:$0x2970] =	vst v2  }
0x103: {  	[tilespmem:$0x29F0] =	vst v1  }
0x104: {  	[tilespmem:s18], [sflag:$0x2] =	stream.indirect.gather [hbm4b:s4+s15], $0x80, s17, s15, $0xb8;
	[tilespmem:$0x1EA00] =	vst v63  }
0x105: {  	_ =	swait.ge [sflag:s19], $0x4000  }
0x106: {  	[sflag:s19] =	ssyncset.done $0x0  }
0x107: {  	[sflag:s19] =	ssyncadd.s32 $0xFFFFC000  }
0x108: {  	[spmem:s2] =	stream.indirect.scatter.add.f32 [tilespmem:s13], [sflag:$0x3], $0x80, s20, s15, $0xb8;
	[tilespmem:$0x1EA00] =	vst v63  }
0x109: {  	_ =	swait.ge [sflag:s14], $0x4000  }
0x10a: {  	[sflag:s14] =	ssyncset.done $0x0  }
0x10b: {  	s23 =	sshra.s32 s25, $0x2;
	[sflag:s14] =	ssyncadd.s32 $0xFFFFC000  }
0x10c: {  	v1 =	vld [tilespmem:s23+$0x100];
	_ =	sdelay $0x4  }
0x10d: {  	v2 =	vshrl.u32 v1, $0x10;
	v1 =	vand.u32 $0xFFFF, v1  }
0x10e: {  	[tilespmem:$0x2800] =	vst v2  }
0x10f: {  	[tilespmem:$0x2880] =	vst v1  }
0x110: {  	v1 =	vld [tilespmem:s23+$0x110];
	_ =	sdelay $0x4  }
0x111: {  	v2 =	vshrl.u32 v1, $0x10;
	v1 =	vand.u32 $0xFFFF, v1  }
0x112: {  	[tilespmem:$0x2810] =	vst v2  }
0x113: {  	[tilespmem:$0x2890] =	vst v1  }
0x114: {  	v1 =	vld [tilespmem:s23+$0x120];
	_ =	sdelay $0x4  }
0x115: {  	v2 =	vshrl.u32 v1, $0x10;
	v1 =	vand.u32 $0xFFFF, v1  }
0x116: {  	[tilespmem:$0x2820] =	vst v2  }
0x117: {  	[tilespmem:$0x28A0] =	vst v1  }
0x118: {  	v1 =	vld [tilespmem:s23+$0x130];
	_ =	sdelay $0x4  }
0x119: {  	v2 =	vshrl.u32 v1, $0x10;
	v1 =	vand.u32 $0xFFFF, v1  }
0x11a: {  	[tilespmem:$0x2830] =	vst v2  }
0x11b: {  	[tilespmem:$0x28B0] =	vst v1  }
0x11c: {  	v1 =	vld [tilespmem:s23+$0x140];
	_ =	sdelay $0x4  }
0x11d: {  	v2 =	vshrl.u32 v1, $0x10;
	v1 =	vand.u32 $0xFFFF, v1  }
0x11e: {  	[tilespmem:$0x2840] =	vst v2  }
0x11f: {  	[tilespmem:$0x28C0] =	vst v1  }
0x120: {  	v1 =	vld [tilespmem:s23+$0x150];
	_ =	sdelay $0x4  }
0x121: {  	v2 =	vshrl.u32 v1, $0x10;
	v1 =	vand.u32 $0xFFFF, v1  }
0x122: {  	[tilespmem:$0x2850] =	vst v2  }
0x123: {  	[tilespmem:$0x28D0] =	vst v1  }
0x124: {  	v1 =	vld [tilespmem:s23+$0x160];
	_ =	sdelay $0x4  }
0x125: {  	v2 =	vshrl.u32 v1, $0x10;
	v1 =	vand.u32 $0xFFFF, v1  }
0x126: {  	[tilespmem:$0x2860] =	vst v2  }
0x127: {  	[tilespmem:$0x28E0] =	vst v1  }
0x128: {  	v1 =	vld [tilespmem:s23+$0x170];
	_ =	sdelay $0x4  }
0x129: {  	v2 =	vshrl.u32 v1, $0x10;
	v1 =	vand.u32 $0xFFFF, v1  }
0x12a: {  	[tilespmem:$0x2870] =	vst v2  }
0x12b: {  	[tilespmem:$0x28F0] =	vst v1  }
0x12c: {  	[tilespmem:s13], [sflag:$0x1] =	stream.indirect.gather [hbm4b:s4+s15], $0x80, s16, s15, $0xb8;
	[tilespmem:$0x1EA00] =	vst v63  }
0x12d: {  	_ =	swait.ge [sflag:s21], $0x4000  }
0x12e: {  	[sflag:s21] =	ssyncset.done $0x0  }
0x12f: {  	[sflag:s21] =	ssyncadd.s32 $0xFFFFC000  }
0x130: {  	[spmem:s2] =	stream.indirect.scatter.add.f32 [tilespmem:s18], [sflag:$0x3], $0x80, s22, s15, $0xb8;
	[tilespmem:$0x1EA00] =	vst v63  }
0x131: {  	_ =	swait.ge [sflag:s14], $0x4000  }
0x132: {  	[sflag:s14] =	ssyncset.done $0x0  }
0x133: {  	[sflag:s14] =	ssyncadd.s32 $0xFFFFC000  }
0x134: {  	v1 =	vld [tilespmem:s23+$0x180];
	_ =	sdelay $0x4  }
0x135: {  	v2 =	vshrl.u32 v1, $0x10;
	v1 =	vand.u32 $0xFFFF, v1  }
0x136: {  	[tilespmem:$0x2900] =	vst v2  }
0x137: {  	[tilespmem:$0x2980] =	vst v1  }
0x138: {  	v1 =	vld [tilespmem:s23+$0x190];
	_ =	sdelay $0x4  }
0x139: {  	v2 =	vshrl.u32 v1, $0x10;
	v1 =	vand.u32 $0xFFFF, v1  }
0x13a: {  	[tilespmem:$0x2910] =	vst v2  }
0x13b: {  	[tilespmem:$0x2990] =	vst v1  }
0x13c: {  	v1 =	vld [tilespmem:s23+$0x1A0];
	_ =	sdelay $0x4  }
0x13d: {  	v2 =	vshrl.u32 v1, $0x10;
	v1 =	vand.u32 $0xFFFF, v1  }
0x13e: {  	[tilespmem:$0x2920] =	vst v2  }
0x13f: {  	[tilespmem:$0x29A0] =	vst v1  }
0x140: {  	v1 =	vld [tilespmem:s23+$0x1B0];
	_ =	sdelay $0x4  }
0x141: {  	v2 =	vshrl.u32 v1, $0x10;
	v1 =	vand.u32 $0xFFFF, v1  }
0x142: {  	[tilespmem:$0x2930] =	vst v2  }
0x143: {  	[tilespmem:$0x29B0] =	vst v1  }
0x144: {  	v1 =	vld [tilespmem:s23+$0x1C0];
	_ =	sdelay $0x4  }
0x145: {  	v2 =	vshrl.u32 v1, $0x10;
	v1 =	vand.u32 $0xFFFF, v1  }
0x146: {  	[tilespmem:$0x2940] =	vst v2  }
0x147: {  	[tilespmem:$0x29C0] =	vst v1  }
0x148: {  	v1 =	vld [tilespmem:s23+$0x1D0];
	_ =	sdelay $0x4  }
0x149: {  	v2 =	vshrl.u32 v1, $0x10;
	v1 =	vand.u32 $0xFFFF, v1  }
0x14a: {  	[tilespmem:$0x2950] =	vst v2  }
0x14b: {  	[tilespmem:$0x29D0] =	vst v1  }
0x14c: {  	v1 =	vld [tilespmem:s23+$0x1E0];
	_ =	sdelay $0x4  }
0x14d: {  	v2 =	vshrl.u32 v1, $0x10;
	v1 =	vand.u32 $0xFFFF, v1  }
0x14e: {  	[tilespmem:$0x2960] =	vst v2  }
0x14f: {  	[tilespmem:$0x29E0] =	vst v1  }
0x150: {  	v1 =	vld [tilespmem:s23+$0x1F0];
	_ =	sdelay $0x4  }
0x151: {  	v2 =	vshrl.u32 v1, $0x10;
	v1 =	vand.u32 $0xFFFF, v1  }
0x152: {  	[tilespmem:$0x2970] =	vst v2  }
0x153: {  	[tilespmem:$0x29F0] =	vst v1  }
0x154: {  	[tilespmem:s18], [sflag:$0x2] =	stream.indirect.gather [hbm4b:s4+s15], $0x80, s17, s15, $0xb8;
	[tilespmem:$0x1EA00] =	vst v63  }
0x155: {  	_ =	swait.ge [sflag:s19], $0x4000  }
0x156: {  	[sflag:s19] =	ssyncset.done $0x0  }
0x157: {  	[sflag:s19] =	ssyncadd.s32 $0xFFFFC000  }
0x158: {  	[spmem:s2] =	stream.indirect.scatter.add.f32 [tilespmem:s13], [sflag:$0x3], $0x80, s20, s15, $0xb8;
	[tilespmem:$0x1EA00] =	vst v63  }
0x159: {  	_ =	swait.ge [sflag:s14], $0x4000  }
0x15a: {  	[sflag:s14] =	ssyncset.done $0x0  }
0x15b: {  	[sflag:s14] =	ssyncadd.s32 $0xFFFFC000  }
0x15c: {  	v1 =	vld [tilespmem:s23+$0x200];
	_ =	sdelay $0x4  }
0x15d: {  	v2 =	vshrl.u32 v1, $0x10;
	v1 =	vand.u32 $0xFFFF, v1  }
0x15e: {  	[tilespmem:$0x2800] =	vst v2  }
0x15f: {  	[tilespmem:$0x2880] =	vst v1  }
0x160: {  	v1 =	vld [tilespmem:s23+$0x210];
	_ =	sdelay $0x4  }
0x161: {  	v2 =	vshrl.u32 v1, $0x10;
	v1 =	vand.u32 $0xFFFF, v1  }
0x162: {  	[tilespmem:$0x2810] =	vst v2  }
0x163: {  	[tilespmem:$0x2890] =	vst v1  }
0x164: {  	v1 =	vld [tilespmem:s23+$0x220];
	_ =	sdelay $0x4  }
0x165: {  	v2 =	vshrl.u32 v1, $0x10;
	v1 =	vand.u32 $0xFFFF, v1  }
0x166: {  	[tilespmem:$0x2820] =	vst v2  }
0x167: {  	[tilespmem:$0x28A0] =	vst v1  }
0x168: {  	v1 =	vld [tilespmem:s23+$0x230];
	_ =	sdelay $0x4  }
0x169: {  	v2 =	vshrl.u32 v1, $0x10;
	v1 =	vand.u32 $0xFFFF, v1  }
0x16a: {  	[tilespmem:$0x2830] =	vst v2  }
0x16b: {  	[tilespmem:$0x28B0] =	vst v1  }
0x16c: {  	v1 =	vld [tilespmem:s23+$0x240];
	_ =	sdelay $0x4  }
0x16d: {  	v2 =	vshrl.u32 v1, $0x10;
	v1 =	vand.u32 $0xFFFF, v1  }
0x16e: {  	[tilespmem:$0x2840] =	vst v2  }
0x16f: {  	[tilespmem:$0x28C0] =	vst v1  }
0x170: {  	v1 =	vld [tilespmem:s23+$0x250];
	_ =	sdelay $0x4  }
0x171: {  	v2 =	vshrl.u32 v1, $0x10;
	v1 =	vand.u32 $0xFFFF, v1  }
0x172: {  	[tilespmem:$0x2850] =	vst v2  }
0x173: {  	[tilespmem:$0x28D0] =	vst v1  }
0x174: {  	v1 =	vld [tilespmem:s23+$0x260];
	_ =	sdelay $0x4  }
0x175: {  	v2 =	vshrl.u32 v1, $0x10;
	v1 =	vand.u32 $0xFFFF, v1  }
0x176: {  	[tilespmem:$0x2860] =	vst v2  }
0x177: {  	[tilespmem:$0x28E0] =	vst v1  }
0x178: {  	v1 =	vld [tilespmem:s23+$0x270];
	_ =	sdelay $0x4  }
0x179: {  	v2 =	vshrl.u32 v1, $0x10;
	v1 =	vand.u32 $0xFFFF, v1  }
0x17a: {  	[tilespmem:$0x2870] =	vst v2  }
0x17b: {  	[tilespmem:$0x28F0] =	vst v1  }
0x17c: {  	[tilespmem:s13], [sflag:$0x1] =	stream.indirect.gather [hbm4b:s4+s15], $0x80, s16, s15, $0xb8;
	[tilespmem:$0x1EA00] =	vst v63  }
0x17d: {  	_ =	swait.ge [sflag:s21], $0x4000  }
0x17e: {  	[sflag:s21] =	ssyncset.done $0x0  }
0x17f: {  	[sflag:s21] =	ssyncadd.s32 $0xFFFFC000  }
0x180: {  	[spmem:s2] =	stream.indirect.scatter.add.f32 [tilespmem:s18], [sflag:$0x3], $0x80, s22, s15, $0xb8;
	[tilespmem:$0x1EA00] =	vst v63  }
0x181: {  	_ =	swait.ge [sflag:s14], $0x4000  }
0x182: {  	[sflag:s14] =	ssyncset.done $0x0  }
0x183: {  	[sflag:s14] =	ssyncadd.s32 $0xFFFFC000  }
0x184: {  	v1 =	vld [tilespmem:s23+$0x280];
	_ =	sdelay $0x4  }
0x185: {  	v2 =	vshrl.u32 v1, $0x10;
	v1 =	vand.u32 $0xFFFF, v1  }
0x186: {  	[tilespmem:$0x2900] =	vst v2  }
0x187: {  	[tilespmem:$0x2980] =	vst v1  }
0x188: {  	v1 =	vld [tilespmem:s23+$0x290];
	_ =	sdelay $0x4  }
0x189: {  	v2 =	vshrl.u32 v1, $0x10;
	v1 =	vand.u32 $0xFFFF, v1  }
0x18a: {  	[tilespmem:$0x2910] =	vst v2  }
0x18b: {  	[tilespmem:$0x2990] =	vst v1  }
0x18c: {  	v1 =	vld [tilespmem:s23+$0x2A0];
	_ =	sdelay $0x4  }
0x18d: {  	v2 =	vshrl.u32 v1, $0x10;
	v1 =	vand.u32 $0xFFFF, v1  }
0x18e: {  	[tilespmem:$0x2920] =	vst v2  }
0x18f: {  	[tilespmem:$0x29A0] =	vst v1  }
0x190: {  	v1 =	vld [tilespmem:s23+$0x2B0];
	_ =	sdelay $0x1  }
.Ltmp1:
0x191: {  	(pc) =	sbr.rel @p0 .LBB2_4-.Ltmp1, $3  }
0x192: {  	_ =	sdelay $0x1  }
0x193: {  	v2 =	vshrl.u32 v1, $0x10;
	v1 =	vand.u32 $0xFFFF, v1  }
0x194: {  	[tilespmem:$0x2930] =	vst v2  }
0x195: {  	[tilespmem:$0x29B0] =	vst v1  }
0x196: {  	v1 =	vld [tilespmem:s23+$0x2C0];
	_ =	sdelay $0x4  }
0x197: {  	v2 =	vshrl.u32 v1, $0x10  }
0x198: {  	v1 =	vand.u32 $0xFFFF, v1;
	[tilespmem:$0x2940] =	vst v2  }
0x199: {  	[tilespmem:$0x29C0] =	vst v1  }
0x19a: {  	v1 =	vld [tilespmem:s23+$0x2D0];
	_ =	sdelay $0x4  }
0x19b: {  	v2 =	vshrl.u32 v1, $0x10  }
0x19c: {  	v1 =	vand.u32 $0xFFFF, v1;
	[tilespmem:$0x2950] =	vst v2  }
0x19d: {  	[tilespmem:$0x29D0] =	vst v1  }
0x19e: {  	v1 =	vld [tilespmem:s23+$0x2E0];
	_ =	sdelay $0x4  }
0x19f: {  	v2 =	vshrl.u32 v1, $0x10  }
0x1a0: {  	v1 =	vand.u32 $0xFFFF, v1;
	[tilespmem:$0x2960] =	vst v2  }
0x1a1: {  	[tilespmem:$0x29E0] =	vst v1  }
0x1a2: {  	v1 =	vld [tilespmem:s23+$0x2F0];
	_ =	sdelay $0x4  }
0x1a3: {  	v2 =	vshrl.u32 v1, $0x10  }
0x1a4: {  	v1 =	vand.u32 $0xFFFF, v1;
	[tilespmem:$0x2970] =	vst v2  }
0x1a5: {  	[tilespmem:$0x29F0] =	vst v1  }
0x1a6: {  	[tilespmem:s18], [sflag:$0x2] =	stream.indirect.gather [hbm4b:s4+s15], $0x80, s17, s15, $0xb8;
	[tilespmem:$0x1EA00] =	vst v63  }
0x1a7: {  	_ =	swait.ge [sflag:s19], $0x4000  }
0x1a8: {  	[sflag:s19] =	ssyncset.done $0x0  }
0x1a9: {  	[sflag:s19] =	ssyncadd.s32 $0xFFFFC000  }
0x1aa: {  	[spmem:s2] =	stream.indirect.scatter.add.f32 [tilespmem:s13], [sflag:$0x3], $0x80, s20, s15, $0xb8;
	[tilespmem:$0x1EA00] =	vst v63  }
0x1ab: {  	_ =	swait.ge [sflag:s14], $0x4000  }
0x1ac: {  	[sflag:s14] =	ssyncset.done $0x0  }
0x1ad: {  	[sflag:s14] =	ssyncadd.s32 $0xFFFFC000  }
0x1ae: {  	v1 =	vld [tilespmem:$0x2700];
	_ =	sdelay $0x1  }
0x1af: {  	v2 =	vld [tilespmem:$0x2710];
	_ =	sdelay $0x1  }
0x1b0: {  	v3 =	vld [tilespmem:$0x2720]  }
0x1b1: {  	v4 =	vshrl.u32 v1, $0x10  }
0x1b2: {  	v59 =	vld [tilespmem:$0x2730];
	v1 =	vand.u32 $0xFFFF, v1;
	[tilespmem:$0x2800] =	vst v4  }
0x1b3: {  	[tilespmem:$0x2880] =	vst v1;
	v1 =	vshrl.u32 v2, $0x10  }
0x1b4: {  	[tilespmem:$0x2810] =	vst v1;
	v1 =	vand.u32 $0xFFFF, v2;
	v2 =	vld [tilespmem:$0x2740]  }
0x1b5: {  	[tilespmem:$0x2890] =	vst v1;
	v1 =	vshrl.u32 v3, $0x10  }
0x1b6: {  	[tilespmem:$0x2820] =	vst v1;
	v1 =	vand.u32 $0xFFFF, v3;
	v3 =	vld [tilespmem:$0x2750]  }
0x1b7: {  	[tilespmem:$0x28A0] =	vst v1;
	v1 =	vshrl.u32 v59, $0x10  }
0x1b8: {  	v60 =	vld [tilespmem:$0x2760];
	[tilespmem:$0x2830] =	vst v1;
	v1 =	vand.u32 $0xFFFF, v59  }
0x1b9: {  	[tilespmem:$0x28B0] =	vst v1;
	v1 =	vshrl.u32 v2, $0x10  }
0x1ba: {  	[tilespmem:$0x2840] =	vst v1;
	v1 =	vand.u32 $0xFFFF, v2;
	v2 =	vld [tilespmem:$0x2770]  }
0x1bb: {  	[tilespmem:$0x28C0] =	vst v1;
	v1 =	vshrl.u32 v3, $0x10  }
0x1bc: {  	[tilespmem:$0x2850] =	vst v1;
	v1 =	vand.u32 $0xFFFF, v3  }
0x1bd: {  	[tilespmem:$0x28D0] =	vst v1;
	v1 =	vshrl.u32 v60, $0x10  }
0x1be: {  	[tilespmem:$0x2860] =	vst v1;
	v1 =	vand.u32 $0xFFFF, v60  }
0x1bf: {  	[tilespmem:$0x28E0] =	vst v1;
	v1 =	vshrl.u32 v2, $0x10  }
0x1c0: {  	[tilespmem:$0x2870] =	vst v1;
	v1 =	vand.u32 $0xFFFF, v2  }
0x1c1: {  	[tilespmem:$0x28F0] =	vst v1  }
0x1c2: {  	[tilespmem:s13], [sflag:$0x1] =	stream.indirect.gather [hbm4b:s4+s15], $0x80, s16, s15, $0xb8;
	[tilespmem:$0x1EA00] =	vst v63  }
0x1c3: {  	_ =	swait.ge [sflag:s21], $0x4000  }
0x1c4: {  	[sflag:s21] =	ssyncset.done $0x0  }
0x1c5: {  	[sflag:s21] =	ssyncadd.s32 $0xFFFFC000  }
0x1c6: {  	[spmem:s2] =	stream.indirect.scatter.add.f32 [tilespmem:s18], [sflag:$0x3], $0x80, s22, s15, $0xb8;
	[tilespmem:$0x1EA00] =	vst v63  }
0x1c7: {  	_ =	swait.ge [sflag:s14], $0x4000  }
0x1c8: {  	[sflag:s14] =	ssyncset.done $0x0  }
0x1c9: {  	[sflag:s14] =	ssyncadd.s32 $0xFFFFC000  }
0x1ca: {  	v1 =	vld [tilespmem:$0x2780];
	_ =	sdelay $0x1  }
0x1cb: {  	v2 =	vld [tilespmem:$0x2790];
	_ =	sdelay $0x1  }
0x1cc: {  	v3 =	vld [tilespmem:$0x27A0]  }
0x1cd: {  	v61 =	vshrl.u32 v1, $0x10  }
0x1ce: {  	v62 =	vld [tilespmem:$0x27B0];
	v1 =	vand.u32 $0xFFFF, v1;
	[tilespmem:$0x2900] =	vst v61  }
0x1cf: {  	[tilespmem:$0x2980] =	vst v1;
	v1 =	vshrl.u32 v2, $0x10  }
0x1d0: {  	[tilespmem:$0x2910] =	vst v1;
	v1 =	vand.u32 $0xFFFF, v2;
	v2 =	vld [tilespmem:$0x27C0]  }
0x1d1: {  	[tilespmem:$0x2990] =	vst v1;
	v1 =	vshrl.u32 v3, $0x10  }
0x1d2: {  	[tilespmem:$0x2920] =	vst v1;
	v1 =	vand.u32 $0xFFFF, v3;
	v3 =	vld [tilespmem:$0x27D0]  }
0x1d3: {  	[tilespmem:$0x29A0] =	vst v1;
	v1 =	vshrl.u32 v62, $0x10  }
0x1d4: {  	v63 =	vld [tilespmem:$0x27E0];
	[tilespmem:$0x2930] =	vst v1;
	v1 =	vand.u32 $0xFFFF, v62  }
0x1d5: {  	[tilespmem:$0x29B0] =	vst v1;
	v1 =	vshrl.u32 v2, $0x10  }
0x1d6: {  	[tilespmem:$0x2940] =	vst v1;
	v1 =	vand.u32 $0xFFFF, v2;
	v2 =	vld [tilespmem:$0x27F0]  }
0x1d7: {  	[tilespmem:$0x29C0] =	vst v1;
	v1 =	vshrl.u32 v3, $0x10  }
0x1d8: {  	[tilespmem:$0x2950] =	vst v1;
	v1 =	vand.u32 $0xFFFF, v3  }
0x1d9: {  	[tilespmem:$0x29D0] =	vst v1;
	v1 =	vshrl.u32 v63, $0x10  }
0x1da: {  	[tilespmem:$0x2960] =	vst v1;
	v1 =	vand.u32 $0xFFFF, v63  }
0x1db: {  	[tilespmem:$0x29E0] =	vst v1;
	v1 =	vshrl.u32 v2, $0x10  }
0x1dc: {  	[tilespmem:$0x2970] =	vst v1;
	v1 =	vand.u32 $0xFFFF, v2  }
0x1dd: {  	[tilespmem:$0x29F0] =	vst v1  }
0x1de: {  	[tilespmem:s18], [sflag:$0x2] =	stream.indirect.gather [hbm4b:s4+s15], $0x80, s17, s15, $0xb8;
	[tilespmem:$0x1EA00] =	vst v63  }
0x1df: {  	_ =	swait.ge [sflag:s19], $0x4000  }
0x1e0: {  	[sflag:s19] =	ssyncset.done $0x0  }
0x1e1: {  	[sflag:s19] =	ssyncadd.s32 $0xFFFFC000  }
0x1e2: {  	[spmem:s2] =	stream.indirect.scatter.add.f32 [tilespmem:s13], [sflag:$0x3], $0x80, s20, s15, $0xb8;
	[tilespmem:$0x1EA00] =	vst v63  }
0x1e3: {  	_ =	swait.ge [sflag:s14], $0x4000  }
0x1e4: {  	[sflag:s14] =	ssyncset.done $0x0  }
0x1e5: {  	[sflag:s14] =	ssyncadd.s32 $0xFFFFC000  }
0x1e6: {  	_ =	swait.ge [sflag:s21], $0x4000  }
0x1e7: {  	[sflag:s21] =	ssyncset.done $0x0  }
0x1e8: {  	[sflag:s21] =	ssyncadd.s32 $0xFFFFC000  }
0x1e9: {  	[spmem:s2] =	stream.indirect.scatter.add.f32 [tilespmem:s18], [sflag:$0x3], $0x80, s22, s15, $0xb8;
	[tilespmem:$0x1EA00] =	vst v63  }
0x1ea: {  	_ =	swait.ge [sflag:s14], $0x4000  }
0x1eb: {  	s31 =	sshll.u32 s0, $0x6;
	s3 =	sadd.s32 $0x1, s3;
	[sflag:s14] =	ssyncset.done $0x0  }
0x1ec: {  	s24 =	sshrl.u32 s5, $0x3;
	p0 =	sne.s32 s3, s8;
	[sflag:s14] =	ssyncadd.s32 $0xFFFFC000  }
.Ltmp2:
0x1ed: {  	s23 =	sor.u32 $0x1C03, s31;
	[bflag:$0x0] =	sbarrier.arrive $0xFFFF;
	(pc) =	sbr.rel @p0 .LBB2_1-.Ltmp2, $4  }
0x1ee: {  	[hbm:s7], [sflag:s23] =	dma.local [spmem:s24], $0x2800  }
0x1ef: {  	_ =	swait.ge [sflag:s14], $0x2800  }
0x1f0: {  	[sflag:s14] =	ssyncset.done $0x0  }
0x1f1: {  	[sflag:s14] =	ssyncadd.s32 $0xFFFFD800  }
0x1f2: {  	_ =	sfence.sel $0x180000  }
0x1f3: {  	[bflag:$0x0] =	sbarrier.arrive $0xFFFF  }
0x1f4: {  	p0 =	sne.s32 s0, $0x0;
	_ =	strace $0x90000047  }
0x1f5: {  	s0 =	sadd.s32 @!p0 $0x100000, s1;
	[bflag:$0x2] =	sbarrier.arrive $0xFFFF  }
0x1f6: {  	[sflag:s0] =	ssyncadd.tile.s32 @!p0 $0x1;
	_ =	shalt  }
.Lfunc_end2:
_tile_overlayer_lowered:
.L_overlay_start_2:
0x1f7: {  	(tag) =	ssettag $0x2  }
0x1f8: {  	s0 =	rddreg [dreg:$0x0];
	s2 =	stileid.u32  }
0x1f9: {  	s1 =	rddreg [dreg:$0x1];
	p0 =	sne.s32 s2, $0x0  }
0x1fa: {  	s3 =	rddreg [dreg:$0x2];
	[bflag:$0x3] =	sbarrier.arrive $0xFFFF;
	s2 =	simm.s32 @!p0 $0x1C03  }
0x1fb: {  	[timem:s3], [sflag:s2] =	dma.local @!p0 [hbm:s0], s1  }
0x1fc: {  	s0 =	simm.s32 @!p0 $0x3  }
0x1fd: {  	_ =	swait.ge @!p0 [sflag:s0], s1  }
0x1fe: {  	s1 =	ssub.s32 @!p0 $0x0, s1;
	[sflag:s0] =	ssyncset.done @!p0 $0x0  }
0x1ff: {  	[sflag:s0] =	ssyncadd.s32 @!p0 s1  }
0x200: {  	[bflag:$0x3] =	sbarrier.arrive $0xFFFF  }
0x201: {  	_ =	shalt  }

// kernel: kernel.14.cloned.1.call-start
scs
__scs_entry_jumppad:
0x0: {  	(pc) =	sbr.rel $0x88, $3  }
0x1: {  	(tag) =	ssettag $0x0;
	lr =	simm.s32 $0x1  }
0x2: {  	[smem:$0x3F8D] =	sst lr;
	_ =	strace $0xD0000000  }
0x3: {  	_ = 	snop  }
0x4: {  	_ = 	snop  }
0x5: {  	_ = 	snop  }
0x6: {  	_ = 	snop  }
0x7: {  	_ = 	snop  }
__scs_overlays_trampoline_lowered:
0x8: {  	[smem:$0x3F9C] =	sst s0  }
0x9: {  	[smem:$0x3F9D] =	sst s1  }
0xa: {  	[smem:$0x3F9E] =	sst s2  }
0xb: {  	[smem:$0x3F9F] =	sst s3  }
0xc: {  	[smem:$0x3FA0] =	sst s4  }
0xd: {  	[smem:$0x3FA1] =	sst s5  }
0xe: {  	[smem:$0x3FA2] =	sst s6  }
0xf: {  	[smem:$0x3FA3] =	sst s7  }
0x10: {  	[smem:$0x3FA4] =	sst s8  }
0x11: {  	[smem:$0x3FA5] =	sst s9;
	s0 =	simm.s32 @!p0 $0x0  }
0x12: {  	s1 =	sld [smem:$0x3F8B];
	s0 =	simm.s32 @p0 $0x1  }
0x13: {  	[smem:$0x3FA6] =	sst s0;
	s0 =	simm.s32 @!p1 $0x0  }
0x14: {  	s2 =	sld [smem:$0x3F8A];
	s0 =	simm.s32 @p1 $0x1  }
0x15: {  	[smem:$0x3FA7] =	sst s0;
	s0 =	simm.s32 @!p2 $0x0  }
0x16: {  	s3 =	sld [smem:$0x3FDB];
	s0 =	simm.s32 @p2 $0x1  }
0x17: {  	s4 =	simm.s32 $0x1BF5;
	[smem:$0x3FA9] =	sst s0  }
0x18: {  	s0 =	sld [smem:$0x3F8C];
	_ =	swait.ge [sflag:s4], $0x0  }
0x19: {  	s7 =	sld [smem:$0x3F8D]  }
0x1a: {  	s8 =	sadd.s32 $0xFFFFE003, lr  }
0x1b: {  	s9 =	sadd.s32 $0xFFFFFEF7, lr;
	s5 =	simm.s32 $0xFFFFFFFF;
	p2 =	slt.u32 s8, $0xFFFFF086  }
0x1c: {  	p1 =	slt.u32 s9, $0xF7A;
	s5 =	simm.s32 @!p2 $0x0  }
0x1d: {  	s5 =	simm.s32 @p1 $0x1;
	p0 =	seq.s32 s7, s2  }
0x1e: {  	s7 =	smul.u32 @!p0 $0xF7A, s2;
	p2 =	seq.s32 @!p0 s5, $0x0  }
0x1f: {  	s9 =	smul.u32 $0xF7A, s1;
	s8 =	simm.s32 @!p0 $0x1BF5;
	p2 =	por !p2, p0  }
0x20: {  	[sflag:s8] =	ssyncset.s32 @!p0 $0xFFFFF086;
	s6 =	sadd.s32 @!p0 s3, s7;
	s7 =	simm.s32 @!p0 $0x108  }
0x21: {  	s3 =	sadd.s32 s3, s9;
	s6 =	sadd.s32 @!p0 $0x88, s6;
	s7 =	simm.s32 @p2 $0x1082  }
0x22: {  	[simem:s7], [sflag:s8] =	dma.local @!p0 [hbm:s6], $0xF7A  }
0x23: {  	s9 =	sor.u32 $0xD0000000, s2;
	s6 =	simm.s32 $0x108;
	_ =	swait.ge @!p0 [sflag:s8], $0x0  }
0x24: {  	s3 =	sadd.s32 $0x88, s3;
	s6 =	simm.s32 @!p1 $0x1082;
	[sflag:s4] =	ssyncset.s32 $0xFFFFF086  }
0x25: {  	[simem:s6], [sflag:s4] =	dma.local [hbm:s3], $0xF7A  }
0x26: {  	[smem:$0x3F8D] =	sst s1;
	(tag) =	ssettag s2;
	_ =	strace s9  }
0x27: {  	s1 =	sld [smem:$0x3F9D]  }
0x28: {  	s2 =	sld [smem:$0x3F9E]  }
0x29: {  	s4 =	sld [smem:$0x3FA0]  }
0x2a: {  	p0 =	seq.s32 s5, $0x0;
	s5 =	sld [smem:$0x3FA1]  }
0x2b: {  	s6 =	sld [smem:$0x3FA2]  }
0x2c: {  	s7 =	sld [smem:$0x3FA3]  }
0x2d: {  	s3 =	simm.s32 $0x108;
	s8 =	sld [smem:$0x3FA4]  }
0x2e: {  	s3 =	simm.s32 @!p0 $0x1082;
	s9 =	sld [smem:$0x3FA5]  }
0x2f: {  	lr =	sadd.s32 s0, s3;
	s0 =	sld [smem:$0x3F9C]  }
0x30: {  	s3 =	sld [smem:$0x3F9F]  }
0x31: {  	[smem:$0x3FA8] =	sst s10  }
0x32: {  	s10 =	sld [smem:$0x3FA6];
	_ =	sdelay $0x3  }
0x33: {  	p0 =	seq.s32 s10, $0x1;
	s10 =	sld [smem:$0x3FA8];
	_ =	sdelay $0x3  }
0x34: {  	[smem:$0x3FA8] =	sst s10  }
0x35: {  	s10 =	sld [smem:$0x3FA7];
	_ =	sdelay $0x3  }
0x36: {  	p1 =	seq.s32 s10, $0x1;
	s10 =	sld [smem:$0x3FA8];
	_ =	sdelay $0x3  }
0x37: {  	[smem:$0x3FA8] =	sst s10  }
0x38: {  	s10 =	sld [smem:$0x3FA9]  }
0x39: {  	_ = 	snop;
	(pc) =	sbr.ind lr, $3  }
0x3a: {  	_ = 	snop  }
0x3b: {  	_ = 	snop  }
0x3c: {  	p2 =	seq.s32 s10, $0x1;
	s10 =	sld [smem:$0x3FA8]  }
0x3d: {  	_ =	shalt  }
0x3e: {  	_ =	shalt  }
0x3f: {  	_ =	shalt  }
0x40: {  	_ =	shalt  }
0x41: {  	_ =	shalt  }
0x42: {  	_ =	shalt  }
0x43: {  	_ =	shalt  }
0x44: {  	_ =	shalt  }
0x45: {  	_ =	shalt  }
0x46: {  	_ =	shalt  }
0x47: {  	_ =	shalt  }
0x48: {  	_ =	shalt  }
0x49: {  	_ =	shalt  }
0x4a: {  	_ =	shalt  }
0x4b: {  	_ =	shalt  }
0x4c: {  	_ =	shalt  }
0x4d: {  	_ =	shalt  }
0x4e: {  	_ =	shalt  }
0x4f: {  	_ =	shalt  }
0x50: {  	_ =	shalt  }
0x51: {  	_ =	shalt  }
0x52: {  	_ =	shalt  }
0x53: {  	_ =	shalt  }
0x54: {  	_ =	shalt  }
0x55: {  	_ =	shalt  }
0x56: {  	_ =	shalt  }
0x57: {  	_ =	shalt  }
0x58: {  	_ =	shalt  }
0x59: {  	_ =	shalt  }
0x5a: {  	_ =	shalt  }
0x5b: {  	_ =	shalt  }
0x5c: {  	_ =	shalt  }
0x5d: {  	_ =	shalt  }
0x5e: {  	_ =	shalt  }
0x5f: {  	_ =	shalt  }
0x60: {  	_ =	shalt  }
0x61: {  	_ =	shalt  }
0x62: {  	_ =	shalt  }
0x63: {  	_ =	shalt  }
0x64: {  	_ =	shalt  }
0x65: {  	_ =	shalt  }
0x66: {  	_ =	shalt  }
0x67: {  	_ =	shalt  }
0x68: {  	_ =	shalt  }
0x69: {  	_ =	shalt  }
0x6a: {  	_ =	shalt  }
0x6b: {  	_ =	shalt  }
0x6c: {  	_ =	shalt  }
0x6d: {  	_ =	shalt  }
0x6e: {  	_ =	shalt  }
0x6f: {  	_ =	shalt  }
0x70: {  	_ =	shalt  }
0x71: {  	_ =	shalt  }
0x72: {  	_ =	shalt  }
0x73: {  	_ =	shalt  }
0x74: {  	_ =	shalt  }
0x75: {  	_ =	shalt  }
0x76: {  	_ =	shalt  }
0x77: {  	_ =	shalt  }
0x78: {  	_ =	shalt  }
0x79: {  	_ =	shalt  }
0x7a: {  	_ =	shalt  }
0x7b: {  	_ =	shalt  }
0x7c: {  	_ =	shalt  }
0x7d: {  	_ =	shalt  }
0x7e: {  	_ =	shalt  }
0x7f: {  	_ =	shalt  }
0x80: {  	_ =	shalt  }
0x81: {  	_ =	shalt  }
0x82: {  	_ =	shalt  }
0x83: {  	_ =	shalt  }
0x84: {  	_ =	shalt  }
0x85: {  	_ =	shalt  }
0x86: {  	_ =	shalt  }
0x87: {  	_ =	shalt  }
.Lfunc_end0:
.L_simem_size_0:
called_computation.2_lowered:
.L_overlay_start_0:
0x88: {  	s2 =	sld [smem:$0x3FD9]  }
0x89: {  	s3 =	sld [smem:$0x3FFE];
	_ =	sdelay $0x1  }
0x8a: {  	s1 =	srdreg.scid  }
0x8b: {  	s0 =	sand.u32 $0x1, s1  }
0x8c: {  	s16 =	sshll.u32 s0, $0xA;
	s2 =	sadd.s32 s3, s2  }
0x8d: {  	s2 =	sadd.s32 s2, s16  }
0x8e: {  	[smem:$0x3FB4] =	sst s2  }
0x8f: {  	_ = 	snop  }
0x90: {  	(tm) =	ssettm $0x1  }
0x91: {  	s17 =	sld [smem:$0x3FFB];
	_ =	sdelay $0x3  }
0x92: {  	_ =	strace s17  }
0x93: {  	s2 =	sld [smem:$0x3FFC];
	_ =	sdelay $0x3  }
0x94: {  	_ =	strace s2  }
0x95: {  	s2 =	sld [smem:$0x3FFD];
	_ =	sdelay $0x3  }
0x96: {  	_ =	strace s2  }
0x97: {  	_ =	strace $0x8FFFFFFF  }
0x98: {  	s18 =	sld [smem:$0x3FDB];
	_ =	sdelay $0x1  }
0x99: {  	s19 =	simm.s32 $_scs_section_size  }
0x9a: {  	s4 =	simm.s32 $_size__tile_overlayer_lowered;
	s5 =	simm.s32 $_tile_overlayer_lowered  }
0x9b: {  	s22 =	simm.s32 $0x1BFF;
	s21 =	sshll.u32 s5, $0x1;
	s2 =	sadd.s32 s19, s18  }
0x9c: {  	s6 =	simm.s32 $0x0;
	s20 =	sshll.u32 s4, $0x1;
	s4 =	sadd.s32 s21, s2  }
0x9d: {  	[timem:s6], [sflag:s22] =	dma.local [hbm:s4], s20  }
0x9e: {  	_ =	swait.ge [sflag:s22], s20  }
0x9f: {  	s3 =	ssub.s32 $0x0, s20;
	[sflag:s22] =	ssyncset.done $0x0  }
0xa0: {  	[sflag:s22] =	ssyncadd.s32 s3;
	_ =	sdelay $0x1  }
0xa1: {  	s23 =	simm.s32 $0x1B8B  }
0xa2: {  	_ =	swait.ge [sflag:s23], $0x1  }
0xa3: {  	[sflag:s23] =	ssyncset.done $0x0  }
0xa4: {  	s25 =	simm.s32 $0x1B8E;
	s24 =	sld [smem:$0x3FFE];
	[sflag:s23] =	ssyncadd.s32 $0xFFFFFFFF  }
0xa5: {  	s26 =	simm.s32 $execute0_lowered;
	[smem:$0x3FD2] =	sst s25  }
0xa6: {  	s4 =	sshll.u32 s26, $0x1;
	_ =	strace $0x8000004C;
	[dreg:$0x1] =	wrdreg $0xFFFFFFFF  }
0xa7: {  	s28 =	simm.s32 $_size_execute0_lowered;
	s2 =	sadd.s32 s2, s4;
	[dreg:$0x0] =	wrdreg $0x0  }
0xa8: {  	s4 =	sshll.u32 s28, $0x1;
	[dreg:$0x2] =	wrdreg s2  }
0xa9: {  	[dreg:$0x3] =	wrdreg s4  }
0xaa: {  	[dreg:$0x4] =	wrdreg $0xC0  }
0xab: {  	_ =	task [dreg:s6], $0x5FFFF  }
0xac: {  	[dreg:$0x1] =	wrdreg $0xFFFFFFFF  }
0xad: {  	[dreg:$0x0] =	wrdreg $0x60  }
0xae: {  	[dreg:$0x2] =	wrdreg s24  }
0xaf: {  	[dreg:$0x3] =	wrdreg $0xAA000  }
0xb0: {  	[dreg:$0x4] =	wrdreg $0x9  }
0xb1: {  	_ =	task.clear_ibuf [dreg:s6], $0x5FFFF;
	_ =	strace $0x9000004C  }
0xb2: {  	s29 =	simm.s32 $0x9;
	_ =	strace $0x8000004E  }
0xb3: {  	_ =	swait.ge [sflag:s29], $0x1  }
0xb4: {  	[sflag:s29] =	ssyncadd.s32 $0xFFFFFFFF  }
0xb5: {  	_ =	strace $0x9000004E  }
0xb6: {  	_ =	sfence  }
0xb7: {  	s30 =	sld [smem:$0x0];
	_ =	sdelay $0x2  }
0xb8: {  	s31 =	sshll.u32 s1, $0xD;
	s1 =	sshrl.u32 s1, $0x2  }
0xb9: {  	s3 =	sand.u32 $0x4000, s31;
	s1 =	sadd.s32 s1, s30  }
0xba: {  	s0 =	sor.u32 s3, s0;
	s1 =	sshll.u32 s1, $0x11  }
0xbb: {  	s0 =	sor.u32 s1, s0  }
0xbc: {  	s0 =	sadd.s32 $0x8F2B, s0  }
0xbd: {  	[sflag:s0] =	ssyncadd.remote.s32 $0x1  }
0xbe: {  	_ =	sfence.sel $0xFFFF  }
0xbf: {  	[dreg:$0x0] =	wrdreg $0xFFFFFFFF;
	(pc) =	sbr.abs _section_cstart, $3  }
0xc0: {  	[dreg:$0x1] =	wrdreg $0xFFFFFFFF  }
0xc1: {  	_ =	task.clear_ibuf [dreg:s6], $0x2FFFF;
	_ =	strace $0x9FFFFFFF  }
0xc2: {  	(tm) =	ssettm $0x7FFFFFFF  }
0xc3: {  	_ =	shalt  }
tec
execute0_lowered:
.L_overlay_start_1:
0x0: {  	(tag) =	ssettag $0x1  }
0x1: {  	s5 =	rddreg [dreg:$0x0]  }
0x2: {  	s2 =	rddreg [dreg:$0x1]  }
0x3: {  	s0 =	srdreg.scid;
	s1 =	rddreg [dreg:$0x2]  }
0x4: {  	s3 =	simm.s32 $0x0;
	s13 =	simm.s32 $0x2A00;
	s14 =	simm.s32 $0x3  }
0x5: {  	s15 =	simm.s32 $0x80;
	s16 =	simm.s32 $0x2800;
	s6 =	sand.u32 $0x1, s0  }
0x6: {  	s17 =	simm.s32 $0x2900;
	s0 =	stileid.u32;
	s4 =	smul.u32 $0x28000, s6  }
0x7: {  	s18 =	simm.s32 $0x6A00;
	s19 =	simm.s32 $0x1;
	s7 =	smul.u32 $0x2800, s0  }
0x8: {  	s20 =	simm.s32 $0x2880;
	s21 =	simm.s32 $0x2;
	s8 =	smul.u32 $0x140000, s6  }
0x9: {  	s22 =	simm.s32 $0x2980;
	[smem:$0x7FF] =	sst s3;
	s9 =	smul.u32 $0x14000, s0  }
0xa: {  	_ =	strace $0x8000004D;
	s6 =	ssub.s32 $0x2, s6;
	s30 =	smul.u32 $0x50000, s0  }
0xb: {  	s10 =	sshrl.u32 s6, $0x1;
	s7 =	sadd.s32 s7, s4;
	s4 =	sadd.s32 $0x3600, s5  }
0xc: {  	s8 =	sadd.s32 s9, s8;
	s10 =	ssub.s32 s6, s10;
	s7 =	sshrl.u32 s7, $0x3  }
0xd: {  	s31 =	sshrl.u32 s30, $0x2;
	s8 =	sshrl.u32 s8, $0x3;
	s7 =	sadd.s32 s7, s5  }
0xe: {  	s8 =	sadd.s32 s8, s5;
	s5 =	sadd.s32 s31, s2;
	s6 =	sadd.s32 $0x209400, s7  }
0xf: {  	s7 =	sadd.s32 $0x2A800, s8;
	s8 =	smax.u32 s10, $0x1;
	s9 =	sadd.s32 $0x4000, s5  }
0x10: {  	v0 =	vimm.f32 $0.0e+00;
	s10 =	sadd.s32 $0x8000, s5;
	s11 =	sadd.s32 $0xC000, s5;
	s12 =	sadd.s32 $0x10000, s5  }
.LBB2_1:
0x11: {  	s23 =	simm.s32 $0x0;
	s24 =	simm.s32 $0x200  }
.LBB2_2:
0x12: {  	p0 =	sne.s32 s24, $0xFE00;
	[tilespmem:s23+$0x2A70] =	vst v0  }
0x13: {  	[tilespmem:s23+$0x2A00] =	vst v0  }
0x14: {  	[tilespmem:s23+$0x2A10] =	vst v0  }
.Ltmp0:
0x15: {  	[tilespmem:s23+$0x2A20] =	vst v0;
	(pc) =	sbr.rel @p0 .LBB2_2-.Ltmp0, $4  }
0x16: {  	[tilespmem:s23+$0x2A30] =	vst v0  }
0x17: {  	[tilespmem:s23+$0x2A40] =	vst v0  }
0x18: {  	[tilespmem:s23+$0x2A50] =	vst v0  }
0x19: {  	[tilespmem:s23+$0x2A60] =	vst v0;
	s23 =	sshra.s32 s24, $0x2;
	s24 =	sadd.s32 $0x200, s24  }
0x1a: {  	[tilespmem:s23+$0x2A70] =	vst v0  }
0x1b: {  	[tilespmem:s23+$0x2A00] =	vst v0  }
0x1c: {  	[tilespmem:s23+$0x2A10] =	vst v0  }
0x1d: {  	[tilespmem:s23+$0x2A20] =	vst v0  }
0x1e: {  	[tilespmem:s23+$0x2A30] =	vst v0  }
0x1f: {  	[tilespmem:s23+$0x2A40] =	vst v0  }
0x20: {  	[tilespmem:s23+$0x2A50] =	vst v0  }
0x21: {  	[tilespmem:s23+$0x2A60] =	vst v0  }
0x22: {  	[spmem:s5] =	stream.linear.scatter [tilespmem:s13], [sflag:$0x3], $0x4000, $0x38;
	[tilespmem:$0x1EA00] =	vst v63  }
0x23: {  	_ =	swait.ge [sflag:s14], $0x4000  }
0x24: {  	[sflag:s14] =	ssyncset.done $0x0  }
0x25: {  	[sflag:s14] =	ssyncadd.s32 $0xFFFFC000  }
0x26: {  	[spmem:s9] =	stream.linear.scatter [tilespmem:s13], [sflag:$0x3], $0x4000, $0x38;
	[tilespmem:$0x1EA00] =	vst v63  }
0x27: {  	_ =	swait.ge [sflag:s14], $0x4000  }
0x28: {  	[sflag:s14] =	ssyncset.done $0x0  }
0x29: {  	[sflag:s14] =	ssyncadd.s32 $0xFFFFC000  }
0x2a: {  	[spmem:s10] =	stream.linear.scatter [tilespmem:s13], [sflag:$0x3], $0x4000, $0x38;
	[tilespmem:$0x1EA00] =	vst v63  }
0x2b: {  	_ =	swait.ge [sflag:s14], $0x4000  }
0x2c: {  	[sflag:s14] =	ssyncset.done $0x0  }
0x2d: {  	[sflag:s14] =	ssyncadd.s32 $0xFFFFC000  }
0x2e: {  	[spmem:s11] =	stream.linear.scatter [tilespmem:s13], [sflag:$0x3], $0x4000, $0x38;
	[tilespmem:$0x1EA00] =	vst v63  }
0x2f: {  	_ =	swait.ge [sflag:s14], $0x4000  }
0x30: {  	[sflag:s14] =	ssyncset.done $0x0  }
0x31: {  	[sflag:s14] =	ssyncadd.s32 $0xFFFFC000  }
0x32: {  	[spmem:s12] =	stream.linear.scatter [tilespmem:s13], [sflag:$0x3], $0x4000, $0x38;
	[tilespmem:$0x1EA00] =	vst v63  }
0x33: {  	_ =	swait.ge [sflag:s14], $0x4000  }
0x34: {  	[sflag:s14] =	ssyncset.done $0x0  }
0x35: {  	s31 =	simm.s32 $0x0;
	[sflag:s14] =	ssyncadd.s32 $0xFFFFC000  }
0x36: {  	[tilespmem:s31], [sflag:$0x3] =	stream.linear.gather [hbm4b:s6+s31], $0x2800, $0x38;
	[tilespmem:$0x1EA00] =	vst v63  }
0x37: {  	_ =	swait.ge [sflag:s14], $0x2800  }
0x38: {  	[sflag:s14] =	ssyncset.done $0x0  }
0x39: {  	[sflag:s14] =	ssyncadd.s32 $0xFFFFD800  }
0x3a: {  	[bflag:$0x0] =	sbarrier.arrive $0xFFFF  }
0x3b: {  	v1 =	vld [tilespmem:$0x0];
	_ =	sdelay $0x1  }
0x3c: {  	v2 =	vld [tilespmem:$0x10];
	_ =	sdelay $0x1  }
0x3d: {  	v3 =	vld [tilespmem:$0x20]  }
0x3e: {  	v4 =	vshrl.u32 v1, $0x10  }
0x3f: {  	v59 =	vld [tilespmem:$0x30];
	v1 =	vand.u32 $0xFFFF, v1;
	[tilespmem:$0x2800] =	vst v4  }
0x40: {  	[tilespmem:$0x2880] =	vst v1;
	v1 =	vshrl.u32 v2, $0x10  }
0x41: {  	[tilespmem:$0x2810] =	vst v1;
	v1 =	vand.u32 $0xFFFF, v2;
	v2 =	vld [tilespmem:$0x40]  }
0x42: {  	[tilespmem:$0x2890] =	vst v1;
	v1 =	vshrl.u32 v3, $0x10  }
0x43: {  	[tilespmem:$0x2820] =	vst v1;
	v1 =	vand.u32 $0xFFFF, v3;
	v3 =	vld [tilespmem:$0x50]  }
0x44: {  	[tilespmem:$0x28A0] =	vst v1;
	v1 =	vshrl.u32 v59, $0x10  }
0x45: {  	v60 =	vld [tilespmem:$0x60];
	[tilespmem:$0x2830] =	vst v1;
	v1 =	vand.u32 $0xFFFF, v59  }
0x46: {  	[tilespmem:$0x28B0] =	vst v1;
	v1 =	vshrl.u32 v2, $0x10  }
0x47: {  	[tilespmem:$0x2840] =	vst v1;
	v1 =	vand.u32 $0xFFFF, v2;
	v2 =	vld [tilespmem:$0x70]  }
0x48: {  	[tilespmem:$0x28C0] =	vst v1;
	v1 =	vshrl.u32 v3, $0x10  }
0x49: {  	[tilespmem:$0x2850] =	vst v1;
	v1 =	vand.u32 $0xFFFF, v3  }
0x4a: {  	[tilespmem:$0x28D0] =	vst v1;
	v1 =	vshrl.u32 v60, $0x10  }
0x4b: {  	[tilespmem:$0x2860] =	vst v1;
	v1 =	vand.u32 $0xFFFF, v60  }
0x4c: {  	[tilespmem:$0x28E0] =	vst v1;
	v1 =	vshrl.u32 v2, $0x10  }
0x4d: {  	[tilespmem:$0x2870] =	vst v1;
	v1 =	vand.u32 $0xFFFF, v2  }
0x4e: {  	[tilespmem:$0x28F0] =	vst v1  }
0x4f: {  	[tilespmem:s13], [sflag:$0x1] =	stream.indirect.gather [hbm4b:s4+s15], $0x80, s16, s15, $0xb8;
	[tilespmem:$0x1EA00] =	vst v63  }
0x50: {  	v1 =	vld [tilespmem:$0x80];
	_ =	sdelay $0x1  }
0x51: {  	v2 =	vld [tilespmem:$0x90];
	_ =	sdelay $0x1  }
0x52: {  	v3 =	vld [tilespmem:$0xA0]  }
0x53: {  	v61 =	vshrl.u32 v1, $0x10  }
0x54: {  	v62 =	vld [tilespmem:$0xB0];
	v1 =	vand.u32 $0xFFFF, v1;
	[tilespmem:$0x2900] =	vst v61  }
0x55: {  	[tilespmem:$0x2980] =	vst v1;
	v1 =	vshrl.u32 v2, $0x10  }
0x56: {  	[tilespmem:$0x2910] =	vst v1;
	v1 =	vand.u32 $0xFFFF, v2;
	v2 =	vld [tilespmem:$0xC0]  }
0x57: {  	[tilespmem:$0x2990] =	vst v1;
	v1 =	vshrl.u32 v3, $0x10  }
0x58: {  	[tilespmem:$0x2920] =	vst v1;
	v1 =	vand.u32 $0xFFFF, v3;
	v3 =	vld [tilespmem:$0xD0]  }
0x59: {  	[tilespmem:$0x29A0] =	vst v1;
	v1 =	vshrl.u32 v62, $0x10  }
0x5a: {  	v63 =	vld [tilespmem:$0xE0];
	[tilespmem:$0x2930] =	vst v1;
	v1 =	vand.u32 $0xFFFF, v62  }
0x5b: {  	[tilespmem:$0x29B0] =	vst v1;
	v1 =	vshrl.u32 v2, $0x10  }
0x5c: {  	[tilespmem:$0x2940] =	vst v1;
	v1 =	vand.u32 $0xFFFF, v2;
	v2 =	vld [tilespmem:$0xF0]  }
0x5d: {  	[tilespmem:$0x29C0] =	vst v1;
	v1 =	vshrl.u32 v3, $0x10  }
0x5e: {  	[tilespmem:$0x2950] =	vst v1;
	v1 =	vand.u32 $0xFFFF, v3  }
0x5f: {  	[tilespmem:$0x29D0] =	vst v1;
	v1 =	vshrl.u32 v63, $0x10  }
0x60: {  	[tilespmem:$0x2960] =	vst v1;
	v1 =	vand.u32 $0xFFFF, v63  }
0x61: {  	[tilespmem:$0x29E0] =	vst v1;
	v1 =	vshrl.u32 v2, $0x10  }
0x62: {  	[tilespmem:$0x2970] =	vst v1;
	v1 =	vand.u32 $0xFFFF, v2  }
0x63: {  	[tilespmem:$0x29F0] =	vst v1  }
0x64: {  	[tilespmem:s18], [sflag:$0x2] =	stream.indirect.gather [hbm4b:s4+s15], $0x80, s17, s15, $0xb8;
	[tilespmem:$0x1EA00] =	vst v63  }
0x65: {  	_ =	swait.ge [sflag:s19], $0x4000  }
0x66: {  	[sflag:s19] =	ssyncset.done $0x0  }
0x67: {  	[sflag:s19] =	ssyncadd.s32 $0xFFFFC000  }
0x68: {  	[spmem:s2] =	stream.indirect.scatter.add.f32 [tilespmem:s13], [sflag:$0x3], $0x80, s20, s15, $0xb8;
	[tilespmem:$0x1EA00] =	vst v63  }
0x69: {  	_ =	swait.ge [sflag:s14], $0x4000  }
0x6a: {  	[sflag:s14] =	ssyncset.done $0x0  }
0x6b: {  	s23 =	simm.s32 $0x0;
	[sflag:s14] =	ssyncadd.s32 $0xFFFFC000  }
0x6c: {  	v1 =	vld [tilespmem:s23+$0x100];
	_ =	sdelay $0x4  }
0x6d: {  	v2 =	vshrl.u32 v1, $0x10  }
0x6e: {  	v1 =	vand.u32 $0xFFFF, v1;
	[tilespmem:$0x2800] =	vst v2  }
0x6f: {  	[tilespmem:$0x2880] =	vst v1  }
0x70: {  	v1 =	vld [tilespmem:s23+$0x110];
	_ =	sdelay $0x4  }
0x71: {  	v2 =	vshrl.u32 v1, $0x10  }
0x72: {  	v1 =	vand.u32 $0xFFFF, v1;
	[tilespmem:$0x2810] =	vst v2  }
0x73: {  	[tilespmem:$0x2890] =	vst v1  }
0x74: {  	v1 =	vld [tilespmem:s23+$0x120];
	_ =	sdelay $0x4  }
0x75: {  	v2 =	vshrl.u32 v1, $0x10  }
0x76: {  	v1 =	vand.u32 $0xFFFF, v1;
	[tilespmem:$0x2820] =	vst v2  }
0x77: {  	[tilespmem:$0x28A0] =	vst v1  }
0x78: {  	v1 =	vld [tilespmem:s23+$0x130];
	_ =	sdelay $0x4  }
0x79: {  	v2 =	vshrl.u32 v1, $0x10  }
0x7a: {  	v1 =	vand.u32 $0xFFFF, v1;
	[tilespmem:$0x2830] =	vst v2  }
0x7b: {  	[tilespmem:$0x28B0] =	vst v1  }
0x7c: {  	v1 =	vld [tilespmem:s23+$0x140];
	_ =	sdelay $0x4  }
0x7d: {  	v2 =	vshrl.u32 v1, $0x10  }
0x7e: {  	v1 =	vand.u32 $0xFFFF, v1;
	[tilespmem:$0x2840] =	vst v2  }
0x7f: {  	[tilespmem:$0x28C0] =	vst v1  }
0x80: {  	v1 =	vld [tilespmem:s23+$0x150];
	_ =	sdelay $0x4  }
0x81: {  	v2 =	vshrl.u32 v1, $0x10  }
0x82: {  	v1 =	vand.u32 $0xFFFF, v1;
	[tilespmem:$0x2850] =	vst v2  }
0x83: {  	[tilespmem:$0x28D0] =	vst v1  }
0x84: {  	v1 =	vld [tilespmem:s23+$0x160];
	_ =	sdelay $0x4  }
0x85: {  	v2 =	vshrl.u32 v1, $0x10  }
0x86: {  	v1 =	vand.u32 $0xFFFF, v1;
	[tilespmem:$0x2860] =	vst v2  }
0x87: {  	[tilespmem:$0x28E0] =	vst v1  }
0x88: {  	v1 =	vld [tilespmem:s23+$0x170];
	_ =	sdelay $0x4  }
0x89: {  	v2 =	vshrl.u32 v1, $0x10  }
0x8a: {  	v1 =	vand.u32 $0xFFFF, v1;
	[tilespmem:$0x2870] =	vst v2  }
0x8b: {  	[tilespmem:$0x28F0] =	vst v1  }
0x8c: {  	[tilespmem:s13], [sflag:$0x1] =	stream.indirect.gather [hbm4b:s4+s15], $0x80, s16, s15, $0xb8;
	[tilespmem:$0x1EA00] =	vst v63  }
0x8d: {  	_ =	swait.ge [sflag:s21], $0x4000  }
0x8e: {  	[sflag:s21] =	ssyncset.done $0x0  }
0x8f: {  	[sflag:s21] =	ssyncadd.s32 $0xFFFFC000  }
0x90: {  	[spmem:s2] =	stream.indirect.scatter.add.f32 [tilespmem:s18], [sflag:$0x3], $0x80, s22, s15, $0xb8;
	[tilespmem:$0x1EA00] =	vst v63  }
0x91: {  	_ =	swait.ge [sflag:s14], $0x4000  }
0x92: {  	[sflag:s14] =	ssyncset.done $0x0  }
0x93: {  	[sflag:s14] =	ssyncadd.s32 $0xFFFFC000  }
0x94: {  	v1 =	vld [tilespmem:s23+$0x180];
	_ =	sdelay $0x4  }
0x95: {  	v2 =	vshrl.u32 v1, $0x10  }
0x96: {  	v1 =	vand.u32 $0xFFFF, v1;
	[tilespmem:$0x2900] =	vst v2  }
0x97: {  	[tilespmem:$0x2980] =	vst v1  }
0x98: {  	v1 =	vld [tilespmem:s23+$0x190];
	_ =	sdelay $0x4  }
0x99: {  	v2 =	vshrl.u32 v1, $0x10  }
0x9a: {  	v1 =	vand.u32 $0xFFFF, v1;
	[tilespmem:$0x2910] =	vst v2  }
0x9b: {  	[tilespmem:$0x2990] =	vst v1  }
0x9c: {  	v1 =	vld [tilespmem:s23+$0x1A0];
	_ =	sdelay $0x4  }
0x9d: {  	v2 =	vshrl.u32 v1, $0x10  }
0x9e: {  	v1 =	vand.u32 $0xFFFF, v1;
	[tilespmem:$0x2920] =	vst v2  }
0x9f: {  	[tilespmem:$0x29A0] =	vst v1  }
0xa0: {  	v1 =	vld [tilespmem:s23+$0x1B0];
	_ =	sdelay $0x4  }
0xa1: {  	v2 =	vshrl.u32 v1, $0x10  }
0xa2: {  	v1 =	vand.u32 $0xFFFF, v1;
	[tilespmem:$0x2930] =	vst v2  }
0xa3: {  	[tilespmem:$0x29B0] =	vst v1  }
0xa4: {  	v1 =	vld [tilespmem:s23+$0x1C0];
	_ =	sdelay $0x4  }
0xa5: {  	v2 =	vshrl.u32 v1, $0x10  }
0xa6: {  	v1 =	vand.u32 $0xFFFF, v1;
	[tilespmem:$0x2940] =	vst v2  }
0xa7: {  	[tilespmem:$0x29C0] =	vst v1  }
0xa8: {  	v1 =	vld [tilespmem:s23+$0x1D0];
	_ =	sdelay $0x4  }
0xa9: {  	v2 =	vshrl.u32 v1, $0x10  }
0xaa: {  	v1 =	vand.u32 $0xFFFF, v1;
	[tilespmem:$0x2950] =	vst v2  }
0xab: {  	[tilespmem:$0x29D0] =	vst v1  }
0xac: {  	v1 =	vld [tilespmem:s23+$0x1E0];
	_ =	sdelay $0x4  }
0xad: {  	v2 =	vshrl.u32 v1, $0x10  }
0xae: {  	v1 =	vand.u32 $0xFFFF, v1;
	[tilespmem:$0x2960] =	vst v2  }
0xaf: {  	[tilespmem:$0x29E0] =	vst v1  }
0xb0: {  	v1 =	vld [tilespmem:s23+$0x1F0];
	_ =	sdelay $0x4  }
0xb1: {  	v2 =	vshrl.u32 v1, $0x10  }
0xb2: {  	v1 =	vand.u32 $0xFFFF, v1;
	[tilespmem:$0x2970] =	vst v2  }
0xb3: {  	[tilespmem:$0x29F0] =	vst v1  }
0xb4: {  	[tilespmem:s18], [sflag:$0x2] =	stream.indirect.gather [hbm4b:s4+s15], $0x80, s17, s15, $0xb8;
	[tilespmem:$0x1EA00] =	vst v63  }
0xb5: {  	_ =	swait.ge [sflag:s19], $0x4000  }
0xb6: {  	[sflag:s19] =	ssyncset.done $0x0  }
0xb7: {  	[sflag:s19] =	ssyncadd.s32 $0xFFFFC000  }
0xb8: {  	[spmem:s2] =	stream.indirect.scatter.add.f32 [tilespmem:s13], [sflag:$0x3], $0x80, s20, s15, $0xb8;
	[tilespmem:$0x1EA00] =	vst v63  }
0xb9: {  	_ =	swait.ge [sflag:s14], $0x4000  }
0xba: {  	[sflag:s14] =	ssyncset.done $0x0  }
0xbb: {  	[sflag:s14] =	ssyncadd.s32 $0xFFFFC000  }
0xbc: {  	v1 =	vld [tilespmem:s23+$0x200];
	_ =	sdelay $0x4  }
0xbd: {  	v2 =	vshrl.u32 v1, $0x10  }
0xbe: {  	v1 =	vand.u32 $0xFFFF, v1;
	[tilespmem:$0x2800] =	vst v2  }
0xbf: {  	[tilespmem:$0x2880] =	vst v1  }
0xc0: {  	v1 =	vld [tilespmem:s23+$0x210];
	_ =	sdelay $0x4  }
0xc1: {  	v2 =	vshrl.u32 v1, $0x10  }
0xc2: {  	v1 =	vand.u32 $0xFFFF, v1;
	[tilespmem:$0x2810] =	vst v2  }
0xc3: {  	[tilespmem:$0x2890] =	vst v1  }
0xc4: {  	v1 =	vld [tilespmem:s23+$0x220];
	_ =	sdelay $0x4  }
0xc5: {  	v2 =	vshrl.u32 v1, $0x10  }
0xc6: {  	v1 =	vand.u32 $0xFFFF, v1;
	[tilespmem:$0x2820] =	vst v2  }
0xc7: {  	[tilespmem:$0x28A0] =	vst v1  }
0xc8: {  	v1 =	vld [tilespmem:s23+$0x230];
	_ =	sdelay $0x4  }
0xc9: {  	v2 =	vshrl.u32 v1, $0x10  }
0xca: {  	v1 =	vand.u32 $0xFFFF, v1;
	[tilespmem:$0x2830] =	vst v2  }
0xcb: {  	[tilespmem:$0x28B0] =	vst v1  }
0xcc: {  	v1 =	vld [tilespmem:s23+$0x240];
	_ =	sdelay $0x4  }
0xcd: {  	v2 =	vshrl.u32 v1, $0x10  }
0xce: {  	v1 =	vand.u32 $0xFFFF, v1;
	[tilespmem:$0x2840] =	vst v2  }
0xcf: {  	[tilespmem:$0x28C0] =	vst v1  }
0xd0: {  	v1 =	vld [tilespmem:s23+$0x250];
	_ =	sdelay $0x4  }
0xd1: {  	v2 =	vshrl.u32 v1, $0x10  }
0xd2: {  	v1 =	vand.u32 $0xFFFF, v1;
	[tilespmem:$0x2850] =	vst v2  }
0xd3: {  	[tilespmem:$0x28D0] =	vst v1  }
0xd4: {  	v1 =	vld [tilespmem:s23+$0x260];
	_ =	sdelay $0x4  }
0xd5: {  	v2 =	vshrl.u32 v1, $0x10  }
0xd6: {  	v1 =	vand.u32 $0xFFFF, v1;
	[tilespmem:$0x2860] =	vst v2  }
0xd7: {  	[tilespmem:$0x28E0] =	vst v1  }
0xd8: {  	v1 =	vld [tilespmem:s23+$0x270];
	_ =	sdelay $0x4  }
0xd9: {  	v2 =	vshrl.u32 v1, $0x10  }
0xda: {  	v1 =	vand.u32 $0xFFFF, v1;
	[tilespmem:$0x2870] =	vst v2  }
0xdb: {  	[tilespmem:$0x28F0] =	vst v1  }
0xdc: {  	[tilespmem:s13], [sflag:$0x1] =	stream.indirect.gather [hbm4b:s4+s15], $0x80, s16, s15, $0xb8;
	[tilespmem:$0x1EA00] =	vst v63  }
0xdd: {  	_ =	swait.ge [sflag:s21], $0x4000  }
0xde: {  	[sflag:s21] =	ssyncset.done $0x0  }
0xdf: {  	[sflag:s21] =	ssyncadd.s32 $0xFFFFC000  }
0xe0: {  	[spmem:s2] =	stream.indirect.scatter.add.f32 [tilespmem:s18], [sflag:$0x3], $0x80, s22, s15, $0xb8;
	[tilespmem:$0x1EA00] =	vst v63  }
0xe1: {  	_ =	swait.ge [sflag:s14], $0x4000  }
0xe2: {  	[sflag:s14] =	ssyncset.done $0x0  }
0xe3: {  	[sflag:s14] =	ssyncadd.s32 $0xFFFFC000  }
0xe4: {  	v1 =	vld [tilespmem:s23+$0x280];
	_ =	sdelay $0x4  }
0xe5: {  	v2 =	vshrl.u32 v1, $0x10  }
0xe6: {  	v1 =	vand.u32 $0xFFFF, v1;
	[tilespmem:$0x2900] =	vst v2  }
0xe7: {  	[tilespmem:$0x2980] =	vst v1  }
0xe8: {  	v1 =	vld [tilespmem:s23+$0x290];
	_ =	sdelay $0x4  }
0xe9: {  	v2 =	vshrl.u32 v1, $0x10  }
0xea: {  	v1 =	vand.u32 $0xFFFF, v1;
	[tilespmem:$0x2910] =	vst v2  }
0xeb: {  	[tilespmem:$0x2990] =	vst v1  }
0xec: {  	v1 =	vld [tilespmem:s23+$0x2A0];
	_ =	sdelay $0x4  }
0xed: {  	v2 =	vshrl.u32 v1, $0x10  }
0xee: {  	v1 =	vand.u32 $0xFFFF, v1;
	[tilespmem:$0x2920] =	vst v2  }
0xef: {  	[tilespmem:$0x29A0] =	vst v1  }
0xf0: {  	v1 =	vld [tilespmem:s23+$0x2B0];
	_ =	sdelay $0x4  }
0xf1: {  	v2 =	vshrl.u32 v1, $0x10  }
0xf2: {  	s24 =	simm.s32 $0x800;
	v1 =	vand.u32 $0xFFFF, v1;
	[tilespmem:$0x2930] =	vst v2  }
.LBB2_4:
0xf3: {  	p0 =	sne.s32 s24, $0x9000;
	[tilespmem:$0x29B0] =	vst v1;
	s25 =	smov.u32 s24;
	s24 =	sadd.s32 $0x800, s24  }
0xf4: {  	v1 =	vld [tilespmem:s23+$0x2C0];
	_ =	sdelay $0x4  }
0xf5: {  	v2 =	vshrl.u32 v1, $0x10;
	v1 =	vand.u32 $0xFFFF, v1  }
0xf6: {  	[tilespmem:$0x2940] =	vst v2  }
0xf7: {  	[tilespmem:$0x29C0] =	vst v1  }
0xf8: {  	v1 =	vld [tilespmem:s23+$0x2D0];
	_ =	sdelay $0x4  }
0xf9: {  	v2 =	vshrl.u32 v1, $0x10;
	v1 =	vand.u32 $0xFFFF, v1  }
0xfa: {  	[tilespmem:$0x2950] =	vst v2  }
0xfb: {  	[tilespmem:$0x29D0] =	vst v1  }
0xfc: {  	v1 =	vld [tilespmem:s23+$0x2E0];
	_ =	sdelay $0x4  }
0xfd: {  	v2 =	vshrl.u32 v1, $0x10;
	v1 =	vand.u32 $0xFFFF, v1  }
0xfe: {  	[tilespmem:$0x2960] =	vst v2  }
0xff: {  	[tilespmem:$0x29E0] =	vst v1  }
0x100: {  	v1 =	vld [tilespmem:s23+$0x2F0];
	_ =	sdelay $0x4  }
0x101: {  	v2 =	vshrl.u32 v1, $0x10;
	v1 =	vand.u32 $0xFFFF, v1  }
0x102: {  	[tilespmem:$0x2970] =	vst v2  }
0x103: {  	[tilespmem:$0x29F0] =	vst v1  }
0x104: {  	[tilespmem:s18], [sflag:$0x2] =	stream.indirect.gather [hbm4b:s4+s15], $0x80, s17, s15, $0xb8;
	[tilespmem:$0x1EA00] =	vst v63  }
0x105: {  	_ =	swait.ge [sflag:s19], $0x4000  }
0x106: {  	[sflag:s19] =	ssyncset.done $0x0  }
0x107: {  	[sflag:s19] =	ssyncadd.s32 $0xFFFFC000  }
0x108: {  	[spmem:s2] =	stream.indirect.scatter.add.f32 [tilespmem:s13], [sflag:$0x3], $0x80, s20, s15, $0xb8;
	[tilespmem:$0x1EA00] =	vst v63  }
0x109: {  	_ =	swait.ge [sflag:s14], $0x4000  }
0x10a: {  	[sflag:s14] =	ssyncset.done $0x0  }
0x10b: {  	s23 =	sshra.s32 s25, $0x2;
	[sflag:s14] =	ssyncadd.s32 $0xFFFFC000  }
0x10c: {  	v1 =	vld [tilespmem:s23+$0x100];
	_ =	sdelay $0x4  }
0x10d: {  	v2 =	vshrl.u32 v1, $0x10;
	v1 =	vand.u32 $0xFFFF, v1  }
0x10e: {  	[tilespmem:$0x2800] =	vst v2  }
0x10f: {  	[tilespmem:$0x2880] =	vst v1  }
0x110: {  	v1 =	vld [tilespmem:s23+$0x110];
	_ =	sdelay $0x4  }
0x111: {  	v2 =	vshrl.u32 v1, $0x10;
	v1 =	vand.u32 $0xFFFF, v1  }
0x112: {  	[tilespmem:$0x2810] =	vst v2  }
0x113: {  	[tilespmem:$0x2890] =	vst v1  }
0x114: {  	v1 =	vld [tilespmem:s23+$0x120];
	_ =	sdelay $0x4  }
0x115: {  	v2 =	vshrl.u32 v1, $0x10;
	v1 =	vand.u32 $0xFFFF, v1  }
0x116: {  	[tilespmem:$0x2820] =	vst v2  }
0x117: {  	[tilespmem:$0x28A0] =	vst v1  }
0x118: {  	v1 =	vld [tilespmem:s23+$0x130];
	_ =	sdelay $0x4  }
0x119: {  	v2 =	vshrl.u32 v1, $0x10;
	v1 =	vand.u32 $0xFFFF, v1  }
0x11a: {  	[tilespmem:$0x2830] =	vst v2  }
0x11b: {  	[tilespmem:$0x28B0] =	vst v1  }
0x11c: {  	v1 =	vld [tilespmem:s23+$0x140];
	_ =	sdelay $0x4  }
0x11d: {  	v2 =	vshrl.u32 v1, $0x10;
	v1 =	vand.u32 $0xFFFF, v1  }
0x11e: {  	[tilespmem:$0x2840] =	vst v2  }
0x11f: {  	[tilespmem:$0x28C0] =	vst v1  }
0x120: {  	v1 =	vld [tilespmem:s23+$0x150];
	_ =	sdelay $0x4  }
0x121: {  	v2 =	vshrl.u32 v1, $0x10;
	v1 =	vand.u32 $0xFFFF, v1  }
0x122: {  	[tilespmem:$0x2850] =	vst v2  }
0x123: {  	[tilespmem:$0x28D0] =	vst v1  }
0x124: {  	v1 =	vld [tilespmem:s23+$0x160];
	_ =	sdelay $0x4  }
0x125: {  	v2 =	vshrl.u32 v1, $0x10;
	v1 =	vand.u32 $0xFFFF, v1  }
0x126: {  	[tilespmem:$0x2860] =	vst v2  }
0x127: {  	[tilespmem:$0x28E0] =	vst v1  }
0x128: {  	v1 =	vld [tilespmem:s23+$0x170];
	_ =	sdelay $0x4  }
0x129: {  	v2 =	vshrl.u32 v1, $0x10;
	v1 =	vand.u32 $0xFFFF, v1  }
0x12a: {  	[tilespmem:$0x2870] =	vst v2  }
0x12b: {  	[tilespmem:$0x28F0] =	vst v1  }
0x12c: {  	[tilespmem:s13], [sflag:$0x1] =	stream.indirect.gather [hbm4b:s4+s15], $0x80, s16, s15, $0xb8;
	[tilespmem:$0x1EA00] =	vst v63  }
0x12d: {  	_ =	swait.ge [sflag:s21], $0x4000  }
0x12e: {  	[sflag:s21] =	ssyncset.done $0x0  }
0x12f: {  	[sflag:s21] =	ssyncadd.s32 $0xFFFFC000  }
0x130: {  	[spmem:s2] =	stream.indirect.scatter.add.f32 [tilespmem:s18], [sflag:$0x3], $0x80, s22, s15, $0xb8;
	[tilespmem:$0x1EA00] =	vst v63  }
0x131: {  	_ =	swait.ge [sflag:s14], $0x4000  }
0x132: {  	[sflag:s14] =	ssyncset.done $0x0  }
0x133: {  	[sflag:s14] =	ssyncadd.s32 $0xFFFFC000  }
0x134: {  	v1 =	vld [tilespmem:s23+$0x180];
	_ =	sdelay $0x4  }
0x135: {  	v2 =	vshrl.u32 v1, $0x10;
	v1 =	vand.u32 $0xFFFF, v1  }
0x136: {  	[tilespmem:$0x2900] =	vst v2  }
0x137: {  	[tilespmem:$0x2980] =	vst v1  }
0x138: {  	v1 =	vld [tilespmem:s23+$0x190];
	_ =	sdelay $0x4  }
0x139: {  	v2 =	vshrl.u32 v1, $0x10;
	v1 =	vand.u32 $0xFFFF, v1  }
0x13a: {  	[tilespmem:$0x2910] =	vst v2  }
0x13b: {  	[tilespmem:$0x2990] =	vst v1  }
0x13c: {  	v1 =	vld [tilespmem:s23+$0x1A0];
	_ =	sdelay $0x4  }
0x13d: {  	v2 =	vshrl.u32 v1, $0x10;
	v1 =	vand.u32 $0xFFFF, v1  }
0x13e: {  	[tilespmem:$0x2920] =	vst v2  }
0x13f: {  	[tilespmem:$0x29A0] =	vst v1  }
0x140: {  	v1 =	vld [tilespmem:s23+$0x1B0];
	_ =	sdelay $0x4  }
0x141: {  	v2 =	vshrl.u32 v1, $0x10;
	v1 =	vand.u32 $0xFFFF, v1  }
0x142: {  	[tilespmem:$0x2930] =	vst v2  }
0x143: {  	[tilespmem:$0x29B0] =	vst v1  }
0x144: {  	v1 =	vld [tilespmem:s23+$0x1C0];
	_ =	sdelay $0x4  }
0x145: {  	v2 =	vshrl.u32 v1, $0x10;
	v1 =	vand.u32 $0xFFFF, v1  }
0x146: {  	[tilespmem:$0x2940] =	vst v2  }
0x147: {  	[tilespmem:$0x29C0] =	vst v1  }
0x148: {  	v1 =	vld [tilespmem:s23+$0x1D0];
	_ =	sdelay $0x4  }
0x149: {  	v2 =	vshrl.u32 v1, $0x10;
	v1 =	vand.u32 $0xFFFF, v1  }
0x14a: {  	[tilespmem:$0x2950] =	vst v2  }
0x14b: {  	[tilespmem:$0x29D0] =	vst v1  }
0x14c: {  	v1 =	vld [tilespmem:s23+$0x1E0];
	_ =	sdelay $0x4  }
0x14d: {  	v2 =	vshrl.u32 v1, $0x10;
	v1 =	vand.u32 $0xFFFF, v1  }
0x14e: {  	[tilespmem:$0x2960] =	vst v2  }
0x14f: {  	[tilespmem:$0x29E0] =	vst v1  }
0x150: {  	v1 =	vld [tilespmem:s23+$0x1F0];
	_ =	sdelay $0x4  }
0x151: {  	v2 =	vshrl.u32 v1, $0x10;
	v1 =	vand.u32 $0xFFFF, v1  }
0x152: {  	[tilespmem:$0x2970] =	vst v2  }
0x153: {  	[tilespmem:$0x29F0] =	vst v1  }
0x154: {  	[tilespmem:s18], [sflag:$0x2] =	stream.indirect.gather [hbm4b:s4+s15], $0x80, s17, s15, $0xb8;
	[tilespmem:$0x1EA00] =	vst v63  }
0x155: {  	_ =	swait.ge [sflag:s19], $0x4000  }
0x156: {  	[sflag:s19] =	ssyncset.done $0x0  }
0x157: {  	[sflag:s19] =	ssyncadd.s32 $0xFFFFC000  }
0x158: {  	[spmem:s2] =	stream.indirect.scatter.add.f32 [tilespmem:s13], [sflag:$0x3], $0x80, s20, s15, $0xb8;
	[tilespmem:$0x1EA00] =	vst v63  }
0x159: {  	_ =	swait.ge [sflag:s14], $0x4000  }
0x15a: {  	[sflag:s14] =	ssyncset.done $0x0  }
0x15b: {  	[sflag:s14] =	ssyncadd.s32 $0xFFFFC000  }
0x15c: {  	v1 =	vld [tilespmem:s23+$0x200];
	_ =	sdelay $0x4  }
0x15d: {  	v2 =	vshrl.u32 v1, $0x10;
	v1 =	vand.u32 $0xFFFF, v1  }
0x15e: {  	[tilespmem:$0x2800] =	vst v2  }
0x15f: {  	[tilespmem:$0x2880] =	vst v1  }
0x160: {  	v1 =	vld [tilespmem:s23+$0x210];
	_ =	sdelay $0x4  }
0x161: {  	v2 =	vshrl.u32 v1, $0x10;
	v1 =	vand.u32 $0xFFFF, v1  }
0x162: {  	[tilespmem:$0x2810] =	vst v2  }
0x163: {  	[tilespmem:$0x2890] =	vst v1  }
0x164: {  	v1 =	vld [tilespmem:s23+$0x220];
	_ =	sdelay $0x4  }
0x165: {  	v2 =	vshrl.u32 v1, $0x10;
	v1 =	vand.u32 $0xFFFF, v1  }
0x166: {  	[tilespmem:$0x2820] =	vst v2  }
0x167: {  	[tilespmem:$0x28A0] =	vst v1  }
0x168: {  	v1 =	vld [tilespmem:s23+$0x230];
	_ =	sdelay $0x4  }
0x169: {  	v2 =	vshrl.u32 v1, $0x10;
	v1 =	vand.u32 $0xFFFF, v1  }
0x16a: {  	[tilespmem:$0x2830] =	vst v2  }
0x16b: {  	[tilespmem:$0x28B0] =	vst v1  }
0x16c: {  	v1 =	vld [tilespmem:s23+$0x240];
	_ =	sdelay $0x4  }
0x16d: {  	v2 =	vshrl.u32 v1, $0x10;
	v1 =	vand.u32 $0xFFFF, v1  }
0x16e: {  	[tilespmem:$0x2840] =	vst v2  }
0x16f: {  	[tilespmem:$0x28C0] =	vst v1  }
0x170: {  	v1 =	vld [tilespmem:s23+$0x250];
	_ =	sdelay $0x4  }
0x171: {  	v2 =	vshrl.u32 v1, $0x10;
	v1 =	vand.u32 $0xFFFF, v1  }
0x172: {  	[tilespmem:$0x2850] =	vst v2  }
0x173: {  	[tilespmem:$0x28D0] =	vst v1  }
0x174: {  	v1 =	vld [tilespmem:s23+$0x260];
	_ =	sdelay $0x4  }
0x175: {  	v2 =	vshrl.u32 v1, $0x10;
	v1 =	vand.u32 $0xFFFF, v1  }
0x176: {  	[tilespmem:$0x2860] =	vst v2  }
0x177: {  	[tilespmem:$0x28E0] =	vst v1  }
0x178: {  	v1 =	vld [tilespmem:s23+$0x270];
	_ =	sdelay $0x4  }
0x179: {  	v2 =	vshrl.u32 v1, $0x10;
	v1 =	vand.u32 $0xFFFF, v1  }
0x17a: {  	[tilespmem:$0x2870] =	vst v2  }
0x17b: {  	[tilespmem:$0x28F0] =	vst v1  }
0x17c: {  	[tilespmem:s13], [sflag:$0x1] =	stream.indirect.gather [hbm4b:s4+s15], $0x80, s16, s15, $0xb8;
	[tilespmem:$0x1EA00] =	vst v63  }
0x17d: {  	_ =	swait.ge [sflag:s21], $0x4000  }
0x17e: {  	[sflag:s21] =	ssyncset.done $0x0  }
0x17f: {  	[sflag:s21] =	ssyncadd.s32 $0xFFFFC000  }
0x180: {  	[spmem:s2] =	stream.indirect.scatter.add.f32 [tilespmem:s18], [sflag:$0x3], $0x80, s22, s15, $0xb8;
	[tilespmem:$0x1EA00] =	vst v63  }
0x181: {  	_ =	swait.ge [sflag:s14], $0x4000  }
0x182: {  	[sflag:s14] =	ssyncset.done $0x0  }
0x183: {  	[sflag:s14] =	ssyncadd.s32 $0xFFFFC000  }
0x184: {  	v1 =	vld [tilespmem:s23+$0x280];
	_ =	sdelay $0x4  }
0x185: {  	v2 =	vshrl.u32 v1, $0x10;
	v1 =	vand.u32 $0xFFFF, v1  }
0x186: {  	[tilespmem:$0x2900] =	vst v2  }
0x187: {  	[tilespmem:$0x2980] =	vst v1  }
0x188: {  	v1 =	vld [tilespmem:s23+$0x290];
	_ =	sdelay $0x4  }
0x189: {  	v2 =	vshrl.u32 v1, $0x10;
	v1 =	vand.u32 $0xFFFF, v1  }
0x18a: {  	[tilespmem:$0x2910] =	vst v2  }
0x18b: {  	[tilespmem:$0x2990] =	vst v1  }
0x18c: {  	v1 =	vld [tilespmem:s23+$0x2A0];
	_ =	sdelay $0x4  }
0x18d: {  	v2 =	vshrl.u32 v1, $0x10;
	v1 =	vand.u32 $0xFFFF, v1  }
0x18e: {  	[tilespmem:$0x2920] =	vst v2  }
0x18f: {  	[tilespmem:$0x29A0] =	vst v1  }
0x190: {  	v1 =	vld [tilespmem:s23+$0x2B0];
	_ =	sdelay $0x1  }
.Ltmp1:
0x191: {  	(pc) =	sbr.rel @p0 .LBB2_4-.Ltmp1, $3  }
0x192: {  	_ =	sdelay $0x1  }
0x193: {  	v2 =	vshrl.u32 v1, $0x10;
	v1 =	vand.u32 $0xFFFF, v1  }
0x194: {  	[tilespmem:$0x2930] =	vst v2  }
0x195: {  	[tilespmem:$0x29B0] =	vst v1  }
0x196: {  	v1 =	vld [tilespmem:s23+$0x2C0];
	_ =	sdelay $0x4  }
0x197: {  	v2 =	vshrl.u32 v1, $0x10  }
0x198: {  	v1 =	vand.u32 $0xFFFF, v1;
	[tilespmem:$0x2940] =	vst v2  }
0x199: {  	[tilespmem:$0x29C0] =	vst v1  }
0x19a: {  	v1 =	vld [tilespmem:s23+$0x2D0];
	_ =	sdelay $0x4  }
0x19b: {  	v2 =	vshrl.u32 v1, $0x10  }
0x19c: {  	v1 =	vand.u32 $0xFFFF, v1;
	[tilespmem:$0x2950] =	vst v2  }
0x19d: {  	[tilespmem:$0x29D0] =	vst v1  }
0x19e: {  	v1 =	vld [tilespmem:s23+$0x2E0];
	_ =	sdelay $0x4  }
0x19f: {  	v2 =	vshrl.u32 v1, $0x10  }
0x1a0: {  	v1 =	vand.u32 $0xFFFF, v1;
	[tilespmem:$0x2960] =	vst v2  }
0x1a1: {  	[tilespmem:$0x29E0] =	vst v1  }
0x1a2: {  	v1 =	vld [tilespmem:s23+$0x2F0];
	_ =	sdelay $0x4  }
0x1a3: {  	v2 =	vshrl.u32 v1, $0x10  }
0x1a4: {  	v1 =	vand.u32 $0xFFFF, v1;
	[tilespmem:$0x2970] =	vst v2  }
0x1a5: {  	[tilespmem:$0x29F0] =	vst v1  }
0x1a6: {  	[tilespmem:s18], [sflag:$0x2] =	stream.indirect.gather [hbm4b:s4+s15], $0x80, s17, s15, $0xb8;
	[tilespmem:$0x1EA00] =	vst v63  }
0x1a7: {  	_ =	swait.ge [sflag:s19], $0x4000  }
0x1a8: {  	[sflag:s19] =	ssyncset.done $0x0  }
0x1a9: {  	[sflag:s19] =	ssyncadd.s32 $0xFFFFC000  }
0x1aa: {  	[spmem:s2] =	stream.indirect.scatter.add.f32 [tilespmem:s13], [sflag:$0x3], $0x80, s20, s15, $0xb8;
	[tilespmem:$0x1EA00] =	vst v63  }
0x1ab: {  	_ =	swait.ge [sflag:s14], $0x4000  }
0x1ac: {  	[sflag:s14] =	ssyncset.done $0x0  }
0x1ad: {  	[sflag:s14] =	ssyncadd.s32 $0xFFFFC000  }
0x1ae: {  	v1 =	vld [tilespmem:$0x2700];
	_ =	sdelay $0x1  }
0x1af: {  	v2 =	vld [tilespmem:$0x2710];
	_ =	sdelay $0x1  }
0x1b0: {  	v3 =	vld [tilespmem:$0x2720]  }
0x1b1: {  	v4 =	vshrl.u32 v1, $0x10  }
0x1b2: {  	v59 =	vld [tilespmem:$0x2730];
	v1 =	vand.u32 $0xFFFF, v1;
	[tilespmem:$0x2800] =	vst v4  }
0x1b3: {  	[tilespmem:$0x2880] =	vst v1;
	v1 =	vshrl.u32 v2, $0x10  }
0x1b4: {  	[tilespmem:$0x2810] =	vst v1;
	v1 =	vand.u32 $0xFFFF, v2;
	v2 =	vld [tilespmem:$0x2740]  }
0x1b5: {  	[tilespmem:$0x2890] =	vst v1;
	v1 =	vshrl.u32 v3, $0x10  }
0x1b6: {  	[tilespmem:$0x2820] =	vst v1;
	v1 =	vand.u32 $0xFFFF, v3;
	v3 =	vld [tilespmem:$0x2750]  }
0x1b7: {  	[tilespmem:$0x28A0] =	vst v1;
	v1 =	vshrl.u32 v59, $0x10  }
0x1b8: {  	v60 =	vld [tilespmem:$0x2760];
	[tilespmem:$0x2830] =	vst v1;
	v1 =	vand.u32 $0xFFFF, v59  }
0x1b9: {  	[tilespmem:$0x28B0] =	vst v1;
	v1 =	vshrl.u32 v2, $0x10  }
0x1ba: {  	[tilespmem:$0x2840] =	vst v1;
	v1 =	vand.u32 $0xFFFF, v2;
	v2 =	vld [tilespmem:$0x2770]  }
0x1bb: {  	[tilespmem:$0x28C0] =	vst v1;
	v1 =	vshrl.u32 v3, $0x10  }
0x1bc: {  	[tilespmem:$0x2850] =	vst v1;
	v1 =	vand.u32 $0xFFFF, v3  }
0x1bd: {  	[tilespmem:$0x28D0] =	vst v1;
	v1 =	vshrl.u32 v60, $0x10  }
0x1be: {  	[tilespmem:$0x2860] =	vst v1;
	v1 =	vand.u32 $0xFFFF, v60  }
0x1bf: {  	[tilespmem:$0x28E0] =	vst v1;
	v1 =	vshrl.u32 v2, $0x10  }
0x1c0: {  	[tilespmem:$0x2870] =	vst v1;
	v1 =	vand.u32 $0xFFFF, v2  }
0x1c1: {  	[tilespmem:$0x28F0] =	vst v1  }
0x1c2: {  	[tilespmem:s13], [sflag:$0x1] =	stream.indirect.gather [hbm4b:s4+s15], $0x80, s16, s15, $0xb8;
	[tilespmem:$0x1EA00] =	vst v63  }
0x1c3: {  	_ =	swait.ge [sflag:s21], $0x4000  }
0x1c4: {  	[sflag:s21] =	ssyncset.done $0x0  }
0x1c5: {  	[sflag:s21] =	ssyncadd.s32 $0xFFFFC000  }
0x1c6: {  	[spmem:s2] =	stream.indirect.scatter.add.f32 [tilespmem:s18], [sflag:$0x3], $0x80, s22, s15, $0xb8;
	[tilespmem:$0x1EA00] =	vst v63  }
0x1c7: {  	_ =	swait.ge [sflag:s14], $0x4000  }
0x1c8: {  	[sflag:s14] =	ssyncset.done $0x0  }
0x1c9: {  	[sflag:s14] =	ssyncadd.s32 $0xFFFFC000  }
0x1ca: {  	v1 =	vld [tilespmem:$0x2780];
	_ =	sdelay $0x1  }
0x1cb: {  	v2 =	vld [tilespmem:$0x2790];
	_ =	sdelay $0x1  }
0x1cc: {  	v3 =	vld [tilespmem:$0x27A0]  }
0x1cd: {  	v61 =	vshrl.u32 v1, $0x10  }
0x1ce: {  	v62 =	vld [tilespmem:$0x27B0];
	v1 =	vand.u32 $0xFFFF, v1;
	[tilespmem:$0x2900] =	vst v61  }
0x1cf: {  	[tilespmem:$0x2980] =	vst v1;
	v1 =	vshrl.u32 v2, $0x10  }
0x1d0: {  	[tilespmem:$0x2910] =	vst v1;
	v1 =	vand.u32 $0xFFFF, v2;
	v2 =	vld [tilespmem:$0x27C0]  }
0x1d1: {  	[tilespmem:$0x2990] =	vst v1;
	v1 =	vshrl.u32 v3, $0x10  }
0x1d2: {  	[tilespmem:$0x2920] =	vst v1;
	v1 =	vand.u32 $0xFFFF, v3;
	v3 =	vld [tilespmem:$0x27D0]  }
0x1d3: {  	[tilespmem:$0x29A0] =	vst v1;
	v1 =	vshrl.u32 v62, $0x10  }
0x1d4: {  	v63 =	vld [tilespmem:$0x27E0];
	[tilespmem:$0x2930] =	vst v1;
	v1 =	vand.u32 $0xFFFF, v62  }
0x1d5: {  	[tilespmem:$0x29B0] =	vst v1;
	v1 =	vshrl.u32 v2, $0x10  }
0x1d6: {  	[tilespmem:$0x2940] =	vst v1;
	v1 =	vand.u32 $0xFFFF, v2;
	v2 =	vld [tilespmem:$0x27F0]  }
0x1d7: {  	[tilespmem:$0x29C0] =	vst v1;
	v1 =	vshrl.u32 v3, $0x10  }
0x1d8: {  	[tilespmem:$0x2950] =	vst v1;
	v1 =	vand.u32 $0xFFFF, v3  }
0x1d9: {  	[tilespmem:$0x29D0] =	vst v1;
	v1 =	vshrl.u32 v63, $0x10  }
0x1da: {  	[tilespmem:$0x2960] =	vst v1;
	v1 =	vand.u32 $0xFFFF, v63  }
0x1db: {  	[tilespmem:$0x29E0] =	vst v1;
	v1 =	vshrl.u32 v2, $0x10  }
0x1dc: {  	[tilespmem:$0x2970] =	vst v1;
	v1 =	vand.u32 $0xFFFF, v2  }
0x1dd: {  	[tilespmem:$0x29F0] =	vst v1  }
0x1de: {  	[tilespmem:s18], [sflag:$0x2] =	stream.indirect.gather [hbm4b:s4+s15], $0x80, s17, s15, $0xb8;
	[tilespmem:$0x1EA00] =	vst v63  }
0x1df: {  	_ =	swait.ge [sflag:s19], $0x4000  }
0x1e0: {  	[sflag:s19] =	ssyncset.done $0x0  }
0x1e1: {  	[sflag:s19] =	ssyncadd.s32 $0xFFFFC000  }
0x1e2: {  	[spmem:s2] =	stream.indirect.scatter.add.f32 [tilespmem:s13], [sflag:$0x3], $0x80, s20, s15, $0xb8;
	[tilespmem:$0x1EA00] =	vst v63  }
0x1e3: {  	_ =	swait.ge [sflag:s14], $0x4000  }
0x1e4: {  	[sflag:s14] =	ssyncset.done $0x0  }
0x1e5: {  	[sflag:s14] =	ssyncadd.s32 $0xFFFFC000  }
0x1e6: {  	_ =	swait.ge [sflag:s21], $0x4000  }
0x1e7: {  	[sflag:s21] =	ssyncset.done $0x0  }
0x1e8: {  	[sflag:s21] =	ssyncadd.s32 $0xFFFFC000  }
0x1e9: {  	[spmem:s2] =	stream.indirect.scatter.add.f32 [tilespmem:s18], [sflag:$0x3], $0x80, s22, s15, $0xb8;
	[tilespmem:$0x1EA00] =	vst v63  }
0x1ea: {  	_ =	swait.ge [sflag:s14], $0x4000  }
0x1eb: {  	s31 =	sshll.u32 s0, $0x6;
	s3 =	sadd.s32 $0x1, s3;
	[sflag:s14] =	ssyncset.done $0x0  }
0x1ec: {  	s24 =	sshrl.u32 s5, $0x3;
	p0 =	sne.s32 s3, s8;
	[sflag:s14] =	ssyncadd.s32 $0xFFFFC000  }
.Ltmp2:
0x1ed: {  	s23 =	sor.u32 $0x1C03, s31;
	[bflag:$0x0] =	sbarrier.arrive $0xFFFF;
	(pc) =	sbr.rel @p0 .LBB2_1-.Ltmp2, $4  }
0x1ee: {  	[hbm:s7], [sflag:s23] =	dma.local [spmem:s24], $0x2800  }
0x1ef: {  	_ =	swait.ge [sflag:s14], $0x2800  }
0x1f0: {  	[sflag:s14] =	ssyncset.done $0x0  }
0x1f1: {  	[sflag:s14] =	ssyncadd.s32 $0xFFFFD800  }
0x1f2: {  	_ =	sfence.sel $0x180000  }
0x1f3: {  	[bflag:$0x0] =	sbarrier.arrive $0xFFFF  }
0x1f4: {  	p0 =	sne.s32 s0, $0x0;
	_ =	strace $0x9000004D  }
0x1f5: {  	s0 =	sadd.s32 @!p0 $0x100000, s1;
	[bflag:$0x2] =	sbarrier.arrive $0xFFFF  }
0x1f6: {  	[sflag:s0] =	ssyncadd.tile.s32 @!p0 $0x1;
	_ =	shalt  }
.Lfunc_end2:
_tile_overlayer_lowered:
.L_overlay_start_2:
0x1f7: {  	(tag) =	ssettag $0x2  }
0x1f8: {  	s0 =	rddreg [dreg:$0x0];
	s2 =	stileid.u32  }
0x1f9: {  	s1 =	rddreg [dreg:$0x1];
	p0 =	sne.s32 s2, $0x0  }
0x1fa: {  	s3 =	rddreg [dreg:$0x2];
	[bflag:$0x3] =	sbarrier.arrive $0xFFFF;
	s2 =	simm.s32 @!p0 $0x1C03  }
0x1fb: {  	[timem:s3], [sflag:s2] =	dma.local @!p0 [hbm:s0], s1  }
0x1fc: {  	s0 =	simm.s32 @!p0 $0x3  }
0x1fd: {  	_ =	swait.ge @!p0 [sflag:s0], s1  }
0x1fe: {  	s1 =	ssub.s32 @!p0 $0x0, s1;
	[sflag:s0] =	ssyncset.done @!p0 $0x0  }
0x1ff: {  	[sflag:s0] =	ssyncadd.s32 @!p0 s1  }
0x200: {  	[bflag:$0x3] =	sbarrier.arrive $0xFFFF  }
0x201: {  	_ =	shalt  }

// kernel: kernel.8.cloned.1.call-start
scs
__scs_entry_jumppad:
0x0: {  	(pc) =	sbr.rel $0x88, $3  }
0x1: {  	(tag) =	ssettag $0x0;
	lr =	simm.s32 $0x1  }
0x2: {  	[smem:$0x3F8D] =	sst lr;
	_ =	strace $0xD0000000  }
0x3: {  	_ = 	snop  }
0x4: {  	_ = 	snop  }
0x5: {  	_ = 	snop  }
0x6: {  	_ = 	snop  }
0x7: {  	_ = 	snop  }
__scs_overlays_trampoline_lowered:
0x8: {  	[smem:$0x3F9C] =	sst s0  }
0x9: {  	[smem:$0x3F9D] =	sst s1  }
0xa: {  	[smem:$0x3F9E] =	sst s2  }
0xb: {  	[smem:$0x3F9F] =	sst s3  }
0xc: {  	[smem:$0x3FA0] =	sst s4  }
0xd: {  	[smem:$0x3FA1] =	sst s5  }
0xe: {  	[smem:$0x3FA2] =	sst s6  }
0xf: {  	[smem:$0x3FA3] =	sst s7  }
0x10: {  	[smem:$0x3FA4] =	sst s8  }
0x11: {  	[smem:$0x3FA5] =	sst s9;
	s0 =	simm.s32 @!p0 $0x0  }
0x12: {  	s1 =	sld [smem:$0x3F8B];
	s0 =	simm.s32 @p0 $0x1  }
0x13: {  	[smem:$0x3FA6] =	sst s0;
	s0 =	simm.s32 @!p1 $0x0  }
0x14: {  	s2 =	sld [smem:$0x3F8A];
	s0 =	simm.s32 @p1 $0x1  }
0x15: {  	[smem:$0x3FA7] =	sst s0;
	s0 =	simm.s32 @!p2 $0x0  }
0x16: {  	s3 =	sld [smem:$0x3FDB];
	s0 =	simm.s32 @p2 $0x1  }
0x17: {  	s4 =	simm.s32 $0x1BF5;
	[smem:$0x3FA9] =	sst s0  }
0x18: {  	s0 =	sld [smem:$0x3F8C];
	_ =	swait.ge [sflag:s4], $0x0  }
0x19: {  	s7 =	sld [smem:$0x3F8D]  }
0x1a: {  	s8 =	sadd.s32 $0xFFFFE003, lr  }
0x1b: {  	s9 =	sadd.s32 $0xFFFFFEF7, lr;
	s5 =	simm.s32 $0xFFFFFFFF;
	p2 =	slt.u32 s8, $0xFFFFF086  }
0x1c: {  	p1 =	slt.u32 s9, $0xF7A;
	s5 =	simm.s32 @!p2 $0x0  }
0x1d: {  	s5 =	simm.s32 @p1 $0x1;
	p0 =	seq.s32 s7, s2  }
0x1e: {  	s7 =	smul.u32 @!p0 $0xF7A, s2;
	p2 =	seq.s32 @!p0 s5, $0x0  }
0x1f: {  	s9 =	smul.u32 $0xF7A, s1;
	s8 =	simm.s32 @!p0 $0x1BF5;
	p2 =	por !p2, p0  }
0x20: {  	[sflag:s8] =	ssyncset.s32 @!p0 $0xFFFFF086;
	s6 =	sadd.s32 @!p0 s3, s7;
	s7 =	simm.s32 @!p0 $0x108  }
0x21: {  	s3 =	sadd.s32 s3, s9;
	s6 =	sadd.s32 @!p0 $0x88, s6;
	s7 =	simm.s32 @p2 $0x1082  }
0x22: {  	[simem:s7], [sflag:s8] =	dma.local @!p0 [hbm:s6], $0xF7A  }
0x23: {  	s9 =	sor.u32 $0xD0000000, s2;
	s6 =	simm.s32 $0x108;
	_ =	swait.ge @!p0 [sflag:s8], $0x0  }
0x24: {  	s3 =	sadd.s32 $0x88, s3;
	s6 =	simm.s32 @!p1 $0x1082;
	[sflag:s4] =	ssyncset.s32 $0xFFFFF086  }
0x25: {  	[simem:s6], [sflag:s4] =	dma.local [hbm:s3], $0xF7A  }
0x26: {  	[smem:$0x3F8D] =	sst s1;
	(tag) =	ssettag s2;
	_ =	strace s9  }
0x27: {  	s1 =	sld [smem:$0x3F9D]  }
0x28: {  	s2 =	sld [smem:$0x3F9E]  }
0x29: {  	s4 =	sld [smem:$0x3FA0]  }
0x2a: {  	p0 =	seq.s32 s5, $0x0;
	s5 =	sld [smem:$0x3FA1]  }
0x2b: {  	s6 =	sld [smem:$0x3FA2]  }
0x2c: {  	s7 =	sld [smem:$0x3FA3]  }
0x2d: {  	s3 =	simm.s32 $0x108;
	s8 =	sld [smem:$0x3FA4]  }
0x2e: {  	s3 =	simm.s32 @!p0 $0x1082;
	s9 =	sld [smem:$0x3FA5]  }
0x2f: {  	lr =	sadd.s32 s0, s3;
	s0 =	sld [smem:$0x3F9C]  }
0x30: {  	s3 =	sld [smem:$0x3F9F]  }
0x31: {  	[smem:$0x3FA8] =	sst s10  }
0x32: {  	s10 =	sld [smem:$0x3FA6];
	_ =	sdelay $0x3  }
0x33: {  	p0 =	seq.s32 s10, $0x1;
	s10 =	sld [smem:$0x3FA8];
	_ =	sdelay $0x3  }
0x34: {  	[smem:$0x3FA8] =	sst s10  }
0x35: {  	s10 =	sld [smem:$0x3FA7];
	_ =	sdelay $0x3  }
0x36: {  	p1 =	seq.s32 s10, $0x1;
	s10 =	sld [smem:$0x3FA8];
	_ =	sdelay $0x3  }
0x37: {  	[smem:$0x3FA8] =	sst s10  }
0x38: {  	s10 =	sld [smem:$0x3FA9]  }
0x39: {  	_ = 	snop;
	(pc) =	sbr.ind lr, $3  }
0x3a: {  	_ = 	snop  }
0x3b: {  	_ = 	snop  }
0x3c: {  	p2 =	seq.s32 s10, $0x1;
	s10 =	sld [smem:$0x3FA8]  }
0x3d: {  	_ =	shalt  }
0x3e: {  	_ =	shalt  }
0x3f: {  	_ =	shalt  }
0x40: {  	_ =	shalt  }
0x41: {  	_ =	shalt  }
0x42: {  	_ =	shalt  }
0x43: {  	_ =	shalt  }
0x44: {  	_ =	shalt  }
0x45: {  	_ =	shalt  }
0x46: {  	_ =	shalt  }
0x47: {  	_ =	shalt  }
0x48: {  	_ =	shalt  }
0x49: {  	_ =	shalt  }
0x4a: {  	_ =	shalt  }
0x4b: {  	_ =	shalt  }
0x4c: {  	_ =	shalt  }
0x4d: {  	_ =	shalt  }
0x4e: {  	_ =	shalt  }
0x4f: {  	_ =	shalt  }
0x50: {  	_ =	shalt  }
0x51: {  	_ =	shalt  }
0x52: {  	_ =	shalt  }
0x53: {  	_ =	shalt  }
0x54: {  	_ =	shalt  }
0x55: {  	_ =	shalt  }
0x56: {  	_ =	shalt  }
0x57: {  	_ =	shalt  }
0x58: {  	_ =	shalt  }
0x59: {  	_ =	shalt  }
0x5a: {  	_ =	shalt  }
0x5b: {  	_ =	shalt  }
0x5c: {  	_ =	shalt  }
0x5d: {  	_ =	shalt  }
0x5e: {  	_ =	shalt  }
0x5f: {  	_ =	shalt  }
0x60: {  	_ =	shalt  }
0x61: {  	_ =	shalt  }
0x62: {  	_ =	shalt  }
0x63: {  	_ =	shalt  }
0x64: {  	_ =	shalt  }
0x65: {  	_ =	shalt  }
0x66: {  	_ =	shalt  }
0x67: {  	_ =	shalt  }
0x68: {  	_ =	shalt  }
0x69: {  	_ =	shalt  }
0x6a: {  	_ =	shalt  }
0x6b: {  	_ =	shalt  }
0x6c: {  	_ =	shalt  }
0x6d: {  	_ =	shalt  }
0x6e: {  	_ =	shalt  }
0x6f: {  	_ =	shalt  }
0x70: {  	_ =	shalt  }
0x71: {  	_ =	shalt  }
0x72: {  	_ =	shalt  }
0x73: {  	_ =	shalt  }
0x74: {  	_ =	shalt  }
0x75: {  	_ =	shalt  }
0x76: {  	_ =	shalt  }
0x77: {  	_ =	shalt  }
0x78: {  	_ =	shalt  }
0x79: {  	_ =	shalt  }
0x7a: {  	_ =	shalt  }
0x7b: {  	_ =	shalt  }
0x7c: {  	_ =	shalt  }
0x7d: {  	_ =	shalt  }
0x7e: {  	_ =	shalt  }
0x7f: {  	_ =	shalt  }
0x80: {  	_ =	shalt  }
0x81: {  	_ =	shalt  }
0x82: {  	_ =	shalt  }
0x83: {  	_ =	shalt  }
0x84: {  	_ =	shalt  }
0x85: {  	_ =	shalt  }
0x86: {  	_ =	shalt  }
0x87: {  	_ =	shalt  }
.Lfunc_end0:
.L_simem_size_0:
called_computation_lowered:
.L_overlay_start_0:
0x88: {  	s2 =	sld [smem:$0x3FD9]  }
0x89: {  	s3 =	sld [smem:$0x3FFE];
	_ =	sdelay $0x1  }
0x8a: {  	s1 =	srdreg.scid  }
0x8b: {  	s0 =	sand.u32 $0x1, s1  }
0x8c: {  	s17 =	sshll.u32 s0, $0xA;
	s2 =	sadd.s32 s3, s2  }
0x8d: {  	s2 =	sadd.s32 s2, s17  }
0x8e: {  	[smem:$0x3FB4] =	sst s2  }
0x8f: {  	_ = 	snop  }
0x90: {  	(tm) =	ssettm $0x1  }
0x91: {  	s18 =	sld [smem:$0x3FFB];
	_ =	sdelay $0x3  }
0x92: {  	_ =	strace s18  }
0x93: {  	s2 =	sld [smem:$0x3FFC];
	_ =	sdelay $0x3  }
0x94: {  	_ =	strace s2  }
0x95: {  	s2 =	sld [smem:$0x3FFD];
	_ =	sdelay $0x3  }
0x96: {  	_ =	strace s2  }
0x97: {  	_ =	strace $0x8FFFFFFF  }
0x98: {  	s19 =	sld [smem:$0x3FDB];
	_ =	sdelay $0x1  }
0x99: {  	s20 =	simm.s32 $_scs_section_size  }
0x9a: {  	s4 =	simm.s32 $_size__tile_overlayer_lowered;
	s5 =	simm.s32 $_tile_overlayer_lowered  }
0x9b: {  	s6 =	simm.s32 $0x1BFF;
	s21 =	sshll.u32 s5, $0x1;
	s3 =	sadd.s32 s20, s19  }
0x9c: {  	s22 =	simm.s32 $0x0;
	s4 =	sshll.u32 s4, $0x1;
	s5 =	sadd.s32 s21, s3  }
0x9d: {  	[timem:s22], [sflag:s6] =	dma.local [hbm:s5], s4  }
0x9e: {  	_ =	swait.ge [sflag:s6], s4  }
0x9f: {  	s4 =	ssub.s32 $0x0, s4;
	[sflag:s6] =	ssyncset.done $0x0  }
0xa0: {  	[sflag:s6] =	ssyncadd.s32 s4;
	_ =	sdelay $0x1  }
0xa1: {  	s23 =	simm.s32 $0x1B8B  }
0xa2: {  	_ =	swait.ge [sflag:s23], $0x1  }
0xa3: {  	[sflag:s23] =	ssyncset.done $0x0  }
0xa4: {  	[sflag:s23] =	ssyncadd.s32 $0xFFFFFFFF  }
0xa5: {  	s4 =	sld [smem:$0x0]  }
0xa6: {  	s5 =	sand.u32 $0xFFFFFFFE, s1  }
0xa7: {  	p0 =	sne.s32 s1, s5  }
0xa8: {  	s5 =	sshll.u32 @p0 s5, $0xE  }
0xa9: {  	s5 =	sadd.s32 @p0 $0x11B8D, s5;
	s6 =	sshll.u32 @p0 s4, $0x11  }
0xaa: {  	s5 =	sor.u32 @p0 s6, s5  }
0xab: {  	[sflag:s5] =	ssyncadd.remote.s32 @p0 $0x1;
	_ =	sdelay $0x1  }
0xac: {  	s5 =	simm.s32 @p0 $0x1B8D  }
0xad: {  	_ =	swait.eq @p0 [sflag:s5], $0x1  }
0xae: {  	[sflag:s5] =	ssyncadd.s32 @p0 $0xFFFFFFFF  }
0xaf: {  	s6 =	sshll.u32 @!p0 s1, $0xE  }
0xb0: {  	s6 =	sor.u32 @!p0 $0x4000, s6;
	s5 =	simm.s32 @!p0 $0x1B8D  }
0xb1: {  	s4 =	sshll.u32 @!p0 s4, $0x11;
	s6 =	sadd.s32 @!p0 $0x11B8D, s6;
	_ =	swait.eq @!p0 [sflag:s5], $0x1  }
0xb2: {  	s4 =	sor.u32 @!p0 s4, s6;
	[sflag:s5] =	ssyncadd.s32 @!p0 $0xFFFFFFFF  }
0xb3: {  	s25 =	simm.s32 $0x1B8E;
	s24 =	sld [smem:$0x3FFE];
	[sflag:s4] =	ssyncadd.remote.s32 @!p0 $0x1  }
0xb4: {  	s26 =	simm.s32 $execute0_lowered;
	[smem:$0x3FD2] =	sst s25  }
0xb5: {  	s5 =	sshll.u32 s26, $0x1;
	_ =	strace $0x80000049;
	[dreg:$0x1] =	wrdreg $0xFFFFFFFF  }
0xb6: {  	s28 =	simm.s32 $_size_execute0_lowered;
	s3 =	sadd.s32 s3, s5;
	[dreg:$0x0] =	wrdreg $0x0  }
0xb7: {  	s5 =	sshll.u32 s28, $0x1;
	[dreg:$0x2] =	wrdreg s3  }
0xb8: {  	[dreg:$0x3] =	wrdreg s5  }
0xb9: {  	[dreg:$0x4] =	wrdreg $0xC0  }
0xba: {  	_ =	task [dreg:s22], $0x5FFFF  }
0xbb: {  	[dreg:$0x1] =	wrdreg $0xFFFFFFFF  }
0xbc: {  	[dreg:$0x0] =	wrdreg $0x60  }
0xbd: {  	[dreg:$0x2] =	wrdreg s24  }
0xbe: {  	[dreg:$0x3] =	wrdreg $0x68000  }
0xbf: {  	[dreg:$0x4] =	wrdreg $0x9  }
0xc0: {  	_ =	task.clear_ibuf [dreg:s22], $0x5FFFF;
	_ =	strace $0x90000049  }
0xc1: {  	s29 =	simm.s32 $0x9;
	_ =	strace $0x8000004B  }
0xc2: {  	_ =	swait.ge [sflag:s29], $0x1  }
0xc3: {  	[sflag:s29] =	ssyncadd.s32 $0xFFFFFFFF  }
0xc4: {  	_ =	strace $0x9000004B  }
0xc5: {  	_ =	sfence  }
0xc6: {  	s30 =	sld [smem:$0x0];
	_ =	sdelay $0x2  }
0xc7: {  	s31 =	sshll.u32 s1, $0xD;
	s1 =	sshrl.u32 s1, $0x2  }
0xc8: {  	s4 =	sand.u32 $0x4000, s31;
	s1 =	sadd.s32 s1, s30  }
0xc9: {  	s0 =	sor.u32 s4, s0;
	s1 =	sshll.u32 s1, $0x11  }
0xca: {  	s0 =	sor.u32 s1, s0  }
0xcb: {  	s0 =	sadd.s32 $0x8F2B, s0  }
0xcc: {  	[sflag:s0] =	ssyncadd.remote.s32 $0x1  }
0xcd: {  	_ =	sfence.sel $0xFFFF  }
0xce: {  	[dreg:$0x0] =	wrdreg $0xFFFFFFFF;
	(pc) =	sbr.abs _section_cstart, $3  }
0xcf: {  	[dreg:$0x1] =	wrdreg $0xFFFFFFFF  }
0xd0: {  	_ =	task.clear_ibuf [dreg:s22], $0x2FFFF;
	_ =	strace $0x9FFFFFFF  }
0xd1: {  	(tm) =	ssettm $0x7FFFFFFF  }
tec
execute0_lowered:
.L_overlay_start_1:
0x0: {  	(tag) =	ssettag $0x1  }
0x1: {  	s4 =	rddreg [dreg:$0x0]  }
0x2: {  	s0 =	srdreg.scid;
	s2 =	rddreg [dreg:$0x1]  }
0x3: {  	s1 =	rddreg [dreg:$0x2];
	s5 =	sand.u32 $0x1, s0  }
0x4: {  	s3 =	simm.s32 $0x0;
	s0 =	stileid.u32;
	s6 =	smul.u32 $0x28000, s5  }
0x5: {  	s12 =	simm.s32 $0x2800;
	s13 =	simm.s32 $0x1;
	s7 =	smul.u32 $0x2800, s0  }
0x6: {  	s14 =	simm.s32 $0x80;
	[smem:$0x7FF] =	sst s3;
	s8 =	smul.u32 $0x140000, s5  }
0x7: {  	s9 =	smul.u32 $0x14000, s0;
	_ =	strace $0x8000004A;
	s5 =	ssub.s32 $0x2, s5  }
0x8: {  	s29 =	smul.u32 $0x50000, s0;
	s15 =	sshll.u32 s0, $0x6;
	s30 =	sshrl.u32 s5, $0x1  }
0x9: {  	s15 =	sor.u32 $0x1C01, s15;
	s6 =	sadd.s32 s7, s6;
	s28 =	sadd.s32 s9, s8  }
0xa: {  	s8 =	sshrl.u32 s29, $0x2;
	s6 =	sshrl.u32 s6, $0x3;
	s7 =	sshrl.u32 s28, $0x3  }
0xb: {  	s31 =	ssub.s32 s5, s30;
	s6 =	sadd.s32 s6, s4;
	s7 =	sadd.s32 s7, s4  }
0xc: {  	s4 =	sadd.s32 s8, s2;
	s5 =	sadd.s32 $0x1FF400, s6;
	s6 =	sadd.s32 $0x7A800, s7  }
0xd: {  	s7 =	smax.u32 s31, $0x1;
	s8 =	sadd.s32 $0x4000, s4;
	s9 =	sadd.s32 $0x8000, s4  }
0xe: {  	v0 =	vimm.f32 $0.0e+00;
	v1 =	vimm.f32 $1.000000000e+00;
	s10 =	sadd.s32 $0xC000, s4;
	s11 =	sadd.s32 $0x10000, s4;
	s16 =	sshrl.u32 s4, $0x3  }
.LBB2_1:
0xf: {  	s17 =	simm.s32 $0x0;
	s18 =	simm.s32 $0x200  }
.LBB2_2:
0x10: {  	p0 =	sne.s32 s18, $0xFE00;
	[tilespmem:s17+$0x2870] =	vst v0  }
0x11: {  	[tilespmem:s17+$0x2800] =	vst v0  }
0x12: {  	[tilespmem:s17+$0x2810] =	vst v0  }
.Ltmp0:
0x13: {  	[tilespmem:s17+$0x2820] =	vst v0;
	(pc) =	sbr.rel @p0 .LBB2_2-.Ltmp0, $4  }
0x14: {  	[tilespmem:s17+$0x2830] =	vst v0  }
0x15: {  	[tilespmem:s17+$0x2840] =	vst v0  }
0x16: {  	[tilespmem:s17+$0x2850] =	vst v0  }
0x17: {  	[tilespmem:s17+$0x2860] =	vst v0;
	s17 =	sshra.s32 s18, $0x2;
	s18 =	sadd.s32 $0x200, s18  }
0x18: {  	[tilespmem:s17+$0x2870] =	vst v0  }
0x19: {  	[tilespmem:s17+$0x2800] =	vst v0  }
0x1a: {  	[tilespmem:s17+$0x2810] =	vst v0  }
0x1b: {  	[tilespmem:s17+$0x2820] =	vst v0  }
0x1c: {  	[tilespmem:s17+$0x2830] =	vst v0  }
0x1d: {  	[tilespmem:s17+$0x2840] =	vst v0  }
0x1e: {  	[tilespmem:s17+$0x2850] =	vst v0  }
0x1f: {  	[tilespmem:s17+$0x2860] =	vst v0  }
0x20: {  	[spmem:s4] =	stream.linear.scatter [tilespmem:s12], [sflag:$0x1], $0x4000, $0x38;
	[tilespmem:$0x1A800] =	vst v63  }
0x21: {  	_ =	swait.ge [sflag:s13], $0x4000  }
0x22: {  	[sflag:s13] =	ssyncset.done $0x0  }
0x23: {  	[sflag:s13] =	ssyncadd.s32 $0xFFFFC000  }
0x24: {  	[spmem:s8] =	stream.linear.scatter [tilespmem:s12], [sflag:$0x1], $0x4000, $0x38;
	[tilespmem:$0x1A800] =	vst v63  }
0x25: {  	_ =	swait.ge [sflag:s13], $0x4000  }
0x26: {  	[sflag:s13] =	ssyncset.done $0x0  }
0x27: {  	[sflag:s13] =	ssyncadd.s32 $0xFFFFC000  }
0x28: {  	[spmem:s9] =	stream.linear.scatter [tilespmem:s12], [sflag:$0x1], $0x4000, $0x38;
	[tilespmem:$0x1A800] =	vst v63  }
0x29: {  	_ =	swait.ge [sflag:s13], $0x4000  }
0x2a: {  	[sflag:s13] =	ssyncset.done $0x0  }
0x2b: {  	[sflag:s13] =	ssyncadd.s32 $0xFFFFC000  }
0x2c: {  	[spmem:s10] =	stream.linear.scatter [tilespmem:s12], [sflag:$0x1], $0x4000, $0x38;
	[tilespmem:$0x1A800] =	vst v63  }
0x2d: {  	_ =	swait.ge [sflag:s13], $0x4000  }
0x2e: {  	[sflag:s13] =	ssyncset.done $0x0  }
0x2f: {  	[sflag:s13] =	ssyncadd.s32 $0xFFFFC000  }
0x30: {  	[spmem:s11] =	stream.linear.scatter [tilespmem:s12], [sflag:$0x1], $0x4000, $0x38;
	[tilespmem:$0x1A800] =	vst v63  }
0x31: {  	_ =	swait.ge [sflag:s13], $0x4000  }
0x32: {  	[sflag:s13] =	ssyncset.done $0x0  }
0x33: {  	s17 =	simm.s32 $0x0;
	s18 =	simm.s32 $0x200;
	[sflag:s13] =	ssyncadd.s32 $0xFFFFC000  }
.LBB2_4:
0x34: {  	p0 =	sne.s32 s18, $0xFE00;
	[tilespmem:s17+$0x2870] =	vst v1  }
0x35: {  	[tilespmem:s17+$0x2800] =	vst v1  }
0x36: {  	[tilespmem:s17+$0x2810] =	vst v1  }
.Ltmp1:
0x37: {  	[tilespmem:s17+$0x2820] =	vst v1;
	(pc) =	sbr.rel @p0 .LBB2_4-.Ltmp1, $4  }
0x38: {  	[tilespmem:s17+$0x2830] =	vst v1  }
0x39: {  	[tilespmem:s17+$0x2840] =	vst v1  }
0x3a: {  	[tilespmem:s17+$0x2850] =	vst v1  }
0x3b: {  	[tilespmem:s17+$0x2860] =	vst v1;
	s17 =	sshra.s32 s18, $0x2;
	s18 =	sadd.s32 $0x200, s18  }
0x3c: {  	[tilespmem:s17+$0x2870] =	vst v1  }
0x3d: {  	[tilespmem:s17+$0x2800] =	vst v1  }
0x3e: {  	[tilespmem:s17+$0x2810] =	vst v1  }
0x3f: {  	[tilespmem:s17+$0x2820] =	vst v1  }
0x40: {  	[tilespmem:s17+$0x2830] =	vst v1  }
0x41: {  	[tilespmem:s17+$0x2840] =	vst v1  }
0x42: {  	[tilespmem:s17+$0x2850] =	vst v1  }
0x43: {  	[tilespmem:s17+$0x2860] =	vst v1;
	s30 =	simm.s32 $0x0  }
0x44: {  	[tilespmem:s30], [sflag:$0x1] =	stream.linear.gather [hbm4b:s5+s30], $0x2800, $0x38;
	[tilespmem:$0x1A800] =	vst v63  }
0x45: {  	_ =	swait.ge [sflag:s13], $0x2800  }
0x46: {  	[sflag:s13] =	ssyncset.done $0x0  }
0x47: {  	[sflag:s13] =	ssyncadd.s32 $0xFFFFD800  }
0x48: {  	s31 =	simm.s32 $0x0;
	[bflag:$0x0] =	sbarrier.arrive $0xFFFF  }
0x49: {  	[spmem:s2] =	stream.indirect.scatter.add.f32 [tilespmem:s12], [sflag:$0x1], $0x80, s31, s14, $0xb8;
	[tilespmem:$0x1A800] =	vst v63  }
0x4a: {  	_ =	swait.ge [sflag:s13], $0x4000  }
0x4b: {  	s17 =	simm.s32 $0x200;
	[sflag:s13] =	ssyncset.done $0x0  }
.LBB2_6:
0x4c: {  	s18 =	sshra.s32 s17, $0x2;
	[sflag:s13] =	ssyncadd.s32 $0xFFFFC000;
	p0 =	sne.s32 s17, $0x9E00  }
0x4d: {  	[spmem:s2] =	stream.indirect.scatter.add.f32 [tilespmem:s12], [sflag:$0x1], $0x80, s18, s14, $0xb8;
	[tilespmem:$0x1A800] =	vst v63  }
.Ltmp2:
0x4e: {  	_ = 	snop;
	(pc) =	sbr.rel @p0 .LBB2_6-.Ltmp2, $4  }
0x4f: {  	_ = 	snop  }
0x50: {  	s17 =	sadd.s32 $0x200, s17  }
0x51: {  	_ =	swait.ge [sflag:s13], $0x4000  }
0x52: {  	[sflag:s13] =	ssyncset.done $0x0  }
0x53: {  	s3 =	sadd.s32 $0x1, s3  }
0x54: {  	[sflag:s13] =	ssyncadd.s32 $0xFFFFC000;
	p0 =	sne.s32 s3, s7  }
.Ltmp3:
0x55: {  	[bflag:$0x0] =	sbarrier.arrive $0xFFFF;
	(pc) =	sbr.rel @p0 .LBB2_1-.Ltmp3, $4  }
0x56: {  	[hbm:s6], [sflag:s15] =	dma.local [spmem:s16], $0x2800  }
0x57: {  	_ =	swait.ge [sflag:s13], $0x2800  }
0x58: {  	[sflag:s13] =	ssyncset.done $0x0  }
0x59: {  	[sflag:s13] =	ssyncadd.s32 $0xFFFFD800  }
0x5a: {  	_ =	sfence.sel $0x180000  }
0x5b: {  	[bflag:$0x0] =	sbarrier.arrive $0xFFFF  }
0x5c: {  	p0 =	sne.s32 s0, $0x0;
	_ =	strace $0x9000004A  }
0x5d: {  	s0 =	sadd.s32 @!p0 $0x100000, s1;
	[bflag:$0x2] =	sbarrier.arrive $0xFFFF  }
0x5e: {  	[sflag:s0] =	ssyncadd.tile.s32 @!p0 $0x1;
	_ =	shalt  }
.Lfunc_end2:
_tile_overlayer_lowered:
.L_overlay_start_2:
0x5f: {  	(tag) =	ssettag $0x2  }
0x60: {  	s0 =	rddreg [dreg:$0x0];
	s2 =	stileid.u32  }
0x61: {  	s1 =	rddreg [dreg:$0x1];
	p0 =	sne.s32 s2, $0x0  }
0x62: {  	s3 =	rddreg [dreg:$0x2];
	[bflag:$0x3] =	sbarrier.arrive $0xFFFF;
	s2 =	simm.s32 @!p0 $0x1C01  }
0x63: {  	[timem:s3], [sflag:s2] =	dma.local @!p0 [hbm:s0], s1  }
0x64: {  	s0 =	simm.s32 @!p0 $0x1  }
0x65: {  	_ =	swait.ge @!p0 [sflag:s0], s1  }
0x66: {  	s1 =	ssub.s32 @!p0 $0x0, s1;
	[sflag:s0] =	ssyncset.done @!p0 $0x0  }
0x67: {  	[sflag:s0] =	ssyncadd.s32 @!p0 s1  }
0x68: {  	[bflag:$0x3] =	sbarrier.arrive $0xFFFF  }
0x69: {  	_ =	shalt  }

</sc_bundles>
